<compile_context>
chip_gen: v7x
topology: tpu7x:2x2x1
jax: 0.10.2.dev20260603
libtpu: 0.0.44.dev20260713+nightly
codegen_flags: <defaults>
</compile_context>

<pallas_src>
import jax
import jax.numpy as jnp
from jax import lax
from jax.experimental import pallas as pl
from jax.experimental.pallas import tpu as pltpu
from jax.experimental.pallas import tpu_sc as plsc

N = 10000
N_PAD = 10240
E = 320000
F = 128
G = 64
BN_EPS = 1e-5

NC = 2
NS = 16
NW = NC * NS
E_PER_TILE = E // NW
CHUNK = 125
N_CHUNKS = E_PER_TILE // CHUNK
ROWS_PER_TILE = N_PAD // NS
ZROWS = 80


def _sc_segsum_body(h_hbm, ei_hbm, zero_hbm, out_hbm,
                    idx_ring, rows0, rows1, acc,
                    gs0, gs1, ss0, ss1, is0, is1, is2, is3):
  c = lax.axis_index("c")
  s = lax.axis_index("s")
  w = c * NS + s
  chunk0 = w * N_CHUNKS
  rows = (rows0, rows1)
  gsem = (gs0, gs1)
  ssem = (ss0, ss1)
  isem = (is0, is1, is2, is3)

  pltpu.sync_copy(zero_hbm, rows0.at[pl.ds(0, ZROWS)])
  row0 = s * ROWS_PER_TILE
  nz = ROWS_PER_TILE // ZROWS
  for i in range(nz):
    pltpu.async_copy(rows0.at[pl.ds(0, ZROWS)],
                     acc.at[pl.ds(row0 + i * ZROWS, ZROWS)], ss0)
  for i in range(nz):
    pltpu.make_async_copy(rows0.at[pl.ds(0, ZROWS)],
                          acc.at[pl.ds(row0, ZROWS)], ss0).wait()
  plsc.subcore_barrier()

  def refill(k, sl):
    kk = lax.rem(k, N_CHUNKS)
    pltpu.async_copy(ei_hbm.at[chunk0 + kk], idx_ring.at[sl], isem[sl])

  def wait_idx(sl):
    pltpu.make_async_copy(ei_hbm.at[chunk0], idx_ring.at[sl], isem[sl]).wait()

  def gather(sl, b):
    pltpu.async_copy(h_hbm.at[idx_ring.at[sl, 0]], rows[b], gsem[b])

  def wait_gather(b):
    pltpu.make_async_copy(h_hbm.at[idx_ring.at[0, 0]], rows[b], gsem[b]).wait()

  def scatter(sl, b):
    pltpu.async_copy(rows[b], acc.at[idx_ring.at[sl, 1]], ssem[b], add=True)

  def wait_scatter(b):
    pltpu.make_async_copy(rows[b], acc.at[idx_ring.at[0, 1]], ssem[b]).wait()

  refill(0, 0)
  refill(1, 1)
  wait_idx(0)
  gather(0, 0)
  wait_idx(1)
  gather(1, 1)

  def pair(k0, p):
    sl0, sl1, sl2, sl3 = (2 * p) % 4, (2 * p + 1) % 4, (2 * p + 2) % 4, (2 * p + 3) % 4
    refill(k0 + 2, sl2)
    refill(k0 + 3, sl3)
    wait_gather(0)
    scatter(sl0, 0)
    wait_scatter(0)
    wait_idx(sl2)
    gather(sl2, 0)
    wait_gather(1)
    scatter(sl1, 1)
    wait_scatter(1)
    wait_idx(sl3)
    gather(sl3, 1)

  def step4(j, carry):
    pair(4 * j, 0)
    pair(4 * j + 2, 1)
    return carry

  lax.fori_loop(0, N_CHUNKS // 4, step4, 0)

  wait_gather(0)
  wait_gather(1)
  plsc.subcore_barrier()

  nw_ = ROWS_PER_TILE // ZROWS

  def wait_rd(b):
    pltpu.make_async_copy(acc.at[pl.ds(row0, ZROWS)],
                          rows[b].at[pl.ds(0, ZROWS)], gsem[b]).wait()

  def wait_wr(b):
    pltpu.make_async_copy(rows[b].at[pl.ds(0, ZROWS)],
                          out_hbm.at[c, pl.ds(row0, ZROWS)], ssem[b]).wait()

  for i in range(nw_):
    b = i % 2
    if i >= 2:
      wait_wr(b)
    pltpu.async_copy(acc.at[pl.ds(row0 + i * ZROWS, ZROWS)],
                     rows[b].at[pl.ds(0, ZROWS)], gsem[b])
    if i >= 1:
      bp = (i - 1) % 2
      wait_rd(bp)
      pltpu.async_copy(rows[bp].at[pl.ds(0, ZROWS)],
                       out_hbm.at[c, pl.ds(row0 + (i - 1) * ZROWS, ZROWS)],
                       ssem[bp])
  bl = (nw_ - 1) % 2
  wait_rd(bl)
  pltpu.async_copy(rows[bl].at[pl.ds(0, ZROWS)],
                   out_hbm.at[c, pl.ds(row0 + (nw_ - 1) * ZROWS, ZROWS)],
                   ssem[bl])
  wait_wr((nw_ - 2) % 2)
  wait_wr(bl)


_sc_segsum = pl.kernel(
    _sc_segsum_body,
    out_type=jax.ShapeDtypeStruct((NC, N_PAD, F), jnp.float32),
    mesh=plsc.VectorSubcoreMesh(
        core_axis_name="c", subcore_axis_name="s",
        num_cores=NC, num_subcores=NS),
    scratch_types=[
        pltpu.VMEM((4, 2, CHUNK), jnp.int32),
        pltpu.VMEM((CHUNK, F), jnp.float32),
        pltpu.VMEM((CHUNK, F), jnp.float32),
        pltpu.VMEM_SHARED((N_PAD, F), jnp.float32),
    ] + [pltpu.SemaphoreType.DMA] * 8,
)


ROW_BLK = 1024


def _tc_layer_body(h_ref, p_ref, w1_ref, b1_ref, w2_ref, b2_ref,
                   gamma_ref, beta_ref, out_ref):
  a = h_ref[...] + p_ref[0] + p_ref[1]
  t = jnp.maximum(jnp.dot(a, w1_ref[...],
                          preferred_element_type=jnp.float32) + b1_ref[...], 0.0)
  u = jnp.dot(t, w2_ref[...], preferred_element_type=jnp.float32) + b2_ref[...]
  scale = gamma_ref[...] * (1.0 / jnp.sqrt(1.0 + BN_EPS))
  out_ref[...] = jnp.maximum(u * scale + beta_ref[...], 0.0)


_row_spec = pl.BlockSpec((ROW_BLK, F), lambda i: (i, 0))
_par_spec = pl.BlockSpec((NC, ROW_BLK, F), lambda i: (0, i, 0))
_full = pl.BlockSpec((F, F), lambda i: (0, 0))
_vec = pl.BlockSpec((1, F), lambda i: (0, 0))


def _tc_layer(h, partials, W1, b1, W2, b2, gamma, beta):
  return pl.pallas_call(
      _tc_layer_body,
      grid=(N_PAD // ROW_BLK,),
      in_specs=[_row_spec, _par_spec, _full, _vec, _full, _vec, _vec, _vec],
      out_specs=_row_spec,
      out_shape=jax.ShapeDtypeStruct((N_PAD, F), jnp.float32),
  )(h, partials, W1, b1.reshape(1, F), W2, b2.reshape(1, F),
    gamma.reshape(1, F), beta.reshape(1, F))


def _tc_last_body(h_ref, p_ref, w1_ref, b1_ref, w2_ref, b2_ref,
                  gamma_ref, beta_ref, bidx_ref, wp_ref, bp_ref,
                  out_ref, sums_ref, cnt_ref):
  i = pl.program_id(0)

  @pl.when(i == 0)
  def _():
    sums_ref[...] = jnp.zeros((G, F), jnp.float32)
    cnt_ref[...] = jnp.zeros((G, 128), jnp.float32)

  a = h_ref[...] + p_ref[0] + p_ref[1]
  t = jnp.maximum(jnp.dot(a, w1_ref[...],
                          preferred_element_type=jnp.float32) + b1_ref[...], 0.0)
  u = jnp.dot(t, w2_ref[...], preferred_element_type=jnp.float32) + b2_ref[...]
  scale = gamma_ref[...] * (1.0 / jnp.sqrt(1.0 + BN_EPS))
  o = jnp.maximum(u * scale + beta_ref[...], 0.0)

  groups = lax.broadcasted_iota(jnp.int32, (1, G), 1)
  onehot = jnp.where(bidx_ref[...] == groups, 1.0, 0.0)
  sums_ref[...] += lax.dot_general(onehot, o, (((0,), (0,)), ((), ())),
                                   preferred_element_type=jnp.float32)
  ones = jnp.ones((ROW_BLK, 128), dtype=jnp.float32)
  cnt_ref[...] += lax.dot_general(onehot, ones, (((0,), (0,)), ((), ())),
                                  preferred_element_type=jnp.float32)

  @pl.when(i == N_PAD // ROW_BLK - 1)
  def _():
    pooled = sums_ref[...] / jnp.maximum(cnt_ref[...], 1.0)
    out = jnp.dot(pooled, wp_ref[...],
                  preferred_element_type=jnp.float32) + bp_ref[...]
    out_ref[...] = jnp.maximum(out, 0.0)


def _tc_last(h, partials, W1, b1, W2, b2, gamma, beta, bidx, Wp, bp):
  bidx_spec = pl.BlockSpec((ROW_BLK, 1), lambda i: (i, 0))
  return pl.pallas_call(
      _tc_last_body,
      grid=(N_PAD // ROW_BLK,),
      in_specs=[_row_spec, _par_spec, _full, _vec, _full, _vec, _vec, _vec,
                bidx_spec, pl.BlockSpec((F, G), lambda i: (0, 0)),
                pl.BlockSpec((1, G), lambda i: (0, 0))],
      out_specs=pl.BlockSpec((G, G), lambda i: (0, 0)),
      out_shape=jax.ShapeDtypeStruct((G, G), jnp.float32),
      scratch_shapes=[pltpu.VMEM((G, F), jnp.float32),
                      pltpu.VMEM((G, 128), jnp.float32)],
  )(h, partials, W1, b1.reshape(1, F), W2, b2.reshape(1, F),
    gamma.reshape(1, F), beta.reshape(1, F),
    bidx.reshape(N_PAD, 1), Wp, bp.reshape(1, G))


@jax.jit
def kernel(x, edge_index, batch_idx,
           W1_0, b1_0, W2_0, b2_0, gamma_0, beta_0,
           W1_1, b1_1, W2_1, b2_1, gamma_1, beta_1,
           W1_2, b1_2, W2_2, b2_2, gamma_2, beta_2,
           Wp, bp):
  ei = edge_index.reshape(2, NW * N_CHUNKS, CHUNK).transpose(1, 0, 2)
  zero_blk = jnp.zeros((ZROWS, F), dtype=jnp.float32)
  h = jnp.pad(x, ((0, N_PAD - N), (0, 0)))
  bidx = jnp.pad(batch_idx, (0, N_PAD - N), constant_values=G)
  layers = [
      (W1_0, b1_0, W2_0, b2_0, gamma_0, beta_0),
      (W1_1, b1_1, W2_1, b2_1, gamma_1, beta_1),
  ]
  for (W1, b1, W2, b2, g, bt) in layers:
    partials = _sc_segsum(h, ei, zero_blk)
    h = _tc_layer(h, partials, W1, b1, W2, b2, g, bt)
  partials = _sc_segsum(h, ei, zero_blk)
  return _tc_last(h, partials, W1_2, b1_2, W2_2, b2_2, gamma_2, beta_2,
                  bidx, Wp, bp)

# --- scband reference (transcript-rebuilt; emitter-appended) ---
"""Pipeline reference for scband-ginmodel-52690658787578 (READ-ONLY COPY).

The authoritative reference and input builder live on the scoring server;
editing this copy changes nothing except your own understanding.
"""

import jax, jax.numpy as jnp
import numpy as np

N = 10000
E = 320000
F_IN = 128
HID = [128, 128, 128]
EMB = 64
G = 64
BN_EPS = 1e-5


def _init_linear(key, fan_in, fan_out):
    k1, k2 = jax.random.split(key)
    bound = 1.0 / np.sqrt(fan_in)
    W = jax.random.uniform(k1, (fan_in, fan_out), minval=-bound, maxval=bound, dtype=jnp.float32)
    b = jax.random.uniform(k2, (fan_out,), minval=-bound, maxval=bound, dtype=jnp.float32)
    return W, b


def setup_inputs(seed: int = 0):
    key = jax.random.key(seed)
    ks = jax.random.split(key, 12)
    inp = {}
    inp["x"] = jax.random.normal(ks[0], (N, F_IN), dtype=jnp.float32)
    inp["edge_index"] = jax.random.randint(ks[1], (2, E), 0, N, dtype=jnp.int32)
    inp["batch_idx"] = jnp.sort(jax.random.randint(ks[2], (N,), 0, G, dtype=jnp.int32))
    dims = [F_IN] + HID
    for i in range(3):
        W1, b1 = _init_linear(ks[3 + 2 * i], dims[i], dims[i + 1])
        W2, b2 = _init_linear(ks[4 + 2 * i], dims[i + 1], dims[i + 1])
        inp["W1_%d" % i] = W1
        inp["b1_%d" % i] = b1
        inp["W2_%d" % i] = W2
        inp["b2_%d" % i] = b2
        inp["gamma_%d" % i] = jnp.ones((dims[i + 1],), dtype=jnp.float32)
        inp["beta_%d" % i] = jnp.zeros((dims[i + 1],), dtype=jnp.float32)
    Wp, bp = _init_linear(ks[10], HID[-1], EMB)
    inp["Wp"] = Wp
    inp["bp"] = bp
    return inp


def _gin_conv(x, src, dst, W1, b1, W2, b2):
    # GINConv with eps=0: mlp((1+eps)*x + sum_{j in N(i)} x_j)
    agg = jax.ops.segment_sum(x[src], dst, num_segments=N)
    h = x + agg
    h = jnp.maximum(h @ W1 + b1, 0.0) @ W2 + b2
    return h


def _bn_eval(h, gamma, beta):
    # eval-mode BatchNorm: running_mean=0, running_var=1
    return h * (gamma / jnp.sqrt(1.0 + BN_EPS)) + beta


def reference(x, edge_index, batch_idx,
              W1_0, b1_0, W2_0, b2_0, gamma_0, beta_0,
              W1_1, b1_1, W2_1, b2_1, gamma_1, beta_1,
              W1_2, b1_2, W2_2, b2_2, gamma_2, beta_2,
              Wp, bp):
    src = edge_index[0]
    dst = edge_index[1]
    layers = [
        (W1_0, b1_0, W2_0, b2_0, gamma_0, beta_0),
        (W1_1, b1_1, W2_1, b2_1, gamma_1, beta_1),
        (W1_2, b1_2, W2_2, b2_2, gamma_2, beta_2),
    ]
    h = x
    for (W1, b1, W2, b2, g, bt) in layers:
        h = _gin_conv(h, src, dst, W1, b1, W2, b2)
        h = _bn_eval(h, g, bt)
        h = jnp.maximum(h, 0.0)
        # dropout is identity in eval mode
    sums = jax.ops.segment_sum(h, batch_idx, num_segments=G)
    counts = jax.ops.segment_sum(jnp.ones((N, 1), dtype=jnp.float32), batch_idx, num_segments=G)
    pooled = sums / jnp.maximum(counts, 1.0)
    out = jnp.maximum(pooled @ Wp + bp, 0.0)
    return out

if __name__ == "__main__":
    import jax
    _d = setup_inputs()
    print(jax.jit(kernel)(*tuple(_d.values())))

</pallas_src>

<mosaic_0001>
#map = affine_map<(d0, d1) -> (0, 0)>
#map1 = affine_map<(d0, d1) -> (0, 0, 0)>
module attributes {stable_mosaic.version = 14 : i64} {
  func.func @_sc_segsum_body(%arg0: i32, %arg1: i32, %arg2: memref<10240x128xf32, #tpu.memory_space<hbm>>, %arg3: memref<2560x2x125xi32, #tpu.memory_space<hbm>>, %arg4: memref<80x128xf32, #tpu.memory_space<hbm>>, %arg5: memref<2x10240x128xf32, #tpu.memory_space<hbm>>, %arg6: memref<4x2x125xi32, #tpu.memory_space<vmem>>, %arg7: memref<125x128xf32, #tpu.memory_space<vmem>>, %arg8: memref<125x128xf32, #tpu.memory_space<vmem>>, %arg9: memref<10240x128xf32, #tpu.memory_space<vmem_shared>>, %arg10: memref<!tpu.dma_semaphore, #tpu.memory_space<semaphore_mem>>, %arg11: memref<!tpu.dma_semaphore, #tpu.memory_space<semaphore_mem>>, %arg12: memref<!tpu.dma_semaphore, #tpu.memory_space<semaphore_mem>>, %arg13: memref<!tpu.dma_semaphore, #tpu.memory_space<semaphore_mem>>, %arg14: memref<!tpu.dma_semaphore, #tpu.memory_space<semaphore_mem>>, %arg15: memref<!tpu.dma_semaphore, #tpu.memory_space<semaphore_mem>>, %arg16: memref<!tpu.dma_semaphore, #tpu.memory_space<semaphore_mem>>, %arg17: memref<!tpu.dma_semaphore, #tpu.memory_space<semaphore_mem>>) attributes {dimension_semantics = [#tpu.dimension_semantics<core_parallel>, #tpu.dimension_semantics<subcore_parallel>], iteration_bounds = array<i64: 2, 16>, scalar_prefetch = 0 : i64, scratch_operands = 12 : i64, tpu.core_type = #tpu.core_type<sc_vector_subcore>, window_params = [{transform_indices = #map}, {transform_indices = #map1}, {transform_indices = #map}, {transform_indices = #map1}]} {
    %mul3A = arith.constant 16 : i32
    %mul3A_0 = arith.muli %arg0, %mul3A : i32
    %add3A = arith.addi %mul3A_0, %arg1 : i32
    %mul3A_1 = arith.constant 80 : i32
    %mul3A_2 = arith.muli %add3A, %mul3A_1 : i32
    "tpu.region"() ({
      %run_scoped3A = tpu.sem_alloc : memref<!tpu.dma_semaphore, #tpu.memory_space<semaphore_mem>>
      %dma_start3A_676 = arith.constant 0 : i32
      %dma_start3A_677 = arith.constant 0 : i32
      %dma_start3A_678 = tpu.memref_slice %arg7[%dma_start3A_676, %dma_start3A_677] : memref<125x128xf32, #tpu.memory_space<vmem>> -> memref<80x128xf32, #tpu.memory_space<vmem>>
      %dma_start3A_679 = arith.constant 0 : i32
      %dma_start3A_680 = arith.constant 0 : i32
      %dma_start3A_681 = tpu.memref_slice %arg7[%dma_start3A_679, %dma_start3A_680] : memref<125x128xf32, #tpu.memory_space<vmem>> -> memref<80x128xf32, #tpu.memory_space<vmem>>
      tpu.enqueue_dma source(%arg4 : memref<80x128xf32, #tpu.memory_space<hbm>>) target(%dma_start3A_681 : memref<80x128xf32, #tpu.memory_space<vmem>>) target_semaphore(%run_scoped3A : memref<!tpu.dma_semaphore, #tpu.memory_space<semaphore_mem>>)
      %dma_wait3A_682 = arith.constant 0 : i32
      %dma_wait3A_683 = arith.constant 0 : i32
      %dma_wait3A_684 = tpu.memref_slice %arg7[%dma_wait3A_682, %dma_wait3A_683] : memref<125x128xf32, #tpu.memory_space<vmem>> -> memref<80x128xf32, #tpu.memory_space<vmem>>
      %dma_wait3A_685 = arith.constant 0 : i32
      %dma_wait3A_686 = arith.constant 0 : i32
      %dma_wait3A_687 = tpu.memref_slice %arg7[%dma_wait3A_685, %dma_wait3A_686] : memref<125x128xf32, #tpu.memory_space<vmem>> -> memref<80x128xf32, #tpu.memory_space<vmem>>
      tpu.wait_dma2 semaphore(%run_scoped3A : memref<!tpu.dma_semaphore, #tpu.memory_space<semaphore_mem>>) src(%arg4 : memref<80x128xf32, #tpu.memory_space<hbm>>) dst(%dma_wait3A_687 : memref<80x128xf32, #tpu.memory_space<vmem>>)
      tpu.yield
    }) : () -> ()
    %mul3A_3 = arith.constant 640 : i32
    %mul3A_4 = arith.muli %arg1, %mul3A_3 : i32
    %add3A_5 = arith.constant 0 : i32
    %add3A_6 = arith.addi %mul3A_4, %add3A_5 : i32
    %dma_start3A = arith.constant 0 : i32
    %dma_start3A_7 = arith.constant 0 : i32
    %dma_start3A_8 = tpu.memref_slice %arg7[%dma_start3A, %dma_start3A_7] : memref<125x128xf32, #tpu.memory_space<vmem>> -> memref<80x128xf32, #tpu.memory_space<vmem>>
    %dma_start3A_9 = arith.constant 0 : i32
    %dma_start3A_10 = tpu.memref_slice %arg9[%add3A_6, %dma_start3A_9] : memref<10240x128xf32, #tpu.memory_space<vmem_shared>> -> memref<80x128xf32, #tpu.memory_space<vmem_shared>>
    %dma_start3A_11 = arith.constant 0 : i32
    %dma_start3A_12 = tpu.memref_slice %arg9[%add3A_6, %dma_start3A_11] : memref<10240x128xf32, #tpu.memory_space<vmem_shared>> -> memref<80x128xf32, #tpu.memory_space<vmem_shared>>
    %dma_start3A_13 = arith.constant 0 : i32
    %dma_start3A_14 = arith.constant 0 : i32
    %dma_start3A_15 = tpu.memref_slice %arg7[%dma_start3A_13, %dma_start3A_14] : memref<125x128xf32, #tpu.memory_space<vmem>> -> memref<80x128xf32, #tpu.memory_space<vmem>>
    tpu.enqueue_dma source(%dma_start3A_15 : memref<80x128xf32, #tpu.memory_space<vmem>>) target(%dma_start3A_12 : memref<80x128xf32, #tpu.memory_space<vmem_shared>>) target_semaphore(%arg12 : memref<!tpu.dma_semaphore, #tpu.memory_space<semaphore_mem>>)
    %add3A_16 = arith.constant 80 : i32
    %add3A_17 = arith.addi %mul3A_4, %add3A_16 : i32
    %dma_start3A_18 = arith.constant 0 : i32
    %dma_start3A_19 = arith.constant 0 : i32
    %dma_start3A_20 = tpu.memref_slice %arg7[%dma_start3A_18, %dma_start3A_19] : memref<125x128xf32, #tpu.memory_space<vmem>> -> memref<80x128xf32, #tpu.memory_space<vmem>>
    %dma_start3A_21 = arith.constant 0 : i32
    %dma_start3A_22 = tpu.memref_slice %arg9[%add3A_17, %dma_start3A_21] : memref<10240x128xf32, #tpu.memory_space<vmem_shared>> -> memref<80x128xf32, #tpu.memory_space<vmem_shared>>
    %dma_start3A_23 = arith.constant 0 : i32
    %dma_start3A_24 = tpu.memref_slice %arg9[%add3A_17, %dma_start3A_23] : memref<10240x128xf32, #tpu.memory_space<vmem_shared>> -> memref<80x128xf32, #tpu.memory_space<vmem_shared>>
    %dma_start3A_25 = arith.constant 0 : i32
    %dma_start3A_26 = arith.constant 0 : i32
    %dma_start3A_27 = tpu.memref_slice %arg7[%dma_start3A_25, %dma_start3A_26] : memref<125x128xf32, #tpu.memory_space<vmem>> -> memref<80x128xf32, #tpu.memory_space<vmem>>
    tpu.enqueue_dma source(%dma_start3A_27 : memref<80x128xf32, #tpu.memory_space<vmem>>) target(%dma_start3A_24 : memref<80x128xf32, #tpu.memory_space<vmem_shared>>) target_semaphore(%arg12 : memref<!tpu.dma_semaphore, #tpu.memory_space<semaphore_mem>>)
    %add3A_28 = arith.constant 160 : i32
    %add3A_29 = arith.addi %mul3A_4, %add3A_28 : i32
    %dma_start3A_30 = arith.constant 0 : i32
    %dma_start3A_31 = arith.constant 0 : i32
    %dma_start3A_32 = tpu.memref_slice %arg7[%dma_start3A_30, %dma_start3A_31] : memref<125x128xf32, #tpu.memory_space<vmem>> -> memref<80x128xf32, #tpu.memory_space<vmem>>
    %dma_start3A_33 = arith.constant 0 : i32
    %dma_start3A_34 = tpu.memref_slice %arg9[%add3A_29, %dma_start3A_33] : memref<10240x128xf32, #tpu.memory_space<vmem_shared>> -> memref<80x128xf32, #tpu.memory_space<vmem_shared>>
    %dma_start3A_35 = arith.constant 0 : i32
    %dma_start3A_36 = tpu.memref_slice %arg9[%add3A_29, %dma_start3A_35] : memref<10240x128xf32, #tpu.memory_space<vmem_shared>> -> memref<80x128xf32, #tpu.memory_space<vmem_shared>>
    %dma_start3A_37 = arith.constant 0 : i32
    %dma_start3A_38 = arith.constant 0 : i32
    %dma_start3A_39 = tpu.memref_slice %arg7[%dma_start3A_37, %dma_start3A_38] : memref<125x128xf32, #tpu.memory_space<vmem>> -> memref<80x128xf32, #tpu.memory_space<vmem>>
    tpu.enqueue_dma source(%dma_start3A_39 : memref<80x128xf32, #tpu.memory_space<vmem>>) target(%dma_start3A_36 : memref<80x128xf32, #tpu.memory_space<vmem_shared>>) target_semaphore(%arg12 : memref<!tpu.dma_semaphore, #tpu.memory_space<semaphore_mem>>)
    %add3A_40 = arith.constant 240 : i32
    %add3A_41 = arith.addi %mul3A_4, %add3A_40 : i32
    %dma_start3A_42 = arith.constant 0 : i32
    %dma_start3A_43 = arith.constant 0 : i32
    %dma_start3A_44 = tpu.memref_slice %arg7[%dma_start3A_42, %dma_start3A_43] : memref<125x128xf32, #tpu.memory_space<vmem>> -> memref<80x128xf32, #tpu.memory_space<vmem>>
    %dma_start3A_45 = arith.constant 0 : i32
    %dma_start3A_46 = tpu.memref_slice %arg9[%add3A_41, %dma_start3A_45] : memref<10240x128xf32, #tpu.memory_space<vmem_shared>> -> memref<80x128xf32, #tpu.memory_space<vmem_shared>>
    %dma_start3A_47 = arith.constant 0 : i32
    %dma_start3A_48 = tpu.memref_slice %arg9[%add3A_41, %dma_start3A_47] : memref<10240x128xf32, #tpu.memory_space<vmem_shared>> -> memref<80x128xf32, #tpu.memory_space<vmem_shared>>
    %dma_start3A_49 = arith.constant 0 : i32
    %dma_start3A_50 = arith.constant 0 : i32
    %dma_start3A_51 = tpu.memref_slice %arg7[%dma_start3A_49, %dma_start3A_50] : memref<125x128xf32, #tpu.memory_space<vmem>> -> memref<80x128xf32, #tpu.memory_space<vmem>>
    tpu.enqueue_dma source(%dma_start3A_51 : memref<80x128xf32, #tpu.memory_space<vmem>>) target(%dma_start3A_48 : memref<80x128xf32, #tpu.memory_space<vmem_shared>>) target_semaphore(%arg12 : memref<!tpu.dma_semaphore, #tpu.memory_space<semaphore_mem>>)
    %add3A_52 = arith.constant 320 : i32
    %add3A_53 = arith.addi %mul3A_4, %add3A_52 : i32
    %dma_start3A_54 = arith.constant 0 : i32
    %dma_start3A_55 = arith.constant 0 : i32
    %dma_start3A_56 = tpu.memref_slice %arg7[%dma_start3A_54, %dma_start3A_55] : memref<125x128xf32, #tpu.memory_space<vmem>> -> memref<80x128xf32, #tpu.memory_space<vmem>>
    %dma_start3A_57 = arith.constant 0 : i32
    %dma_start3A_58 = tpu.memref_slice %arg9[%add3A_53, %dma_start3A_57] : memref<10240x128xf32, #tpu.memory_space<vmem_shared>> -> memref<80x128xf32, #tpu.memory_space<vmem_shared>>
    %dma_start3A_59 = arith.constant 0 : i32
    %dma_start3A_60 = tpu.memref_slice %arg9[%add3A_53, %dma_start3A_59] : memref<10240x128xf32, #tpu.memory_space<vmem_shared>> -> memref<80x128xf32, #tpu.memory_space<vmem_shared>>
    %dma_start3A_61 = arith.constant 0 : i32
    %dma_start3A_62 = arith.constant 0 : i32
    %dma_start3A_63 = tpu.memref_slice %arg7[%dma_start3A_61, %dma_start3A_62] : memref<125x128xf32, #tpu.memory_space<vmem>> -> memref<80x128xf32, #tpu.memory_space<vmem>>
    tpu.enqueue_dma source(%dma_start3A_63 : memref<80x128xf32, #tpu.memory_space<vmem>>) target(%dma_start3A_60 : memref<80x128xf32, #tpu.memory_space<vmem_shared>>) target_semaphore(%arg12 : memref<!tpu.dma_semaphore, #tpu.memory_space<semaphore_mem>>)
    %add3A_64 = arith.constant 400 : i32
    %add3A_65 = arith.addi %mul3A_4, %add3A_64 : i32
    %dma_start3A_66 = arith.constant 0 : i32
    %dma_start3A_67 = arith.constant 0 : i32
    %dma_start3A_68 = tpu.memref_slice %arg7[%dma_start3A_66, %dma_start3A_67] : memref<125x128xf32, #tpu.memory_space<vmem>> -> memref<80x128xf32, #tpu.memory_space<vmem>>
    %dma_start3A_69 = arith.constant 0 : i32
    %dma_start3A_70 = tpu.memref_slice %arg9[%add3A_65, %dma_start3A_69] : memref<10240x128xf32, #tpu.memory_space<vmem_shared>> -> memref<80x128xf32, #tpu.memory_space<vmem_shared>>
    %dma_start3A_71 = arith.constant 0 : i32
    %dma_start3A_72 = tpu.memref_slice %arg9[%add3A_65, %dma_start3A_71] : memref<10240x128xf32, #tpu.memory_space<vmem_shared>> -> memref<80x128xf32, #tpu.memory_space<vmem_shared>>
    %dma_start3A_73 = arith.constant 0 : i32
    %dma_start3A_74 = arith.constant 0 : i32
    %dma_start3A_75 = tpu.memref_slice %arg7[%dma_start3A_73, %dma_start3A_74] : memref<125x128xf32, #tpu.memory_space<vmem>> -> memref<80x128xf32, #tpu.memory_space<vmem>>
    tpu.enqueue_dma source(%dma_start3A_75 : memref<80x128xf32, #tpu.memory_space<vmem>>) target(%dma_start3A_72 : memref<80x128xf32, #tpu.memory_space<vmem_shared>>) target_semaphore(%arg12 : memref<!tpu.dma_semaphore, #tpu.memory_space<semaphore_mem>>)
    %add3A_76 = arith.constant 480 : i32
    %add3A_77 = arith.addi %mul3A_4, %add3A_76 : i32
    %dma_start3A_78 = arith.constant 0 : i32
    %dma_start3A_79 = arith.constant 0 : i32
    %dma_start3A_80 = tpu.memref_slice %arg7[%dma_start3A_78, %dma_start3A_79] : memref<125x128xf32, #tpu.memory_space<vmem>> -> memref<80x128xf32, #tpu.memory_space<vmem>>
    %dma_start3A_81 = arith.constant 0 : i32
    %dma_start3A_82 = tpu.memref_slice %arg9[%add3A_77, %dma_start3A_81] : memref<10240x128xf32, #tpu.memory_space<vmem_shared>> -> memref<80x128xf32, #tpu.memory_space<vmem_shared>>
    %dma_start3A_83 = arith.constant 0 : i32
    %dma_start3A_84 = tpu.memref_slice %arg9[%add3A_77, %dma_start3A_83] : memref<10240x128xf32, #tpu.memory_space<vmem_shared>> -> memref<80x128xf32, #tpu.memory_space<vmem_shared>>
    %dma_start3A_85 = arith.constant 0 : i32
    %dma_start3A_86 = arith.constant 0 : i32
    %dma_start3A_87 = tpu.memref_slice %arg7[%dma_start3A_85, %dma_start3A_86] : memref<125x128xf32, #tpu.memory_space<vmem>> -> memref<80x128xf32, #tpu.memory_space<vmem>>
    tpu.enqueue_dma source(%dma_start3A_87 : memref<80x128xf32, #tpu.memory_space<vmem>>) target(%dma_start3A_84 : memref<80x128xf32, #tpu.memory_space<vmem_shared>>) target_semaphore(%arg12 : memref<!tpu.dma_semaphore, #tpu.memory_space<semaphore_mem>>)
    %add3A_88 = arith.constant 560 : i32
    %add3A_89 = arith.addi %mul3A_4, %add3A_88 : i32
    %dma_start3A_90 = arith.constant 0 : i32
    %dma_start3A_91 = arith.constant 0 : i32
    %dma_start3A_92 = tpu.memref_slice %arg7[%dma_start3A_90, %dma_start3A_91] : memref<125x128xf32, #tpu.memory_space<vmem>> -> memref<80x128xf32, #tpu.memory_space<vmem>>
    %dma_start3A_93 = arith.constant 0 : i32
    %dma_start3A_94 = tpu.memref_slice %arg9[%add3A_89, %dma_start3A_93] : memref<10240x128xf32, #tpu.memory_space<vmem_shared>> -> memref<80x128xf32, #tpu.memory_space<vmem_shared>>
    %dma_start3A_95 = arith.constant 0 : i32
    %dma_start3A_96 = tpu.memref_slice %arg9[%add3A_89, %dma_start3A_95] : memref<10240x128xf32, #tpu.memory_space<vmem_shared>> -> memref<80x128xf32, #tpu.memory_space<vmem_shared>>
    %dma_start3A_97 = arith.constant 0 : i32
    %dma_start3A_98 = arith.constant 0 : i32
    %dma_start3A_99 = tpu.memref_slice %arg7[%dma_start3A_97, %dma_start3A_98] : memref<125x128xf32, #tpu.memory_space<vmem>> -> memref<80x128xf32, #tpu.memory_space<vmem>>
    tpu.enqueue_dma source(%dma_start3A_99 : memref<80x128xf32, #tpu.memory_space<vmem>>) target(%dma_start3A_96 : memref<80x128xf32, #tpu.memory_space<vmem_shared>>) target_semaphore(%arg12 : memref<!tpu.dma_semaphore, #tpu.memory_space<semaphore_mem>>)
    %dma_wait3A = arith.constant 0 : i32
    %dma_wait3A_100 = arith.constant 0 : i32
    %dma_wait3A_101 = tpu.memref_slice %arg7[%dma_wait3A, %dma_wait3A_100] : memref<125x128xf32, #tpu.memory_space<vmem>> -> memref<80x128xf32, #tpu.memory_space<vmem>>
    %dma_wait3A_102 = arith.constant 0 : i32
    %dma_wait3A_103 = tpu.memref_slice %arg9[%mul3A_4, %dma_wait3A_102] : memref<10240x128xf32, #tpu.memory_space<vmem_shared>> -> memref<80x128xf32, #tpu.memory_space<vmem_shared>>
    %dma_wait3A_104 = arith.constant 0 : i32
    %dma_wait3A_105 = tpu.memref_slice %arg9[%mul3A_4, %dma_wait3A_104] : memref<10240x128xf32, #tpu.memory_space<vmem_shared>> -> memref<80x128xf32, #tpu.memory_space<vmem_shared>>
    %dma_wait3A_106 = arith.constant 0 : i32
    %dma_wait3A_107 = arith.constant 0 : i32
    %dma_wait3A_108 = tpu.memref_slice %arg7[%dma_wait3A_106, %dma_wait3A_107] : memref<125x128xf32, #tpu.memory_space<vmem>> -> memref<80x128xf32, #tpu.memory_space<vmem>>
    tpu.wait_dma2 semaphore(%arg12 : memref<!tpu.dma_semaphore, #tpu.memory_space<semaphore_mem>>) src(%dma_wait3A_108 : memref<80x128xf32, #tpu.memory_space<vmem>>) dst(%dma_wait3A_105 : memref<80x128xf32, #tpu.memory_space<vmem_shared>>)
    %dma_wait3A_109 = arith.constant 0 : i32
    %dma_wait3A_110 = arith.constant 0 : i32
    %dma_wait3A_111 = tpu.memref_slice %arg7[%dma_wait3A_109, %dma_wait3A_110] : memref<125x128xf32, #tpu.memory_space<vmem>> -> memref<80x128xf32, #tpu.memory_space<vmem>>
    %dma_wait3A_112 = arith.constant 0 : i32
    %dma_wait3A_113 = tpu.memref_slice %arg9[%mul3A_4, %dma_wait3A_112] : memref<10240x128xf32, #tpu.memory_space<vmem_shared>> -> memref<80x128xf32, #tpu.memory_space<vmem_shared>>
    %dma_wait3A_114 = arith.constant 0 : i32
    %dma_wait3A_115 = tpu.memref_slice %arg9[%mul3A_4, %dma_wait3A_114] : memref<10240x128xf32, #tpu.memory_space<vmem_shared>> -> memref<80x128xf32, #tpu.memory_space<vmem_shared>>
    %dma_wait3A_116 = arith.constant 0 : i32
    %dma_wait3A_117 = arith.constant 0 : i32
    %dma_wait3A_118 = tpu.memref_slice %arg7[%dma_wait3A_116, %dma_wait3A_117] : memref<125x128xf32, #tpu.memory_space<vmem>> -> memref<80x128xf32, #tpu.memory_space<vmem>>
    tpu.wait_dma2 semaphore(%arg12 : memref<!tpu.dma_semaphore, #tpu.memory_space<semaphore_mem>>) src(%dma_wait3A_118 : memref<80x128xf32, #tpu.memory_space<vmem>>) dst(%dma_wait3A_115 : memref<80x128xf32, #tpu.memory_space<vmem_shared>>)
    %dma_wait3A_119 = arith.constant 0 : i32
    %dma_wait3A_120 = arith.constant 0 : i32
    %dma_wait3A_121 = tpu.memref_slice %arg7[%dma_wait3A_119, %dma_wait3A_120] : memref<125x128xf32, #tpu.memory_space<vmem>> -> memref<80x128xf32, #tpu.memory_space<vmem>>
    %dma_wait3A_122 = arith.constant 0 : i32
    %dma_wait3A_123 = tpu.memref_slice %arg9[%mul3A_4, %dma_wait3A_122] : memref<10240x128xf32, #tpu.memory_space<vmem_shared>> -> memref<80x128xf32, #tpu.memory_space<vmem_shared>>
    %dma_wait3A_124 = arith.constant 0 : i32
    %dma_wait3A_125 = tpu.memref_slice %arg9[%mul3A_4, %dma_wait3A_124] : memref<10240x128xf32, #tpu.memory_space<vmem_shared>> -> memref<80x128xf32, #tpu.memory_space<vmem_shared>>
    %dma_wait3A_126 = arith.constant 0 : i32
    %dma_wait3A_127 = arith.constant 0 : i32
    %dma_wait3A_128 = tpu.memref_slice %arg7[%dma_wait3A_126, %dma_wait3A_127] : memref<125x128xf32, #tpu.memory_space<vmem>> -> memref<80x128xf32, #tpu.memory_space<vmem>>
    tpu.wait_dma2 semaphore(%arg12 : memref<!tpu.dma_semaphore, #tpu.memory_space<semaphore_mem>>) src(%dma_wait3A_128 : memref<80x128xf32, #tpu.memory_space<vmem>>) dst(%dma_wait3A_125 : memref<80x128xf32, #tpu.memory_space<vmem_shared>>)
    %dma_wait3A_129 = arith.constant 0 : i32
    %dma_wait3A_130 = arith.constant 0 : i32
    %dma_wait3A_131 = tpu.memref_slice %arg7[%dma_wait3A_129, %dma_wait3A_130] : memref<125x128xf32, #tpu.memory_space<vmem>> -> memref<80x128xf32, #tpu.memory_space<vmem>>
    %dma_wait3A_132 = arith.constant 0 : i32
    %dma_wait3A_133 = tpu.memref_slice %arg9[%mul3A_4, %dma_wait3A_132] : memref<10240x128xf32, #tpu.memory_space<vmem_shared>> -> memref<80x128xf32, #tpu.memory_space<vmem_shared>>
    %dma_wait3A_134 = arith.constant 0 : i32
    %dma_wait3A_135 = tpu.memref_slice %arg9[%mul3A_4, %dma_wait3A_134] : memref<10240x128xf32, #tpu.memory_space<vmem_shared>> -> memref<80x128xf32, #tpu.memory_space<vmem_shared>>
    %dma_wait3A_136 = arith.constant 0 : i32
    %dma_wait3A_137 = arith.constant 0 : i32
    %dma_wait3A_138 = tpu.memref_slice %arg7[%dma_wait3A_136, %dma_wait3A_137] : memref<125x128xf32, #tpu.memory_space<vmem>> -> memref<80x128xf32, #tpu.memory_space<vmem>>
    tpu.wait_dma2 semaphore(%arg12 : memref<!tpu.dma_semaphore, #tpu.memory_space<semaphore_mem>>) src(%dma_wait3A_138 : memref<80x128xf32, #tpu.memory_space<vmem>>) dst(%dma_wait3A_135 : memref<80x128xf32, #tpu.memory_space<vmem_shared>>)
    %dma_wait3A_139 = arith.constant 0 : i32
    %dma_wait3A_140 = arith.constant 0 : i32
    %dma_wait3A_141 = tpu.memref_slice %arg7[%dma_wait3A_139, %dma_wait3A_140] : memref<125x128xf32, #tpu.memory_space<vmem>> -> memref<80x128xf32, #tpu.memory_space<vmem>>
    %dma_wait3A_142 = arith.constant 0 : i32
    %dma_wait3A_143 = tpu.memref_slice %arg9[%mul3A_4, %dma_wait3A_142] : memref<10240x128xf32, #tpu.memory_space<vmem_shared>> -> memref<80x128xf32, #tpu.memory_space<vmem_shared>>
    %dma_wait3A_144 = arith.constant 0 : i32
    %dma_wait3A_145 = tpu.memref_slice %arg9[%mul3A_4, %dma_wait3A_144] : memref<10240x128xf32, #tpu.memory_space<vmem_shared>> -> memref<80x128xf32, #tpu.memory_space<vmem_shared>>
    %dma_wait3A_146 = arith.constant 0 : i32
    %dma_wait3A_147 = arith.constant 0 : i32
    %dma_wait3A_148 = tpu.memref_slice %arg7[%dma_wait3A_146, %dma_wait3A_147] : memref<125x128xf32, #tpu.memory_space<vmem>> -> memref<80x128xf32, #tpu.memory_space<vmem>>
    tpu.wait_dma2 semaphore(%arg12 : memref<!tpu.dma_semaphore, #tpu.memory_space<semaphore_mem>>) src(%dma_wait3A_148 : memref<80x128xf32, #tpu.memory_space<vmem>>) dst(%dma_wait3A_145 : memref<80x128xf32, #tpu.memory_space<vmem_shared>>)
    %dma_wait3A_149 = arith.constant 0 : i32
    %dma_wait3A_150 = arith.constant 0 : i32
    %dma_wait3A_151 = tpu.memref_slice %arg7[%dma_wait3A_149, %dma_wait3A_150] : memref<125x128xf32, #tpu.memory_space<vmem>> -> memref<80x128xf32, #tpu.memory_space<vmem>>
    %dma_wait3A_152 = arith.constant 0 : i32
    %dma_wait3A_153 = tpu.memref_slice %arg9[%mul3A_4, %dma_wait3A_152] : memref<10240x128xf32, #tpu.memory_space<vmem_shared>> -> memref<80x128xf32, #tpu.memory_space<vmem_shared>>
    %dma_wait3A_154 = arith.constant 0 : i32
    %dma_wait3A_155 = tpu.memref_slice %arg9[%mul3A_4, %dma_wait3A_154] : memref<10240x128xf32, #tpu.memory_space<vmem_shared>> -> memref<80x128xf32, #tpu.memory_space<vmem_shared>>
    %dma_wait3A_156 = arith.constant 0 : i32
    %dma_wait3A_157 = arith.constant 0 : i32
    %dma_wait3A_158 = tpu.memref_slice %arg7[%dma_wait3A_156, %dma_wait3A_157] : memref<125x128xf32, #tpu.memory_space<vmem>> -> memref<80x128xf32, #tpu.memory_space<vmem>>
    tpu.wait_dma2 semaphore(%arg12 : memref<!tpu.dma_semaphore, #tpu.memory_space<semaphore_mem>>) src(%dma_wait3A_158 : memref<80x128xf32, #tpu.memory_space<vmem>>) dst(%dma_wait3A_155 : memref<80x128xf32, #tpu.memory_space<vmem_shared>>)
    %dma_wait3A_159 = arith.constant 0 : i32
    %dma_wait3A_160 = arith.constant 0 : i32
    %dma_wait3A_161 = tpu.memref_slice %arg7[%dma_wait3A_159, %dma_wait3A_160] : memref<125x128xf32, #tpu.memory_space<vmem>> -> memref<80x128xf32, #tpu.memory_space<vmem>>
    %dma_wait3A_162 = arith.constant 0 : i32
    %dma_wait3A_163 = tpu.memref_slice %arg9[%mul3A_4, %dma_wait3A_162] : memref<10240x128xf32, #tpu.memory_space<vmem_shared>> -> memref<80x128xf32, #tpu.memory_space<vmem_shared>>
    %dma_wait3A_164 = arith.constant 0 : i32
    %dma_wait3A_165 = tpu.memref_slice %arg9[%mul3A_4, %dma_wait3A_164] : memref<10240x128xf32, #tpu.memory_space<vmem_shared>> -> memref<80x128xf32, #tpu.memory_space<vmem_shared>>
    %dma_wait3A_166 = arith.constant 0 : i32
    %dma_wait3A_167 = arith.constant 0 : i32
    %dma_wait3A_168 = tpu.memref_slice %arg7[%dma_wait3A_166, %dma_wait3A_167] : memref<125x128xf32, #tpu.memory_space<vmem>> -> memref<80x128xf32, #tpu.memory_space<vmem>>
    tpu.wait_dma2 semaphore(%arg12 : memref<!tpu.dma_semaphore, #tpu.memory_space<semaphore_mem>>) src(%dma_wait3A_168 : memref<80x128xf32, #tpu.memory_space<vmem>>) dst(%dma_wait3A_165 : memref<80x128xf32, #tpu.memory_space<vmem_shared>>)
    %dma_wait3A_169 = arith.constant 0 : i32
    %dma_wait3A_170 = arith.constant 0 : i32
    %dma_wait3A_171 = tpu.memref_slice %arg7[%dma_wait3A_169, %dma_wait3A_170] : memref<125x128xf32, #tpu.memory_space<vmem>> -> memref<80x128xf32, #tpu.memory_space<vmem>>
    %dma_wait3A_172 = arith.constant 0 : i32
    %dma_wait3A_173 = tpu.memref_slice %arg9[%mul3A_4, %dma_wait3A_172] : memref<10240x128xf32, #tpu.memory_space<vmem_shared>> -> memref<80x128xf32, #tpu.memory_space<vmem_shared>>
    %dma_wait3A_174 = arith.constant 0 : i32
    %dma_wait3A_175 = tpu.memref_slice %arg9[%mul3A_4, %dma_wait3A_174] : memref<10240x128xf32, #tpu.memory_space<vmem_shared>> -> memref<80x128xf32, #tpu.memory_space<vmem_shared>>
    %dma_wait3A_176 = arith.constant 0 : i32
    %dma_wait3A_177 = arith.constant 0 : i32
    %dma_wait3A_178 = tpu.memref_slice %arg7[%dma_wait3A_176, %dma_wait3A_177] : memref<125x128xf32, #tpu.memory_space<vmem>> -> memref<80x128xf32, #tpu.memory_space<vmem>>
    tpu.wait_dma2 semaphore(%arg12 : memref<!tpu.dma_semaphore, #tpu.memory_space<semaphore_mem>>) src(%dma_wait3A_178 : memref<80x128xf32, #tpu.memory_space<vmem>>) dst(%dma_wait3A_175 : memref<80x128xf32, #tpu.memory_space<vmem_shared>>)
    %barrier3A = arith.constant 0 : index
    tpu.barrier barrier_id(%barrier3A)
    %rem3A = arith.constant 0 : i32
    %rem3A_179 = arith.constant 80 : i32
    %rem3A_180 = arith.remsi %rem3A, %rem3A_179 : i32
    %add3A_181 = arith.addi %mul3A_2, %rem3A_180 : i32
    %dma_start3A_182 = arith.constant 0 : i32
    %dma_start3A_183 = arith.constant 0 : i32
    %dma_start3A_184 = arith.constant 0 : i32
    %dma_start3A_185 = tpu.memref_slice %arg6[%dma_start3A_182, %dma_start3A_183, %dma_start3A_184] : memref<4x2x125xi32, #tpu.memory_space<vmem>> -> memref<1x2x125xi32, #tpu.memory_space<vmem>>
    %dma_start3A_186 = tpu.memref_squeeze %dma_start3A_185 : memref<1x2x125xi32, #tpu.memory_space<vmem>> -> memref<2x125xi32, #tpu.memory_space<vmem>>
    %dma_start3A_187 = arith.constant 0 : i32
    %dma_start3A_188 = arith.constant 0 : i32
    %dma_start3A_189 = tpu.memref_slice %arg3[%add3A_181, %dma_start3A_187, %dma_start3A_188] : memref<2560x2x125xi32, #tpu.memory_space<hbm>> -> memref<1x2x125xi32, #tpu.memory_space<hbm>>
    %dma_start3A_190 = tpu.memref_squeeze %dma_start3A_189 : memref<1x2x125xi32, #tpu.memory_space<hbm>> -> memref<2x125xi32, #tpu.memory_space<hbm>>
    %dma_start3A_191 = arith.constant 0 : i32
    %dma_start3A_192 = arith.constant 0 : i32
    %dma_start3A_193 = tpu.memref_slice %arg6[%dma_start3A_182, %dma_start3A_191, %dma_start3A_192] : memref<4x2x125xi32, #tpu.memory_space<vmem>> -> memref<1x2x125xi32, #tpu.memory_space<vmem>>
    %dma_start3A_194 = tpu.memref_squeeze %dma_start3A_193 : memref<1x2x125xi32, #tpu.memory_space<vmem>> -> memref<2x125xi32, #tpu.memory_space<vmem>>
    %dma_start3A_195 = arith.constant 0 : i32
    %dma_start3A_196 = arith.constant 0 : i32
    %dma_start3A_197 = tpu.memref_slice %arg3[%add3A_181, %dma_start3A_195, %dma_start3A_196] : memref<2560x2x125xi32, #tpu.memory_space<hbm>> -> memref<1x2x125xi32, #tpu.memory_space<hbm>>
    %dma_start3A_198 = tpu.memref_squeeze %dma_start3A_197 : memref<1x2x125xi32, #tpu.memory_space<hbm>> -> memref<2x125xi32, #tpu.memory_space<hbm>>
    tpu.enqueue_dma source(%dma_start3A_198 : memref<2x125xi32, #tpu.memory_space<hbm>>) target(%dma_start3A_194 : memref<2x125xi32, #tpu.memory_space<vmem>>) target_semaphore(%arg14 : memref<!tpu.dma_semaphore, #tpu.memory_space<semaphore_mem>>)
    %rem3A_199 = arith.constant 1 : i32
    %rem3A_200 = arith.constant 80 : i32
    %rem3A_201 = arith.remsi %rem3A_199, %rem3A_200 : i32
    %add3A_202 = arith.addi %mul3A_2, %rem3A_201 : i32
    %dma_start3A_203 = arith.constant 1 : i32
    %dma_start3A_204 = arith.constant 0 : i32
    %dma_start3A_205 = arith.constant 0 : i32
    %dma_start3A_206 = tpu.memref_slice %arg6[%dma_start3A_203, %dma_start3A_204, %dma_start3A_205] : memref<4x2x125xi32, #tpu.memory_space<vmem>> -> memref<1x2x125xi32, #tpu.memory_space<vmem>>
    %dma_start3A_207 = tpu.memref_squeeze %dma_start3A_206 : memref<1x2x125xi32, #tpu.memory_space<vmem>> -> memref<2x125xi32, #tpu.memory_space<vmem>>
    %dma_start3A_208 = arith.constant 0 : i32
    %dma_start3A_209 = arith.constant 0 : i32
    %dma_start3A_210 = tpu.memref_slice %arg3[%add3A_202, %dma_start3A_208, %dma_start3A_209] : memref<2560x2x125xi32, #tpu.memory_space<hbm>> -> memref<1x2x125xi32, #tpu.memory_space<hbm>>
    %dma_start3A_211 = tpu.memref_squeeze %dma_start3A_210 : memref<1x2x125xi32, #tpu.memory_space<hbm>> -> memref<2x125xi32, #tpu.memory_space<hbm>>
    %dma_start3A_212 = arith.constant 0 : i32
    %dma_start3A_213 = arith.constant 0 : i32
    %dma_start3A_214 = tpu.memref_slice %arg6[%dma_start3A_203, %dma_start3A_212, %dma_start3A_213] : memref<4x2x125xi32, #tpu.memory_space<vmem>> -> memref<1x2x125xi32, #tpu.memory_space<vmem>>
    %dma_start3A_215 = tpu.memref_squeeze %dma_start3A_214 : memref<1x2x125xi32, #tpu.memory_space<vmem>> -> memref<2x125xi32, #tpu.memory_space<vmem>>
    %dma_start3A_216 = arith.constant 0 : i32
    %dma_start3A_217 = arith.constant 0 : i32
    %dma_start3A_218 = tpu.memref_slice %arg3[%add3A_202, %dma_start3A_216, %dma_start3A_217] : memref<2560x2x125xi32, #tpu.memory_space<hbm>> -> memref<1x2x125xi32, #tpu.memory_space<hbm>>
    %dma_start3A_219 = tpu.memref_squeeze %dma_start3A_218 : memref<1x2x125xi32, #tpu.memory_space<hbm>> -> memref<2x125xi32, #tpu.memory_space<hbm>>
    tpu.enqueue_dma source(%dma_start3A_219 : memref<2x125xi32, #tpu.memory_space<hbm>>) target(%dma_start3A_215 : memref<2x125xi32, #tpu.memory_space<vmem>>) target_semaphore(%arg15 : memref<!tpu.dma_semaphore, #tpu.memory_space<semaphore_mem>>)
    %dma_wait3A_220 = arith.constant 0 : i32
    %dma_wait3A_221 = arith.constant 0 : i32
    %dma_wait3A_222 = arith.constant 0 : i32
    %dma_wait3A_223 = tpu.memref_slice %arg6[%dma_wait3A_220, %dma_wait3A_221, %dma_wait3A_222] : memref<4x2x125xi32, #tpu.memory_space<vmem>> -> memref<1x2x125xi32, #tpu.memory_space<vmem>>
    %dma_wait3A_224 = tpu.memref_squeeze %dma_wait3A_223 : memref<1x2x125xi32, #tpu.memory_space<vmem>> -> memref<2x125xi32, #tpu.memory_space<vmem>>
    %dma_wait3A_225 = arith.constant 0 : i32
    %dma_wait3A_226 = arith.constant 0 : i32
    %dma_wait3A_227 = tpu.memref_slice %arg3[%mul3A_2, %dma_wait3A_225, %dma_wait3A_226] : memref<2560x2x125xi32, #tpu.memory_space<hbm>> -> memref<1x2x125xi32, #tpu.memory_space<hbm>>
    %dma_wait3A_228 = tpu.memref_squeeze %dma_wait3A_227 : memref<1x2x125xi32, #tpu.memory_space<hbm>> -> memref<2x125xi32, #tpu.memory_space<hbm>>
    %dma_wait3A_229 = arith.constant 0 : i32
    %dma_wait3A_230 = arith.constant 0 : i32
    %dma_wait3A_231 = tpu.memref_slice %arg6[%dma_wait3A_220, %dma_wait3A_229, %dma_wait3A_230] : memref<4x2x125xi32, #tpu.memory_space<vmem>> -> memref<1x2x125xi32, #tpu.memory_space<vmem>>
    %dma_wait3A_232 = tpu.memref_squeeze %dma_wait3A_231 : memref<1x2x125xi32, #tpu.memory_space<vmem>> -> memref<2x125xi32, #tpu.memory_space<vmem>>
    %dma_wait3A_233 = arith.constant 0 : i32
    %dma_wait3A_234 = arith.constant 0 : i32
    %dma_wait3A_235 = tpu.memref_slice %arg3[%mul3A_2, %dma_wait3A_233, %dma_wait3A_234] : memref<2560x2x125xi32, #tpu.memory_space<hbm>> -> memref<1x2x125xi32, #tpu.memory_space<hbm>>
    %dma_wait3A_236 = tpu.memref_squeeze %dma_wait3A_235 : memref<1x2x125xi32, #tpu.memory_space<hbm>> -> memref<2x125xi32, #tpu.memory_space<hbm>>
    tpu.wait_dma2 semaphore(%arg14 : memref<!tpu.dma_semaphore, #tpu.memory_space<semaphore_mem>>) src(%dma_wait3A_236 : memref<2x125xi32, #tpu.memory_space<hbm>>) dst(%dma_wait3A_232 : memref<2x125xi32, #tpu.memory_space<vmem>>)
    %dma_start3A_237 = arith.constant 0 : i32
    %dma_start3A_238 = arith.constant 0 : i32
    %dma_start3A_239 = arith.constant 0 : i32
    %dma_start3A_240 = tpu.memref_slice %arg6[%dma_start3A_237, %dma_start3A_238, %dma_start3A_239] : memref<4x2x125xi32, #tpu.memory_space<vmem>> -> memref<1x1x125xi32, #tpu.memory_space<vmem>>
    %dma_start3A_241 = tpu.memref_squeeze %dma_start3A_240 : memref<1x1x125xi32, #tpu.memory_space<vmem>> -> memref<125xi32, #tpu.memory_space<vmem>>
    %dma_start3A_242 = arith.constant 0 : i32
    %dma_start3A_243 = arith.constant 0 : i32
    %dma_start3A_244 = tpu.memref_slice %arg2[%dma_start3A_242, %dma_start3A_243] : memref<10240x128xf32, #tpu.memory_space<hbm>> -> memref<10240x128xf32, #tpu.memory_space<hbm>>
    tpu.enqueue_indirect_dma source(%dma_start3A_244 : memref<10240x128xf32, #tpu.memory_space<hbm>>) target(%arg7 : memref<125x128xf32, #tpu.memory_space<vmem>>) offsets(%dma_start3A_241 : memref<125xi32, #tpu.memory_space<vmem>>) semaphore(%arg10 : memref<!tpu.dma_semaphore, #tpu.memory_space<semaphore_mem>>)
    %dma_wait3A_245 = arith.constant 1 : i32
    %dma_wait3A_246 = arith.constant 0 : i32
    %dma_wait3A_247 = arith.constant 0 : i32
    %dma_wait3A_248 = tpu.memref_slice %arg6[%dma_wait3A_245, %dma_wait3A_246, %dma_wait3A_247] : memref<4x2x125xi32, #tpu.memory_space<vmem>> -> memref<1x2x125xi32, #tpu.memory_space<vmem>>
    %dma_wait3A_249 = tpu.memref_squeeze %dma_wait3A_248 : memref<1x2x125xi32, #tpu.memory_space<vmem>> -> memref<2x125xi32, #tpu.memory_space<vmem>>
    %dma_wait3A_250 = arith.constant 0 : i32
    %dma_wait3A_251 = arith.constant 0 : i32
    %dma_wait3A_252 = tpu.memref_slice %arg3[%mul3A_2, %dma_wait3A_250, %dma_wait3A_251] : memref<2560x2x125xi32, #tpu.memory_space<hbm>> -> memref<1x2x125xi32, #tpu.memory_space<hbm>>
    %dma_wait3A_253 = tpu.memref_squeeze %dma_wait3A_252 : memref<1x2x125xi32, #tpu.memory_space<hbm>> -> memref<2x125xi32, #tpu.memory_space<hbm>>
    %dma_wait3A_254 = arith.constant 0 : i32
    %dma_wait3A_255 = arith.constant 0 : i32
    %dma_wait3A_256 = tpu.memref_slice %arg6[%dma_wait3A_245, %dma_wait3A_254, %dma_wait3A_255] : memref<4x2x125xi32, #tpu.memory_space<vmem>> -> memref<1x2x125xi32, #tpu.memory_space<vmem>>
    %dma_wait3A_257 = tpu.memref_squeeze %dma_wait3A_256 : memref<1x2x125xi32, #tpu.memory_space<vmem>> -> memref<2x125xi32, #tpu.memory_space<vmem>>
    %dma_wait3A_258 = arith.constant 0 : i32
    %dma_wait3A_259 = arith.constant 0 : i32
    %dma_wait3A_260 = tpu.memref_slice %arg3[%mul3A_2, %dma_wait3A_258, %dma_wait3A_259] : memref<2560x2x125xi32, #tpu.memory_space<hbm>> -> memref<1x2x125xi32, #tpu.memory_space<hbm>>
    %dma_wait3A_261 = tpu.memref_squeeze %dma_wait3A_260 : memref<1x2x125xi32, #tpu.memory_space<hbm>> -> memref<2x125xi32, #tpu.memory_space<hbm>>
    tpu.wait_dma2 semaphore(%arg15 : memref<!tpu.dma_semaphore, #tpu.memory_space<semaphore_mem>>) src(%dma_wait3A_261 : memref<2x125xi32, #tpu.memory_space<hbm>>) dst(%dma_wait3A_257 : memref<2x125xi32, #tpu.memory_space<vmem>>)
    %dma_start3A_262 = arith.constant 1 : i32
    %dma_start3A_263 = arith.constant 0 : i32
    %dma_start3A_264 = arith.constant 0 : i32
    %dma_start3A_265 = tpu.memref_slice %arg6[%dma_start3A_262, %dma_start3A_263, %dma_start3A_264] : memref<4x2x125xi32, #tpu.memory_space<vmem>> -> memref<1x1x125xi32, #tpu.memory_space<vmem>>
    %dma_start3A_266 = tpu.memref_squeeze %dma_start3A_265 : memref<1x1x125xi32, #tpu.memory_space<vmem>> -> memref<125xi32, #tpu.memory_space<vmem>>
    %dma_start3A_267 = arith.constant 0 : i32
    %dma_start3A_268 = arith.constant 0 : i32
    %dma_start3A_269 = tpu.memref_slice %arg2[%dma_start3A_267, %dma_start3A_268] : memref<10240x128xf32, #tpu.memory_space<hbm>> -> memref<10240x128xf32, #tpu.memory_space<hbm>>
    tpu.enqueue_indirect_dma source(%dma_start3A_269 : memref<10240x128xf32, #tpu.memory_space<hbm>>) target(%arg8 : memref<125x128xf32, #tpu.memory_space<vmem>>) offsets(%dma_start3A_266 : memref<125xi32, #tpu.memory_space<vmem>>) semaphore(%arg11 : memref<!tpu.dma_semaphore, #tpu.memory_space<semaphore_mem>>)
    %scan3A = arith.constant 0 : i32
    %scan3A_270 = arith.constant 0 : i32
    %scan3A_271 = arith.constant 20 : i32
    %scan3A_272 = arith.addi %scan3A_270, %scan3A_271 : i32
    %scan3A_273 = arith.constant 1 : i32
    scf.for %scan3A_676 = %scan3A_270 to %scan3A_272 step %scan3A_273  : i32 {
      %mul3A_677 = arith.constant 4 : i32
      %mul3A_678 = arith.muli %mul3A_677, %scan3A_676 : i32
      %add3A_679 = arith.constant 2 : i32
      %add3A_680 = arith.addi %mul3A_678, %add3A_679 : i32
      %rem3A_681 = arith.constant 80 : i32
      %rem3A_682 = arith.remsi %add3A_680, %rem3A_681 : i32
      %add3A_683 = arith.addi %mul3A_2, %rem3A_682 : i32
      %dma_start3A_684 = arith.constant 2 : i32
      %dma_start3A_685 = arith.constant 0 : i32
      %dma_start3A_686 = arith.constant 0 : i32
      %dma_start3A_687 = tpu.memref_slice %arg6[%dma_start3A_684, %dma_start3A_685, %dma_start3A_686] : memref<4x2x125xi32, #tpu.memory_space<vmem>> -> memref<1x2x125xi32, #tpu.memory_space<vmem>>
      %dma_start3A_688 = tpu.memref_squeeze %dma_start3A_687 : memref<1x2x125xi32, #tpu.memory_space<vmem>> -> memref<2x125xi32, #tpu.memory_space<vmem>>
      %dma_start3A_689 = arith.constant 0 : i32
      %dma_start3A_690 = arith.constant 0 : i32
      %dma_start3A_691 = tpu.memref_slice %arg3[%add3A_683, %dma_start3A_689, %dma_start3A_690] : memref<2560x2x125xi32, #tpu.memory_space<hbm>> -> memref<1x2x125xi32, #tpu.memory_space<hbm>>
      %dma_start3A_692 = tpu.memref_squeeze %dma_start3A_691 : memref<1x2x125xi32, #tpu.memory_space<hbm>> -> memref<2x125xi32, #tpu.memory_space<hbm>>
      %dma_start3A_693 = arith.constant 0 : i32
      %dma_start3A_694 = arith.constant 0 : i32
      %dma_start3A_695 = tpu.memref_slice %arg6[%dma_start3A_684, %dma_start3A_693, %dma_start3A_694] : memref<4x2x125xi32, #tpu.memory_space<vmem>> -> memref<1x2x125xi32, #tpu.memory_space<vmem>>
      %dma_start3A_696 = tpu.memref_squeeze %dma_start3A_695 : memref<1x2x125xi32, #tpu.memory_space<vmem>> -> memref<2x125xi32, #tpu.memory_space<vmem>>
      %dma_start3A_697 = arith.constant 0 : i32
      %dma_start3A_698 = arith.constant 0 : i32
      %dma_start3A_699 = tpu.memref_slice %arg3[%add3A_683, %dma_start3A_697, %dma_start3A_698] : memref<2560x2x125xi32, #tpu.memory_space<hbm>> -> memref<1x2x125xi32, #tpu.memory_space<hbm>>
      %dma_start3A_700 = tpu.memref_squeeze %dma_start3A_699 : memref<1x2x125xi32, #tpu.memory_space<hbm>> -> memref<2x125xi32, #tpu.memory_space<hbm>>
      tpu.enqueue_dma source(%dma_start3A_700 : memref<2x125xi32, #tpu.memory_space<hbm>>) target(%dma_start3A_696 : memref<2x125xi32, #tpu.memory_space<vmem>>) target_semaphore(%arg16 : memref<!tpu.dma_semaphore, #tpu.memory_space<semaphore_mem>>)
      %add3A_701 = arith.constant 3 : i32
      %add3A_702 = arith.addi %mul3A_678, %add3A_701 : i32
      %rem3A_703 = arith.constant 80 : i32
      %rem3A_704 = arith.remsi %add3A_702, %rem3A_703 : i32
      %add3A_705 = arith.addi %mul3A_2, %rem3A_704 : i32
      %dma_start3A_706 = arith.constant 3 : i32
      %dma_start3A_707 = arith.constant 0 : i32
      %dma_start3A_708 = arith.constant 0 : i32
      %dma_start3A_709 = tpu.memref_slice %arg6[%dma_start3A_706, %dma_start3A_707, %dma_start3A_708] : memref<4x2x125xi32, #tpu.memory_space<vmem>> -> memref<1x2x125xi32, #tpu.memory_space<vmem>>
      %dma_start3A_710 = tpu.memref_squeeze %dma_start3A_709 : memref<1x2x125xi32, #tpu.memory_space<vmem>> -> memref<2x125xi32, #tpu.memory_space<vmem>>
      %dma_start3A_711 = arith.constant 0 : i32
      %dma_start3A_712 = arith.constant 0 : i32
      %dma_start3A_713 = tpu.memref_slice %arg3[%add3A_705, %dma_start3A_711, %dma_start3A_712] : memref<2560x2x125xi32, #tpu.memory_space<hbm>> -> memref<1x2x125xi32, #tpu.memory_space<hbm>>
      %dma_start3A_714 = tpu.memref_squeeze %dma_start3A_713 : memref<1x2x125xi32, #tpu.memory_space<hbm>> -> memref<2x125xi32, #tpu.memory_space<hbm>>
      %dma_start3A_715 = arith.constant 0 : i32
      %dma_start3A_716 = arith.constant 0 : i32
      %dma_start3A_717 = tpu.memref_slice %arg6[%dma_start3A_706, %dma_start3A_715, %dma_start3A_716] : memref<4x2x125xi32, #tpu.memory_space<vmem>> -> memref<1x2x125xi32, #tpu.memory_space<vmem>>
      %dma_start3A_718 = tpu.memref_squeeze %dma_start3A_717 : memref<1x2x125xi32, #tpu.memory_space<vmem>> -> memref<2x125xi32, #tpu.memory_space<vmem>>
      %dma_start3A_719 = arith.constant 0 : i32
      %dma_start3A_720 = arith.constant 0 : i32
      %dma_start3A_721 = tpu.memref_slice %arg3[%add3A_705, %dma_start3A_719, %dma_start3A_720] : memref<2560x2x125xi32, #tpu.memory_space<hbm>> -> memref<1x2x125xi32, #tpu.memory_space<hbm>>
      %dma_start3A_722 = tpu.memref_squeeze %dma_start3A_721 : memref<1x2x125xi32, #tpu.memory_space<hbm>> -> memref<2x125xi32, #tpu.memory_space<hbm>>
      tpu.enqueue_dma source(%dma_start3A_722 : memref<2x125xi32, #tpu.memory_space<hbm>>) target(%dma_start3A_718 : memref<2x125xi32, #tpu.memory_space<vmem>>) target_semaphore(%arg17 : memref<!tpu.dma_semaphore, #tpu.memory_space<semaphore_mem>>)
      %dma_wait3A_723 = arith.constant 0 : i32
      %dma_wait3A_724 = arith.constant 0 : i32
      %dma_wait3A_725 = arith.constant 0 : i32
      %dma_wait3A_726 = tpu.memref_slice %arg6[%dma_wait3A_723, %dma_wait3A_724, %dma_wait3A_725] : memref<4x2x125xi32, #tpu.memory_space<vmem>> -> memref<1x1x125xi32, #tpu.memory_space<vmem>>
      %dma_wait3A_727 = tpu.memref_squeeze %dma_wait3A_726 : memref<1x1x125xi32, #tpu.memory_space<vmem>> -> memref<125xi32, #tpu.memory_space<vmem>>
      %dma_wait3A_728 = arith.constant 0 : i32
      %dma_wait3A_729 = arith.constant 0 : i32
      %dma_wait3A_730 = tpu.memref_slice %arg2[%dma_wait3A_728, %dma_wait3A_729] : memref<10240x128xf32, #tpu.memory_space<hbm>> -> memref<10240x128xf32, #tpu.memory_space<hbm>>
      tpu.wait_indirect_dma semaphore(%arg10 : memref<!tpu.dma_semaphore, #tpu.memory_space<semaphore_mem>>) src(%dma_wait3A_730 : memref<10240x128xf32, #tpu.memory_space<hbm>>) dst(%arg7 : memref<125x128xf32, #tpu.memory_space<vmem>>)
      %dma_start3A_731 = arith.constant 0 : i32
      %dma_start3A_732 = arith.constant 1 : i32
      %dma_start3A_733 = arith.constant 0 : i32
      %dma_start3A_734 = tpu.memref_slice %arg6[%dma_start3A_731, %dma_start3A_732, %dma_start3A_733] : memref<4x2x125xi32, #tpu.memory_space<vmem>> -> memref<1x1x125xi32, #tpu.memory_space<vmem>>
      %dma_start3A_735 = tpu.memref_squeeze %dma_start3A_734 : memref<1x1x125xi32, #tpu.memory_space<vmem>> -> memref<125xi32, #tpu.memory_space<vmem>>
      %dma_start3A_736 = arith.constant 0 : i32
      %dma_start3A_737 = arith.constant 0 : i32
      %dma_start3A_738 = tpu.memref_slice %arg9[%dma_start3A_736, %dma_start3A_737] : memref<10240x128xf32, #tpu.memory_space<vmem_shared>> -> memref<10240x128xf32, #tpu.memory_space<vmem_shared>>
      tpu.enqueue_indirect_dma source(%arg7 : memref<125x128xf32, #tpu.memory_space<vmem>>) target(%dma_start3A_738 : memref<10240x128xf32, #tpu.memory_space<vmem_shared>>) offsets(%dma_start3A_735 : memref<125xi32, #tpu.memory_space<vmem>>) semaphore(%arg12 : memref<!tpu.dma_semaphore, #tpu.memory_space<semaphore_mem>>) {add = true}
      %dma_wait3A_739 = arith.constant 0 : i32
      %dma_wait3A_740 = arith.constant 1 : i32
      %dma_wait3A_741 = arith.constant 0 : i32
      %dma_wait3A_742 = tpu.memref_slice %arg6[%dma_wait3A_739, %dma_wait3A_740, %dma_wait3A_741] : memref<4x2x125xi32, #tpu.memory_space<vmem>> -> memref<1x1x125xi32, #tpu.memory_space<vmem>>
      %dma_wait3A_743 = tpu.memref_squeeze %dma_wait3A_742 : memref<1x1x125xi32, #tpu.memory_space<vmem>> -> memref<125xi32, #tpu.memory_space<vmem>>
      %dma_wait3A_744 = arith.constant 0 : i32
      %dma_wait3A_745 = arith.constant 0 : i32
      %dma_wait3A_746 = tpu.memref_slice %arg9[%dma_wait3A_744, %dma_wait3A_745] : memref<10240x128xf32, #tpu.memory_space<vmem_shared>> -> memref<10240x128xf32, #tpu.memory_space<vmem_shared>>
      tpu.wait_indirect_dma semaphore(%arg12 : memref<!tpu.dma_semaphore, #tpu.memory_space<semaphore_mem>>) src(%arg7 : memref<125x128xf32, #tpu.memory_space<vmem>>) dst(%dma_wait3A_746 : memref<10240x128xf32, #tpu.memory_space<vmem_shared>>)
      %dma_wait3A_747 = arith.constant 2 : i32
      %dma_wait3A_748 = arith.constant 0 : i32
      %dma_wait3A_749 = arith.constant 0 : i32
      %dma_wait3A_750 = tpu.memref_slice %arg6[%dma_wait3A_747, %dma_wait3A_748, %dma_wait3A_749] : memref<4x2x125xi32, #tpu.memory_space<vmem>> -> memref<1x2x125xi32, #tpu.memory_space<vmem>>
      %dma_wait3A_751 = tpu.memref_squeeze %dma_wait3A_750 : memref<1x2x125xi32, #tpu.memory_space<vmem>> -> memref<2x125xi32, #tpu.memory_space<vmem>>
      %dma_wait3A_752 = arith.constant 0 : i32
      %dma_wait3A_753 = arith.constant 0 : i32
      %dma_wait3A_754 = tpu.memref_slice %arg3[%mul3A_2, %dma_wait3A_752, %dma_wait3A_753] : memref<2560x2x125xi32, #tpu.memory_space<hbm>> -> memref<1x2x125xi32, #tpu.memory_space<hbm>>
      %dma_wait3A_755 = tpu.memref_squeeze %dma_wait3A_754 : memref<1x2x125xi32, #tpu.memory_space<hbm>> -> memref<2x125xi32, #tpu.memory_space<hbm>>
      %dma_wait3A_756 = arith.constant 0 : i32
      %dma_wait3A_757 = arith.constant 0 : i32
      %dma_wait3A_758 = tpu.memref_slice %arg6[%dma_wait3A_747, %dma_wait3A_756, %dma_wait3A_757] : memref<4x2x125xi32, #tpu.memory_space<vmem>> -> memref<1x2x125xi32, #tpu.memory_space<vmem>>
      %dma_wait3A_759 = tpu.memref_squeeze %dma_wait3A_758 : memref<1x2x125xi32, #tpu.memory_space<vmem>> -> memref<2x125xi32, #tpu.memory_space<vmem>>
      %dma_wait3A_760 = arith.constant 0 : i32
      %dma_wait3A_761 = arith.constant 0 : i32
      %dma_wait3A_762 = tpu.memref_slice %arg3[%mul3A_2, %dma_wait3A_760, %dma_wait3A_761] : memref<2560x2x125xi32, #tpu.memory_space<hbm>> -> memref<1x2x125xi32, #tpu.memory_space<hbm>>
      %dma_wait3A_763 = tpu.memref_squeeze %dma_wait3A_762 : memref<1x2x125xi32, #tpu.memory_space<hbm>> -> memref<2x125xi32, #tpu.memory_space<hbm>>
      tpu.wait_dma2 semaphore(%arg16 : memref<!tpu.dma_semaphore, #tpu.memory_space<semaphore_mem>>) src(%dma_wait3A_763 : memref<2x125xi32, #tpu.memory_space<hbm>>) dst(%dma_wait3A_759 : memref<2x125xi32, #tpu.memory_space<vmem>>)
      %dma_start3A_764 = arith.constant 2 : i32
      %dma_start3A_765 = arith.constant 0 : i32
      %dma_start3A_766 = arith.constant 0 : i32
      %dma_start3A_767 = tpu.memref_slice %arg6[%dma_start3A_764, %dma_start3A_765, %dma_start3A_766] : memref<4x2x125xi32, #tpu.memory_space<vmem>> -> memref<1x1x125xi32, #tpu.memory_space<vmem>>
      %dma_start3A_768 = tpu.memref_squeeze %dma_start3A_767 : memref<1x1x125xi32, #tpu.memory_space<vmem>> -> memref<125xi32, #tpu.memory_space<vmem>>
      %dma_start3A_769 = arith.constant 0 : i32
      %dma_start3A_770 = arith.constant 0 : i32
      %dma_start3A_771 = tpu.memref_slice %arg2[%dma_start3A_769, %dma_start3A_770] : memref<10240x128xf32, #tpu.memory_space<hbm>> -> memref<10240x128xf32, #tpu.memory_space<hbm>>
      tpu.enqueue_indirect_dma source(%dma_start3A_771 : memref<10240x128xf32, #tpu.memory_space<hbm>>) target(%arg7 : memref<125x128xf32, #tpu.memory_space<vmem>>) offsets(%dma_start3A_768 : memref<125xi32, #tpu.memory_space<vmem>>) semaphore(%arg10 : memref<!tpu.dma_semaphore, #tpu.memory_space<semaphore_mem>>)
      %dma_wait3A_772 = arith.constant 0 : i32
      %dma_wait3A_773 = arith.constant 0 : i32
      %dma_wait3A_774 = arith.constant 0 : i32
      %dma_wait3A_775 = tpu.memref_slice %arg6[%dma_wait3A_772, %dma_wait3A_773, %dma_wait3A_774] : memref<4x2x125xi32, #tpu.memory_space<vmem>> -> memref<1x1x125xi32, #tpu.memory_space<vmem>>
      %dma_wait3A_776 = tpu.memref_squeeze %dma_wait3A_775 : memref<1x1x125xi32, #tpu.memory_space<vmem>> -> memref<125xi32, #tpu.memory_space<vmem>>
      %dma_wait3A_777 = arith.constant 0 : i32
      %dma_wait3A_778 = arith.constant 0 : i32
      %dma_wait3A_779 = tpu.memref_slice %arg2[%dma_wait3A_777, %dma_wait3A_778] : memref<10240x128xf32, #tpu.memory_space<hbm>> -> memref<10240x128xf32, #tpu.memory_space<hbm>>
      tpu.wait_indirect_dma semaphore(%arg11 : memref<!tpu.dma_semaphore, #tpu.memory_space<semaphore_mem>>) src(%dma_wait3A_779 : memref<10240x128xf32, #tpu.memory_space<hbm>>) dst(%arg8 : memref<125x128xf32, #tpu.memory_space<vmem>>)
      %dma_start3A_780 = arith.constant 1 : i32
      %dma_start3A_781 = arith.constant 1 : i32
      %dma_start3A_782 = arith.constant 0 : i32
      %dma_start3A_783 = tpu.memref_slice %arg6[%dma_start3A_780, %dma_start3A_781, %dma_start3A_782] : memref<4x2x125xi32, #tpu.memory_space<vmem>> -> memref<1x1x125xi32, #tpu.memory_space<vmem>>
      %dma_start3A_784 = tpu.memref_squeeze %dma_start3A_783 : memref<1x1x125xi32, #tpu.memory_space<vmem>> -> memref<125xi32, #tpu.memory_space<vmem>>
      %dma_start3A_785 = arith.constant 0 : i32
      %dma_start3A_786 = arith.constant 0 : i32
      %dma_start3A_787 = tpu.memref_slice %arg9[%dma_start3A_785, %dma_start3A_786] : memref<10240x128xf32, #tpu.memory_space<vmem_shared>> -> memref<10240x128xf32, #tpu.memory_space<vmem_shared>>
      tpu.enqueue_indirect_dma source(%arg8 : memref<125x128xf32, #tpu.memory_space<vmem>>) target(%dma_start3A_787 : memref<10240x128xf32, #tpu.memory_space<vmem_shared>>) offsets(%dma_start3A_784 : memref<125xi32, #tpu.memory_space<vmem>>) semaphore(%arg13 : memref<!tpu.dma_semaphore, #tpu.memory_space<semaphore_mem>>) {add = true}
      %dma_wait3A_788 = arith.constant 0 : i32
      %dma_wait3A_789 = arith.constant 1 : i32
      %dma_wait3A_790 = arith.constant 0 : i32
      %dma_wait3A_791 = tpu.memref_slice %arg6[%dma_wait3A_788, %dma_wait3A_789, %dma_wait3A_790] : memref<4x2x125xi32, #tpu.memory_space<vmem>> -> memref<1x1x125xi32, #tpu.memory_space<vmem>>
      %dma_wait3A_792 = tpu.memref_squeeze %dma_wait3A_791 : memref<1x1x125xi32, #tpu.memory_space<vmem>> -> memref<125xi32, #tpu.memory_space<vmem>>
      %dma_wait3A_793 = arith.constant 0 : i32
      %dma_wait3A_794 = arith.constant 0 : i32
      %dma_wait3A_795 = tpu.memref_slice %arg9[%dma_wait3A_793, %dma_wait3A_794] : memref<10240x128xf32, #tpu.memory_space<vmem_shared>> -> memref<10240x128xf32, #tpu.memory_space<vmem_shared>>
      tpu.wait_indirect_dma semaphore(%arg13 : memref<!tpu.dma_semaphore, #tpu.memory_space<semaphore_mem>>) src(%arg8 : memref<125x128xf32, #tpu.memory_space<vmem>>) dst(%dma_wait3A_795 : memref<10240x128xf32, #tpu.memory_space<vmem_shared>>)
      %dma_wait3A_796 = arith.constant 3 : i32
      %dma_wait3A_797 = arith.constant 0 : i32
      %dma_wait3A_798 = arith.constant 0 : i32
      %dma_wait3A_799 = tpu.memref_slice %arg6[%dma_wait3A_796, %dma_wait3A_797, %dma_wait3A_798] : memref<4x2x125xi32, #tpu.memory_space<vmem>> -> memref<1x2x125xi32, #tpu.memory_space<vmem>>
      %dma_wait3A_800 = tpu.memref_squeeze %dma_wait3A_799 : memref<1x2x125xi32, #tpu.memory_space<vmem>> -> memref<2x125xi32, #tpu.memory_space<vmem>>
      %dma_wait3A_801 = arith.constant 0 : i32
      %dma_wait3A_802 = arith.constant 0 : i32
      %dma_wait3A_803 = tpu.memref_slice %arg3[%mul3A_2, %dma_wait3A_801, %dma_wait3A_802] : memref<2560x2x125xi32, #tpu.memory_space<hbm>> -> memref<1x2x125xi32, #tpu.memory_space<hbm>>
      %dma_wait3A_804 = tpu.memref_squeeze %dma_wait3A_803 : memref<1x2x125xi32, #tpu.memory_space<hbm>> -> memref<2x125xi32, #tpu.memory_space<hbm>>
      %dma_wait3A_805 = arith.constant 0 : i32
      %dma_wait3A_806 = arith.constant 0 : i32
      %dma_wait3A_807 = tpu.memref_slice %arg6[%dma_wait3A_796, %dma_wait3A_805, %dma_wait3A_806] : memref<4x2x125xi32, #tpu.memory_space<vmem>> -> memref<1x2x125xi32, #tpu.memory_space<vmem>>
      %dma_wait3A_808 = tpu.memref_squeeze %dma_wait3A_807 : memref<1x2x125xi32, #tpu.memory_space<vmem>> -> memref<2x125xi32, #tpu.memory_space<vmem>>
      %dma_wait3A_809 = arith.constant 0 : i32
      %dma_wait3A_810 = arith.constant 0 : i32
      %dma_wait3A_811 = tpu.memref_slice %arg3[%mul3A_2, %dma_wait3A_809, %dma_wait3A_810] : memref<2560x2x125xi32, #tpu.memory_space<hbm>> -> memref<1x2x125xi32, #tpu.memory_space<hbm>>
      %dma_wait3A_812 = tpu.memref_squeeze %dma_wait3A_811 : memref<1x2x125xi32, #tpu.memory_space<hbm>> -> memref<2x125xi32, #tpu.memory_space<hbm>>
      tpu.wait_dma2 semaphore(%arg17 : memref<!tpu.dma_semaphore, #tpu.memory_space<semaphore_mem>>) src(%dma_wait3A_812 : memref<2x125xi32, #tpu.memory_space<hbm>>) dst(%dma_wait3A_808 : memref<2x125xi32, #tpu.memory_space<vmem>>)
      %dma_start3A_813 = arith.constant 3 : i32
      %dma_start3A_814 = arith.constant 0 : i32
      %dma_start3A_815 = arith.constant 0 : i32
      %dma_start3A_816 = tpu.memref_slice %arg6[%dma_start3A_813, %dma_start3A_814, %dma_start3A_815] : memref<4x2x125xi32, #tpu.memory_space<vmem>> -> memref<1x1x125xi32, #tpu.memory_space<vmem>>
      %dma_start3A_817 = tpu.memref_squeeze %dma_start3A_816 : memref<1x1x125xi32, #tpu.memory_space<vmem>> -> memref<125xi32, #tpu.memory_space<vmem>>
      %dma_start3A_818 = arith.constant 0 : i32
      %dma_start3A_819 = arith.constant 0 : i32
      %dma_start3A_820 = tpu.memref_slice %arg2[%dma_start3A_818, %dma_start3A_819] : memref<10240x128xf32, #tpu.memory_space<hbm>> -> memref<10240x128xf32, #tpu.memory_space<hbm>>
      tpu.enqueue_indirect_dma source(%dma_start3A_820 : memref<10240x128xf32, #tpu.memory_space<hbm>>) target(%arg8 : memref<125x128xf32, #tpu.memory_space<vmem>>) offsets(%dma_start3A_817 : memref<125xi32, #tpu.memory_space<vmem>>) semaphore(%arg11 : memref<!tpu.dma_semaphore, #tpu.memory_space<semaphore_mem>>)
      %mul3A_821 = arith.constant 4 : i32
      %mul3A_822 = arith.muli %mul3A_821, %scan3A_676 : i32
      %add3A_823 = arith.constant 2 : i32
      %add3A_824 = arith.addi %mul3A_822, %add3A_823 : i32
      %add3A_825 = arith.constant 2 : i32
      %add3A_826 = arith.addi %add3A_824, %add3A_825 : i32
      %rem3A_827 = arith.constant 80 : i32
      %rem3A_828 = arith.remsi %add3A_826, %rem3A_827 : i32
      %add3A_829 = arith.addi %mul3A_2, %rem3A_828 : i32
      %dma_start3A_830 = arith.constant 0 : i32
      %dma_start3A_831 = arith.constant 0 : i32
      %dma_start3A_832 = arith.constant 0 : i32
      %dma_start3A_833 = tpu.memref_slice %arg6[%dma_start3A_830, %dma_start3A_831, %dma_start3A_832] : memref<4x2x125xi32, #tpu.memory_space<vmem>> -> memref<1x2x125xi32, #tpu.memory_space<vmem>>
      %dma_start3A_834 = tpu.memref_squeeze %dma_start3A_833 : memref<1x2x125xi32, #tpu.memory_space<vmem>> -> memref<2x125xi32, #tpu.memory_space<vmem>>
      %dma_start3A_835 = arith.constant 0 : i32
      %dma_start3A_836 = arith.constant 0 : i32
      %dma_start3A_837 = tpu.memref_slice %arg3[%add3A_829, %dma_start3A_835, %dma_start3A_836] : memref<2560x2x125xi32, #tpu.memory_space<hbm>> -> memref<1x2x125xi32, #tpu.memory_space<hbm>>
      %dma_start3A_838 = tpu.memref_squeeze %dma_start3A_837 : memref<1x2x125xi32, #tpu.memory_space<hbm>> -> memref<2x125xi32, #tpu.memory_space<hbm>>
      %dma_start3A_839 = arith.constant 0 : i32
      %dma_start3A_840 = arith.constant 0 : i32
      %dma_start3A_841 = tpu.memref_slice %arg6[%dma_start3A_830, %dma_start3A_839, %dma_start3A_840] : memref<4x2x125xi32, #tpu.memory_space<vmem>> -> memref<1x2x125xi32, #tpu.memory_space<vmem>>
      %dma_start3A_842 = tpu.memref_squeeze %dma_start3A_841 : memref<1x2x125xi32, #tpu.memory_space<vmem>> -> memref<2x125xi32, #tpu.memory_space<vmem>>
      %dma_start3A_843 = arith.constant 0 : i32
      %dma_start3A_844 = arith.constant 0 : i32
      %dma_start3A_845 = tpu.memref_slice %arg3[%add3A_829, %dma_start3A_843, %dma_start3A_844] : memref<2560x2x125xi32, #tpu.memory_space<hbm>> -> memref<1x2x125xi32, #tpu.memory_space<hbm>>
      %dma_start3A_846 = tpu.memref_squeeze %dma_start3A_845 : memref<1x2x125xi32, #tpu.memory_space<hbm>> -> memref<2x125xi32, #tpu.memory_space<hbm>>
      tpu.enqueue_dma source(%dma_start3A_846 : memref<2x125xi32, #tpu.memory_space<hbm>>) target(%dma_start3A_842 : memref<2x125xi32, #tpu.memory_space<vmem>>) target_semaphore(%arg14 : memref<!tpu.dma_semaphore, #tpu.memory_space<semaphore_mem>>)
      %add3A_847 = arith.constant 3 : i32
      %add3A_848 = arith.addi %add3A_824, %add3A_847 : i32
      %rem3A_849 = arith.constant 80 : i32
      %rem3A_850 = arith.remsi %add3A_848, %rem3A_849 : i32
      %add3A_851 = arith.addi %mul3A_2, %rem3A_850 : i32
      %dma_start3A_852 = arith.constant 1 : i32
      %dma_start3A_853 = arith.constant 0 : i32
      %dma_start3A_854 = arith.constant 0 : i32
      %dma_start3A_855 = tpu.memref_slice %arg6[%dma_start3A_852, %dma_start3A_853, %dma_start3A_854] : memref<4x2x125xi32, #tpu.memory_space<vmem>> -> memref<1x2x125xi32, #tpu.memory_space<vmem>>
      %dma_start3A_856 = tpu.memref_squeeze %dma_start3A_855 : memref<1x2x125xi32, #tpu.memory_space<vmem>> -> memref<2x125xi32, #tpu.memory_space<vmem>>
      %dma_start3A_857 = arith.constant 0 : i32
      %dma_start3A_858 = arith.constant 0 : i32
      %dma_start3A_859 = tpu.memref_slice %arg3[%add3A_851, %dma_start3A_857, %dma_start3A_858] : memref<2560x2x125xi32, #tpu.memory_space<hbm>> -> memref<1x2x125xi32, #tpu.memory_space<hbm>>
      %dma_start3A_860 = tpu.memref_squeeze %dma_start3A_859 : memref<1x2x125xi32, #tpu.memory_space<hbm>> -> memref<2x125xi32, #tpu.memory_space<hbm>>
      %dma_start3A_861 = arith.constant 0 : i32
      %dma_start3A_862 = arith.constant 0 : i32
      %dma_start3A_863 = tpu.memref_slice %arg6[%dma_start3A_852, %dma_start3A_861, %dma_start3A_862] : memref<4x2x125xi32, #tpu.memory_space<vmem>> -> memref<1x2x125xi32, #tpu.memory_space<vmem>>
      %dma_start3A_864 = tpu.memref_squeeze %dma_start3A_863 : memref<1x2x125xi32, #tpu.memory_space<vmem>> -> memref<2x125xi32, #tpu.memory_space<vmem>>
      %dma_start3A_865 = arith.constant 0 : i32
      %dma_start3A_866 = arith.constant 0 : i32
      %dma_start3A_867 = tpu.memref_slice %arg3[%add3A_851, %dma_start3A_865, %dma_start3A_866] : memref<2560x2x125xi32, #tpu.memory_space<hbm>> -> memref<1x2x125xi32, #tpu.memory_space<hbm>>
      %dma_start3A_868 = tpu.memref_squeeze %dma_start3A_867 : memref<1x2x125xi32, #tpu.memory_space<hbm>> -> memref<2x125xi32, #tpu.memory_space<hbm>>
      tpu.enqueue_dma source(%dma_start3A_868 : memref<2x125xi32, #tpu.memory_space<hbm>>) target(%dma_start3A_864 : memref<2x125xi32, #tpu.memory_space<vmem>>) target_semaphore(%arg15 : memref<!tpu.dma_semaphore, #tpu.memory_space<semaphore_mem>>)
      %dma_wait3A_869 = arith.constant 0 : i32
      %dma_wait3A_870 = arith.constant 0 : i32
      %dma_wait3A_871 = arith.constant 0 : i32
      %dma_wait3A_872 = tpu.memref_slice %arg6[%dma_wait3A_869, %dma_wait3A_870, %dma_wait3A_871] : memref<4x2x125xi32, #tpu.memory_space<vmem>> -> memref<1x1x125xi32, #tpu.memory_space<vmem>>
      %dma_wait3A_873 = tpu.memref_squeeze %dma_wait3A_872 : memref<1x1x125xi32, #tpu.memory_space<vmem>> -> memref<125xi32, #tpu.memory_space<vmem>>
      %dma_wait3A_874 = arith.constant 0 : i32
      %dma_wait3A_875 = arith.constant 0 : i32
      %dma_wait3A_876 = tpu.memref_slice %arg2[%dma_wait3A_874, %dma_wait3A_875] : memref<10240x128xf32, #tpu.memory_space<hbm>> -> memref<10240x128xf32, #tpu.memory_space<hbm>>
      tpu.wait_indirect_dma semaphore(%arg10 : memref<!tpu.dma_semaphore, #tpu.memory_space<semaphore_mem>>) src(%dma_wait3A_876 : memref<10240x128xf32, #tpu.memory_space<hbm>>) dst(%arg7 : memref<125x128xf32, #tpu.memory_space<vmem>>)
      %dma_start3A_877 = arith.constant 2 : i32
      %dma_start3A_878 = arith.constant 1 : i32
      %dma_start3A_879 = arith.constant 0 : i32
      %dma_start3A_880 = tpu.memref_slice %arg6[%dma_start3A_877, %dma_start3A_878, %dma_start3A_879] : memref<4x2x125xi32, #tpu.memory_space<vmem>> -> memref<1x1x125xi32, #tpu.memory_space<vmem>>
      %dma_start3A_881 = tpu.memref_squeeze %dma_start3A_880 : memref<1x1x125xi32, #tpu.memory_space<vmem>> -> memref<125xi32, #tpu.memory_space<vmem>>
      %dma_start3A_882 = arith.constant 0 : i32
      %dma_start3A_883 = arith.constant 0 : i32
      %dma_start3A_884 = tpu.memref_slice %arg9[%dma_start3A_882, %dma_start3A_883] : memref<10240x128xf32, #tpu.memory_space<vmem_shared>> -> memref<10240x128xf32, #tpu.memory_space<vmem_shared>>
      tpu.enqueue_indirect_dma source(%arg7 : memref<125x128xf32, #tpu.memory_space<vmem>>) target(%dma_start3A_884 : memref<10240x128xf32, #tpu.memory_space<vmem_shared>>) offsets(%dma_start3A_881 : memref<125xi32, #tpu.memory_space<vmem>>) semaphore(%arg12 : memref<!tpu.dma_semaphore, #tpu.memory_space<semaphore_mem>>) {add = true}
      %dma_wait3A_885 = arith.constant 0 : i32
      %dma_wait3A_886 = arith.constant 1 : i32
      %dma_wait3A_887 = arith.constant 0 : i32
      %dma_wait3A_888 = tpu.memref_slice %arg6[%dma_wait3A_885, %dma_wait3A_886, %dma_wait3A_887] : memref<4x2x125xi32, #tpu.memory_space<vmem>> -> memref<1x1x125xi32, #tpu.memory_space<vmem>>
      %dma_wait3A_889 = tpu.memref_squeeze %dma_wait3A_888 : memref<1x1x125xi32, #tpu.memory_space<vmem>> -> memref<125xi32, #tpu.memory_space<vmem>>
      %dma_wait3A_890 = arith.constant 0 : i32
      %dma_wait3A_891 = arith.constant 0 : i32
      %dma_wait3A_892 = tpu.memref_slice %arg9[%dma_wait3A_890, %dma_wait3A_891] : memref<10240x128xf32, #tpu.memory_space<vmem_shared>> -> memref<10240x128xf32, #tpu.memory_space<vmem_shared>>
      tpu.wait_indirect_dma semaphore(%arg12 : memref<!tpu.dma_semaphore, #tpu.memory_space<semaphore_mem>>) src(%arg7 : memref<125x128xf32, #tpu.memory_space<vmem>>) dst(%dma_wait3A_892 : memref<10240x128xf32, #tpu.memory_space<vmem_shared>>)
      %dma_wait3A_893 = arith.constant 0 : i32
      %dma_wait3A_894 = arith.constant 0 : i32
      %dma_wait3A_895 = arith.constant 0 : i32
      %dma_wait3A_896 = tpu.memref_slice %arg6[%dma_wait3A_893, %dma_wait3A_894, %dma_wait3A_895] : memref<4x2x125xi32, #tpu.memory_space<vmem>> -> memref<1x2x125xi32, #tpu.memory_space<vmem>>
      %dma_wait3A_897 = tpu.memref_squeeze %dma_wait3A_896 : memref<1x2x125xi32, #tpu.memory_space<vmem>> -> memref<2x125xi32, #tpu.memory_space<vmem>>
      %dma_wait3A_898 = arith.constant 0 : i32
      %dma_wait3A_899 = arith.constant 0 : i32
      %dma_wait3A_900 = tpu.memref_slice %arg3[%mul3A_2, %dma_wait3A_898, %dma_wait3A_899] : memref<2560x2x125xi32, #tpu.memory_space<hbm>> -> memref<1x2x125xi32, #tpu.memory_space<hbm>>
      %dma_wait3A_901 = tpu.memref_squeeze %dma_wait3A_900 : memref<1x2x125xi32, #tpu.memory_space<hbm>> -> memref<2x125xi32, #tpu.memory_space<hbm>>
      %dma_wait3A_902 = arith.constant 0 : i32
      %dma_wait3A_903 = arith.constant 0 : i32
      %dma_wait3A_904 = tpu.memref_slice %arg6[%dma_wait3A_893, %dma_wait3A_902, %dma_wait3A_903] : memref<4x2x125xi32, #tpu.memory_space<vmem>> -> memref<1x2x125xi32, #tpu.memory_space<vmem>>
      %dma_wait3A_905 = tpu.memref_squeeze %dma_wait3A_904 : memref<1x2x125xi32, #tpu.memory_space<vmem>> -> memref<2x125xi32, #tpu.memory_space<vmem>>
      %dma_wait3A_906 = arith.constant 0 : i32
      %dma_wait3A_907 = arith.constant 0 : i32
      %dma_wait3A_908 = tpu.memref_slice %arg3[%mul3A_2, %dma_wait3A_906, %dma_wait3A_907] : memref<2560x2x125xi32, #tpu.memory_space<hbm>> -> memref<1x2x125xi32, #tpu.memory_space<hbm>>
      %dma_wait3A_909 = tpu.memref_squeeze %dma_wait3A_908 : memref<1x2x125xi32, #tpu.memory_space<hbm>> -> memref<2x125xi32, #tpu.memory_space<hbm>>
      tpu.wait_dma2 semaphore(%arg14 : memref<!tpu.dma_semaphore, #tpu.memory_space<semaphore_mem>>) src(%dma_wait3A_909 : memref<2x125xi32, #tpu.memory_space<hbm>>) dst(%dma_wait3A_905 : memref<2x125xi32, #tpu.memory_space<vmem>>)
      %dma_start3A_910 = arith.constant 0 : i32
      %dma_start3A_911 = arith.constant 0 : i32
      %dma_start3A_912 = arith.constant 0 : i32
      %dma_start3A_913 = tpu.memref_slice %arg6[%dma_start3A_910, %dma_start3A_911, %dma_start3A_912] : memref<4x2x125xi32, #tpu.memory_space<vmem>> -> memref<1x1x125xi32, #tpu.memory_space<vmem>>
      %dma_start3A_914 = tpu.memref_squeeze %dma_start3A_913 : memref<1x1x125xi32, #tpu.memory_space<vmem>> -> memref<125xi32, #tpu.memory_space<vmem>>
      %dma_start3A_915 = arith.constant 0 : i32
      %dma_start3A_916 = arith.constant 0 : i32
      %dma_start3A_917 = tpu.memref_slice %arg2[%dma_start3A_915, %dma_start3A_916] : memref<10240x128xf32, #tpu.memory_space<hbm>> -> memref<10240x128xf32, #tpu.memory_space<hbm>>
      tpu.enqueue_indirect_dma source(%dma_start3A_917 : memref<10240x128xf32, #tpu.memory_space<hbm>>) target(%arg7 : memref<125x128xf32, #tpu.memory_space<vmem>>) offsets(%dma_start3A_914 : memref<125xi32, #tpu.memory_space<vmem>>) semaphore(%arg10 : memref<!tpu.dma_semaphore, #tpu.memory_space<semaphore_mem>>)
      %dma_wait3A_918 = arith.constant 0 : i32
      %dma_wait3A_919 = arith.constant 0 : i32
      %dma_wait3A_920 = arith.constant 0 : i32
      %dma_wait3A_921 = tpu.memref_slice %arg6[%dma_wait3A_918, %dma_wait3A_919, %dma_wait3A_920] : memref<4x2x125xi32, #tpu.memory_space<vmem>> -> memref<1x1x125xi32, #tpu.memory_space<vmem>>
      %dma_wait3A_922 = tpu.memref_squeeze %dma_wait3A_921 : memref<1x1x125xi32, #tpu.memory_space<vmem>> -> memref<125xi32, #tpu.memory_space<vmem>>
      %dma_wait3A_923 = arith.constant 0 : i32
      %dma_wait3A_924 = arith.constant 0 : i32
      %dma_wait3A_925 = tpu.memref_slice %arg2[%dma_wait3A_923, %dma_wait3A_924] : memref<10240x128xf32, #tpu.memory_space<hbm>> -> memref<10240x128xf32, #tpu.memory_space<hbm>>
      tpu.wait_indirect_dma semaphore(%arg11 : memref<!tpu.dma_semaphore, #tpu.memory_space<semaphore_mem>>) src(%dma_wait3A_925 : memref<10240x128xf32, #tpu.memory_space<hbm>>) dst(%arg8 : memref<125x128xf32, #tpu.memory_space<vmem>>)
      %dma_start3A_926 = arith.constant 3 : i32
      %dma_start3A_927 = arith.constant 1 : i32
      %dma_start3A_928 = arith.constant 0 : i32
      %dma_start3A_929 = tpu.memref_slice %arg6[%dma_start3A_926, %dma_start3A_927, %dma_start3A_928] : memref<4x2x125xi32, #tpu.memory_space<vmem>> -> memref<1x1x125xi32, #tpu.memory_space<vmem>>
      %dma_start3A_930 = tpu.memref_squeeze %dma_start3A_929 : memref<1x1x125xi32, #tpu.memory_space<vmem>> -> memref<125xi32, #tpu.memory_space<vmem>>
      %dma_start3A_931 = arith.constant 0 : i32
      %dma_start3A_932 = arith.constant 0 : i32
      %dma_start3A_933 = tpu.memref_slice %arg9[%dma_start3A_931, %dma_start3A_932] : memref<10240x128xf32, #tpu.memory_space<vmem_shared>> -> memref<10240x128xf32, #tpu.memory_space<vmem_shared>>
      tpu.enqueue_indirect_dma source(%arg8 : memref<125x128xf32, #tpu.memory_space<vmem>>) target(%dma_start3A_933 : memref<10240x128xf32, #tpu.memory_space<vmem_shared>>) offsets(%dma_start3A_930 : memref<125xi32, #tpu.memory_space<vmem>>) semaphore(%arg13 : memref<!tpu.dma_semaphore, #tpu.memory_space<semaphore_mem>>) {add = true}
      %dma_wait3A_934 = arith.constant 0 : i32
      %dma_wait3A_935 = arith.constant 1 : i32
      %dma_wait3A_936 = arith.constant 0 : i32
      %dma_wait3A_937 = tpu.memref_slice %arg6[%dma_wait3A_934, %dma_wait3A_935, %dma_wait3A_936] : memref<4x2x125xi32, #tpu.memory_space<vmem>> -> memref<1x1x125xi32, #tpu.memory_space<vmem>>
      %dma_wait3A_938 = tpu.memref_squeeze %dma_wait3A_937 : memref<1x1x125xi32, #tpu.memory_space<vmem>> -> memref<125xi32, #tpu.memory_space<vmem>>
      %dma_wait3A_939 = arith.constant 0 : i32
      %dma_wait3A_940 = arith.constant 0 : i32
      %dma_wait3A_941 = tpu.memref_slice %arg9[%dma_wait3A_939, %dma_wait3A_940] : memref<10240x128xf32, #tpu.memory_space<vmem_shared>> -> memref<10240x128xf32, #tpu.memory_space<vmem_shared>>
      tpu.wait_indirect_dma semaphore(%arg13 : memref<!tpu.dma_semaphore, #tpu.memory_space<semaphore_mem>>) src(%arg8 : memref<125x128xf32, #tpu.memory_space<vmem>>) dst(%dma_wait3A_941 : memref<10240x128xf32, #tpu.memory_space<vmem_shared>>)
      %dma_wait3A_942 = arith.constant 1 : i32
      %dma_wait3A_943 = arith.constant 0 : i32
      %dma_wait3A_944 = arith.constant 0 : i32
      %dma_wait3A_945 = tpu.memref_slice %arg6[%dma_wait3A_942, %dma_wait3A_943, %dma_wait3A_944] : memref<4x2x125xi32, #tpu.memory_space<vmem>> -> memref<1x2x125xi32, #tpu.memory_space<vmem>>
      %dma_wait3A_946 = tpu.memref_squeeze %dma_wait3A_945 : memref<1x2x125xi32, #tpu.memory_space<vmem>> -> memref<2x125xi32, #tpu.memory_space<vmem>>
      %dma_wait3A_947 = arith.constant 0 : i32
      %dma_wait3A_948 = arith.constant 0 : i32
      %dma_wait3A_949 = tpu.memref_slice %arg3[%mul3A_2, %dma_wait3A_947, %dma_wait3A_948] : memref<2560x2x125xi32, #tpu.memory_space<hbm>> -> memref<1x2x125xi32, #tpu.memory_space<hbm>>
      %dma_wait3A_950 = tpu.memref_squeeze %dma_wait3A_949 : memref<1x2x125xi32, #tpu.memory_space<hbm>> -> memref<2x125xi32, #tpu.memory_space<hbm>>
      %dma_wait3A_951 = arith.constant 0 : i32
      %dma_wait3A_952 = arith.constant 0 : i32
      %dma_wait3A_953 = tpu.memref_slice %arg6[%dma_wait3A_942, %dma_wait3A_951, %dma_wait3A_952] : memref<4x2x125xi32, #tpu.memory_space<vmem>> -> memref<1x2x125xi32, #tpu.memory_space<vmem>>
      %dma_wait3A_954 = tpu.memref_squeeze %dma_wait3A_953 : memref<1x2x125xi32, #tpu.memory_space<vmem>> -> memref<2x125xi32, #tpu.memory_space<vmem>>
      %dma_wait3A_955 = arith.constant 0 : i32
      %dma_wait3A_956 = arith.constant 0 : i32
      %dma_wait3A_957 = tpu.memref_slice %arg3[%mul3A_2, %dma_wait3A_955, %dma_wait3A_956] : memref<2560x2x125xi32, #tpu.memory_space<hbm>> -> memref<1x2x125xi32, #tpu.memory_space<hbm>>
      %dma_wait3A_958 = tpu.memref_squeeze %dma_wait3A_957 : memref<1x2x125xi32, #tpu.memory_space<hbm>> -> memref<2x125xi32, #tpu.memory_space<hbm>>
      tpu.wait_dma2 semaphore(%arg15 : memref<!tpu.dma_semaphore, #tpu.memory_space<semaphore_mem>>) src(%dma_wait3A_958 : memref<2x125xi32, #tpu.memory_space<hbm>>) dst(%dma_wait3A_954 : memref<2x125xi32, #tpu.memory_space<vmem>>)
      %dma_start3A_959 = arith.constant 1 : i32
      %dma_start3A_960 = arith.constant 0 : i32
      %dma_start3A_961 = arith.constant 0 : i32
      %dma_start3A_962 = tpu.memref_slice %arg6[%dma_start3A_959, %dma_start3A_960, %dma_start3A_961] : memref<4x2x125xi32, #tpu.memory_space<vmem>> -> memref<1x1x125xi32, #tpu.memory_space<vmem>>
      %dma_start3A_963 = tpu.memref_squeeze %dma_start3A_962 : memref<1x1x125xi32, #tpu.memory_space<vmem>> -> memref<125xi32, #tpu.memory_space<vmem>>
      %dma_start3A_964 = arith.constant 0 : i32
      %dma_start3A_965 = arith.constant 0 : i32
      %dma_start3A_966 = tpu.memref_slice %arg2[%dma_start3A_964, %dma_start3A_965] : memref<10240x128xf32, #tpu.memory_space<hbm>> -> memref<10240x128xf32, #tpu.memory_space<hbm>>
      tpu.enqueue_indirect_dma source(%dma_start3A_966 : memref<10240x128xf32, #tpu.memory_space<hbm>>) target(%arg8 : memref<125x128xf32, #tpu.memory_space<vmem>>) offsets(%dma_start3A_963 : memref<125xi32, #tpu.memory_space<vmem>>) semaphore(%arg11 : memref<!tpu.dma_semaphore, #tpu.memory_space<semaphore_mem>>)
    }
    %scan3A_274 = arith.constant 20 : i32
    %dma_wait3A_275 = arith.constant 0 : i32
    %dma_wait3A_276 = arith.constant 0 : i32
    %dma_wait3A_277 = arith.constant 0 : i32
    %dma_wait3A_278 = tpu.memref_slice %arg6[%dma_wait3A_275, %dma_wait3A_276, %dma_wait3A_277] : memref<4x2x125xi32, #tpu.memory_space<vmem>> -> memref<1x1x125xi32, #tpu.memory_space<vmem>>
    %dma_wait3A_279 = tpu.memref_squeeze %dma_wait3A_278 : memref<1x1x125xi32, #tpu.memory_space<vmem>> -> memref<125xi32, #tpu.memory_space<vmem>>
    %dma_wait3A_280 = arith.constant 0 : i32
    %dma_wait3A_281 = arith.constant 0 : i32
    %dma_wait3A_282 = tpu.memref_slice %arg2[%dma_wait3A_280, %dma_wait3A_281] : memref<10240x128xf32, #tpu.memory_space<hbm>> -> memref<10240x128xf32, #tpu.memory_space<hbm>>
    tpu.wait_indirect_dma semaphore(%arg10 : memref<!tpu.dma_semaphore, #tpu.memory_space<semaphore_mem>>) src(%dma_wait3A_282 : memref<10240x128xf32, #tpu.memory_space<hbm>>) dst(%arg7 : memref<125x128xf32, #tpu.memory_space<vmem>>)
    %dma_wait3A_283 = arith.constant 0 : i32
    %dma_wait3A_284 = arith.constant 0 : i32
    %dma_wait3A_285 = arith.constant 0 : i32
    %dma_wait3A_286 = tpu.memref_slice %arg6[%dma_wait3A_283, %dma_wait3A_284, %dma_wait3A_285] : memref<4x2x125xi32, #tpu.memory_space<vmem>> -> memref<1x1x125xi32, #tpu.memory_space<vmem>>
    %dma_wait3A_287 = tpu.memref_squeeze %dma_wait3A_286 : memref<1x1x125xi32, #tpu.memory_space<vmem>> -> memref<125xi32, #tpu.memory_space<vmem>>
    %dma_wait3A_288 = arith.constant 0 : i32
    %dma_wait3A_289 = arith.constant 0 : i32
    %dma_wait3A_290 = tpu.memref_slice %arg2[%dma_wait3A_288, %dma_wait3A_289] : memref<10240x128xf32, #tpu.memory_space<hbm>> -> memref<10240x128xf32, #tpu.memory_space<hbm>>
    tpu.wait_indirect_dma semaphore(%arg11 : memref<!tpu.dma_semaphore, #tpu.memory_space<semaphore_mem>>) src(%dma_wait3A_290 : memref<10240x128xf32, #tpu.memory_space<hbm>>) dst(%arg8 : memref<125x128xf32, #tpu.memory_space<vmem>>)
    %barrier3A_291 = arith.constant 0 : index
    tpu.barrier barrier_id(%barrier3A_291)
    %add3A_292 = arith.constant 0 : i32
    %add3A_293 = arith.addi %mul3A_4, %add3A_292 : i32
    %dma_start3A_294 = arith.constant 0 : i32
    %dma_start3A_295 = arith.constant 0 : i32
    %dma_start3A_296 = tpu.memref_slice %arg7[%dma_start3A_294, %dma_start3A_295] : memref<125x128xf32, #tpu.memory_space<vmem>> -> memref<80x128xf32, #tpu.memory_space<vmem>>
    %dma_start3A_297 = arith.constant 0 : i32
    %dma_start3A_298 = tpu.memref_slice %arg9[%add3A_293, %dma_start3A_297] : memref<10240x128xf32, #tpu.memory_space<vmem_shared>> -> memref<80x128xf32, #tpu.memory_space<vmem_shared>>
    %dma_start3A_299 = arith.constant 0 : i32
    %dma_start3A_300 = arith.constant 0 : i32
    %dma_start3A_301 = tpu.memref_slice %arg7[%dma_start3A_299, %dma_start3A_300] : memref<125x128xf32, #tpu.memory_space<vmem>> -> memref<80x128xf32, #tpu.memory_space<vmem>>
    %dma_start3A_302 = arith.constant 0 : i32
    %dma_start3A_303 = tpu.memref_slice %arg9[%add3A_293, %dma_start3A_302] : memref<10240x128xf32, #tpu.memory_space<vmem_shared>> -> memref<80x128xf32, #tpu.memory_space<vmem_shared>>
    tpu.enqueue_dma source(%dma_start3A_303 : memref<80x128xf32, #tpu.memory_space<vmem_shared>>) target(%dma_start3A_301 : memref<80x128xf32, #tpu.memory_space<vmem>>) target_semaphore(%arg10 : memref<!tpu.dma_semaphore, #tpu.memory_space<semaphore_mem>>)
    %add3A_304 = arith.constant 80 : i32
    %add3A_305 = arith.addi %mul3A_4, %add3A_304 : i32
    %dma_start3A_306 = arith.constant 0 : i32
    %dma_start3A_307 = arith.constant 0 : i32
    %dma_start3A_308 = tpu.memref_slice %arg8[%dma_start3A_306, %dma_start3A_307] : memref<125x128xf32, #tpu.memory_space<vmem>> -> memref<80x128xf32, #tpu.memory_space<vmem>>
    %dma_start3A_309 = arith.constant 0 : i32
    %dma_start3A_310 = tpu.memref_slice %arg9[%add3A_305, %dma_start3A_309] : memref<10240x128xf32, #tpu.memory_space<vmem_shared>> -> memref<80x128xf32, #tpu.memory_space<vmem_shared>>
    %dma_start3A_311 = arith.constant 0 : i32
    %dma_start3A_312 = arith.constant 0 : i32
    %dma_start3A_313 = tpu.memref_slice %arg8[%dma_start3A_311, %dma_start3A_312] : memref<125x128xf32, #tpu.memory_space<vmem>> -> memref<80x128xf32, #tpu.memory_space<vmem>>
    %dma_start3A_314 = arith.constant 0 : i32
    %dma_start3A_315 = tpu.memref_slice %arg9[%add3A_305, %dma_start3A_314] : memref<10240x128xf32, #tpu.memory_space<vmem_shared>> -> memref<80x128xf32, #tpu.memory_space<vmem_shared>>
    tpu.enqueue_dma source(%dma_start3A_315 : memref<80x128xf32, #tpu.memory_space<vmem_shared>>) target(%dma_start3A_313 : memref<80x128xf32, #tpu.memory_space<vmem>>) target_semaphore(%arg11 : memref<!tpu.dma_semaphore, #tpu.memory_space<semaphore_mem>>)
    %dma_wait3A_316 = arith.constant 0 : i32
    %dma_wait3A_317 = arith.constant 0 : i32
    %dma_wait3A_318 = tpu.memref_slice %arg7[%dma_wait3A_316, %dma_wait3A_317] : memref<125x128xf32, #tpu.memory_space<vmem>> -> memref<80x128xf32, #tpu.memory_space<vmem>>
    %dma_wait3A_319 = arith.constant 0 : i32
    %dma_wait3A_320 = tpu.memref_slice %arg9[%mul3A_4, %dma_wait3A_319] : memref<10240x128xf32, #tpu.memory_space<vmem_shared>> -> memref<80x128xf32, #tpu.memory_space<vmem_shared>>
    %dma_wait3A_321 = arith.constant 0 : i32
    %dma_wait3A_322 = arith.constant 0 : i32
    %dma_wait3A_323 = tpu.memref_slice %arg7[%dma_wait3A_321, %dma_wait3A_322] : memref<125x128xf32, #tpu.memory_space<vmem>> -> memref<80x128xf32, #tpu.memory_space<vmem>>
    %dma_wait3A_324 = arith.constant 0 : i32
    %dma_wait3A_325 = tpu.memref_slice %arg9[%mul3A_4, %dma_wait3A_324] : memref<10240x128xf32, #tpu.memory_space<vmem_shared>> -> memref<80x128xf32, #tpu.memory_space<vmem_shared>>
    tpu.wait_dma2 semaphore(%arg10 : memref<!tpu.dma_semaphore, #tpu.memory_space<semaphore_mem>>) src(%dma_wait3A_325 : memref<80x128xf32, #tpu.memory_space<vmem_shared>>) dst(%dma_wait3A_323 : memref<80x128xf32, #tpu.memory_space<vmem>>)
    %add3A_326 = arith.constant 0 : i32
    %add3A_327 = arith.addi %mul3A_4, %add3A_326 : i32
    %dma_start3A_328 = arith.constant 0 : i32
    %dma_start3A_329 = arith.constant 0 : i32
    %dma_start3A_330 = tpu.memref_slice %arg7[%dma_start3A_328, %dma_start3A_329] : memref<125x128xf32, #tpu.memory_space<vmem>> -> memref<80x128xf32, #tpu.memory_space<vmem>>
    %dma_start3A_331 = arith.constant 0 : i32
    %dma_start3A_332 = tpu.memref_slice %arg5[%arg0, %add3A_327, %dma_start3A_331] : memref<2x10240x128xf32, #tpu.memory_space<hbm>> -> memref<1x80x128xf32, #tpu.memory_space<hbm>>
    %dma_start3A_333 = tpu.memref_squeeze %dma_start3A_332 : memref<1x80x128xf32, #tpu.memory_space<hbm>> -> memref<80x128xf32, #tpu.memory_space<hbm>>
    %dma_start3A_334 = arith.constant 0 : i32
    %dma_start3A_335 = tpu.memref_slice %arg5[%arg0, %add3A_327, %dma_start3A_334] : memref<2x10240x128xf32, #tpu.memory_space<hbm>> -> memref<1x80x128xf32, #tpu.memory_space<hbm>>
    %dma_start3A_336 = tpu.memref_squeeze %dma_start3A_335 : memref<1x80x128xf32, #tpu.memory_space<hbm>> -> memref<80x128xf32, #tpu.memory_space<hbm>>
    %dma_start3A_337 = arith.constant 0 : i32
    %dma_start3A_338 = arith.constant 0 : i32
    %dma_start3A_339 = tpu.memref_slice %arg7[%dma_start3A_337, %dma_start3A_338] : memref<125x128xf32, #tpu.memory_space<vmem>> -> memref<80x128xf32, #tpu.memory_space<vmem>>
    tpu.enqueue_dma source(%dma_start3A_339 : memref<80x128xf32, #tpu.memory_space<vmem>>) target(%dma_start3A_336 : memref<80x128xf32, #tpu.memory_space<hbm>>) target_semaphore(%arg12 : memref<!tpu.dma_semaphore, #tpu.memory_space<semaphore_mem>>)
    %dma_wait3A_340 = arith.constant 0 : i32
    %dma_wait3A_341 = arith.constant 0 : i32
    %dma_wait3A_342 = tpu.memref_slice %arg7[%dma_wait3A_340, %dma_wait3A_341] : memref<125x128xf32, #tpu.memory_space<vmem>> -> memref<80x128xf32, #tpu.memory_space<vmem>>
    %dma_wait3A_343 = arith.constant 0 : i32
    %dma_wait3A_344 = tpu.memref_slice %arg5[%arg0, %mul3A_4, %dma_wait3A_343] : memref<2x10240x128xf32, #tpu.memory_space<hbm>> -> memref<1x80x128xf32, #tpu.memory_space<hbm>>
    %dma_wait3A_345 = tpu.memref_squeeze %dma_wait3A_344 : memref<1x80x128xf32, #tpu.memory_space<hbm>> -> memref<80x128xf32, #tpu.memory_space<hbm>>
    %dma_wait3A_346 = arith.constant 0 : i32
    %dma_wait3A_347 = tpu.memref_slice %arg5[%arg0, %mul3A_4, %dma_wait3A_346] : memref<2x10240x128xf32, #tpu.memory_space<hbm>> -> memref<1x80x128xf32, #tpu.memory_space<hbm>>
    %dma_wait3A_348 = tpu.memref_squeeze %dma_wait3A_347 : memref<1x80x128xf32, #tpu.memory_space<hbm>> -> memref<80x128xf32, #tpu.memory_space<hbm>>
    %dma_wait3A_349 = arith.constant 0 : i32
    %dma_wait3A_350 = arith.constant 0 : i32
    %dma_wait3A_351 = tpu.memref_slice %arg7[%dma_wait3A_349, %dma_wait3A_350] : memref<125x128xf32, #tpu.memory_space<vmem>> -> memref<80x128xf32, #tpu.memory_space<vmem>>
    tpu.wait_dma2 semaphore(%arg12 : memref<!tpu.dma_semaphore, #tpu.memory_space<semaphore_mem>>) src(%dma_wait3A_351 : memref<80x128xf32, #tpu.memory_space<vmem>>) dst(%dma_wait3A_348 : memref<80x128xf32, #tpu.memory_space<hbm>>)
    %add3A_352 = arith.constant 160 : i32
    %add3A_353 = arith.addi %mul3A_4, %add3A_352 : i32
    %dma_start3A_354 = arith.constant 0 : i32
    %dma_start3A_355 = arith.constant 0 : i32
    %dma_start3A_356 = tpu.memref_slice %arg7[%dma_start3A_354, %dma_start3A_355] : memref<125x128xf32, #tpu.memory_space<vmem>> -> memref<80x128xf32, #tpu.memory_space<vmem>>
    %dma_start3A_357 = arith.constant 0 : i32
    %dma_start3A_358 = tpu.memref_slice %arg9[%add3A_353, %dma_start3A_357] : memref<10240x128xf32, #tpu.memory_space<vmem_shared>> -> memref<80x128xf32, #tpu.memory_space<vmem_shared>>
    %dma_start3A_359 = arith.constant 0 : i32
    %dma_start3A_360 = arith.constant 0 : i32
    %dma_start3A_361 = tpu.memref_slice %arg7[%dma_start3A_359, %dma_start3A_360] : memref<125x128xf32, #tpu.memory_space<vmem>> -> memref<80x128xf32, #tpu.memory_space<vmem>>
    %dma_start3A_362 = arith.constant 0 : i32
    %dma_start3A_363 = tpu.memref_slice %arg9[%add3A_353, %dma_start3A_362] : memref<10240x128xf32, #tpu.memory_space<vmem_shared>> -> memref<80x128xf32, #tpu.memory_space<vmem_shared>>
    tpu.enqueue_dma source(%dma_start3A_363 : memref<80x128xf32, #tpu.memory_space<vmem_shared>>) target(%dma_start3A_361 : memref<80x128xf32, #tpu.memory_space<vmem>>) target_semaphore(%arg10 : memref<!tpu.dma_semaphore, #tpu.memory_space<semaphore_mem>>)
    %dma_wait3A_364 = arith.constant 0 : i32
    %dma_wait3A_365 = arith.constant 0 : i32
    %dma_wait3A_366 = tpu.memref_slice %arg8[%dma_wait3A_364, %dma_wait3A_365] : memref<125x128xf32, #tpu.memory_space<vmem>> -> memref<80x128xf32, #tpu.memory_space<vmem>>
    %dma_wait3A_367 = arith.constant 0 : i32
    %dma_wait3A_368 = tpu.memref_slice %arg9[%mul3A_4, %dma_wait3A_367] : memref<10240x128xf32, #tpu.memory_space<vmem_shared>> -> memref<80x128xf32, #tpu.memory_space<vmem_shared>>
    %dma_wait3A_369 = arith.constant 0 : i32
    %dma_wait3A_370 = arith.constant 0 : i32
    %dma_wait3A_371 = tpu.memref_slice %arg8[%dma_wait3A_369, %dma_wait3A_370] : memref<125x128xf32, #tpu.memory_space<vmem>> -> memref<80x128xf32, #tpu.memory_space<vmem>>
    %dma_wait3A_372 = arith.constant 0 : i32
    %dma_wait3A_373 = tpu.memref_slice %arg9[%mul3A_4, %dma_wait3A_372] : memref<10240x128xf32, #tpu.memory_space<vmem_shared>> -> memref<80x128xf32, #tpu.memory_space<vmem_shared>>
    tpu.wait_dma2 semaphore(%arg11 : memref<!tpu.dma_semaphore, #tpu.memory_space<semaphore_mem>>) src(%dma_wait3A_373 : memref<80x128xf32, #tpu.memory_space<vmem_shared>>) dst(%dma_wait3A_371 : memref<80x128xf32, #tpu.memory_space<vmem>>)
    %add3A_374 = arith.constant 80 : i32
    %add3A_375 = arith.addi %mul3A_4, %add3A_374 : i32
    %dma_start3A_376 = arith.constant 0 : i32
    %dma_start3A_377 = arith.constant 0 : i32
    %dma_start3A_378 = tpu.memref_slice %arg8[%dma_start3A_376, %dma_start3A_377] : memref<125x128xf32, #tpu.memory_space<vmem>> -> memref<80x128xf32, #tpu.memory_space<vmem>>
    %dma_start3A_379 = arith.constant 0 : i32
    %dma_start3A_380 = tpu.memref_slice %arg5[%arg0, %add3A_375, %dma_start3A_379] : memref<2x10240x128xf32, #tpu.memory_space<hbm>> -> memref<1x80x128xf32, #tpu.memory_space<hbm>>
    %dma_start3A_381 = tpu.memref_squeeze %dma_start3A_380 : memref<1x80x128xf32, #tpu.memory_space<hbm>> -> memref<80x128xf32, #tpu.memory_space<hbm>>
    %dma_start3A_382 = arith.constant 0 : i32
    %dma_start3A_383 = tpu.memref_slice %arg5[%arg0, %add3A_375, %dma_start3A_382] : memref<2x10240x128xf32, #tpu.memory_space<hbm>> -> memref<1x80x128xf32, #tpu.memory_space<hbm>>
    %dma_start3A_384 = tpu.memref_squeeze %dma_start3A_383 : memref<1x80x128xf32, #tpu.memory_space<hbm>> -> memref<80x128xf32, #tpu.memory_space<hbm>>
    %dma_start3A_385 = arith.constant 0 : i32
    %dma_start3A_386 = arith.constant 0 : i32
    %dma_start3A_387 = tpu.memref_slice %arg8[%dma_start3A_385, %dma_start3A_386] : memref<125x128xf32, #tpu.memory_space<vmem>> -> memref<80x128xf32, #tpu.memory_space<vmem>>
    tpu.enqueue_dma source(%dma_start3A_387 : memref<80x128xf32, #tpu.memory_space<vmem>>) target(%dma_start3A_384 : memref<80x128xf32, #tpu.memory_space<hbm>>) target_semaphore(%arg13 : memref<!tpu.dma_semaphore, #tpu.memory_space<semaphore_mem>>)
    %dma_wait3A_388 = arith.constant 0 : i32
    %dma_wait3A_389 = arith.constant 0 : i32
    %dma_wait3A_390 = tpu.memref_slice %arg8[%dma_wait3A_388, %dma_wait3A_389] : memref<125x128xf32, #tpu.memory_space<vmem>> -> memref<80x128xf32, #tpu.memory_space<vmem>>
    %dma_wait3A_391 = arith.constant 0 : i32
    %dma_wait3A_392 = tpu.memref_slice %arg5[%arg0, %mul3A_4, %dma_wait3A_391] : memref<2x10240x128xf32, #tpu.memory_space<hbm>> -> memref<1x80x128xf32, #tpu.memory_space<hbm>>
    %dma_wait3A_393 = tpu.memref_squeeze %dma_wait3A_392 : memref<1x80x128xf32, #tpu.memory_space<hbm>> -> memref<80x128xf32, #tpu.memory_space<hbm>>
    %dma_wait3A_394 = arith.constant 0 : i32
    %dma_wait3A_395 = tpu.memref_slice %arg5[%arg0, %mul3A_4, %dma_wait3A_394] : memref<2x10240x128xf32, #tpu.memory_space<hbm>> -> memref<1x80x128xf32, #tpu.memory_space<hbm>>
    %dma_wait3A_396 = tpu.memref_squeeze %dma_wait3A_395 : memref<1x80x128xf32, #tpu.memory_space<hbm>> -> memref<80x128xf32, #tpu.memory_space<hbm>>
    %dma_wait3A_397 = arith.constant 0 : i32
    %dma_wait3A_398 = arith.constant 0 : i32
    %dma_wait3A_399 = tpu.memref_slice %arg8[%dma_wait3A_397, %dma_wait3A_398] : memref<125x128xf32, #tpu.memory_space<vmem>> -> memref<80x128xf32, #tpu.memory_space<vmem>>
    tpu.wait_dma2 semaphore(%arg13 : memref<!tpu.dma_semaphore, #tpu.memory_space<semaphore_mem>>) src(%dma_wait3A_399 : memref<80x128xf32, #tpu.memory_space<vmem>>) dst(%dma_wait3A_396 : memref<80x128xf32, #tpu.memory_space<hbm>>)
    %add3A_400 = arith.constant 240 : i32
    %add3A_401 = arith.addi %mul3A_4, %add3A_400 : i32
    %dma_start3A_402 = arith.constant 0 : i32
    %dma_start3A_403 = arith.constant 0 : i32
    %dma_start3A_404 = tpu.memref_slice %arg8[%dma_start3A_402, %dma_start3A_403] : memref<125x128xf32, #tpu.memory_space<vmem>> -> memref<80x128xf32, #tpu.memory_space<vmem>>
    %dma_start3A_405 = arith.constant 0 : i32
    %dma_start3A_406 = tpu.memref_slice %arg9[%add3A_401, %dma_start3A_405] : memref<10240x128xf32, #tpu.memory_space<vmem_shared>> -> memref<80x128xf32, #tpu.memory_space<vmem_shared>>
    %dma_start3A_407 = arith.constant 0 : i32
    %dma_start3A_408 = arith.constant 0 : i32
    %dma_start3A_409 = tpu.memref_slice %arg8[%dma_start3A_407, %dma_start3A_408] : memref<125x128xf32, #tpu.memory_space<vmem>> -> memref<80x128xf32, #tpu.memory_space<vmem>>
    %dma_start3A_410 = arith.constant 0 : i32
    %dma_start3A_411 = tpu.memref_slice %arg9[%add3A_401, %dma_start3A_410] : memref<10240x128xf32, #tpu.memory_space<vmem_shared>> -> memref<80x128xf32, #tpu.memory_space<vmem_shared>>
    tpu.enqueue_dma source(%dma_start3A_411 : memref<80x128xf32, #tpu.memory_space<vmem_shared>>) target(%dma_start3A_409 : memref<80x128xf32, #tpu.memory_space<vmem>>) target_semaphore(%arg11 : memref<!tpu.dma_semaphore, #tpu.memory_space<semaphore_mem>>)
    %dma_wait3A_412 = arith.constant 0 : i32
    %dma_wait3A_413 = arith.constant 0 : i32
    %dma_wait3A_414 = tpu.memref_slice %arg7[%dma_wait3A_412, %dma_wait3A_413] : memref<125x128xf32, #tpu.memory_space<vmem>> -> memref<80x128xf32, #tpu.memory_space<vmem>>
    %dma_wait3A_415 = arith.constant 0 : i32
    %dma_wait3A_416 = tpu.memref_slice %arg9[%mul3A_4, %dma_wait3A_415] : memref<10240x128xf32, #tpu.memory_space<vmem_shared>> -> memref<80x128xf32, #tpu.memory_space<vmem_shared>>
    %dma_wait3A_417 = arith.constant 0 : i32
    %dma_wait3A_418 = arith.constant 0 : i32
    %dma_wait3A_419 = tpu.memref_slice %arg7[%dma_wait3A_417, %dma_wait3A_418] : memref<125x128xf32, #tpu.memory_space<vmem>> -> memref<80x128xf32, #tpu.memory_space<vmem>>
    %dma_wait3A_420 = arith.constant 0 : i32
    %dma_wait3A_421 = tpu.memref_slice %arg9[%mul3A_4, %dma_wait3A_420] : memref<10240x128xf32, #tpu.memory_space<vmem_shared>> -> memref<80x128xf32, #tpu.memory_space<vmem_shared>>
    tpu.wait_dma2 semaphore(%arg10 : memref<!tpu.dma_semaphore, #tpu.memory_space<semaphore_mem>>) src(%dma_wait3A_421 : memref<80x128xf32, #tpu.memory_space<vmem_shared>>) dst(%dma_wait3A_419 : memref<80x128xf32, #tpu.memory_space<vmem>>)
    %add3A_422 = arith.constant 160 : i32
    %add3A_423 = arith.addi %mul3A_4, %add3A_422 : i32
    %dma_start3A_424 = arith.constant 0 : i32
    %dma_start3A_425 = arith.constant 0 : i32
    %dma_start3A_426 = tpu.memref_slice %arg7[%dma_start3A_424, %dma_start3A_425] : memref<125x128xf32, #tpu.memory_space<vmem>> -> memref<80x128xf32, #tpu.memory_space<vmem>>
    %dma_start3A_427 = arith.constant 0 : i32
    %dma_start3A_428 = tpu.memref_slice %arg5[%arg0, %add3A_423, %dma_start3A_427] : memref<2x10240x128xf32, #tpu.memory_space<hbm>> -> memref<1x80x128xf32, #tpu.memory_space<hbm>>
    %dma_start3A_429 = tpu.memref_squeeze %dma_start3A_428 : memref<1x80x128xf32, #tpu.memory_space<hbm>> -> memref<80x128xf32, #tpu.memory_space<hbm>>
    %dma_start3A_430 = arith.constant 0 : i32
    %dma_start3A_431 = tpu.memref_slice %arg5[%arg0, %add3A_423, %dma_start3A_430] : memref<2x10240x128xf32, #tpu.memory_space<hbm>> -> memref<1x80x128xf32, #tpu.memory_space<hbm>>
    %dma_start3A_432 = tpu.memref_squeeze %dma_start3A_431 : memref<1x80x128xf32, #tpu.memory_space<hbm>> -> memref<80x128xf32, #tpu.memory_space<hbm>>
    %dma_start3A_433 = arith.constant 0 : i32
    %dma_start3A_434 = arith.constant 0 : i32
    %dma_start3A_435 = tpu.memref_slice %arg7[%dma_start3A_433, %dma_start3A_434] : memref<125x128xf32, #tpu.memory_space<vmem>> -> memref<80x128xf32, #tpu.memory_space<vmem>>
    tpu.enqueue_dma source(%dma_start3A_435 : memref<80x128xf32, #tpu.memory_space<vmem>>) target(%dma_start3A_432 : memref<80x128xf32, #tpu.memory_space<hbm>>) target_semaphore(%arg12 : memref<!tpu.dma_semaphore, #tpu.memory_space<semaphore_mem>>)
    %dma_wait3A_436 = arith.constant 0 : i32
    %dma_wait3A_437 = arith.constant 0 : i32
    %dma_wait3A_438 = tpu.memref_slice %arg7[%dma_wait3A_436, %dma_wait3A_437] : memref<125x128xf32, #tpu.memory_space<vmem>> -> memref<80x128xf32, #tpu.memory_space<vmem>>
    %dma_wait3A_439 = arith.constant 0 : i32
    %dma_wait3A_440 = tpu.memref_slice %arg5[%arg0, %mul3A_4, %dma_wait3A_439] : memref<2x10240x128xf32, #tpu.memory_space<hbm>> -> memref<1x80x128xf32, #tpu.memory_space<hbm>>
    %dma_wait3A_441 = tpu.memref_squeeze %dma_wait3A_440 : memref<1x80x128xf32, #tpu.memory_space<hbm>> -> memref<80x128xf32, #tpu.memory_space<hbm>>
    %dma_wait3A_442 = arith.constant 0 : i32
    %dma_wait3A_443 = tpu.memref_slice %arg5[%arg0, %mul3A_4, %dma_wait3A_442] : memref<2x10240x128xf32, #tpu.memory_space<hbm>> -> memref<1x80x128xf32, #tpu.memory_space<hbm>>
    %dma_wait3A_444 = tpu.memref_squeeze %dma_wait3A_443 : memref<1x80x128xf32, #tpu.memory_space<hbm>> -> memref<80x128xf32, #tpu.memory_space<hbm>>
    %dma_wait3A_445 = arith.constant 0 : i32
    %dma_wait3A_446 = arith.constant 0 : i32
    %dma_wait3A_447 = tpu.memref_slice %arg7[%dma_wait3A_445, %dma_wait3A_446] : memref<125x128xf32, #tpu.memory_space<vmem>> -> memref<80x128xf32, #tpu.memory_space<vmem>>
    tpu.wait_dma2 semaphore(%arg12 : memref<!tpu.dma_semaphore, #tpu.memory_space<semaphore_mem>>) src(%dma_wait3A_447 : memref<80x128xf32, #tpu.memory_space<vmem>>) dst(%dma_wait3A_444 : memref<80x128xf32, #tpu.memory_space<hbm>>)
    %add3A_448 = arith.constant 320 : i32
    %add3A_449 = arith.addi %mul3A_4, %add3A_448 : i32
    %dma_start3A_450 = arith.constant 0 : i32
    %dma_start3A_451 = arith.constant 0 : i32
    %dma_start3A_452 = tpu.memref_slice %arg7[%dma_start3A_450, %dma_start3A_451] : memref<125x128xf32, #tpu.memory_space<vmem>> -> memref<80x128xf32, #tpu.memory_space<vmem>>
    %dma_start3A_453 = arith.constant 0 : i32
    %dma_start3A_454 = tpu.memref_slice %arg9[%add3A_449, %dma_start3A_453] : memref<10240x128xf32, #tpu.memory_space<vmem_shared>> -> memref<80x128xf32, #tpu.memory_space<vmem_shared>>
    %dma_start3A_455 = arith.constant 0 : i32
    %dma_start3A_456 = arith.constant 0 : i32
    %dma_start3A_457 = tpu.memref_slice %arg7[%dma_start3A_455, %dma_start3A_456] : memref<125x128xf32, #tpu.memory_space<vmem>> -> memref<80x128xf32, #tpu.memory_space<vmem>>
    %dma_start3A_458 = arith.constant 0 : i32
    %dma_start3A_459 = tpu.memref_slice %arg9[%add3A_449, %dma_start3A_458] : memref<10240x128xf32, #tpu.memory_space<vmem_shared>> -> memref<80x128xf32, #tpu.memory_space<vmem_shared>>
    tpu.enqueue_dma source(%dma_start3A_459 : memref<80x128xf32, #tpu.memory_space<vmem_shared>>) target(%dma_start3A_457 : memref<80x128xf32, #tpu.memory_space<vmem>>) target_semaphore(%arg10 : memref<!tpu.dma_semaphore, #tpu.memory_space<semaphore_mem>>)
    %dma_wait3A_460 = arith.constant 0 : i32
    %dma_wait3A_461 = arith.constant 0 : i32
    %dma_wait3A_462 = tpu.memref_slice %arg8[%dma_wait3A_460, %dma_wait3A_461] : memref<125x128xf32, #tpu.memory_space<vmem>> -> memref<80x128xf32, #tpu.memory_space<vmem>>
    %dma_wait3A_463 = arith.constant 0 : i32
    %dma_wait3A_464 = tpu.memref_slice %arg9[%mul3A_4, %dma_wait3A_463] : memref<10240x128xf32, #tpu.memory_space<vmem_shared>> -> memref<80x128xf32, #tpu.memory_space<vmem_shared>>
    %dma_wait3A_465 = arith.constant 0 : i32
    %dma_wait3A_466 = arith.constant 0 : i32
    %dma_wait3A_467 = tpu.memref_slice %arg8[%dma_wait3A_465, %dma_wait3A_466] : memref<125x128xf32, #tpu.memory_space<vmem>> -> memref<80x128xf32, #tpu.memory_space<vmem>>
    %dma_wait3A_468 = arith.constant 0 : i32
    %dma_wait3A_469 = tpu.memref_slice %arg9[%mul3A_4, %dma_wait3A_468] : memref<10240x128xf32, #tpu.memory_space<vmem_shared>> -> memref<80x128xf32, #tpu.memory_space<vmem_shared>>
    tpu.wait_dma2 semaphore(%arg11 : memref<!tpu.dma_semaphore, #tpu.memory_space<semaphore_mem>>) src(%dma_wait3A_469 : memref<80x128xf32, #tpu.memory_space<vmem_shared>>) dst(%dma_wait3A_467 : memref<80x128xf32, #tpu.memory_space<vmem>>)
    %add3A_470 = arith.constant 240 : i32
    %add3A_471 = arith.addi %mul3A_4, %add3A_470 : i32
    %dma_start3A_472 = arith.constant 0 : i32
    %dma_start3A_473 = arith.constant 0 : i32
    %dma_start3A_474 = tpu.memref_slice %arg8[%dma_start3A_472, %dma_start3A_473] : memref<125x128xf32, #tpu.memory_space<vmem>> -> memref<80x128xf32, #tpu.memory_space<vmem>>
    %dma_start3A_475 = arith.constant 0 : i32
    %dma_start3A_476 = tpu.memref_slice %arg5[%arg0, %add3A_471, %dma_start3A_475] : memref<2x10240x128xf32, #tpu.memory_space<hbm>> -> memref<1x80x128xf32, #tpu.memory_space<hbm>>
    %dma_start3A_477 = tpu.memref_squeeze %dma_start3A_476 : memref<1x80x128xf32, #tpu.memory_space<hbm>> -> memref<80x128xf32, #tpu.memory_space<hbm>>
    %dma_start3A_478 = arith.constant 0 : i32
    %dma_start3A_479 = tpu.memref_slice %arg5[%arg0, %add3A_471, %dma_start3A_478] : memref<2x10240x128xf32, #tpu.memory_space<hbm>> -> memref<1x80x128xf32, #tpu.memory_space<hbm>>
    %dma_start3A_480 = tpu.memref_squeeze %dma_start3A_479 : memref<1x80x128xf32, #tpu.memory_space<hbm>> -> memref<80x128xf32, #tpu.memory_space<hbm>>
    %dma_start3A_481 = arith.constant 0 : i32
    %dma_start3A_482 = arith.constant 0 : i32
    %dma_start3A_483 = tpu.memref_slice %arg8[%dma_start3A_481, %dma_start3A_482] : memref<125x128xf32, #tpu.memory_space<vmem>> -> memref<80x128xf32, #tpu.memory_space<vmem>>
    tpu.enqueue_dma source(%dma_start3A_483 : memref<80x128xf32, #tpu.memory_space<vmem>>) target(%dma_start3A_480 : memref<80x128xf32, #tpu.memory_space<hbm>>) target_semaphore(%arg13 : memref<!tpu.dma_semaphore, #tpu.memory_space<semaphore_mem>>)
    %dma_wait3A_484 = arith.constant 0 : i32
    %dma_wait3A_485 = arith.constant 0 : i32
    %dma_wait3A_486 = tpu.memref_slice %arg8[%dma_wait3A_484, %dma_wait3A_485] : memref<125x128xf32, #tpu.memory_space<vmem>> -> memref<80x128xf32, #tpu.memory_space<vmem>>
    %dma_wait3A_487 = arith.constant 0 : i32
    %dma_wait3A_488 = tpu.memref_slice %arg5[%arg0, %mul3A_4, %dma_wait3A_487] : memref<2x10240x128xf32, #tpu.memory_space<hbm>> -> memref<1x80x128xf32, #tpu.memory_space<hbm>>
    %dma_wait3A_489 = tpu.memref_squeeze %dma_wait3A_488 : memref<1x80x128xf32, #tpu.memory_space<hbm>> -> memref<80x128xf32, #tpu.memory_space<hbm>>
    %dma_wait3A_490 = arith.constant 0 : i32
    %dma_wait3A_491 = tpu.memref_slice %arg5[%arg0, %mul3A_4, %dma_wait3A_490] : memref<2x10240x128xf32, #tpu.memory_space<hbm>> -> memref<1x80x128xf32, #tpu.memory_space<hbm>>
    %dma_wait3A_492 = tpu.memref_squeeze %dma_wait3A_491 : memref<1x80x128xf32, #tpu.memory_space<hbm>> -> memref<80x128xf32, #tpu.memory_space<hbm>>
    %dma_wait3A_493 = arith.constant 0 : i32
    %dma_wait3A_494 = arith.constant 0 : i32
    %dma_wait3A_495 = tpu.memref_slice %arg8[%dma_wait3A_493, %dma_wait3A_494] : memref<125x128xf32, #tpu.memory_space<vmem>> -> memref<80x128xf32, #tpu.memory_space<vmem>>
    tpu.wait_dma2 semaphore(%arg13 : memref<!tpu.dma_semaphore, #tpu.memory_space<semaphore_mem>>) src(%dma_wait3A_495 : memref<80x128xf32, #tpu.memory_space<vmem>>) dst(%dma_wait3A_492 : memref<80x128xf32, #tpu.memory_space<hbm>>)
    %add3A_496 = arith.constant 400 : i32
    %add3A_497 = arith.addi %mul3A_4, %add3A_496 : i32
    %dma_start3A_498 = arith.constant 0 : i32
    %dma_start3A_499 = arith.constant 0 : i32
    %dma_start3A_500 = tpu.memref_slice %arg8[%dma_start3A_498, %dma_start3A_499] : memref<125x128xf32, #tpu.memory_space<vmem>> -> memref<80x128xf32, #tpu.memory_space<vmem>>
    %dma_start3A_501 = arith.constant 0 : i32
    %dma_start3A_502 = tpu.memref_slice %arg9[%add3A_497, %dma_start3A_501] : memref<10240x128xf32, #tpu.memory_space<vmem_shared>> -> memref<80x128xf32, #tpu.memory_space<vmem_shared>>
    %dma_start3A_503 = arith.constant 0 : i32
    %dma_start3A_504 = arith.constant 0 : i32
    %dma_start3A_505 = tpu.memref_slice %arg8[%dma_start3A_503, %dma_start3A_504] : memref<125x128xf32, #tpu.memory_space<vmem>> -> memref<80x128xf32, #tpu.memory_space<vmem>>
    %dma_start3A_506 = arith.constant 0 : i32
    %dma_start3A_507 = tpu.memref_slice %arg9[%add3A_497, %dma_start3A_506] : memref<10240x128xf32, #tpu.memory_space<vmem_shared>> -> memref<80x128xf32, #tpu.memory_space<vmem_shared>>
    tpu.enqueue_dma source(%dma_start3A_507 : memref<80x128xf32, #tpu.memory_space<vmem_shared>>) target(%dma_start3A_505 : memref<80x128xf32, #tpu.memory_space<vmem>>) target_semaphore(%arg11 : memref<!tpu.dma_semaphore, #tpu.memory_space<semaphore_mem>>)
    %dma_wait3A_508 = arith.constant 0 : i32
    %dma_wait3A_509 = arith.constant 0 : i32
    %dma_wait3A_510 = tpu.memref_slice %arg7[%dma_wait3A_508, %dma_wait3A_509] : memref<125x128xf32, #tpu.memory_space<vmem>> -> memref<80x128xf32, #tpu.memory_space<vmem>>
    %dma_wait3A_511 = arith.constant 0 : i32
    %dma_wait3A_512 = tpu.memref_slice %arg9[%mul3A_4, %dma_wait3A_511] : memref<10240x128xf32, #tpu.memory_space<vmem_shared>> -> memref<80x128xf32, #tpu.memory_space<vmem_shared>>
    %dma_wait3A_513 = arith.constant 0 : i32
    %dma_wait3A_514 = arith.constant 0 : i32
    %dma_wait3A_515 = tpu.memref_slice %arg7[%dma_wait3A_513, %dma_wait3A_514] : memref<125x128xf32, #tpu.memory_space<vmem>> -> memref<80x128xf32, #tpu.memory_space<vmem>>
    %dma_wait3A_516 = arith.constant 0 : i32
    %dma_wait3A_517 = tpu.memref_slice %arg9[%mul3A_4, %dma_wait3A_516] : memref<10240x128xf32, #tpu.memory_space<vmem_shared>> -> memref<80x128xf32, #tpu.memory_space<vmem_shared>>
    tpu.wait_dma2 semaphore(%arg10 : memref<!tpu.dma_semaphore, #tpu.memory_space<semaphore_mem>>) src(%dma_wait3A_517 : memref<80x128xf32, #tpu.memory_space<vmem_shared>>) dst(%dma_wait3A_515 : memref<80x128xf32, #tpu.memory_space<vmem>>)
    %add3A_518 = arith.constant 320 : i32
    %add3A_519 = arith.addi %mul3A_4, %add3A_518 : i32
    %dma_start3A_520 = arith.constant 0 : i32
    %dma_start3A_521 = arith.constant 0 : i32
    %dma_start3A_522 = tpu.memref_slice %arg7[%dma_start3A_520, %dma_start3A_521] : memref<125x128xf32, #tpu.memory_space<vmem>> -> memref<80x128xf32, #tpu.memory_space<vmem>>
    %dma_start3A_523 = arith.constant 0 : i32
    %dma_start3A_524 = tpu.memref_slice %arg5[%arg0, %add3A_519, %dma_start3A_523] : memref<2x10240x128xf32, #tpu.memory_space<hbm>> -> memref<1x80x128xf32, #tpu.memory_space<hbm>>
    %dma_start3A_525 = tpu.memref_squeeze %dma_start3A_524 : memref<1x80x128xf32, #tpu.memory_space<hbm>> -> memref<80x128xf32, #tpu.memory_space<hbm>>
    %dma_start3A_526 = arith.constant 0 : i32
    %dma_start3A_527 = tpu.memref_slice %arg5[%arg0, %add3A_519, %dma_start3A_526] : memref<2x10240x128xf32, #tpu.memory_space<hbm>> -> memref<1x80x128xf32, #tpu.memory_space<hbm>>
    %dma_start3A_528 = tpu.memref_squeeze %dma_start3A_527 : memref<1x80x128xf32, #tpu.memory_space<hbm>> -> memref<80x128xf32, #tpu.memory_space<hbm>>
    %dma_start3A_529 = arith.constant 0 : i32
    %dma_start3A_530 = arith.constant 0 : i32
    %dma_start3A_531 = tpu.memref_slice %arg7[%dma_start3A_529, %dma_start3A_530] : memref<125x128xf32, #tpu.memory_space<vmem>> -> memref<80x128xf32, #tpu.memory_space<vmem>>
    tpu.enqueue_dma source(%dma_start3A_531 : memref<80x128xf32, #tpu.memory_space<vmem>>) target(%dma_start3A_528 : memref<80x128xf32, #tpu.memory_space<hbm>>) target_semaphore(%arg12 : memref<!tpu.dma_semaphore, #tpu.memory_space<semaphore_mem>>)
    %dma_wait3A_532 = arith.constant 0 : i32
    %dma_wait3A_533 = arith.constant 0 : i32
    %dma_wait3A_534 = tpu.memref_slice %arg7[%dma_wait3A_532, %dma_wait3A_533] : memref<125x128xf32, #tpu.memory_space<vmem>> -> memref<80x128xf32, #tpu.memory_space<vmem>>
    %dma_wait3A_535 = arith.constant 0 : i32
    %dma_wait3A_536 = tpu.memref_slice %arg5[%arg0, %mul3A_4, %dma_wait3A_535] : memref<2x10240x128xf32, #tpu.memory_space<hbm>> -> memref<1x80x128xf32, #tpu.memory_space<hbm>>
    %dma_wait3A_537 = tpu.memref_squeeze %dma_wait3A_536 : memref<1x80x128xf32, #tpu.memory_space<hbm>> -> memref<80x128xf32, #tpu.memory_space<hbm>>
    %dma_wait3A_538 = arith.constant 0 : i32
    %dma_wait3A_539 = tpu.memref_slice %arg5[%arg0, %mul3A_4, %dma_wait3A_538] : memref<2x10240x128xf32, #tpu.memory_space<hbm>> -> memref<1x80x128xf32, #tpu.memory_space<hbm>>
    %dma_wait3A_540 = tpu.memref_squeeze %dma_wait3A_539 : memref<1x80x128xf32, #tpu.memory_space<hbm>> -> memref<80x128xf32, #tpu.memory_space<hbm>>
    %dma_wait3A_541 = arith.constant 0 : i32
    %dma_wait3A_542 = arith.constant 0 : i32
    %dma_wait3A_543 = tpu.memref_slice %arg7[%dma_wait3A_541, %dma_wait3A_542] : memref<125x128xf32, #tpu.memory_space<vmem>> -> memref<80x128xf32, #tpu.memory_space<vmem>>
    tpu.wait_dma2 semaphore(%arg12 : memref<!tpu.dma_semaphore, #tpu.memory_space<semaphore_mem>>) src(%dma_wait3A_543 : memref<80x128xf32, #tpu.memory_space<vmem>>) dst(%dma_wait3A_540 : memref<80x128xf32, #tpu.memory_space<hbm>>)
    %add3A_544 = arith.constant 480 : i32
    %add3A_545 = arith.addi %mul3A_4, %add3A_544 : i32
    %dma_start3A_546 = arith.constant 0 : i32
    %dma_start3A_547 = arith.constant 0 : i32
    %dma_start3A_548 = tpu.memref_slice %arg7[%dma_start3A_546, %dma_start3A_547] : memref<125x128xf32, #tpu.memory_space<vmem>> -> memref<80x128xf32, #tpu.memory_space<vmem>>
    %dma_start3A_549 = arith.constant 0 : i32
    %dma_start3A_550 = tpu.memref_slice %arg9[%add3A_545, %dma_start3A_549] : memref<10240x128xf32, #tpu.memory_space<vmem_shared>> -> memref<80x128xf32, #tpu.memory_space<vmem_shared>>
    %dma_start3A_551 = arith.constant 0 : i32
    %dma_start3A_552 = arith.constant 0 : i32
    %dma_start3A_553 = tpu.memref_slice %arg7[%dma_start3A_551, %dma_start3A_552] : memref<125x128xf32, #tpu.memory_space<vmem>> -> memref<80x128xf32, #tpu.memory_space<vmem>>
    %dma_start3A_554 = arith.constant 0 : i32
    %dma_start3A_555 = tpu.memref_slice %arg9[%add3A_545, %dma_start3A_554] : memref<10240x128xf32, #tpu.memory_space<vmem_shared>> -> memref<80x128xf32, #tpu.memory_space<vmem_shared>>
    tpu.enqueue_dma source(%dma_start3A_555 : memref<80x128xf32, #tpu.memory_space<vmem_shared>>) target(%dma_start3A_553 : memref<80x128xf32, #tpu.memory_space<vmem>>) target_semaphore(%arg10 : memref<!tpu.dma_semaphore, #tpu.memory_space<semaphore_mem>>)
    %dma_wait3A_556 = arith.constant 0 : i32
    %dma_wait3A_557 = arith.constant 0 : i32
    %dma_wait3A_558 = tpu.memref_slice %arg8[%dma_wait3A_556, %dma_wait3A_557] : memref<125x128xf32, #tpu.memory_space<vmem>> -> memref<80x128xf32, #tpu.memory_space<vmem>>
    %dma_wait3A_559 = arith.constant 0 : i32
    %dma_wait3A_560 = tpu.memref_slice %arg9[%mul3A_4, %dma_wait3A_559] : memref<10240x128xf32, #tpu.memory_space<vmem_shared>> -> memref<80x128xf32, #tpu.memory_space<vmem_shared>>
    %dma_wait3A_561 = arith.constant 0 : i32
    %dma_wait3A_562 = arith.constant 0 : i32
    %dma_wait3A_563 = tpu.memref_slice %arg8[%dma_wait3A_561, %dma_wait3A_562] : memref<125x128xf32, #tpu.memory_space<vmem>> -> memref<80x128xf32, #tpu.memory_space<vmem>>
    %dma_wait3A_564 = arith.constant 0 : i32
    %dma_wait3A_565 = tpu.memref_slice %arg9[%mul3A_4, %dma_wait3A_564] : memref<10240x128xf32, #tpu.memory_space<vmem_shared>> -> memref<80x128xf32, #tpu.memory_space<vmem_shared>>
    tpu.wait_dma2 semaphore(%arg11 : memref<!tpu.dma_semaphore, #tpu.memory_space<semaphore_mem>>) src(%dma_wait3A_565 : memref<80x128xf32, #tpu.memory_space<vmem_shared>>) dst(%dma_wait3A_563 : memref<80x128xf32, #tpu.memory_space<vmem>>)
    %add3A_566 = arith.constant 400 : i32
    %add3A_567 = arith.addi %mul3A_4, %add3A_566 : i32
    %dma_start3A_568 = arith.constant 0 : i32
    %dma_start3A_569 = arith.constant 0 : i32
    %dma_start3A_570 = tpu.memref_slice %arg8[%dma_start3A_568, %dma_start3A_569] : memref<125x128xf32, #tpu.memory_space<vmem>> -> memref<80x128xf32, #tpu.memory_space<vmem>>
    %dma_start3A_571 = arith.constant 0 : i32
    %dma_start3A_572 = tpu.memref_slice %arg5[%arg0, %add3A_567, %dma_start3A_571] : memref<2x10240x128xf32, #tpu.memory_space<hbm>> -> memref<1x80x128xf32, #tpu.memory_space<hbm>>
    %dma_start3A_573 = tpu.memref_squeeze %dma_start3A_572 : memref<1x80x128xf32, #tpu.memory_space<hbm>> -> memref<80x128xf32, #tpu.memory_space<hbm>>
    %dma_start3A_574 = arith.constant 0 : i32
    %dma_start3A_575 = tpu.memref_slice %arg5[%arg0, %add3A_567, %dma_start3A_574] : memref<2x10240x128xf32, #tpu.memory_space<hbm>> -> memref<1x80x128xf32, #tpu.memory_space<hbm>>
    %dma_start3A_576 = tpu.memref_squeeze %dma_start3A_575 : memref<1x80x128xf32, #tpu.memory_space<hbm>> -> memref<80x128xf32, #tpu.memory_space<hbm>>
    %dma_start3A_577 = arith.constant 0 : i32
    %dma_start3A_578 = arith.constant 0 : i32
    %dma_start3A_579 = tpu.memref_slice %arg8[%dma_start3A_577, %dma_start3A_578] : memref<125x128xf32, #tpu.memory_space<vmem>> -> memref<80x128xf32, #tpu.memory_space<vmem>>
    tpu.enqueue_dma source(%dma_start3A_579 : memref<80x128xf32, #tpu.memory_space<vmem>>) target(%dma_start3A_576 : memref<80x128xf32, #tpu.memory_space<hbm>>) target_semaphore(%arg13 : memref<!tpu.dma_semaphore, #tpu.memory_space<semaphore_mem>>)
    %dma_wait3A_580 = arith.constant 0 : i32
    %dma_wait3A_581 = arith.constant 0 : i32
    %dma_wait3A_582 = tpu.memref_slice %arg8[%dma_wait3A_580, %dma_wait3A_581] : memref<125x128xf32, #tpu.memory_space<vmem>> -> memref<80x128xf32, #tpu.memory_space<vmem>>
    %dma_wait3A_583 = arith.constant 0 : i32
    %dma_wait3A_584 = tpu.memref_slice %arg5[%arg0, %mul3A_4, %dma_wait3A_583] : memref<2x10240x128xf32, #tpu.memory_space<hbm>> -> memref<1x80x128xf32, #tpu.memory_space<hbm>>
    %dma_wait3A_585 = tpu.memref_squeeze %dma_wait3A_584 : memref<1x80x128xf32, #tpu.memory_space<hbm>> -> memref<80x128xf32, #tpu.memory_space<hbm>>
    %dma_wait3A_586 = arith.constant 0 : i32
    %dma_wait3A_587 = tpu.memref_slice %arg5[%arg0, %mul3A_4, %dma_wait3A_586] : memref<2x10240x128xf32, #tpu.memory_space<hbm>> -> memref<1x80x128xf32, #tpu.memory_space<hbm>>
    %dma_wait3A_588 = tpu.memref_squeeze %dma_wait3A_587 : memref<1x80x128xf32, #tpu.memory_space<hbm>> -> memref<80x128xf32, #tpu.memory_space<hbm>>
    %dma_wait3A_589 = arith.constant 0 : i32
    %dma_wait3A_590 = arith.constant 0 : i32
    %dma_wait3A_591 = tpu.memref_slice %arg8[%dma_wait3A_589, %dma_wait3A_590] : memref<125x128xf32, #tpu.memory_space<vmem>> -> memref<80x128xf32, #tpu.memory_space<vmem>>
    tpu.wait_dma2 semaphore(%arg13 : memref<!tpu.dma_semaphore, #tpu.memory_space<semaphore_mem>>) src(%dma_wait3A_591 : memref<80x128xf32, #tpu.memory_space<vmem>>) dst(%dma_wait3A_588 : memref<80x128xf32, #tpu.memory_space<hbm>>)
    %add3A_592 = arith.constant 560 : i32
    %add3A_593 = arith.addi %mul3A_4, %add3A_592 : i32
    %dma_start3A_594 = arith.constant 0 : i32
    %dma_start3A_595 = arith.constant 0 : i32
    %dma_start3A_596 = tpu.memref_slice %arg8[%dma_start3A_594, %dma_start3A_595] : memref<125x128xf32, #tpu.memory_space<vmem>> -> memref<80x128xf32, #tpu.memory_space<vmem>>
    %dma_start3A_597 = arith.constant 0 : i32
    %dma_start3A_598 = tpu.memref_slice %arg9[%add3A_593, %dma_start3A_597] : memref<10240x128xf32, #tpu.memory_space<vmem_shared>> -> memref<80x128xf32, #tpu.memory_space<vmem_shared>>
    %dma_start3A_599 = arith.constant 0 : i32
    %dma_start3A_600 = arith.constant 0 : i32
    %dma_start3A_601 = tpu.memref_slice %arg8[%dma_start3A_599, %dma_start3A_600] : memref<125x128xf32, #tpu.memory_space<vmem>> -> memref<80x128xf32, #tpu.memory_space<vmem>>
    %dma_start3A_602 = arith.constant 0 : i32
    %dma_start3A_603 = tpu.memref_slice %arg9[%add3A_593, %dma_start3A_602] : memref<10240x128xf32, #tpu.memory_space<vmem_shared>> -> memref<80x128xf32, #tpu.memory_space<vmem_shared>>
    tpu.enqueue_dma source(%dma_start3A_603 : memref<80x128xf32, #tpu.memory_space<vmem_shared>>) target(%dma_start3A_601 : memref<80x128xf32, #tpu.memory_space<vmem>>) target_semaphore(%arg11 : memref<!tpu.dma_semaphore, #tpu.memory_space<semaphore_mem>>)
    %dma_wait3A_604 = arith.constant 0 : i32
    %dma_wait3A_605 = arith.constant 0 : i32
    %dma_wait3A_606 = tpu.memref_slice %arg7[%dma_wait3A_604, %dma_wait3A_605] : memref<125x128xf32, #tpu.memory_space<vmem>> -> memref<80x128xf32, #tpu.memory_space<vmem>>
    %dma_wait3A_607 = arith.constant 0 : i32
    %dma_wait3A_608 = tpu.memref_slice %arg9[%mul3A_4, %dma_wait3A_607] : memref<10240x128xf32, #tpu.memory_space<vmem_shared>> -> memref<80x128xf32, #tpu.memory_space<vmem_shared>>
    %dma_wait3A_609 = arith.constant 0 : i32
    %dma_wait3A_610 = arith.constant 0 : i32
    %dma_wait3A_611 = tpu.memref_slice %arg7[%dma_wait3A_609, %dma_wait3A_610] : memref<125x128xf32, #tpu.memory_space<vmem>> -> memref<80x128xf32, #tpu.memory_space<vmem>>
    %dma_wait3A_612 = arith.constant 0 : i32
    %dma_wait3A_613 = tpu.memref_slice %arg9[%mul3A_4, %dma_wait3A_612] : memref<10240x128xf32, #tpu.memory_space<vmem_shared>> -> memref<80x128xf32, #tpu.memory_space<vmem_shared>>
    tpu.wait_dma2 semaphore(%arg10 : memref<!tpu.dma_semaphore, #tpu.memory_space<semaphore_mem>>) src(%dma_wait3A_613 : memref<80x128xf32, #tpu.memory_space<vmem_shared>>) dst(%dma_wait3A_611 : memref<80x128xf32, #tpu.memory_space<vmem>>)
    %add3A_614 = arith.constant 480 : i32
    %add3A_615 = arith.addi %mul3A_4, %add3A_614 : i32
    %dma_start3A_616 = arith.constant 0 : i32
    %dma_start3A_617 = arith.constant 0 : i32
    %dma_start3A_618 = tpu.memref_slice %arg7[%dma_start3A_616, %dma_start3A_617] : memref<125x128xf32, #tpu.memory_space<vmem>> -> memref<80x128xf32, #tpu.memory_space<vmem>>
    %dma_start3A_619 = arith.constant 0 : i32
    %dma_start3A_620 = tpu.memref_slice %arg5[%arg0, %add3A_615, %dma_start3A_619] : memref<2x10240x128xf32, #tpu.memory_space<hbm>> -> memref<1x80x128xf32, #tpu.memory_space<hbm>>
    %dma_start3A_621 = tpu.memref_squeeze %dma_start3A_620 : memref<1x80x128xf32, #tpu.memory_space<hbm>> -> memref<80x128xf32, #tpu.memory_space<hbm>>
    %dma_start3A_622 = arith.constant 0 : i32
    %dma_start3A_623 = tpu.memref_slice %arg5[%arg0, %add3A_615, %dma_start3A_622] : memref<2x10240x128xf32, #tpu.memory_space<hbm>> -> memref<1x80x128xf32, #tpu.memory_space<hbm>>
    %dma_start3A_624 = tpu.memref_squeeze %dma_start3A_623 : memref<1x80x128xf32, #tpu.memory_space<hbm>> -> memref<80x128xf32, #tpu.memory_space<hbm>>
    %dma_start3A_625 = arith.constant 0 : i32
    %dma_start3A_626 = arith.constant 0 : i32
    %dma_start3A_627 = tpu.memref_slice %arg7[%dma_start3A_625, %dma_start3A_626] : memref<125x128xf32, #tpu.memory_space<vmem>> -> memref<80x128xf32, #tpu.memory_space<vmem>>
    tpu.enqueue_dma source(%dma_start3A_627 : memref<80x128xf32, #tpu.memory_space<vmem>>) target(%dma_start3A_624 : memref<80x128xf32, #tpu.memory_space<hbm>>) target_semaphore(%arg12 : memref<!tpu.dma_semaphore, #tpu.memory_space<semaphore_mem>>)
    %dma_wait3A_628 = arith.constant 0 : i32
    %dma_wait3A_629 = arith.constant 0 : i32
    %dma_wait3A_630 = tpu.memref_slice %arg8[%dma_wait3A_628, %dma_wait3A_629] : memref<125x128xf32, #tpu.memory_space<vmem>> -> memref<80x128xf32, #tpu.memory_space<vmem>>
    %dma_wait3A_631 = arith.constant 0 : i32
    %dma_wait3A_632 = tpu.memref_slice %arg9[%mul3A_4, %dma_wait3A_631] : memref<10240x128xf32, #tpu.memory_space<vmem_shared>> -> memref<80x128xf32, #tpu.memory_space<vmem_shared>>
    %dma_wait3A_633 = arith.constant 0 : i32
    %dma_wait3A_634 = arith.constant 0 : i32
    %dma_wait3A_635 = tpu.memref_slice %arg8[%dma_wait3A_633, %dma_wait3A_634] : memref<125x128xf32, #tpu.memory_space<vmem>> -> memref<80x128xf32, #tpu.memory_space<vmem>>
    %dma_wait3A_636 = arith.constant 0 : i32
    %dma_wait3A_637 = tpu.memref_slice %arg9[%mul3A_4, %dma_wait3A_636] : memref<10240x128xf32, #tpu.memory_space<vmem_shared>> -> memref<80x128xf32, #tpu.memory_space<vmem_shared>>
    tpu.wait_dma2 semaphore(%arg11 : memref<!tpu.dma_semaphore, #tpu.memory_space<semaphore_mem>>) src(%dma_wait3A_637 : memref<80x128xf32, #tpu.memory_space<vmem_shared>>) dst(%dma_wait3A_635 : memref<80x128xf32, #tpu.memory_space<vmem>>)
    %add3A_638 = arith.constant 560 : i32
    %add3A_639 = arith.addi %mul3A_4, %add3A_638 : i32
    %dma_start3A_640 = arith.constant 0 : i32
    %dma_start3A_641 = arith.constant 0 : i32
    %dma_start3A_642 = tpu.memref_slice %arg8[%dma_start3A_640, %dma_start3A_641] : memref<125x128xf32, #tpu.memory_space<vmem>> -> memref<80x128xf32, #tpu.memory_space<vmem>>
    %dma_start3A_643 = arith.constant 0 : i32
    %dma_start3A_644 = tpu.memref_slice %arg5[%arg0, %add3A_639, %dma_start3A_643] : memref<2x10240x128xf32, #tpu.memory_space<hbm>> -> memref<1x80x128xf32, #tpu.memory_space<hbm>>
    %dma_start3A_645 = tpu.memref_squeeze %dma_start3A_644 : memref<1x80x128xf32, #tpu.memory_space<hbm>> -> memref<80x128xf32, #tpu.memory_space<hbm>>
    %dma_start3A_646 = arith.constant 0 : i32
    %dma_start3A_647 = tpu.memref_slice %arg5[%arg0, %add3A_639, %dma_start3A_646] : memref<2x10240x128xf32, #tpu.memory_space<hbm>> -> memref<1x80x128xf32, #tpu.memory_space<hbm>>
    %dma_start3A_648 = tpu.memref_squeeze %dma_start3A_647 : memref<1x80x128xf32, #tpu.memory_space<hbm>> -> memref<80x128xf32, #tpu.memory_space<hbm>>
    %dma_start3A_649 = arith.constant 0 : i32
    %dma_start3A_650 = arith.constant 0 : i32
    %dma_start3A_651 = tpu.memref_slice %arg8[%dma_start3A_649, %dma_start3A_650] : memref<125x128xf32, #tpu.memory_space<vmem>> -> memref<80x128xf32, #tpu.memory_space<vmem>>
    tpu.enqueue_dma source(%dma_start3A_651 : memref<80x128xf32, #tpu.memory_space<vmem>>) target(%dma_start3A_648 : memref<80x128xf32, #tpu.memory_space<hbm>>) target_semaphore(%arg13 : memref<!tpu.dma_semaphore, #tpu.memory_space<semaphore_mem>>)
    %dma_wait3A_652 = arith.constant 0 : i32
    %dma_wait3A_653 = arith.constant 0 : i32
    %dma_wait3A_654 = tpu.memref_slice %arg7[%dma_wait3A_652, %dma_wait3A_653] : memref<125x128xf32, #tpu.memory_space<vmem>> -> memref<80x128xf32, #tpu.memory_space<vmem>>
    %dma_wait3A_655 = arith.constant 0 : i32
    %dma_wait3A_656 = tpu.memref_slice %arg5[%arg0, %mul3A_4, %dma_wait3A_655] : memref<2x10240x128xf32, #tpu.memory_space<hbm>> -> memref<1x80x128xf32, #tpu.memory_space<hbm>>
    %dma_wait3A_657 = tpu.memref_squeeze %dma_wait3A_656 : memref<1x80x128xf32, #tpu.memory_space<hbm>> -> memref<80x128xf32, #tpu.memory_space<hbm>>
    %dma_wait3A_658 = arith.constant 0 : i32
    %dma_wait3A_659 = tpu.memref_slice %arg5[%arg0, %mul3A_4, %dma_wait3A_658] : memref<2x10240x128xf32, #tpu.memory_space<hbm>> -> memref<1x80x128xf32, #tpu.memory_space<hbm>>
    %dma_wait3A_660 = tpu.memref_squeeze %dma_wait3A_659 : memref<1x80x128xf32, #tpu.memory_space<hbm>> -> memref<80x128xf32, #tpu.memory_space<hbm>>
    %dma_wait3A_661 = arith.constant 0 : i32
    %dma_wait3A_662 = arith.constant 0 : i32
    %dma_wait3A_663 = tpu.memref_slice %arg7[%dma_wait3A_661, %dma_wait3A_662] : memref<125x128xf32, #tpu.memory_space<vmem>> -> memref<80x128xf32, #tpu.memory_space<vmem>>
    tpu.wait_dma2 semaphore(%arg12 : memref<!tpu.dma_semaphore, #tpu.memory_space<semaphore_mem>>) src(%dma_wait3A_663 : memref<80x128xf32, #tpu.memory_space<vmem>>) dst(%dma_wait3A_660 : memref<80x128xf32, #tpu.memory_space<hbm>>)
    %dma_wait3A_664 = arith.constant 0 : i32
    %dma_wait3A_665 = arith.constant 0 : i32
    %dma_wait3A_666 = tpu.memref_slice %arg8[%dma_wait3A_664, %dma_wait3A_665] : memref<125x128xf32, #tpu.memory_space<vmem>> -> memref<80x128xf32, #tpu.memory_space<vmem>>
    %dma_wait3A_667 = arith.constant 0 : i32
    %dma_wait3A_668 = tpu.memref_slice %arg5[%arg0, %mul3A_4, %dma_wait3A_667] : memref<2x10240x128xf32, #tpu.memory_space<hbm>> -> memref<1x80x128xf32, #tpu.memory_space<hbm>>
    %dma_wait3A_669 = tpu.memref_squeeze %dma_wait3A_668 : memref<1x80x128xf32, #tpu.memory_space<hbm>> -> memref<80x128xf32, #tpu.memory_space<hbm>>
    %dma_wait3A_670 = arith.constant 0 : i32
    %dma_wait3A_671 = tpu.memref_slice %arg5[%arg0, %mul3A_4, %dma_wait3A_670] : memref<2x10240x128xf32, #tpu.memory_space<hbm>> -> memref<1x80x128xf32, #tpu.memory_space<hbm>>
    %dma_wait3A_672 = tpu.memref_squeeze %dma_wait3A_671 : memref<1x80x128xf32, #tpu.memory_space<hbm>> -> memref<80x128xf32, #tpu.memory_space<hbm>>
    %dma_wait3A_673 = arith.constant 0 : i32
    %dma_wait3A_674 = arith.constant 0 : i32
    %dma_wait3A_675 = tpu.memref_slice %arg8[%dma_wait3A_673, %dma_wait3A_674] : memref<125x128xf32, #tpu.memory_space<vmem>> -> memref<80x128xf32, #tpu.memory_space<vmem>>
    tpu.wait_dma2 semaphore(%arg13 : memref<!tpu.dma_semaphore, #tpu.memory_space<semaphore_mem>>) src(%dma_wait3A_675 : memref<80x128xf32, #tpu.memory_space<vmem>>) dst(%dma_wait3A_672 : memref<80x128xf32, #tpu.memory_space<hbm>>)
    return
  }
}

#map = affine_map<(d0, d1) -> (0, 0)>
#map1 = affine_map<(d0, d1) -> (0, 0, 0)>
module attributes {stable_mosaic.version = 14 : i64} {
  func.func @_sc_segsum_body(%arg0: i32, %arg1: i32, %arg2: memref<10240x128xf32, #tpu.memory_space<hbm>>, %arg3: memref<2560x2x125xi32, #tpu.memory_space<hbm>>, %arg4: memref<80x128xf32, #tpu.memory_space<hbm>>, %arg5: memref<2x10240x128xf32, #tpu.memory_space<hbm>>, %arg6: memref<4x2x125xi32, #tpu.memory_space<vmem>>, %arg7: memref<125x128xf32, #tpu.memory_space<vmem>>, %arg8: memref<125x128xf32, #tpu.memory_space<vmem>>, %arg9: memref<10240x128xf32, #tpu.memory_space<vmem_shared>>, %arg10: memref<!tpu.dma_semaphore, #tpu.memory_space<semaphore_mem>>, %arg11: memref<!tpu.dma_semaphore, #tpu.memory_space<semaphore_mem>>, %arg12: memref<!tpu.dma_semaphore, #tpu.memory_space<semaphore_mem>>, %arg13: memref<!tpu.dma_semaphore, #tpu.memory_space<semaphore_mem>>, %arg14: memref<!tpu.dma_semaphore, #tpu.memory_space<semaphore_mem>>, %arg15: memref<!tpu.dma_semaphore, #tpu.memory_space<semaphore_mem>>, %arg16: memref<!tpu.dma_semaphore, #tpu.memory_space<semaphore_mem>>, %arg17: memref<!tpu.dma_semaphore, #tpu.memory_space<semaphore_mem>>) attributes {dimension_semantics = [#tpu.dimension_semantics<core_parallel>, #tpu.dimension_semantics<subcore_parallel>], iteration_bounds = array<i64: 2, 16>, scalar_prefetch = 0 : i64, scratch_operands = 12 : i64, tpu.core_type = #tpu.core_type<sc_vector_subcore>, window_params = [{transform_indices = #map}, {transform_indices = #map1}, {transform_indices = #map}, {transform_indices = #map1}]} {
    %mul3A = arith.constant 16 : i32
    %mul3A_0 = arith.muli %arg0, %mul3A : i32
    %add3A = arith.addi %mul3A_0, %arg1 : i32
    %mul3A_1 = arith.constant 80 : i32
    %mul3A_2 = arith.muli %add3A, %mul3A_1 : i32
    "tpu.region"() ({
      %run_scoped3A = tpu.sem_alloc : memref<!tpu.dma_semaphore, #tpu.memory_space<semaphore_mem>>
      %dma_start3A_676 = arith.constant 0 : i32
      %dma_start3A_677 = arith.constant 0 : i32
      %dma_start3A_678 = tpu.memref_slice %arg7[%dma_start3A_676, %dma_start3A_677] : memref<125x128xf32, #tpu.memory_space<vmem>> -> memref<80x128xf32, #tpu.memory_space<vmem>>
      %dma_start3A_679 = arith.constant 0 : i32
      %dma_start3A_680 = arith.constant 0 : i32
      %dma_start3A_681 = tpu.memref_slice %arg7[%dma_start3A_679, %dma_start3A_680] : memref<125x128xf32, #tpu.memory_space<vmem>> -> memref<80x128xf32, #tpu.memory_space<vmem>>
      tpu.enqueue_dma source(%arg4 : memref<80x128xf32, #tpu.memory_space<hbm>>) target(%dma_start3A_681 : memref<80x128xf32, #tpu.memory_space<vmem>>) target_semaphore(%run_scoped3A : memref<!tpu.dma_semaphore, #tpu.memory_space<semaphore_mem>>)
      %dma_wait3A_682 = arith.constant 0 : i32
      %dma_wait3A_683 = arith.constant 0 : i32
      %dma_wait3A_684 = tpu.memref_slice %arg7[%dma_wait3A_682, %dma_wait3A_683] : memref<125x128xf32, #tpu.memory_space<vmem>> -> memref<80x128xf32, #tpu.memory_space<vmem>>
      %dma_wait3A_685 = arith.constant 0 : i32
      %dma_wait3A_686 = arith.constant 0 : i32
      %dma_wait3A_687 = tpu.memref_slice %arg7[%dma_wait3A_685, %dma_wait3A_686] : memref<125x128xf32, #tpu.memory_space<vmem>> -> memref<80x128xf32, #tpu.memory_space<vmem>>
      tpu.wait_dma2 semaphore(%run_scoped3A : memref<!tpu.dma_semaphore, #tpu.memory_space<semaphore_mem>>) src(%arg4 : memref<80x128xf32, #tpu.memory_space<hbm>>) dst(%dma_wait3A_687 : memref<80x128xf32, #tpu.memory_space<vmem>>)
      tpu.yield
    }) : () -> ()
    %mul3A_3 = arith.constant 640 : i32
    %mul3A_4 = arith.muli %arg1, %mul3A_3 : i32
    %add3A_5 = arith.constant 0 : i32
    %add3A_6 = arith.addi %mul3A_4, %add3A_5 : i32
    %dma_start3A = arith.constant 0 : i32
    %dma_start3A_7 = arith.constant 0 : i32
    %dma_start3A_8 = tpu.memref_slice %arg7[%dma_start3A, %dma_start3A_7] : memref<125x128xf32, #tpu.memory_space<vmem>> -> memref<80x128xf32, #tpu.memory_space<vmem>>
    %dma_start3A_9 = arith.constant 0 : i32
    %dma_start3A_10 = tpu.memref_slice %arg9[%add3A_6, %dma_start3A_9] : memref<10240x128xf32, #tpu.memory_space<vmem_shared>> -> memref<80x128xf32, #tpu.memory_space<vmem_shared>>
    %dma_start3A_11 = arith.constant 0 : i32
    %dma_start3A_12 = tpu.memref_slice %arg9[%add3A_6, %dma_start3A_11] : memref<10240x128xf32, #tpu.memory_space<vmem_shared>> -> memref<80x128xf32, #tpu.memory_space<vmem_shared>>
    %dma_start3A_13 = arith.constant 0 : i32
    %dma_start3A_14 = arith.constant 0 : i32
    %dma_start3A_15 = tpu.memref_slice %arg7[%dma_start3A_13, %dma_start3A_14] : memref<125x128xf32, #tpu.memory_space<vmem>> -> memref<80x128xf32, #tpu.memory_space<vmem>>
    tpu.enqueue_dma source(%dma_start3A_15 : memref<80x128xf32, #tpu.memory_space<vmem>>) target(%dma_start3A_12 : memref<80x128xf32, #tpu.memory_space<vmem_shared>>) target_semaphore(%arg12 : memref<!tpu.dma_semaphore, #tpu.memory_space<semaphore_mem>>)
    %add3A_16 = arith.constant 80 : i32
    %add3A_17 = arith.addi %mul3A_4, %add3A_16 : i32
    %dma_start3A_18 = arith.constant 0 : i32
    %dma_start3A_19 = arith.constant 0 : i32
    %dma_start3A_20 = tpu.memref_slice %arg7[%dma_start3A_18, %dma_start3A_19] : memref<125x128xf32, #tpu.memory_space<vmem>> -> memref<80x128xf32, #tpu.memory_space<vmem>>
    %dma_start3A_21 = arith.constant 0 : i32
    %dma_start3A_22 = tpu.memref_slice %arg9[%add3A_17, %dma_start3A_21] : memref<10240x128xf32, #tpu.memory_space<vmem_shared>> -> memref<80x128xf32, #tpu.memory_space<vmem_shared>>
    %dma_start3A_23 = arith.constant 0 : i32
    %dma_start3A_24 = tpu.memref_slice %arg9[%add3A_17, %dma_start3A_23] : memref<10240x128xf32, #tpu.memory_space<vmem_shared>> -> memref<80x128xf32, #tpu.memory_space<vmem_shared>>
    %dma_start3A_25 = arith.constant 0 : i32
    %dma_start3A_26 = arith.constant 0 : i32
    %dma_start3A_27 = tpu.memref_slice %arg7[%dma_start3A_25, %dma_start3A_26] : memref<125x128xf32, #tpu.memory_space<vmem>> -> memref<80x128xf32, #tpu.memory_space<vmem>>
    tpu.enqueue_dma source(%dma_start3A_27 : memref<80x128xf32, #tpu.memory_space<vmem>>) target(%dma_start3A_24 : memref<80x128xf32, #tpu.memory_space<vmem_shared>>) target_semaphore(%arg12 : memref<!tpu.dma_semaphore, #tpu.memory_space<semaphore_mem>>)
    %add3A_28 = arith.constant 160 : i32
    %add3A_29 = arith.addi %mul3A_4, %add3A_28 : i32
    %dma_start3A_30 = arith.constant 0 : i32
    %dma_start3A_31 = arith.constant 0 : i32
    %dma_start3A_32 = tpu.memref_slice %arg7[%dma_start3A_30, %dma_start3A_31] : memref<125x128xf32, #tpu.memory_space<vmem>> -> memref<80x128xf32, #tpu.memory_space<vmem>>
    %dma_start3A_33 = arith.constant 0 : i32
    %dma_start3A_34 = tpu.memref_slice %arg9[%add3A_29, %dma_start3A_33] : memref<10240x128xf32, #tpu.memory_space<vmem_shared>> -> memref<80x128xf32, #tpu.memory_space<vmem_shared>>
    %dma_start3A_35 = arith.constant 0 : i32
    %dma_start3A_36 = tpu.memref_slice %arg9[%add3A_29, %dma_start3A_35] : memref<10240x128xf32, #tpu.memory_space<vmem_shared>> -> memref<80x128xf32, #tpu.memory_space<vmem_shared>>
    %dma_start3A_37 = arith.constant 0 : i32
    %dma_start3A_38 = arith.constant 0 : i32
    %dma_start3A_39 = tpu.memref_slice %arg7[%dma_start3A_37, %dma_start3A_38] : memref<125x128xf32, #tpu.memory_space<vmem>> -> memref<80x128xf32, #tpu.memory_space<vmem>>
    tpu.enqueue_dma source(%dma_start3A_39 : memref<80x128xf32, #tpu.memory_space<vmem>>) target(%dma_start3A_36 : memref<80x128xf32, #tpu.memory_space<vmem_shared>>) target_semaphore(%arg12 : memref<!tpu.dma_semaphore, #tpu.memory_space<semaphore_mem>>)
    %add3A_40 = arith.constant 240 : i32
    %add3A_41 = arith.addi %mul3A_4, %add3A_40 : i32
    %dma_start3A_42 = arith.constant 0 : i32
    %dma_start3A_43 = arith.constant 0 : i32
    %dma_start3A_44 = tpu.memref_slice %arg7[%dma_start3A_42, %dma_start3A_43] : memref<125x128xf32, #tpu.memory_space<vmem>> -> memref<80x128xf32, #tpu.memory_space<vmem>>
    %dma_start3A_45 = arith.constant 0 : i32
    %dma_start3A_46 = tpu.memref_slice %arg9[%add3A_41, %dma_start3A_45] : memref<10240x128xf32, #tpu.memory_space<vmem_shared>> -> memref<80x128xf32, #tpu.memory_space<vmem_shared>>
    %dma_start3A_47 = arith.constant 0 : i32
    %dma_start3A_48 = tpu.memref_slice %arg9[%add3A_41, %dma_start3A_47] : memref<10240x128xf32, #tpu.memory_space<vmem_shared>> -> memref<80x128xf32, #tpu.memory_space<vmem_shared>>
    %dma_start3A_49 = arith.constant 0 : i32
    %dma_start3A_50 = arith.constant 0 : i32
    %dma_start3A_51 = tpu.memref_slice %arg7[%dma_start3A_49, %dma_start3A_50] : memref<125x128xf32, #tpu.memory_space<vmem>> -> memref<80x128xf32, #tpu.memory_space<vmem>>
    tpu.enqueue_dma source(%dma_start3A_51 : memref<80x128xf32, #tpu.memory_space<vmem>>) target(%dma_start3A_48 : memref<80x128xf32, #tpu.memory_space<vmem_shared>>) target_semaphore(%arg12 : memref<!tpu.dma_semaphore, #tpu.memory_space<semaphore_mem>>)
    %add3A_52 = arith.constant 320 : i32
    %add3A_53 = arith.addi %mul3A_4, %add3A_52 : i32
    %dma_start3A_54 = arith.constant 0 : i32
    %dma_start3A_55 = arith.constant 0 : i32
    %dma_start3A_56 = tpu.memref_slice %arg7[%dma_start3A_54, %dma_start3A_55] : memref<125x128xf32, #tpu.memory_space<vmem>> -> memref<80x128xf32, #tpu.memory_space<vmem>>
    %dma_start3A_57 = arith.constant 0 : i32
    %dma_start3A_58 = tpu.memref_slice %arg9[%add3A_53, %dma_start3A_57] : memref<10240x128xf32, #tpu.memory_space<vmem_shared>> -> memref<80x128xf32, #tpu.memory_space<vmem_shared>>
    %dma_start3A_59 = arith.constant 0 : i32
    %dma_start3A_60 = tpu.memref_slice %arg9[%add3A_53, %dma_start3A_59] : memref<10240x128xf32, #tpu.memory_space<vmem_shared>> -> memref<80x128xf32, #tpu.memory_space<vmem_shared>>
    %dma_start3A_61 = arith.constant 0 : i32
    %dma_start3A_62 = arith.constant 0 : i32
    %dma_start3A_63 = tpu.memref_slice %arg7[%dma_start3A_61, %dma_start3A_62] : memref<125x128xf32, #tpu.memory_space<vmem>> -> memref<80x128xf32, #tpu.memory_space<vmem>>
    tpu.enqueue_dma source(%dma_start3A_63 : memref<80x128xf32, #tpu.memory_space<vmem>>) target(%dma_start3A_60 : memref<80x128xf32, #tpu.memory_space<vmem_shared>>) target_semaphore(%arg12 : memref<!tpu.dma_semaphore, #tpu.memory_space<semaphore_mem>>)
    %add3A_64 = arith.constant 400 : i32
    %add3A_65 = arith.addi %mul3A_4, %add3A_64 : i32
    %dma_start3A_66 = arith.constant 0 : i32
    %dma_start3A_67 = arith.constant 0 : i32
    %dma_start3A_68 = tpu.memref_slice %arg7[%dma_start3A_66, %dma_start3A_67] : memref<125x128xf32, #tpu.memory_space<vmem>> -> memref<80x128xf32, #tpu.memory_space<vmem>>
    %dma_start3A_69 = arith.constant 0 : i32
    %dma_start3A_70 = tpu.memref_slice %arg9[%add3A_65, %dma_start3A_69] : memref<10240x128xf32, #tpu.memory_space<vmem_shared>> -> memref<80x128xf32, #tpu.memory_space<vmem_shared>>
    %dma_start3A_71 = arith.constant 0 : i32
    %dma_start3A_72 = tpu.memref_slice %arg9[%add3A_65, %dma_start3A_71] : memref<10240x128xf32, #tpu.memory_space<vmem_shared>> -> memref<80x128xf32, #tpu.memory_space<vmem_shared>>
    %dma_start3A_73 = arith.constant 0 : i32
    %dma_start3A_74 = arith.constant 0 : i32
    %dma_start3A_75 = tpu.memref_slice %arg7[%dma_start3A_73, %dma_start3A_74] : memref<125x128xf32, #tpu.memory_space<vmem>> -> memref<80x128xf32, #tpu.memory_space<vmem>>
    tpu.enqueue_dma source(%dma_start3A_75 : memref<80x128xf32, #tpu.memory_space<vmem>>) target(%dma_start3A_72 : memref<80x128xf32, #tpu.memory_space<vmem_shared>>) target_semaphore(%arg12 : memref<!tpu.dma_semaphore, #tpu.memory_space<semaphore_mem>>)
    %add3A_76 = arith.constant 480 : i32
    %add3A_77 = arith.addi %mul3A_4, %add3A_76 : i32
    %dma_start3A_78 = arith.constant 0 : i32
    %dma_start3A_79 = arith.constant 0 : i32
    %dma_start3A_80 = tpu.memref_slice %arg7[%dma_start3A_78, %dma_start3A_79] : memref<125x128xf32, #tpu.memory_space<vmem>> -> memref<80x128xf32, #tpu.memory_space<vmem>>
    %dma_start3A_81 = arith.constant 0 : i32
    %dma_start3A_82 = tpu.memref_slice %arg9[%add3A_77, %dma_start3A_81] : memref<10240x128xf32, #tpu.memory_space<vmem_shared>> -> memref<80x128xf32, #tpu.memory_space<vmem_shared>>
    %dma_start3A_83 = arith.constant 0 : i32
    %dma_start3A_84 = tpu.memref_slice %arg9[%add3A_77, %dma_start3A_83] : memref<10240x128xf32, #tpu.memory_space<vmem_shared>> -> memref<80x128xf32, #tpu.memory_space<vmem_shared>>
    %dma_start3A_85 = arith.constant 0 : i32
    %dma_start3A_86 = arith.constant 0 : i32
    %dma_start3A_87 = tpu.memref_slice %arg7[%dma_start3A_85, %dma_start3A_86] : memref<125x128xf32, #tpu.memory_space<vmem>> -> memref<80x128xf32, #tpu.memory_space<vmem>>
    tpu.enqueue_dma source(%dma_start3A_87 : memref<80x128xf32, #tpu.memory_space<vmem>>) target(%dma_start3A_84 : memref<80x128xf32, #tpu.memory_space<vmem_shared>>) target_semaphore(%arg12 : memref<!tpu.dma_semaphore, #tpu.memory_space<semaphore_mem>>)
    %add3A_88 = arith.constant 560 : i32
    %add3A_89 = arith.addi %mul3A_4, %add3A_88 : i32
    %dma_start3A_90 = arith.constant 0 : i32
    %dma_start3A_91 = arith.constant 0 : i32
    %dma_start3A_92 = tpu.memref_slice %arg7[%dma_start3A_90, %dma_start3A_91] : memref<125x128xf32, #tpu.memory_space<vmem>> -> memref<80x128xf32, #tpu.memory_space<vmem>>
    %dma_start3A_93 = arith.constant 0 : i32
    %dma_start3A_94 = tpu.memref_slice %arg9[%add3A_89, %dma_start3A_93] : memref<10240x128xf32, #tpu.memory_space<vmem_shared>> -> memref<80x128xf32, #tpu.memory_space<vmem_shared>>
    %dma_start3A_95 = arith.constant 0 : i32
    %dma_start3A_96 = tpu.memref_slice %arg9[%add3A_89, %dma_start3A_95] : memref<10240x128xf32, #tpu.memory_space<vmem_shared>> -> memref<80x128xf32, #tpu.memory_space<vmem_shared>>
    %dma_start3A_97 = arith.constant 0 : i32
    %dma_start3A_98 = arith.constant 0 : i32
    %dma_start3A_99 = tpu.memref_slice %arg7[%dma_start3A_97, %dma_start3A_98] : memref<125x128xf32, #tpu.memory_space<vmem>> -> memref<80x128xf32, #tpu.memory_space<vmem>>
    tpu.enqueue_dma source(%dma_start3A_99 : memref<80x128xf32, #tpu.memory_space<vmem>>) target(%dma_start3A_96 : memref<80x128xf32, #tpu.memory_space<vmem_shared>>) target_semaphore(%arg12 : memref<!tpu.dma_semaphore, #tpu.memory_space<semaphore_mem>>)
    %dma_wait3A = arith.constant 0 : i32
    %dma_wait3A_100 = arith.constant 0 : i32
    %dma_wait3A_101 = tpu.memref_slice %arg7[%dma_wait3A, %dma_wait3A_100] : memref<125x128xf32, #tpu.memory_space<vmem>> -> memref<80x128xf32, #tpu.memory_space<vmem>>
    %dma_wait3A_102 = arith.constant 0 : i32
    %dma_wait3A_103 = tpu.memref_slice %arg9[%mul3A_4, %dma_wait3A_102] : memref<10240x128xf32, #tpu.memory_space<vmem_shared>> -> memref<80x128xf32, #tpu.memory_space<vmem_shared>>
    %dma_wait3A_104 = arith.constant 0 : i32
    %dma_wait3A_105 = tpu.memref_slice %arg9[%mul3A_4, %dma_wait3A_104] : memref<10240x128xf32, #tpu.memory_space<vmem_shared>> -> memref<80x128xf32, #tpu.memory_space<vmem_shared>>
    %dma_wait3A_106 = arith.constant 0 : i32
    %dma_wait3A_107 = arith.constant 0 : i32
    %dma_wait3A_108 = tpu.memref_slice %arg7[%dma_wait3A_106, %dma_wait3A_107] : memref<125x128xf32, #tpu.memory_space<vmem>> -> memref<80x128xf32, #tpu.memory_space<vmem>>
    tpu.wait_dma2 semaphore(%arg12 : memref<!tpu.dma_semaphore, #tpu.memory_space<semaphore_mem>>) src(%dma_wait3A_108 : memref<80x128xf32, #tpu.memory_space<vmem>>) dst(%dma_wait3A_105 : memref<80x128xf32, #tpu.memory_space<vmem_shared>>)
    %dma_wait3A_109 = arith.constant 0 : i32
    %dma_wait3A_110 = arith.constant 0 : i32
    %dma_wait3A_111 = tpu.memref_slice %arg7[%dma_wait3A_109, %dma_wait3A_110] : memref<125x128xf32, #tpu.memory_space<vmem>> -> memref<80x128xf32, #tpu.memory_space<vmem>>
    %dma_wait3A_112 = arith.constant 0 : i32
    %dma_wait3A_113 = tpu.memref_slice %arg9[%mul3A_4, %dma_wait3A_112] : memref<10240x128xf32, #tpu.memory_space<vmem_shared>> -> memref<80x128xf32, #tpu.memory_space<vmem_shared>>
    %dma_wait3A_114 = arith.constant 0 : i32
    %dma_wait3A_115 = tpu.memref_slice %arg9[%mul3A_4, %dma_wait3A_114] : memref<10240x128xf32, #tpu.memory_space<vmem_shared>> -> memref<80x128xf32, #tpu.memory_space<vmem_shared>>
    %dma_wait3A_116 = arith.constant 0 : i32
    %dma_wait3A_117 = arith.constant 0 : i32
    %dma_wait3A_118 = tpu.memref_slice %arg7[%dma_wait3A_116, %dma_wait3A_117] : memref<125x128xf32, #tpu.memory_space<vmem>> -> memref<80x128xf32, #tpu.memory_space<vmem>>
    tpu.wait_dma2 semaphore(%arg12 : memref<!tpu.dma_semaphore, #tpu.memory_space<semaphore_mem>>) src(%dma_wait3A_118 : memref<80x128xf32, #tpu.memory_space<vmem>>) dst(%dma_wait3A_115 : memref<80x128xf32, #tpu.memory_space<vmem_shared>>)
    %dma_wait3A_119 = arith.constant 0 : i32
    %dma_wait3A_120 = arith.constant 0 : i32
    %dma_wait3A_121 = tpu.memref_slice %arg7[%dma_wait3A_119, %dma_wait3A_120] : memref<125x128xf32, #tpu.memory_space<vmem>> -> memref<80x128xf32, #tpu.memory_space<vmem>>
    %dma_wait3A_122 = arith.constant 0 : i32
    %dma_wait3A_123 = tpu.memref_slice %arg9[%mul3A_4, %dma_wait3A_122] : memref<10240x128xf32, #tpu.memory_space<vmem_shared>> -> memref<80x128xf32, #tpu.memory_space<vmem_shared>>
    %dma_wait3A_124 = arith.constant 0 : i32
    %dma_wait3A_125 = tpu.memref_slice %arg9[%mul3A_4, %dma_wait3A_124] : memref<10240x128xf32, #tpu.memory_space<vmem_shared>> -> memref<80x128xf32, #tpu.memory_space<vmem_shared>>
    %dma_wait3A_126 = arith.constant 0 : i32
    %dma_wait3A_127 = arith.constant 0 : i32
    %dma_wait3A_128 = tpu.memref_slice %arg7[%dma_wait3A_126, %dma_wait3A_127] : memref<125x128xf32, #tpu.memory_space<vmem>> -> memref<80x128xf32, #tpu.memory_space<vmem>>
    tpu.wait_dma2 semaphore(%arg12 : memref<!tpu.dma_semaphore, #tpu.memory_space<semaphore_mem>>) src(%dma_wait3A_128 : memref<80x128xf32, #tpu.memory_space<vmem>>) dst(%dma_wait3A_125 : memref<80x128xf32, #tpu.memory_space<vmem_shared>>)
    %dma_wait3A_129 = arith.constant 0 : i32
    %dma_wait3A_130 = arith.constant 0 : i32
    %dma_wait3A_131 = tpu.memref_slice %arg7[%dma_wait3A_129, %dma_wait3A_130] : memref<125x128xf32, #tpu.memory_space<vmem>> -> memref<80x128xf32, #tpu.memory_space<vmem>>
    %dma_wait3A_132 = arith.constant 0 : i32
    %dma_wait3A_133 = tpu.memref_slice %arg9[%mul3A_4, %dma_wait3A_132] : memref<10240x128xf32, #tpu.memory_space<vmem_shared>> -> memref<80x128xf32, #tpu.memory_space<vmem_shared>>
    %dma_wait3A_134 = arith.constant 0 : i32
    %dma_wait3A_135 = tpu.memref_slice %arg9[%mul3A_4, %dma_wait3A_134] : memref<10240x128xf32, #tpu.memory_space<vmem_shared>> -> memref<80x128xf32, #tpu.memory_space<vmem_shared>>
    %dma_wait3A_136 = arith.constant 0 : i32
    %dma_wait3A_137 = arith.constant 0 : i32
    %dma_wait3A_138 = tpu.memref_slice %arg7[%dma_wait3A_136, %dma_wait3A_137] : memref<125x128xf32, #tpu.memory_space<vmem>> -> memref<80x128xf32, #tpu.memory_space<vmem>>
    tpu.wait_dma2 semaphore(%arg12 : memref<!tpu.dma_semaphore, #tpu.memory_space<semaphore_mem>>) src(%dma_wait3A_138 : memref<80x128xf32, #tpu.memory_space<vmem>>) dst(%dma_wait3A_135 : memref<80x128xf32, #tpu.memory_space<vmem_shared>>)
    %dma_wait3A_139 = arith.constant 0 : i32
    %dma_wait3A_140 = arith.constant 0 : i32
    %dma_wait3A_141 = tpu.memref_slice %arg7[%dma_wait3A_139, %dma_wait3A_140] : memref<125x128xf32, #tpu.memory_space<vmem>> -> memref<80x128xf32, #tpu.memory_space<vmem>>
    %dma_wait3A_142 = arith.constant 0 : i32
    %dma_wait3A_143 = tpu.memref_slice %arg9[%mul3A_4, %dma_wait3A_142] : memref<10240x128xf32, #tpu.memory_space<vmem_shared>> -> memref<80x128xf32, #tpu.memory_space<vmem_shared>>
    %dma_wait3A_144 = arith.constant 0 : i32
    %dma_wait3A_145 = tpu.memref_slice %arg9[%mul3A_4, %dma_wait3A_144] : memref<10240x128xf32, #tpu.memory_space<vmem_shared>> -> memref<80x128xf32, #tpu.memory_space<vmem_shared>>
    %dma_wait3A_146 = arith.constant 0 : i32
    %dma_wait3A_147 = arith.constant 0 : i32
    %dma_wait3A_148 = tpu.memref_slice %arg7[%dma_wait3A_146, %dma_wait3A_147] : memref<125x128xf32, #tpu.memory_space<vmem>> -> memref<80x128xf32, #tpu.memory_space<vmem>>
    tpu.wait_dma2 semaphore(%arg12 : memref<!tpu.dma_semaphore, #tpu.memory_space<semaphore_mem>>) src(%dma_wait3A_148 : memref<80x128xf32, #tpu.memory_space<vmem>>) dst(%dma_wait3A_145 : memref<80x128xf32, #tpu.memory_space<vmem_shared>>)
    %dma_wait3A_149 = arith.constant 0 : i32
    %dma_wait3A_150 = arith.constant 0 : i32
    %dma_wait3A_151 = tpu.memref_slice %arg7[%dma_wait3A_149, %dma_wait3A_150] : memref<125x128xf32, #tpu.memory_space<vmem>> -> memref<80x128xf32, #tpu.memory_space<vmem>>
    %dma_wait3A_152 = arith.constant 0 : i32
    %dma_wait3A_153 = tpu.memref_slice %arg9[%mul3A_4, %dma_wait3A_152] : memref<10240x128xf32, #tpu.memory_space<vmem_shared>> -> memref<80x128xf32, #tpu.memory_space<vmem_shared>>
    %dma_wait3A_154 = arith.constant 0 : i32
    %dma_wait3A_155 = tpu.memref_slice %arg9[%mul3A_4, %dma_wait3A_154] : memref<10240x128xf32, #tpu.memory_space<vmem_shared>> -> memref<80x128xf32, #tpu.memory_space<vmem_shared>>
    %dma_wait3A_156 = arith.constant 0 : i32
    %dma_wait3A_157 = arith.constant 0 : i32
    %dma_wait3A_158 = tpu.memref_slice %arg7[%dma_wait3A_156, %dma_wait3A_157] : memref<125x128xf32, #tpu.memory_space<vmem>> -> memref<80x128xf32, #tpu.memory_space<vmem>>
    tpu.wait_dma2 semaphore(%arg12 : memref<!tpu.dma_semaphore, #tpu.memory_space<semaphore_mem>>) src(%dma_wait3A_158 : memref<80x128xf32, #tpu.memory_space<vmem>>) dst(%dma_wait3A_155 : memref<80x128xf32, #tpu.memory_space<vmem_shared>>)
    %dma_wait3A_159 = arith.constant 0 : i32
    %dma_wait3A_160 = arith.constant 0 : i32
    %dma_wait3A_161 = tpu.memref_slice %arg7[%dma_wait3A_159, %dma_wait3A_160] : memref<125x128xf32, #tpu.memory_space<vmem>> -> memref<80x128xf32, #tpu.memory_space<vmem>>
    %dma_wait3A_162 = arith.constant 0 : i32
    %dma_wait3A_163 = tpu.memref_slice %arg9[%mul3A_4, %dma_wait3A_162] : memref<10240x128xf32, #tpu.memory_space<vmem_shared>> -> memref<80x128xf32, #tpu.memory_space<vmem_shared>>
    %dma_wait3A_164 = arith.constant 0 : i32
    %dma_wait3A_165 = tpu.memref_slice %arg9[%mul3A_4, %dma_wait3A_164] : memref<10240x128xf32, #tpu.memory_space<vmem_shared>> -> memref<80x128xf32, #tpu.memory_space<vmem_shared>>
    %dma_wait3A_166 = arith.constant 0 : i32
    %dma_wait3A_167 = arith.constant 0 : i32
    %dma_wait3A_168 = tpu.memref_slice %arg7[%dma_wait3A_166, %dma_wait3A_167] : memref<125x128xf32, #tpu.memory_space<vmem>> -> memref<80x128xf32, #tpu.memory_space<vmem>>
    tpu.wait_dma2 semaphore(%arg12 : memref<!tpu.dma_semaphore, #tpu.memory_space<semaphore_mem>>) src(%dma_wait3A_168 : memref<80x128xf32, #tpu.memory_space<vmem>>) dst(%dma_wait3A_165 : memref<80x128xf32, #tpu.memory_space<vmem_shared>>)
    %dma_wait3A_169 = arith.constant 0 : i32
    %dma_wait3A_170 = arith.constant 0 : i32
    %dma_wait3A_171 = tpu.memref_slice %arg7[%dma_wait3A_169, %dma_wait3A_170] : memref<125x128xf32, #tpu.memory_space<vmem>> -> memref<80x128xf32, #tpu.memory_space<vmem>>
    %dma_wait3A_172 = arith.constant 0 : i32
    %dma_wait3A_173 = tpu.memref_slice %arg9[%mul3A_4, %dma_wait3A_172] : memref<10240x128xf32, #tpu.memory_space<vmem_shared>> -> memref<80x128xf32, #tpu.memory_space<vmem_shared>>
    %dma_wait3A_174 = arith.constant 0 : i32
    %dma_wait3A_175 = tpu.memref_slice %arg9[%mul3A_4, %dma_wait3A_174] : memref<10240x128xf32, #tpu.memory_space<vmem_shared>> -> memref<80x128xf32, #tpu.memory_space<vmem_shared>>
    %dma_wait3A_176 = arith.constant 0 : i32
    %dma_wait3A_177 = arith.constant 0 : i32
    %dma_wait3A_178 = tpu.memref_slice %arg7[%dma_wait3A_176, %dma_wait3A_177] : memref<125x128xf32, #tpu.memory_space<vmem>> -> memref<80x128xf32, #tpu.memory_space<vmem>>
    tpu.wait_dma2 semaphore(%arg12 : memref<!tpu.dma_semaphore, #tpu.memory_space<semaphore_mem>>) src(%dma_wait3A_178 : memref<80x128xf32, #tpu.memory_space<vmem>>) dst(%dma_wait3A_175 : memref<80x128xf32, #tpu.memory_space<vmem_shared>>)
    %barrier3A = arith.constant 0 : index
    tpu.barrier barrier_id(%barrier3A)
    %rem3A = arith.constant 0 : i32
    %rem3A_179 = arith.constant 80 : i32
    %rem3A_180 = arith.remsi %rem3A, %rem3A_179 : i32
    %add3A_181 = arith.addi %mul3A_2, %rem3A_180 : i32
    %dma_start3A_182 = arith.constant 0 : i32
    %dma_start3A_183 = arith.constant 0 : i32
    %dma_start3A_184 = arith.constant 0 : i32
    %dma_start3A_185 = tpu.memref_slice %arg6[%dma_start3A_182, %dma_start3A_183, %dma_start3A_184] : memref<4x2x125xi32, #tpu.memory_space<vmem>> -> memref<1x2x125xi32, #tpu.memory_space<vmem>>
    %dma_start3A_186 = tpu.memref_squeeze %dma_start3A_185 : memref<1x2x125xi32, #tpu.memory_space<vmem>> -> memref<2x125xi32, #tpu.memory_space<vmem>>
    %dma_start3A_187 = arith.constant 0 : i32
    %dma_start3A_188 = arith.constant 0 : i32
    %dma_start3A_189 = tpu.memref_slice %arg3[%add3A_181, %dma_start3A_187, %dma_start3A_188] : memref<2560x2x125xi32, #tpu.memory_space<hbm>> -> memref<1x2x125xi32, #tpu.memory_space<hbm>>
    %dma_start3A_190 = tpu.memref_squeeze %dma_start3A_189 : memref<1x2x125xi32, #tpu.memory_space<hbm>> -> memref<2x125xi32, #tpu.memory_space<hbm>>
    %dma_start3A_191 = arith.constant 0 : i32
    %dma_start3A_192 = arith.constant 0 : i32
    %dma_start3A_193 = tpu.memref_slice %arg6[%dma_start3A_182, %dma_start3A_191, %dma_start3A_192] : memref<4x2x125xi32, #tpu.memory_space<vmem>> -> memref<1x2x125xi32, #tpu.memory_space<vmem>>
    %dma_start3A_194 = tpu.memref_squeeze %dma_start3A_193 : memref<1x2x125xi32, #tpu.memory_space<vmem>> -> memref<2x125xi32, #tpu.memory_space<vmem>>
    %dma_start3A_195 = arith.constant 0 : i32
    %dma_start3A_196 = arith.constant 0 : i32
    %dma_start3A_197 = tpu.memref_slice %arg3[%add3A_181, %dma_start3A_195, %dma_start3A_196] : memref<2560x2x125xi32, #tpu.memory_space<hbm>> -> memref<1x2x125xi32, #tpu.memory_space<hbm>>
    %dma_start3A_198 = tpu.memref_squeeze %dma_start3A_197 : memref<1x2x125xi32, #tpu.memory_space<hbm>> -> memref<2x125xi32, #tpu.memory_space<hbm>>
    tpu.enqueue_dma source(%dma_start3A_198 : memref<2x125xi32, #tpu.memory_space<hbm>>) target(%dma_start3A_194 : memref<2x125xi32, #tpu.memory_space<vmem>>) target_semaphore(%arg14 : memref<!tpu.dma_semaphore, #tpu.memory_space<semaphore_mem>>)
    %rem3A_199 = arith.constant 1 : i32
    %rem3A_200 = arith.constant 80 : i32
    %rem3A_201 = arith.remsi %rem3A_199, %rem3A_200 : i32
    %add3A_202 = arith.addi %mul3A_2, %rem3A_201 : i32
    %dma_start3A_203 = arith.constant 1 : i32
    %dma_start3A_204 = arith.constant 0 : i32
    %dma_start3A_205 = arith.constant 0 : i32
    %dma_start3A_206 = tpu.memref_slice %arg6[%dma_start3A_203, %dma_start3A_204, %dma_start3A_205] : memref<4x2x125xi32, #tpu.memory_space<vmem>> -> memref<1x2x125xi32, #tpu.memory_space<vmem>>
    %dma_start3A_207 = tpu.memref_squeeze %dma_start3A_206 : memref<1x2x125xi32, #tpu.memory_space<vmem>> -> memref<2x125xi32, #tpu.memory_space<vmem>>
    %dma_start3A_208 = arith.constant 0 : i32
    %dma_start3A_209 = arith.constant 0 : i32
    %dma_start3A_210 = tpu.memref_slice %arg3[%add3A_202, %dma_start3A_208, %dma_start3A_209] : memref<2560x2x125xi32, #tpu.memory_space<hbm>> -> memref<1x2x125xi32, #tpu.memory_space<hbm>>
    %dma_start3A_211 = tpu.memref_squeeze %dma_start3A_210 : memref<1x2x125xi32, #tpu.memory_space<hbm>> -> memref<2x125xi32, #tpu.memory_space<hbm>>
    %dma_start3A_212 = arith.constant 0 : i32
    %dma_start3A_213 = arith.constant 0 : i32
    %dma_start3A_214 = tpu.memref_slice %arg6[%dma_start3A_203, %dma_start3A_212, %dma_start3A_213] : memref<4x2x125xi32, #tpu.memory_space<vmem>> -> memref<1x2x125xi32, #tpu.memory_space<vmem>>
    %dma_start3A_215 = tpu.memref_squeeze %dma_start3A_214 : memref<1x2x125xi32, #tpu.memory_space<vmem>> -> memref<2x125xi32, #tpu.memory_space<vmem>>
    %dma_start3A_216 = arith.constant 0 : i32
    %dma_start3A_217 = arith.constant 0 : i32
    %dma_start3A_218 = tpu.memref_slice %arg3[%add3A_202, %dma_start3A_216, %dma_start3A_217] : memref<2560x2x125xi32, #tpu.memory_space<hbm>> -> memref<1x2x125xi32, #tpu.memory_space<hbm>>
    %dma_start3A_219 = tpu.memref_squeeze %dma_start3A_218 : memref<1x2x125xi32, #tpu.memory_space<hbm>> -> memref<2x125xi32, #tpu.memory_space<hbm>>
    tpu.enqueue_dma source(%dma_start3A_219 : memref<2x125xi32, #tpu.memory_space<hbm>>) target(%dma_start3A_215 : memref<2x125xi32, #tpu.memory_space<vmem>>) target_semaphore(%arg15 : memref<!tpu.dma_semaphore, #tpu.memory_space<semaphore_mem>>)
    %dma_wait3A_220 = arith.constant 0 : i32
    %dma_wait3A_221 = arith.constant 0 : i32
    %dma_wait3A_222 = arith.constant 0 : i32
    %dma_wait3A_223 = tpu.memref_slice %arg6[%dma_wait3A_220, %dma_wait3A_221, %dma_wait3A_222] : memref<4x2x125xi32, #tpu.memory_space<vmem>> -> memref<1x2x125xi32, #tpu.memory_space<vmem>>
    %dma_wait3A_224 = tpu.memref_squeeze %dma_wait3A_223 : memref<1x2x125xi32, #tpu.memory_space<vmem>> -> memref<2x125xi32, #tpu.memory_space<vmem>>
    %dma_wait3A_225 = arith.constant 0 : i32
    %dma_wait3A_226 = arith.constant 0 : i32
    %dma_wait3A_227 = tpu.memref_slice %arg3[%mul3A_2, %dma_wait3A_225, %dma_wait3A_226] : memref<2560x2x125xi32, #tpu.memory_space<hbm>> -> memref<1x2x125xi32, #tpu.memory_space<hbm>>
    %dma_wait3A_228 = tpu.memref_squeeze %dma_wait3A_227 : memref<1x2x125xi32, #tpu.memory_space<hbm>> -> memref<2x125xi32, #tpu.memory_space<hbm>>
    %dma_wait3A_229 = arith.constant 0 : i32
    %dma_wait3A_230 = arith.constant 0 : i32
    %dma_wait3A_231 = tpu.memref_slice %arg6[%dma_wait3A_220, %dma_wait3A_229, %dma_wait3A_230] : memref<4x2x125xi32, #tpu.memory_space<vmem>> -> memref<1x2x125xi32, #tpu.memory_space<vmem>>
    %dma_wait3A_232 = tpu.memref_squeeze %dma_wait3A_231 : memref<1x2x125xi32, #tpu.memory_space<vmem>> -> memref<2x125xi32, #tpu.memory_space<vmem>>
    %dma_wait3A_233 = arith.constant 0 : i32
    %dma_wait3A_234 = arith.constant 0 : i32
    %dma_wait3A_235 = tpu.memref_slice %arg3[%mul3A_2, %dma_wait3A_233, %dma_wait3A_234] : memref<2560x2x125xi32, #tpu.memory_space<hbm>> -> memref<1x2x125xi32, #tpu.memory_space<hbm>>
    %dma_wait3A_236 = tpu.memref_squeeze %dma_wait3A_235 : memref<1x2x125xi32, #tpu.memory_space<hbm>> -> memref<2x125xi32, #tpu.memory_space<hbm>>
    tpu.wait_dma2 semaphore(%arg14 : memref<!tpu.dma_semaphore, #tpu.memory_space<semaphore_mem>>) src(%dma_wait3A_236 : memref<2x125xi32, #tpu.memory_space<hbm>>) dst(%dma_wait3A_232 : memref<2x125xi32, #tpu.memory_space<vmem>>)
    %dma_start3A_237 = arith.constant 0 : i32
    %dma_start3A_238 = arith.constant 0 : i32
    %dma_start3A_239 = arith.constant 0 : i32
    %dma_start3A_240 = tpu.memref_slice %arg6[%dma_start3A_237, %dma_start3A_238, %dma_start3A_239] : memref<4x2x125xi32, #tpu.memory_space<vmem>> -> memref<1x1x125xi32, #tpu.memory_space<vmem>>
    %dma_start3A_241 = tpu.memref_squeeze %dma_start3A_240 : memref<1x1x125xi32, #tpu.memory_space<vmem>> -> memref<125xi32, #tpu.memory_space<vmem>>
    %dma_start3A_242 = arith.constant 0 : i32
    %dma_start3A_243 = arith.constant 0 : i32
    %dma_start3A_244 = tpu.memref_slice %arg2[%dma_start3A_242, %dma_start3A_243] : memref<10240x128xf32, #tpu.memory_space<hbm>> -> memref<10240x128xf32, #tpu.memory_space<hbm>>
    tpu.enqueue_indirect_dma source(%dma_start3A_244 : memref<10240x128xf32, #tpu.memory_space<hbm>>) target(%arg7 : memref<125x128xf32, #tpu.memory_space<vmem>>) offsets(%dma_start3A_241 : memref<125xi32, #tpu.memory_space<vmem>>) semaphore(%arg10 : memref<!tpu.dma_semaphore, #tpu.memory_space<semaphore_mem>>)
    %dma_wait3A_245 = arith.constant 1 : i32
    %dma_wait3A_246 = arith.constant 0 : i32
    %dma_wait3A_247 = arith.constant 0 : i32
    %dma_wait3A_248 = tpu.memref_slice %arg6[%dma_wait3A_245, %dma_wait3A_246, %dma_wait3A_247] : memref<4x2x125xi32, #tpu.memory_space<vmem>> -> memref<1x2x125xi32, #tpu.memory_space<vmem>>
    %dma_wait3A_249 = tpu.memref_squeeze %dma_wait3A_248 : memref<1x2x125xi32, #tpu.memory_space<vmem>> -> memref<2x125xi32, #tpu.memory_space<vmem>>
    %dma_wait3A_250 = arith.constant 0 : i32
    %dma_wait3A_251 = arith.constant 0 : i32
    %dma_wait3A_252 = tpu.memref_slice %arg3[%mul3A_2, %dma_wait3A_250, %dma_wait3A_251] : memref<2560x2x125xi32, #tpu.memory_space<hbm>> -> memref<1x2x125xi32, #tpu.memory_space<hbm>>
    %dma_wait3A_253 = tpu.memref_squeeze %dma_wait3A_252 : memref<1x2x125xi32, #tpu.memory_space<hbm>> -> memref<2x125xi32, #tpu.memory_space<hbm>>
    %dma_wait3A_254 = arith.constant 0 : i32
    %dma_wait3A_255 = arith.constant 0 : i32
    %dma_wait3A_256 = tpu.memref_slice %arg6[%dma_wait3A_245, %dma_wait3A_254, %dma_wait3A_255] : memref<4x2x125xi32, #tpu.memory_space<vmem>> -> memref<1x2x125xi32, #tpu.memory_space<vmem>>
    %dma_wait3A_257 = tpu.memref_squeeze %dma_wait3A_256 : memref<1x2x125xi32, #tpu.memory_space<vmem>> -> memref<2x125xi32, #tpu.memory_space<vmem>>
    %dma_wait3A_258 = arith.constant 0 : i32
    %dma_wait3A_259 = arith.constant 0 : i32
    %dma_wait3A_260 = tpu.memref_slice %arg3[%mul3A_2, %dma_wait3A_258, %dma_wait3A_259] : memref<2560x2x125xi32, #tpu.memory_space<hbm>> -> memref<1x2x125xi32, #tpu.memory_space<hbm>>
    %dma_wait3A_261 = tpu.memref_squeeze %dma_wait3A_260 : memref<1x2x125xi32, #tpu.memory_space<hbm>> -> memref<2x125xi32, #tpu.memory_space<hbm>>
    tpu.wait_dma2 semaphore(%arg15 : memref<!tpu.dma_semaphore, #tpu.memory_space<semaphore_mem>>) src(%dma_wait3A_261 : memref<2x125xi32, #tpu.memory_space<hbm>>) dst(%dma_wait3A_257 : memref<2x125xi32, #tpu.memory_space<vmem>>)
    %dma_start3A_262 = arith.constant 1 : i32
    %dma_start3A_263 = arith.constant 0 : i32
    %dma_start3A_264 = arith.constant 0 : i32
    %dma_start3A_265 = tpu.memref_slice %arg6[%dma_start3A_262, %dma_start3A_263, %dma_start3A_264] : memref<4x2x125xi32, #tpu.memory_space<vmem>> -> memref<1x1x125xi32, #tpu.memory_space<vmem>>
    %dma_start3A_266 = tpu.memref_squeeze %dma_start3A_265 : memref<1x1x125xi32, #tpu.memory_space<vmem>> -> memref<125xi32, #tpu.memory_space<vmem>>
    %dma_start3A_267 = arith.constant 0 : i32
    %dma_start3A_268 = arith.constant 0 : i32
    %dma_start3A_269 = tpu.memref_slice %arg2[%dma_start3A_267, %dma_start3A_268] : memref<10240x128xf32, #tpu.memory_space<hbm>> -> memref<10240x128xf32, #tpu.memory_space<hbm>>
    tpu.enqueue_indirect_dma source(%dma_start3A_269 : memref<10240x128xf32, #tpu.memory_space<hbm>>) target(%arg8 : memref<125x128xf32, #tpu.memory_space<vmem>>) offsets(%dma_start3A_266 : memref<125xi32, #tpu.memory_space<vmem>>) semaphore(%arg11 : memref<!tpu.dma_semaphore, #tpu.memory_space<semaphore_mem>>)
    %scan3A = arith.constant 0 : i32
    %scan3A_270 = arith.constant 0 : i32
    %scan3A_271 = arith.constant 20 : i32
    %scan3A_272 = arith.addi %scan3A_270, %scan3A_271 : i32
    %scan3A_273 = arith.constant 1 : i32
    scf.for %scan3A_676 = %scan3A_270 to %scan3A_272 step %scan3A_273  : i32 {
      %mul3A_677 = arith.constant 4 : i32
      %mul3A_678 = arith.muli %mul3A_677, %scan3A_676 : i32
      %add3A_679 = arith.constant 2 : i32
      %add3A_680 = arith.addi %mul3A_678, %add3A_679 : i32
      %rem3A_681 = arith.constant 80 : i32
      %rem3A_682 = arith.remsi %add3A_680, %rem3A_681 : i32
      %add3A_683 = arith.addi %mul3A_2, %rem3A_682 : i32
      %dma_start3A_684 = arith.constant 2 : i32
      %dma_start3A_685 = arith.constant 0 : i32
      %dma_start3A_686 = arith.constant 0 : i32
      %dma_start3A_687 = tpu.memref_slice %arg6[%dma_start3A_684, %dma_start3A_685, %dma_start3A_686] : memref<4x2x125xi32, #tpu.memory_space<vmem>> -> memref<1x2x125xi32, #tpu.memory_space<vmem>>
      %dma_start3A_688 = tpu.memref_squeeze %dma_start3A_687 : memref<1x2x125xi32, #tpu.memory_space<vmem>> -> memref<2x125xi32, #tpu.memory_space<vmem>>
      %dma_start3A_689 = arith.constant 0 : i32
      %dma_start3A_690 = arith.constant 0 : i32
      %dma_start3A_691 = tpu.memref_slice %arg3[%add3A_683, %dma_start3A_689, %dma_start3A_690] : memref<2560x2x125xi32, #tpu.memory_space<hbm>> -> memref<1x2x125xi32, #tpu.memory_space<hbm>>
      %dma_start3A_692 = tpu.memref_squeeze %dma_start3A_691 : memref<1x2x125xi32, #tpu.memory_space<hbm>> -> memref<2x125xi32, #tpu.memory_space<hbm>>
      %dma_start3A_693 = arith.constant 0 : i32
      %dma_start3A_694 = arith.constant 0 : i32
      %dma_start3A_695 = tpu.memref_slice %arg6[%dma_start3A_684, %dma_start3A_693, %dma_start3A_694] : memref<4x2x125xi32, #tpu.memory_space<vmem>> -> memref<1x2x125xi32, #tpu.memory_space<vmem>>
      %dma_start3A_696 = tpu.memref_squeeze %dma_start3A_695 : memref<1x2x125xi32, #tpu.memory_space<vmem>> -> memref<2x125xi32, #tpu.memory_space<vmem>>
      %dma_start3A_697 = arith.constant 0 : i32
      %dma_start3A_698 = arith.constant 0 : i32
      %dma_start3A_699 = tpu.memref_slice %arg3[%add3A_683, %dma_start3A_697, %dma_start3A_698] : memref<2560x2x125xi32, #tpu.memory_space<hbm>> -> memref<1x2x125xi32, #tpu.memory_space<hbm>>
      %dma_start3A_700 = tpu.memref_squeeze %dma_start3A_699 : memref<1x2x125xi32, #tpu.memory_space<hbm>> -> memref<2x125xi32, #tpu.memory_space<hbm>>
      tpu.enqueue_dma source(%dma_start3A_700 : memref<2x125xi32, #tpu.memory_space<hbm>>) target(%dma_start3A_696 : memref<2x125xi32, #tpu.memory_space<vmem>>) target_semaphore(%arg16 : memref<!tpu.dma_semaphore, #tpu.memory_space<semaphore_mem>>)
      %add3A_701 = arith.constant 3 : i32
      %add3A_702 = arith.addi %mul3A_678, %add3A_701 : i32
      %rem3A_703 = arith.constant 80 : i32
      %rem3A_704 = arith.remsi %add3A_702, %rem3A_703 : i32
      %add3A_705 = arith.addi %mul3A_2, %rem3A_704 : i32
      %dma_start3A_706 = arith.constant 3 : i32
      %dma_start3A_707 = arith.constant 0 : i32
      %dma_start3A_708 = arith.constant 0 : i32
      %dma_start3A_709 = tpu.memref_slice %arg6[%dma_start3A_706, %dma_start3A_707, %dma_start3A_708] : memref<4x2x125xi32, #tpu.memory_space<vmem>> -> memref<1x2x125xi32, #tpu.memory_space<vmem>>
      %dma_start3A_710 = tpu.memref_squeeze %dma_start3A_709 : memref<1x2x125xi32, #tpu.memory_space<vmem>> -> memref<2x125xi32, #tpu.memory_space<vmem>>
      %dma_start3A_711 = arith.constant 0 : i32
      %dma_start3A_712 = arith.constant 0 : i32
      %dma_start3A_713 = tpu.memref_slice %arg3[%add3A_705, %dma_start3A_711, %dma_start3A_712] : memref<2560x2x125xi32, #tpu.memory_space<hbm>> -> memref<1x2x125xi32, #tpu.memory_space<hbm>>
      %dma_start3A_714 = tpu.memref_squeeze %dma_start3A_713 : memref<1x2x125xi32, #tpu.memory_space<hbm>> -> memref<2x125xi32, #tpu.memory_space<hbm>>
      %dma_start3A_715 = arith.constant 0 : i32
      %dma_start3A_716 = arith.constant 0 : i32
      %dma_start3A_717 = tpu.memref_slice %arg6[%dma_start3A_706, %dma_start3A_715, %dma_start3A_716] : memref<4x2x125xi32, #tpu.memory_space<vmem>> -> memref<1x2x125xi32, #tpu.memory_space<vmem>>
      %dma_start3A_718 = tpu.memref_squeeze %dma_start3A_717 : memref<1x2x125xi32, #tpu.memory_space<vmem>> -> memref<2x125xi32, #tpu.memory_space<vmem>>
      %dma_start3A_719 = arith.constant 0 : i32
      %dma_start3A_720 = arith.constant 0 : i32
      %dma_start3A_721 = tpu.memref_slice %arg3[%add3A_705, %dma_start3A_719, %dma_start3A_720] : memref<2560x2x125xi32, #tpu.memory_space<hbm>> -> memref<1x2x125xi32, #tpu.memory_space<hbm>>
      %dma_start3A_722 = tpu.memref_squeeze %dma_start3A_721 : memref<1x2x125xi32, #tpu.memory_space<hbm>> -> memref<2x125xi32, #tpu.memory_space<hbm>>
      tpu.enqueue_dma source(%dma_start3A_722 : memref<2x125xi32, #tpu.memory_space<hbm>>) target(%dma_start3A_718 : memref<2x125xi32, #tpu.memory_space<vmem>>) target_semaphore(%arg17 : memref<!tpu.dma_semaphore, #tpu.memory_space<semaphore_mem>>)
      %dma_wait3A_723 = arith.constant 0 : i32
      %dma_wait3A_724 = arith.constant 0 : i32
      %dma_wait3A_725 = arith.constant 0 : i32
      %dma_wait3A_726 = tpu.memref_slice %arg6[%dma_wait3A_723, %dma_wait3A_724, %dma_wait3A_725] : memref<4x2x125xi32, #tpu.memory_space<vmem>> -> memref<1x1x125xi32, #tpu.memory_space<vmem>>
      %dma_wait3A_727 = tpu.memref_squeeze %dma_wait3A_726 : memref<1x1x125xi32, #tpu.memory_space<vmem>> -> memref<125xi32, #tpu.memory_space<vmem>>
      %dma_wait3A_728 = arith.constant 0 : i32
      %dma_wait3A_729 = arith.constant 0 : i32
      %dma_wait3A_730 = tpu.memref_slice %arg2[%dma_wait3A_728, %dma_wait3A_729] : memref<10240x128xf32, #tpu.memory_space<hbm>> -> memref<10240x128xf32, #tpu.memory_space<hbm>>
      tpu.wait_indirect_dma semaphore(%arg10 : memref<!tpu.dma_semaphore, #tpu.memory_space<semaphore_mem>>) src(%dma_wait3A_730 : memref<10240x128xf32, #tpu.memory_space<hbm>>) dst(%arg7 : memref<125x128xf32, #tpu.memory_space<vmem>>)
      %dma_start3A_731 = arith.constant 0 : i32
      %dma_start3A_732 = arith.constant 1 : i32
      %dma_start3A_733 = arith.constant 0 : i32
      %dma_start3A_734 = tpu.memref_slice %arg6[%dma_start3A_731, %dma_start3A_732, %dma_start3A_733] : memref<4x2x125xi32, #tpu.memory_space<vmem>> -> memref<1x1x125xi32, #tpu.memory_space<vmem>>
      %dma_start3A_735 = tpu.memref_squeeze %dma_start3A_734 : memref<1x1x125xi32, #tpu.memory_space<vmem>> -> memref<125xi32, #tpu.memory_space<vmem>>
      %dma_start3A_736 = arith.constant 0 : i32
      %dma_start3A_737 = arith.constant 0 : i32
      %dma_start3A_738 = tpu.memref_slice %arg9[%dma_start3A_736, %dma_start3A_737] : memref<10240x128xf32, #tpu.memory_space<vmem_shared>> -> memref<10240x128xf32, #tpu.memory_space<vmem_shared>>
      tpu.enqueue_indirect_dma source(%arg7 : memref<125x128xf32, #tpu.memory_space<vmem>>) target(%dma_start3A_738 : memref<10240x128xf32, #tpu.memory_space<vmem_shared>>) offsets(%dma_start3A_735 : memref<125xi32, #tpu.memory_space<vmem>>) semaphore(%arg12 : memref<!tpu.dma_semaphore, #tpu.memory_space<semaphore_mem>>) {add = true}
      %dma_wait3A_739 = arith.constant 0 : i32
      %dma_wait3A_740 = arith.constant 1 : i32
      %dma_wait3A_741 = arith.constant 0 : i32
      %dma_wait3A_742 = tpu.memref_slice %arg6[%dma_wait3A_739, %dma_wait3A_740, %dma_wait3A_741] : memref<4x2x125xi32, #tpu.memory_space<vmem>> -> memref<1x1x125xi32, #tpu.memory_space<vmem>>
      %dma_wait3A_743 = tpu.memref_squeeze %dma_wait3A_742 : memref<1x1x125xi32, #tpu.memory_space<vmem>> -> memref<125xi32, #tpu.memory_space<vmem>>
      %dma_wait3A_744 = arith.constant 0 : i32
      %dma_wait3A_745 = arith.constant 0 : i32
      %dma_wait3A_746 = tpu.memref_slice %arg9[%dma_wait3A_744, %dma_wait3A_745] : memref<10240x128xf32, #tpu.memory_space<vmem_shared>> -> memref<10240x128xf32, #tpu.memory_space<vmem_shared>>
      tpu.wait_indirect_dma semaphore(%arg12 : memref<!tpu.dma_semaphore, #tpu.memory_space<semaphore_mem>>) src(%arg7 : memref<125x128xf32, #tpu.memory_space<vmem>>) dst(%dma_wait3A_746 : memref<10240x128xf32, #tpu.memory_space<vmem_shared>>)
      %dma_wait3A_747 = arith.constant 2 : i32
      %dma_wait3A_748 = arith.constant 0 : i32
      %dma_wait3A_749 = arith.constant 0 : i32
      %dma_wait3A_750 = tpu.memref_slice %arg6[%dma_wait3A_747, %dma_wait3A_748, %dma_wait3A_749] : memref<4x2x125xi32, #tpu.memory_space<vmem>> -> memref<1x2x125xi32, #tpu.memory_space<vmem>>
      %dma_wait3A_751 = tpu.memref_squeeze %dma_wait3A_750 : memref<1x2x125xi32, #tpu.memory_space<vmem>> -> memref<2x125xi32, #tpu.memory_space<vmem>>
      %dma_wait3A_752 = arith.constant 0 : i32
      %dma_wait3A_753 = arith.constant 0 : i32
      %dma_wait3A_754 = tpu.memref_slice %arg3[%mul3A_2, %dma_wait3A_752, %dma_wait3A_753] : memref<2560x2x125xi32, #tpu.memory_space<hbm>> -> memref<1x2x125xi32, #tpu.memory_space<hbm>>
      %dma_wait3A_755 = tpu.memref_squeeze %dma_wait3A_754 : memref<1x2x125xi32, #tpu.memory_space<hbm>> -> memref<2x125xi32, #tpu.memory_space<hbm>>
      %dma_wait3A_756 = arith.constant 0 : i32
      %dma_wait3A_757 = arith.constant 0 : i32
      %dma_wait3A_758 = tpu.memref_slice %arg6[%dma_wait3A_747, %dma_wait3A_756, %dma_wait3A_757] : memref<4x2x125xi32, #tpu.memory_space<vmem>> -> memref<1x2x125xi32, #tpu.memory_space<vmem>>
      %dma_wait3A_759 = tpu.memref_squeeze %dma_wait3A_758 : memref<1x2x125xi32, #tpu.memory_space<vmem>> -> memref<2x125xi32, #tpu.memory_space<vmem>>
      %dma_wait3A_760 = arith.constant 0 : i32
      %dma_wait3A_761 = arith.constant 0 : i32
      %dma_wait3A_762 = tpu.memref_slice %arg3[%mul3A_2, %dma_wait3A_760, %dma_wait3A_761] : memref<2560x2x125xi32, #tpu.memory_space<hbm>> -> memref<1x2x125xi32, #tpu.memory_space<hbm>>
      %dma_wait3A_763 = tpu.memref_squeeze %dma_wait3A_762 : memref<1x2x125xi32, #tpu.memory_space<hbm>> -> memref<2x125xi32, #tpu.memory_space<hbm>>
      tpu.wait_dma2 semaphore(%arg16 : memref<!tpu.dma_semaphore, #tpu.memory_space<semaphore_mem>>) src(%dma_wait3A_763 : memref<2x125xi32, #tpu.memory_space<hbm>>) dst(%dma_wait3A_759 : memref<2x125xi32, #tpu.memory_space<vmem>>)
      %dma_start3A_764 = arith.constant 2 : i32
      %dma_start3A_765 = arith.constant 0 : i32
      %dma_start3A_766 = arith.constant 0 : i32
      %dma_start3A_767 = tpu.memref_slice %arg6[%dma_start3A_764, %dma_start3A_765, %dma_start3A_766] : memref<4x2x125xi32, #tpu.memory_space<vmem>> -> memref<1x1x125xi32, #tpu.memory_space<vmem>>
      %dma_start3A_768 = tpu.memref_squeeze %dma_start3A_767 : memref<1x1x125xi32, #tpu.memory_space<vmem>> -> memref<125xi32, #tpu.memory_space<vmem>>
      %dma_start3A_769 = arith.constant 0 : i32
      %dma_start3A_770 = arith.constant 0 : i32
      %dma_start3A_771 = tpu.memref_slice %arg2[%dma_start3A_769, %dma_start3A_770] : memref<10240x128xf32, #tpu.memory_space<hbm>> -> memref<10240x128xf32, #tpu.memory_space<hbm>>
      tpu.enqueue_indirect_dma source(%dma_start3A_771 : memref<10240x128xf32, #tpu.memory_space<hbm>>) target(%arg7 : memref<125x128xf32, #tpu.memory_space<vmem>>) offsets(%dma_start3A_768 : memref<125xi32, #tpu.memory_space<vmem>>) semaphore(%arg10 : memref<!tpu.dma_semaphore, #tpu.memory_space<semaphore_mem>>)
      %dma_wait3A_772 = arith.constant 0 : i32
      %dma_wait3A_773 = arith.constant 0 : i32
      %dma_wait3A_774 = arith.constant 0 : i32
      %dma_wait3A_775 = tpu.memref_slice %arg6[%dma_wait3A_772, %dma_wait3A_773, %dma_wait3A_774] : memref<4x2x125xi32, #tpu.memory_space<vmem>> -> memref<1x1x125xi32, #tpu.memory_space<vmem>>
      %dma_wait3A_776 = tpu.memref_squeeze %dma_wait3A_775 : memref<1x1x125xi32, #tpu.memory_space<vmem>> -> memref<125xi32, #tpu.memory_space<vmem>>
      %dma_wait3A_777 = arith.constant 0 : i32
      %dma_wait3A_778 = arith.constant 0 : i32
      %dma_wait3A_779 = tpu.memref_slice %arg2[%dma_wait3A_777, %dma_wait3A_778] : memref<10240x128xf32, #tpu.memory_space<hbm>> -> memref<10240x128xf32, #tpu.memory_space<hbm>>
      tpu.wait_indirect_dma semaphore(%arg11 : memref<!tpu.dma_semaphore, #tpu.memory_space<semaphore_mem>>) src(%dma_wait3A_779 : memref<10240x128xf32, #tpu.memory_space<hbm>>) dst(%arg8 : memref<125x128xf32, #tpu.memory_space<vmem>>)
      %dma_start3A_780 = arith.constant 1 : i32
      %dma_start3A_781 = arith.constant 1 : i32
      %dma_start3A_782 = arith.constant 0 : i32
      %dma_start3A_783 = tpu.memref_slice %arg6[%dma_start3A_780, %dma_start3A_781, %dma_start3A_782] : memref<4x2x125xi32, #tpu.memory_space<vmem>> -> memref<1x1x125xi32, #tpu.memory_space<vmem>>
      %dma_start3A_784 = tpu.memref_squeeze %dma_start3A_783 : memref<1x1x125xi32, #tpu.memory_space<vmem>> -> memref<125xi32, #tpu.memory_space<vmem>>
      %dma_start3A_785 = arith.constant 0 : i32
      %dma_start3A_786 = arith.constant 0 : i32
      %dma_start3A_787 = tpu.memref_slice %arg9[%dma_start3A_785, %dma_start3A_786] : memref<10240x128xf32, #tpu.memory_space<vmem_shared>> -> memref<10240x128xf32, #tpu.memory_space<vmem_shared>>
      tpu.enqueue_indirect_dma source(%arg8 : memref<125x128xf32, #tpu.memory_space<vmem>>) target(%dma_start3A_787 : memref<10240x128xf32, #tpu.memory_space<vmem_shared>>) offsets(%dma_start3A_784 : memref<125xi32, #tpu.memory_space<vmem>>) semaphore(%arg13 : memref<!tpu.dma_semaphore, #tpu.memory_space<semaphore_mem>>) {add = true}
      %dma_wait3A_788 = arith.constant 0 : i32
      %dma_wait3A_789 = arith.constant 1 : i32
      %dma_wait3A_790 = arith.constant 0 : i32
      %dma_wait3A_791 = tpu.memref_slice %arg6[%dma_wait3A_788, %dma_wait3A_789, %dma_wait3A_790] : memref<4x2x125xi32, #tpu.memory_space<vmem>> -> memref<1x1x125xi32, #tpu.memory_space<vmem>>
      %dma_wait3A_792 = tpu.memref_squeeze %dma_wait3A_791 : memref<1x1x125xi32, #tpu.memory_space<vmem>> -> memref<125xi32, #tpu.memory_space<vmem>>
      %dma_wait3A_793 = arith.constant 0 : i32
      %dma_wait3A_794 = arith.constant 0 : i32
      %dma_wait3A_795 = tpu.memref_slice %arg9[%dma_wait3A_793, %dma_wait3A_794] : memref<10240x128xf32, #tpu.memory_space<vmem_shared>> -> memref<10240x128xf32, #tpu.memory_space<vmem_shared>>
      tpu.wait_indirect_dma semaphore(%arg13 : memref<!tpu.dma_semaphore, #tpu.memory_space<semaphore_mem>>) src(%arg8 : memref<125x128xf32, #tpu.memory_space<vmem>>) dst(%dma_wait3A_795 : memref<10240x128xf32, #tpu.memory_space<vmem_shared>>)
      %dma_wait3A_796 = arith.constant 3 : i32
      %dma_wait3A_797 = arith.constant 0 : i32
      %dma_wait3A_798 = arith.constant 0 : i32
      %dma_wait3A_799 = tpu.memref_slice %arg6[%dma_wait3A_796, %dma_wait3A_797, %dma_wait3A_798] : memref<4x2x125xi32, #tpu.memory_space<vmem>> -> memref<1x2x125xi32, #tpu.memory_space<vmem>>
      %dma_wait3A_800 = tpu.memref_squeeze %dma_wait3A_799 : memref<1x2x125xi32, #tpu.memory_space<vmem>> -> memref<2x125xi32, #tpu.memory_space<vmem>>
      %dma_wait3A_801 = arith.constant 0 : i32
      %dma_wait3A_802 = arith.constant 0 : i32
      %dma_wait3A_803 = tpu.memref_slice %arg3[%mul3A_2, %dma_wait3A_801, %dma_wait3A_802] : memref<2560x2x125xi32, #tpu.memory_space<hbm>> -> memref<1x2x125xi32, #tpu.memory_space<hbm>>
      %dma_wait3A_804 = tpu.memref_squeeze %dma_wait3A_803 : memref<1x2x125xi32, #tpu.memory_space<hbm>> -> memref<2x125xi32, #tpu.memory_space<hbm>>
      %dma_wait3A_805 = arith.constant 0 : i32
      %dma_wait3A_806 = arith.constant 0 : i32
      %dma_wait3A_807 = tpu.memref_slice %arg6[%dma_wait3A_796, %dma_wait3A_805, %dma_wait3A_806] : memref<4x2x125xi32, #tpu.memory_space<vmem>> -> memref<1x2x125xi32, #tpu.memory_space<vmem>>
      %dma_wait3A_808 = tpu.memref_squeeze %dma_wait3A_807 : memref<1x2x125xi32, #tpu.memory_space<vmem>> -> memref<2x125xi32, #tpu.memory_space<vmem>>
      %dma_wait3A_809 = arith.constant 0 : i32
      %dma_wait3A_810 = arith.constant 0 : i32
      %dma_wait3A_811 = tpu.memref_slice %arg3[%mul3A_2, %dma_wait3A_809, %dma_wait3A_810] : memref<2560x2x125xi32, #tpu.memory_space<hbm>> -> memref<1x2x125xi32, #tpu.memory_space<hbm>>
      %dma_wait3A_812 = tpu.memref_squeeze %dma_wait3A_811 : memref<1x2x125xi32, #tpu.memory_space<hbm>> -> memref<2x125xi32, #tpu.memory_space<hbm>>
      tpu.wait_dma2 semaphore(%arg17 : memref<!tpu.dma_semaphore, #tpu.memory_space<semaphore_mem>>) src(%dma_wait3A_812 : memref<2x125xi32, #tpu.memory_space<hbm>>) dst(%dma_wait3A_808 : memref<2x125xi32, #tpu.memory_space<vmem>>)
      %dma_start3A_813 = arith.constant 3 : i32
      %dma_start3A_814 = arith.constant 0 : i32
      %dma_start3A_815 = arith.constant 0 : i32
      %dma_start3A_816 = tpu.memref_slice %arg6[%dma_start3A_813, %dma_start3A_814, %dma_start3A_815] : memref<4x2x125xi32, #tpu.memory_space<vmem>> -> memref<1x1x125xi32, #tpu.memory_space<vmem>>
      %dma_start3A_817 = tpu.memref_squeeze %dma_start3A_816 : memref<1x1x125xi32, #tpu.memory_space<vmem>> -> memref<125xi32, #tpu.memory_space<vmem>>
      %dma_start3A_818 = arith.constant 0 : i32
      %dma_start3A_819 = arith.constant 0 : i32
      %dma_start3A_820 = tpu.memref_slice %arg2[%dma_start3A_818, %dma_start3A_819] : memref<10240x128xf32, #tpu.memory_space<hbm>> -> memref<10240x128xf32, #tpu.memory_space<hbm>>
      tpu.enqueue_indirect_dma source(%dma_start3A_820 : memref<10240x128xf32, #tpu.memory_space<hbm>>) target(%arg8 : memref<125x128xf32, #tpu.memory_space<vmem>>) offsets(%dma_start3A_817 : memref<125xi32, #tpu.memory_space<vmem>>) semaphore(%arg11 : memref<!tpu.dma_semaphore, #tpu.memory_space<semaphore_mem>>)
      %mul3A_821 = arith.constant 4 : i32
      %mul3A_822 = arith.muli %mul3A_821, %scan3A_676 : i32
      %add3A_823 = arith.constant 2 : i32
      %add3A_824 = arith.addi %mul3A_822, %add3A_823 : i32
      %add3A_825 = arith.constant 2 : i32
      %add3A_826 = arith.addi %add3A_824, %add3A_825 : i32
      %rem3A_827 = arith.constant 80 : i32
      %rem3A_828 = arith.remsi %add3A_826, %rem3A_827 : i32
      %add3A_829 = arith.addi %mul3A_2, %rem3A_828 : i32
      %dma_start3A_830 = arith.constant 0 : i32
      %dma_start3A_831 = arith.constant 0 : i32
      %dma_start3A_832 = arith.constant 0 : i32
      %dma_start3A_833 = tpu.memref_slice %arg6[%dma_start3A_830, %dma_start3A_831, %dma_start3A_832] : memref<4x2x125xi32, #tpu.memory_space<vmem>> -> memref<1x2x125xi32, #tpu.memory_space<vmem>>
      %dma_start3A_834 = tpu.memref_squeeze %dma_start3A_833 : memref<1x2x125xi32, #tpu.memory_space<vmem>> -> memref<2x125xi32, #tpu.memory_space<vmem>>
      %dma_start3A_835 = arith.constant 0 : i32
      %dma_start3A_836 = arith.constant 0 : i32
      %dma_start3A_837 = tpu.memref_slice %arg3[%add3A_829, %dma_start3A_835, %dma_start3A_836] : memref<2560x2x125xi32, #tpu.memory_space<hbm>> -> memref<1x2x125xi32, #tpu.memory_space<hbm>>
      %dma_start3A_838 = tpu.memref_squeeze %dma_start3A_837 : memref<1x2x125xi32, #tpu.memory_space<hbm>> -> memref<2x125xi32, #tpu.memory_space<hbm>>
      %dma_start3A_839 = arith.constant 0 : i32
      %dma_start3A_840 = arith.constant 0 : i32
      %dma_start3A_841 = tpu.memref_slice %arg6[%dma_start3A_830, %dma_start3A_839, %dma_start3A_840] : memref<4x2x125xi32, #tpu.memory_space<vmem>> -> memref<1x2x125xi32, #tpu.memory_space<vmem>>
      %dma_start3A_842 = tpu.memref_squeeze %dma_start3A_841 : memref<1x2x125xi32, #tpu.memory_space<vmem>> -> memref<2x125xi32, #tpu.memory_space<vmem>>
      %dma_start3A_843 = arith.constant 0 : i32
      %dma_start3A_844 = arith.constant 0 : i32
      %dma_start3A_845 = tpu.memref_slice %arg3[%add3A_829, %dma_start3A_843, %dma_start3A_844] : memref<2560x2x125xi32, #tpu.memory_space<hbm>> -> memref<1x2x125xi32, #tpu.memory_space<hbm>>
      %dma_start3A_846 = tpu.memref_squeeze %dma_start3A_845 : memref<1x2x125xi32, #tpu.memory_space<hbm>> -> memref<2x125xi32, #tpu.memory_space<hbm>>
      tpu.enqueue_dma source(%dma_start3A_846 : memref<2x125xi32, #tpu.memory_space<hbm>>) target(%dma_start3A_842 : memref<2x125xi32, #tpu.memory_space<vmem>>) target_semaphore(%arg14 : memref<!tpu.dma_semaphore, #tpu.memory_space<semaphore_mem>>)
      %add3A_847 = arith.constant 3 : i32
      %add3A_848 = arith.addi %add3A_824, %add3A_847 : i32
      %rem3A_849 = arith.constant 80 : i32
      %rem3A_850 = arith.remsi %add3A_848, %rem3A_849 : i32
      %add3A_851 = arith.addi %mul3A_2, %rem3A_850 : i32
      %dma_start3A_852 = arith.constant 1 : i32
      %dma_start3A_853 = arith.constant 0 : i32
      %dma_start3A_854 = arith.constant 0 : i32
      %dma_start3A_855 = tpu.memref_slice %arg6[%dma_start3A_852, %dma_start3A_853, %dma_start3A_854] : memref<4x2x125xi32, #tpu.memory_space<vmem>> -> memref<1x2x125xi32, #tpu.memory_space<vmem>>
      %dma_start3A_856 = tpu.memref_squeeze %dma_start3A_855 : memref<1x2x125xi32, #tpu.memory_space<vmem>> -> memref<2x125xi32, #tpu.memory_space<vmem>>
      %dma_start3A_857 = arith.constant 0 : i32
      %dma_start3A_858 = arith.constant 0 : i32
      %dma_start3A_859 = tpu.memref_slice %arg3[%add3A_851, %dma_start3A_857, %dma_start3A_858] : memref<2560x2x125xi32, #tpu.memory_space<hbm>> -> memref<1x2x125xi32, #tpu.memory_space<hbm>>
      %dma_start3A_860 = tpu.memref_squeeze %dma_start3A_859 : memref<1x2x125xi32, #tpu.memory_space<hbm>> -> memref<2x125xi32, #tpu.memory_space<hbm>>
      %dma_start3A_861 = arith.constant 0 : i32
      %dma_start3A_862 = arith.constant 0 : i32
      %dma_start3A_863 = tpu.memref_slice %arg6[%dma_start3A_852, %dma_start3A_861, %dma_start3A_862] : memref<4x2x125xi32, #tpu.memory_space<vmem>> -> memref<1x2x125xi32, #tpu.memory_space<vmem>>
      %dma_start3A_864 = tpu.memref_squeeze %dma_start3A_863 : memref<1x2x125xi32, #tpu.memory_space<vmem>> -> memref<2x125xi32, #tpu.memory_space<vmem>>
      %dma_start3A_865 = arith.constant 0 : i32
      %dma_start3A_866 = arith.constant 0 : i32
      %dma_start3A_867 = tpu.memref_slice %arg3[%add3A_851, %dma_start3A_865, %dma_start3A_866] : memref<2560x2x125xi32, #tpu.memory_space<hbm>> -> memref<1x2x125xi32, #tpu.memory_space<hbm>>
      %dma_start3A_868 = tpu.memref_squeeze %dma_start3A_867 : memref<1x2x125xi32, #tpu.memory_space<hbm>> -> memref<2x125xi32, #tpu.memory_space<hbm>>
      tpu.enqueue_dma source(%dma_start3A_868 : memref<2x125xi32, #tpu.memory_space<hbm>>) target(%dma_start3A_864 : memref<2x125xi32, #tpu.memory_space<vmem>>) target_semaphore(%arg15 : memref<!tpu.dma_semaphore, #tpu.memory_space<semaphore_mem>>)
      %dma_wait3A_869 = arith.constant 0 : i32
      %dma_wait3A_870 = arith.constant 0 : i32
      %dma_wait3A_871 = arith.constant 0 : i32
      %dma_wait3A_872 = tpu.memref_slice %arg6[%dma_wait3A_869, %dma_wait3A_870, %dma_wait3A_871] : memref<4x2x125xi32, #tpu.memory_space<vmem>> -> memref<1x1x125xi32, #tpu.memory_space<vmem>>
      %dma_wait3A_873 = tpu.memref_squeeze %dma_wait3A_872 : memref<1x1x125xi32, #tpu.memory_space<vmem>> -> memref<125xi32, #tpu.memory_space<vmem>>
      %dma_wait3A_874 = arith.constant 0 : i32
      %dma_wait3A_875 = arith.constant 0 : i32
      %dma_wait3A_876 = tpu.memref_slice %arg2[%dma_wait3A_874, %dma_wait3A_875] : memref<10240x128xf32, #tpu.memory_space<hbm>> -> memref<10240x128xf32, #tpu.memory_space<hbm>>
      tpu.wait_indirect_dma semaphore(%arg10 : memref<!tpu.dma_semaphore, #tpu.memory_space<semaphore_mem>>) src(%dma_wait3A_876 : memref<10240x128xf32, #tpu.memory_space<hbm>>) dst(%arg7 : memref<125x128xf32, #tpu.memory_space<vmem>>)
      %dma_start3A_877 = arith.constant 2 : i32
      %dma_start3A_878 = arith.constant 1 : i32
      %dma_start3A_879 = arith.constant 0 : i32
      %dma_start3A_880 = tpu.memref_slice %arg6[%dma_start3A_877, %dma_start3A_878, %dma_start3A_879] : memref<4x2x125xi32, #tpu.memory_space<vmem>> -> memref<1x1x125xi32, #tpu.memory_space<vmem>>
      %dma_start3A_881 = tpu.memref_squeeze %dma_start3A_880 : memref<1x1x125xi32, #tpu.memory_space<vmem>> -> memref<125xi32, #tpu.memory_space<vmem>>
      %dma_start3A_882 = arith.constant 0 : i32
      %dma_start3A_883 = arith.constant 0 : i32
      %dma_start3A_884 = tpu.memref_slice %arg9[%dma_start3A_882, %dma_start3A_883] : memref<10240x128xf32, #tpu.memory_space<vmem_shared>> -> memref<10240x128xf32, #tpu.memory_space<vmem_shared>>
      tpu.enqueue_indirect_dma source(%arg7 : memref<125x128xf32, #tpu.memory_space<vmem>>) target(%dma_start3A_884 : memref<10240x128xf32, #tpu.memory_space<vmem_shared>>) offsets(%dma_start3A_881 : memref<125xi32, #tpu.memory_space<vmem>>) semaphore(%arg12 : memref<!tpu.dma_semaphore, #tpu.memory_space<semaphore_mem>>) {add = true}
      %dma_wait3A_885 = arith.constant 0 : i32
      %dma_wait3A_886 = arith.constant 1 : i32
      %dma_wait3A_887 = arith.constant 0 : i32
      %dma_wait3A_888 = tpu.memref_slice %arg6[%dma_wait3A_885, %dma_wait3A_886, %dma_wait3A_887] : memref<4x2x125xi32, #tpu.memory_space<vmem>> -> memref<1x1x125xi32, #tpu.memory_space<vmem>>
      %dma_wait3A_889 = tpu.memref_squeeze %dma_wait3A_888 : memref<1x1x125xi32, #tpu.memory_space<vmem>> -> memref<125xi32, #tpu.memory_space<vmem>>
      %dma_wait3A_890 = arith.constant 0 : i32
      %dma_wait3A_891 = arith.constant 0 : i32
      %dma_wait3A_892 = tpu.memref_slice %arg9[%dma_wait3A_890, %dma_wait3A_891] : memref<10240x128xf32, #tpu.memory_space<vmem_shared>> -> memref<10240x128xf32, #tpu.memory_space<vmem_shared>>
      tpu.wait_indirect_dma semaphore(%arg12 : memref<!tpu.dma_semaphore, #tpu.memory_space<semaphore_mem>>) src(%arg7 : memref<125x128xf32, #tpu.memory_space<vmem>>) dst(%dma_wait3A_892 : memref<10240x128xf32, #tpu.memory_space<vmem_shared>>)
      %dma_wait3A_893 = arith.constant 0 : i32
      %dma_wait3A_894 = arith.constant 0 : i32
      %dma_wait3A_895 = arith.constant 0 : i32
      %dma_wait3A_896 = tpu.memref_slice %arg6[%dma_wait3A_893, %dma_wait3A_894, %dma_wait3A_895] : memref<4x2x125xi32, #tpu.memory_space<vmem>> -> memref<1x2x125xi32, #tpu.memory_space<vmem>>
      %dma_wait3A_897 = tpu.memref_squeeze %dma_wait3A_896 : memref<1x2x125xi32, #tpu.memory_space<vmem>> -> memref<2x125xi32, #tpu.memory_space<vmem>>
      %dma_wait3A_898 = arith.constant 0 : i32
      %dma_wait3A_899 = arith.constant 0 : i32
      %dma_wait3A_900 = tpu.memref_slice %arg3[%mul3A_2, %dma_wait3A_898, %dma_wait3A_899] : memref<2560x2x125xi32, #tpu.memory_space<hbm>> -> memref<1x2x125xi32, #tpu.memory_space<hbm>>
      %dma_wait3A_901 = tpu.memref_squeeze %dma_wait3A_900 : memref<1x2x125xi32, #tpu.memory_space<hbm>> -> memref<2x125xi32, #tpu.memory_space<hbm>>
      %dma_wait3A_902 = arith.constant 0 : i32
      %dma_wait3A_903 = arith.constant 0 : i32
      %dma_wait3A_904 = tpu.memref_slice %arg6[%dma_wait3A_893, %dma_wait3A_902, %dma_wait3A_903] : memref<4x2x125xi32, #tpu.memory_space<vmem>> -> memref<1x2x125xi32, #tpu.memory_space<vmem>>
      %dma_wait3A_905 = tpu.memref_squeeze %dma_wait3A_904 : memref<1x2x125xi32, #tpu.memory_space<vmem>> -> memref<2x125xi32, #tpu.memory_space<vmem>>
      %dma_wait3A_906 = arith.constant 0 : i32
      %dma_wait3A_907 = arith.constant 0 : i32
      %dma_wait3A_908 = tpu.memref_slice %arg3[%mul3A_2, %dma_wait3A_906, %dma_wait3A_907] : memref<2560x2x125xi32, #tpu.memory_space<hbm>> -> memref<1x2x125xi32, #tpu.memory_space<hbm>>
      %dma_wait3A_909 = tpu.memref_squeeze %dma_wait3A_908 : memref<1x2x125xi32, #tpu.memory_space<hbm>> -> memref<2x125xi32, #tpu.memory_space<hbm>>
      tpu.wait_dma2 semaphore(%arg14 : memref<!tpu.dma_semaphore, #tpu.memory_space<semaphore_mem>>) src(%dma_wait3A_909 : memref<2x125xi32, #tpu.memory_space<hbm>>) dst(%dma_wait3A_905 : memref<2x125xi32, #tpu.memory_space<vmem>>)
      %dma_start3A_910 = arith.constant 0 : i32
      %dma_start3A_911 = arith.constant 0 : i32
      %dma_start3A_912 = arith.constant 0 : i32
      %dma_start3A_913 = tpu.memref_slice %arg6[%dma_start3A_910, %dma_start3A_911, %dma_start3A_912] : memref<4x2x125xi32, #tpu.memory_space<vmem>> -> memref<1x1x125xi32, #tpu.memory_space<vmem>>
      %dma_start3A_914 = tpu.memref_squeeze %dma_start3A_913 : memref<1x1x125xi32, #tpu.memory_space<vmem>> -> memref<125xi32, #tpu.memory_space<vmem>>
      %dma_start3A_915 = arith.constant 0 : i32
      %dma_start3A_916 = arith.constant 0 : i32
      %dma_start3A_917 = tpu.memref_slice %arg2[%dma_start3A_915, %dma_start3A_916] : memref<10240x128xf32, #tpu.memory_space<hbm>> -> memref<10240x128xf32, #tpu.memory_space<hbm>>
      tpu.enqueue_indirect_dma source(%dma_start3A_917 : memref<10240x128xf32, #tpu.memory_space<hbm>>) target(%arg7 : memref<125x128xf32, #tpu.memory_space<vmem>>) offsets(%dma_start3A_914 : memref<125xi32, #tpu.memory_space<vmem>>) semaphore(%arg10 : memref<!tpu.dma_semaphore, #tpu.memory_space<semaphore_mem>>)
      %dma_wait3A_918 = arith.constant 0 : i32
      %dma_wait3A_919 = arith.constant 0 : i32
      %dma_wait3A_920 = arith.constant 0 : i32
      %dma_wait3A_921 = tpu.memref_slice %arg6[%dma_wait3A_918, %dma_wait3A_919, %dma_wait3A_920] : memref<4x2x125xi32, #tpu.memory_space<vmem>> -> memref<1x1x125xi32, #tpu.memory_space<vmem>>
      %dma_wait3A_922 = tpu.memref_squeeze %dma_wait3A_921 : memref<1x1x125xi32, #tpu.memory_space<vmem>> -> memref<125xi32, #tpu.memory_space<vmem>>
      %dma_wait3A_923 = arith.constant 0 : i32
      %dma_wait3A_924 = arith.constant 0 : i32
      %dma_wait3A_925 = tpu.memref_slice %arg2[%dma_wait3A_923, %dma_wait3A_924] : memref<10240x128xf32, #tpu.memory_space<hbm>> -> memref<10240x128xf32, #tpu.memory_space<hbm>>
      tpu.wait_indirect_dma semaphore(%arg11 : memref<!tpu.dma_semaphore, #tpu.memory_space<semaphore_mem>>) src(%dma_wait3A_925 : memref<10240x128xf32, #tpu.memory_space<hbm>>) dst(%arg8 : memref<125x128xf32, #tpu.memory_space<vmem>>)
      %dma_start3A_926 = arith.constant 3 : i32
      %dma_start3A_927 = arith.constant 1 : i32
      %dma_start3A_928 = arith.constant 0 : i32
      %dma_start3A_929 = tpu.memref_slice %arg6[%dma_start3A_926, %dma_start3A_927, %dma_start3A_928] : memref<4x2x125xi32, #tpu.memory_space<vmem>> -> memref<1x1x125xi32, #tpu.memory_space<vmem>>
      %dma_start3A_930 = tpu.memref_squeeze %dma_start3A_929 : memref<1x1x125xi32, #tpu.memory_space<vmem>> -> memref<125xi32, #tpu.memory_space<vmem>>
      %dma_start3A_931 = arith.constant 0 : i32
      %dma_start3A_932 = arith.constant 0 : i32
      %dma_start3A_933 = tpu.memref_slice %arg9[%dma_start3A_931, %dma_start3A_932] : memref<10240x128xf32, #tpu.memory_space<vmem_shared>> -> memref<10240x128xf32, #tpu.memory_space<vmem_shared>>
      tpu.enqueue_indirect_dma source(%arg8 : memref<125x128xf32, #tpu.memory_space<vmem>>) target(%dma_start3A_933 : memref<10240x128xf32, #tpu.memory_space<vmem_shared>>) offsets(%dma_start3A_930 : memref<125xi32, #tpu.memory_space<vmem>>) semaphore(%arg13 : memref<!tpu.dma_semaphore, #tpu.memory_space<semaphore_mem>>) {add = true}
      %dma_wait3A_934 = arith.constant 0 : i32
      %dma_wait3A_935 = arith.constant 1 : i32
      %dma_wait3A_936 = arith.constant 0 : i32
      %dma_wait3A_937 = tpu.memref_slice %arg6[%dma_wait3A_934, %dma_wait3A_935, %dma_wait3A_936] : memref<4x2x125xi32, #tpu.memory_space<vmem>> -> memref<1x1x125xi32, #tpu.memory_space<vmem>>
      %dma_wait3A_938 = tpu.memref_squeeze %dma_wait3A_937 : memref<1x1x125xi32, #tpu.memory_space<vmem>> -> memref<125xi32, #tpu.memory_space<vmem>>
      %dma_wait3A_939 = arith.constant 0 : i32
      %dma_wait3A_940 = arith.constant 0 : i32
      %dma_wait3A_941 = tpu.memref_slice %arg9[%dma_wait3A_939, %dma_wait3A_940] : memref<10240x128xf32, #tpu.memory_space<vmem_shared>> -> memref<10240x128xf32, #tpu.memory_space<vmem_shared>>
      tpu.wait_indirect_dma semaphore(%arg13 : memref<!tpu.dma_semaphore, #tpu.memory_space<semaphore_mem>>) src(%arg8 : memref<125x128xf32, #tpu.memory_space<vmem>>) dst(%dma_wait3A_941 : memref<10240x128xf32, #tpu.memory_space<vmem_shared>>)
      %dma_wait3A_942 = arith.constant 1 : i32
      %dma_wait3A_943 = arith.constant 0 : i32
      %dma_wait3A_944 = arith.constant 0 : i32
      %dma_wait3A_945 = tpu.memref_slice %arg6[%dma_wait3A_942, %dma_wait3A_943, %dma_wait3A_944] : memref<4x2x125xi32, #tpu.memory_space<vmem>> -> memref<1x2x125xi32, #tpu.memory_space<vmem>>
      %dma_wait3A_946 = tpu.memref_squeeze %dma_wait3A_945 : memref<1x2x125xi32, #tpu.memory_space<vmem>> -> memref<2x125xi32, #tpu.memory_space<vmem>>
      %dma_wait3A_947 = arith.constant 0 : i32
      %dma_wait3A_948 = arith.constant 0 : i32
      %dma_wait3A_949 = tpu.memref_slice %arg3[%mul3A_2, %dma_wait3A_947, %dma_wait3A_948] : memref<2560x2x125xi32, #tpu.memory_space<hbm>> -> memref<1x2x125xi32, #tpu.memory_space<hbm>>
      %dma_wait3A_950 = tpu.memref_squeeze %dma_wait3A_949 : memref<1x2x125xi32, #tpu.memory_space<hbm>> -> memref<2x125xi32, #tpu.memory_space<hbm>>
      %dma_wait3A_951 = arith.constant 0 : i32
      %dma_wait3A_952 = arith.constant 0 : i32
      %dma_wait3A_953 = tpu.memref_slice %arg6[%dma_wait3A_942, %dma_wait3A_951, %dma_wait3A_952] : memref<4x2x125xi32, #tpu.memory_space<vmem>> -> memref<1x2x125xi32, #tpu.memory_space<vmem>>
      %dma_wait3A_954 = tpu.memref_squeeze %dma_wait3A_953 : memref<1x2x125xi32, #tpu.memory_space<vmem>> -> memref<2x125xi32, #tpu.memory_space<vmem>>
      %dma_wait3A_955 = arith.constant 0 : i32
      %dma_wait3A_956 = arith.constant 0 : i32
      %dma_wait3A_957 = tpu.memref_slice %arg3[%mul3A_2, %dma_wait3A_955, %dma_wait3A_956] : memref<2560x2x125xi32, #tpu.memory_space<hbm>> -> memref<1x2x125xi32, #tpu.memory_space<hbm>>
      %dma_wait3A_958 = tpu.memref_squeeze %dma_wait3A_957 : memref<1x2x125xi32, #tpu.memory_space<hbm>> -> memref<2x125xi32, #tpu.memory_space<hbm>>
      tpu.wait_dma2 semaphore(%arg15 : memref<!tpu.dma_semaphore, #tpu.memory_space<semaphore_mem>>) src(%dma_wait3A_958 : memref<2x125xi32, #tpu.memory_space<hbm>>) dst(%dma_wait3A_954 : memref<2x125xi32, #tpu.memory_space<vmem>>)
      %dma_start3A_959 = arith.constant 1 : i32
      %dma_start3A_960 = arith.constant 0 : i32
      %dma_start3A_961 = arith.constant 0 : i32
      %dma_start3A_962 = tpu.memref_slice %arg6[%dma_start3A_959, %dma_start3A_960, %dma_start3A_961] : memref<4x2x125xi32, #tpu.memory_space<vmem>> -> memref<1x1x125xi32, #tpu.memory_space<vmem>>
      %dma_start3A_963 = tpu.memref_squeeze %dma_start3A_962 : memref<1x1x125xi32, #tpu.memory_space<vmem>> -> memref<125xi32, #tpu.memory_space<vmem>>
      %dma_start3A_964 = arith.constant 0 : i32
      %dma_start3A_965 = arith.constant 0 : i32
      %dma_start3A_966 = tpu.memref_slice %arg2[%dma_start3A_964, %dma_start3A_965] : memref<10240x128xf32, #tpu.memory_space<hbm>> -> memref<10240x128xf32, #tpu.memory_space<hbm>>
      tpu.enqueue_indirect_dma source(%dma_start3A_966 : memref<10240x128xf32, #tpu.memory_space<hbm>>) target(%arg8 : memref<125x128xf32, #tpu.memory_space<vmem>>) offsets(%dma_start3A_963 : memref<125xi32, #tpu.memory_space<vmem>>) semaphore(%arg11 : memref<!tpu.dma_semaphore, #tpu.memory_space<semaphore_mem>>)
    }
    %scan3A_274 = arith.constant 20 : i32
    %dma_wait3A_275 = arith.constant 0 : i32
    %dma_wait3A_276 = arith.constant 0 : i32
    %dma_wait3A_277 = arith.constant 0 : i32
    %dma_wait3A_278 = tpu.memref_slice %arg6[%dma_wait3A_275, %dma_wait3A_276, %dma_wait3A_277] : memref<4x2x125xi32, #tpu.memory_space<vmem>> -> memref<1x1x125xi32, #tpu.memory_space<vmem>>
    %dma_wait3A_279 = tpu.memref_squeeze %dma_wait3A_278 : memref<1x1x125xi32, #tpu.memory_space<vmem>> -> memref<125xi32, #tpu.memory_space<vmem>>
    %dma_wait3A_280 = arith.constant 0 : i32
    %dma_wait3A_281 = arith.constant 0 : i32
    %dma_wait3A_282 = tpu.memref_slice %arg2[%dma_wait3A_280, %dma_wait3A_281] : memref<10240x128xf32, #tpu.memory_space<hbm>> -> memref<10240x128xf32, #tpu.memory_space<hbm>>
    tpu.wait_indirect_dma semaphore(%arg10 : memref<!tpu.dma_semaphore, #tpu.memory_space<semaphore_mem>>) src(%dma_wait3A_282 : memref<10240x128xf32, #tpu.memory_space<hbm>>) dst(%arg7 : memref<125x128xf32, #tpu.memory_space<vmem>>)
    %dma_wait3A_283 = arith.constant 0 : i32
    %dma_wait3A_284 = arith.constant 0 : i32
    %dma_wait3A_285 = arith.constant 0 : i32
    %dma_wait3A_286 = tpu.memref_slice %arg6[%dma_wait3A_283, %dma_wait3A_284, %dma_wait3A_285] : memref<4x2x125xi32, #tpu.memory_space<vmem>> -> memref<1x1x125xi32, #tpu.memory_space<vmem>>
    %dma_wait3A_287 = tpu.memref_squeeze %dma_wait3A_286 : memref<1x1x125xi32, #tpu.memory_space<vmem>> -> memref<125xi32, #tpu.memory_space<vmem>>
    %dma_wait3A_288 = arith.constant 0 : i32
    %dma_wait3A_289 = arith.constant 0 : i32
    %dma_wait3A_290 = tpu.memref_slice %arg2[%dma_wait3A_288, %dma_wait3A_289] : memref<10240x128xf32, #tpu.memory_space<hbm>> -> memref<10240x128xf32, #tpu.memory_space<hbm>>
    tpu.wait_indirect_dma semaphore(%arg11 : memref<!tpu.dma_semaphore, #tpu.memory_space<semaphore_mem>>) src(%dma_wait3A_290 : memref<10240x128xf32, #tpu.memory_space<hbm>>) dst(%arg8 : memref<125x128xf32, #tpu.memory_space<vmem>>)
    %barrier3A_291 = arith.constant 0 : index
    tpu.barrier barrier_id(%barrier3A_291)
    %add3A_292 = arith.constant 0 : i32
    %add3A_293 = arith.addi %mul3A_4, %add3A_292 : i32
    %dma_start3A_294 = arith.constant 0 : i32
    %dma_start3A_295 = arith.constant 0 : i32
    %dma_start3A_296 = tpu.memref_slice %arg7[%dma_start3A_294, %dma_start3A_295] : memref<125x128xf32, #tpu.memory_space<vmem>> -> memref<80x128xf32, #tpu.memory_space<vmem>>
    %dma_start3A_297 = arith.constant 0 : i32
    %dma_start3A_298 = tpu.memref_slice %arg9[%add3A_293, %dma_start3A_297] : memref<10240x128xf32, #tpu.memory_space<vmem_shared>> -> memref<80x128xf32, #tpu.memory_space<vmem_shared>>
    %dma_start3A_299 = arith.constant 0 : i32
    %dma_start3A_300 = arith.constant 0 : i32
    %dma_start3A_301 = tpu.memref_slice %arg7[%dma_start3A_299, %dma_start3A_300] : memref<125x128xf32, #tpu.memory_space<vmem>> -> memref<80x128xf32, #tpu.memory_space<vmem>>
    %dma_start3A_302 = arith.constant 0 : i32
    %dma_start3A_303 = tpu.memref_slice %arg9[%add3A_293, %dma_start3A_302] : memref<10240x128xf32, #tpu.memory_space<vmem_shared>> -> memref<80x128xf32, #tpu.memory_space<vmem_shared>>
    tpu.enqueue_dma source(%dma_start3A_303 : memref<80x128xf32, #tpu.memory_space<vmem_shared>>) target(%dma_start3A_301 : memref<80x128xf32, #tpu.memory_space<vmem>>) target_semaphore(%arg10 : memref<!tpu.dma_semaphore, #tpu.memory_space<semaphore_mem>>)
    %add3A_304 = arith.constant 80 : i32
    %add3A_305 = arith.addi %mul3A_4, %add3A_304 : i32
    %dma_start3A_306 = arith.constant 0 : i32
    %dma_start3A_307 = arith.constant 0 : i32
    %dma_start3A_308 = tpu.memref_slice %arg8[%dma_start3A_306, %dma_start3A_307] : memref<125x128xf32, #tpu.memory_space<vmem>> -> memref<80x128xf32, #tpu.memory_space<vmem>>
    %dma_start3A_309 = arith.constant 0 : i32
    %dma_start3A_310 = tpu.memref_slice %arg9[%add3A_305, %dma_start3A_309] : memref<10240x128xf32, #tpu.memory_space<vmem_shared>> -> memref<80x128xf32, #tpu.memory_space<vmem_shared>>
    %dma_start3A_311 = arith.constant 0 : i32
    %dma_start3A_312 = arith.constant 0 : i32
    %dma_start3A_313 = tpu.memref_slice %arg8[%dma_start3A_311, %dma_start3A_312] : memref<125x128xf32, #tpu.memory_space<vmem>> -> memref<80x128xf32, #tpu.memory_space<vmem>>
    %dma_start3A_314 = arith.constant 0 : i32
    %dma_start3A_315 = tpu.memref_slice %arg9[%add3A_305, %dma_start3A_314] : memref<10240x128xf32, #tpu.memory_space<vmem_shared>> -> memref<80x128xf32, #tpu.memory_space<vmem_shared>>
    tpu.enqueue_dma source(%dma_start3A_315 : memref<80x128xf32, #tpu.memory_space<vmem_shared>>) target(%dma_start3A_313 : memref<80x128xf32, #tpu.memory_space<vmem>>) target_semaphore(%arg11 : memref<!tpu.dma_semaphore, #tpu.memory_space<semaphore_mem>>)
    %dma_wait3A_316 = arith.constant 0 : i32
    %dma_wait3A_317 = arith.constant 0 : i32
    %dma_wait3A_318 = tpu.memref_slice %arg7[%dma_wait3A_316, %dma_wait3A_317] : memref<125x128xf32, #tpu.memory_space<vmem>> -> memref<80x128xf32, #tpu.memory_space<vmem>>
    %dma_wait3A_319 = arith.constant 0 : i32
    %dma_wait3A_320 = tpu.memref_slice %arg9[%mul3A_4, %dma_wait3A_319] : memref<10240x128xf32, #tpu.memory_space<vmem_shared>> -> memref<80x128xf32, #tpu.memory_space<vmem_shared>>
    %dma_wait3A_321 = arith.constant 0 : i32
    %dma_wait3A_322 = arith.constant 0 : i32
    %dma_wait3A_323 = tpu.memref_slice %arg7[%dma_wait3A_321, %dma_wait3A_322] : memref<125x128xf32, #tpu.memory_space<vmem>> -> memref<80x128xf32, #tpu.memory_space<vmem>>
    %dma_wait3A_324 = arith.constant 0 : i32
    %dma_wait3A_325 = tpu.memref_slice %arg9[%mul3A_4, %dma_wait3A_324] : memref<10240x128xf32, #tpu.memory_space<vmem_shared>> -> memref<80x128xf32, #tpu.memory_space<vmem_shared>>
    tpu.wait_dma2 semaphore(%arg10 : memref<!tpu.dma_semaphore, #tpu.memory_space<semaphore_mem>>) src(%dma_wait3A_325 : memref<80x128xf32, #tpu.memory_space<vmem_shared>>) dst(%dma_wait3A_323 : memref<80x128xf32, #tpu.memory_space<vmem>>)
    %add3A_326 = arith.constant 0 : i32
    %add3A_327 = arith.addi %mul3A_4, %add3A_326 : i32
    %dma_start3A_328 = arith.constant 0 : i32
    %dma_start3A_329 = arith.constant 0 : i32
    %dma_start3A_330 = tpu.memref_slice %arg7[%dma_start3A_328, %dma_start3A_329] : memref<125x128xf32, #tpu.memory_space<vmem>> -> memref<80x128xf32, #tpu.memory_space<vmem>>
    %dma_start3A_331 = arith.constant 0 : i32
    %dma_start3A_332 = tpu.memref_slice %arg5[%arg0, %add3A_327, %dma_start3A_331] : memref<2x10240x128xf32, #tpu.memory_space<hbm>> -> memref<1x80x128xf32, #tpu.memory_space<hbm>>
    %dma_start3A_333 = tpu.memref_squeeze %dma_start3A_332 : memref<1x80x128xf32, #tpu.memory_space<hbm>> -> memref<80x128xf32, #tpu.memory_space<hbm>>
    %dma_start3A_334 = arith.constant 0 : i32
    %dma_start3A_335 = tpu.memref_slice %arg5[%arg0, %add3A_327, %dma_start3A_334] : memref<2x10240x128xf32, #tpu.memory_space<hbm>> -> memref<1x80x128xf32, #tpu.memory_space<hbm>>
    %dma_start3A_336 = tpu.memref_squeeze %dma_start3A_335 : memref<1x80x128xf32, #tpu.memory_space<hbm>> -> memref<80x128xf32, #tpu.memory_space<hbm>>
    %dma_start3A_337 = arith.constant 0 : i32
    %dma_start3A_338 = arith.constant 0 : i32
    %dma_start3A_339 = tpu.memref_slice %arg7[%dma_start3A_337, %dma_start3A_338] : memref<125x128xf32, #tpu.memory_space<vmem>> -> memref<80x128xf32, #tpu.memory_space<vmem>>
    tpu.enqueue_dma source(%dma_start3A_339 : memref<80x128xf32, #tpu.memory_space<vmem>>) target(%dma_start3A_336 : memref<80x128xf32, #tpu.memory_space<hbm>>) target_semaphore(%arg12 : memref<!tpu.dma_semaphore, #tpu.memory_space<semaphore_mem>>)
    %dma_wait3A_340 = arith.constant 0 : i32
    %dma_wait3A_341 = arith.constant 0 : i32
    %dma_wait3A_342 = tpu.memref_slice %arg7[%dma_wait3A_340, %dma_wait3A_341] : memref<125x128xf32, #tpu.memory_space<vmem>> -> memref<80x128xf32, #tpu.memory_space<vmem>>
    %dma_wait3A_343 = arith.constant 0 : i32
    %dma_wait3A_344 = tpu.memref_slice %arg5[%arg0, %mul3A_4, %dma_wait3A_343] : memref<2x10240x128xf32, #tpu.memory_space<hbm>> -> memref<1x80x128xf32, #tpu.memory_space<hbm>>
    %dma_wait3A_345 = tpu.memref_squeeze %dma_wait3A_344 : memref<1x80x128xf32, #tpu.memory_space<hbm>> -> memref<80x128xf32, #tpu.memory_space<hbm>>
    %dma_wait3A_346 = arith.constant 0 : i32
    %dma_wait3A_347 = tpu.memref_slice %arg5[%arg0, %mul3A_4, %dma_wait3A_346] : memref<2x10240x128xf32, #tpu.memory_space<hbm>> -> memref<1x80x128xf32, #tpu.memory_space<hbm>>
    %dma_wait3A_348 = tpu.memref_squeeze %dma_wait3A_347 : memref<1x80x128xf32, #tpu.memory_space<hbm>> -> memref<80x128xf32, #tpu.memory_space<hbm>>
    %dma_wait3A_349 = arith.constant 0 : i32
    %dma_wait3A_350 = arith.constant 0 : i32
    %dma_wait3A_351 = tpu.memref_slice %arg7[%dma_wait3A_349, %dma_wait3A_350] : memref<125x128xf32, #tpu.memory_space<vmem>> -> memref<80x128xf32, #tpu.memory_space<vmem>>
    tpu.wait_dma2 semaphore(%arg12 : memref<!tpu.dma_semaphore, #tpu.memory_space<semaphore_mem>>) src(%dma_wait3A_351 : memref<80x128xf32, #tpu.memory_space<vmem>>) dst(%dma_wait3A_348 : memref<80x128xf32, #tpu.memory_space<hbm>>)
    %add3A_352 = arith.constant 160 : i32
    %add3A_353 = arith.addi %mul3A_4, %add3A_352 : i32
    %dma_start3A_354 = arith.constant 0 : i32
    %dma_start3A_355 = arith.constant 0 : i32
    %dma_start3A_356 = tpu.memref_slice %arg7[%dma_start3A_354, %dma_start3A_355] : memref<125x128xf32, #tpu.memory_space<vmem>> -> memref<80x128xf32, #tpu.memory_space<vmem>>
    %dma_start3A_357 = arith.constant 0 : i32
    %dma_start3A_358 = tpu.memref_slice %arg9[%add3A_353, %dma_start3A_357] : memref<10240x128xf32, #tpu.memory_space<vmem_shared>> -> memref<80x128xf32, #tpu.memory_space<vmem_shared>>
    %dma_start3A_359 = arith.constant 0 : i32
    %dma_start3A_360 = arith.constant 0 : i32
    %dma_start3A_361 = tpu.memref_slice %arg7[%dma_start3A_359, %dma_start3A_360] : memref<125x128xf32, #tpu.memory_space<vmem>> -> memref<80x128xf32, #tpu.memory_space<vmem>>
    %dma_start3A_362 = arith.constant 0 : i32
    %dma_start3A_363 = tpu.memref_slice %arg9[%add3A_353, %dma_start3A_362] : memref<10240x128xf32, #tpu.memory_space<vmem_shared>> -> memref<80x128xf32, #tpu.memory_space<vmem_shared>>
    tpu.enqueue_dma source(%dma_start3A_363 : memref<80x128xf32, #tpu.memory_space<vmem_shared>>) target(%dma_start3A_361 : memref<80x128xf32, #tpu.memory_space<vmem>>) target_semaphore(%arg10 : memref<!tpu.dma_semaphore, #tpu.memory_space<semaphore_mem>>)
    %dma_wait3A_364 = arith.constant 0 : i32
    %dma_wait3A_365 = arith.constant 0 : i32
    %dma_wait3A_366 = tpu.memref_slice %arg8[%dma_wait3A_364, %dma_wait3A_365] : memref<125x128xf32, #tpu.memory_space<vmem>> -> memref<80x128xf32, #tpu.memory_space<vmem>>
    %dma_wait3A_367 = arith.constant 0 : i32
    %dma_wait3A_368 = tpu.memref_slice %arg9[%mul3A_4, %dma_wait3A_367] : memref<10240x128xf32, #tpu.memory_space<vmem_shared>> -> memref<80x128xf32, #tpu.memory_space<vmem_shared>>
    %dma_wait3A_369 = arith.constant 0 : i32
    %dma_wait3A_370 = arith.constant 0 : i32
    %dma_wait3A_371 = tpu.memref_slice %arg8[%dma_wait3A_369, %dma_wait3A_370] : memref<125x128xf32, #tpu.memory_space<vmem>> -> memref<80x128xf32, #tpu.memory_space<vmem>>
    %dma_wait3A_372 = arith.constant 0 : i32
    %dma_wait3A_373 = tpu.memref_slice %arg9[%mul3A_4, %dma_wait3A_372] : memref<10240x128xf32, #tpu.memory_space<vmem_shared>> -> memref<80x128xf32, #tpu.memory_space<vmem_shared>>
    tpu.wait_dma2 semaphore(%arg11 : memref<!tpu.dma_semaphore, #tpu.memory_space<semaphore_mem>>) src(%dma_wait3A_373 : memref<80x128xf32, #tpu.memory_space<vmem_shared>>) dst(%dma_wait3A_371 : memref<80x128xf32, #tpu.memory_space<vmem>>)
    %add3A_374 = arith.constant 80 : i32
    %add3A_375 = arith.addi %mul3A_4, %add3A_374 : i32
    %dma_start3A_376 = arith.constant 0 : i32
    %dma_start3A_377 = arith.constant 0 : i32
    %dma_start3A_378 = tpu.memref_slice %arg8[%dma_start3A_376, %dma_start3A_377] : memref<125x128xf32, #tpu.memory_space<vmem>> -> memref<80x128xf32, #tpu.memory_space<vmem>>
    %dma_start3A_379 = arith.constant 0 : i32
    %dma_start3A_380 = tpu.memref_slice %arg5[%arg0, %add3A_375, %dma_start3A_379] : memref<2x10240x128xf32, #tpu.memory_space<hbm>> -> memref<1x80x128xf32, #tpu.memory_space<hbm>>
    %dma_start3A_381 = tpu.memref_squeeze %dma_start3A_380 : memref<1x80x128xf32, #tpu.memory_space<hbm>> -> memref<80x128xf32, #tpu.memory_space<hbm>>
    %dma_start3A_382 = arith.constant 0 : i32
    %dma_start3A_383 = tpu.memref_slice %arg5[%arg0, %add3A_375, %dma_start3A_382] : memref<2x10240x128xf32, #tpu.memory_space<hbm>> -> memref<1x80x128xf32, #tpu.memory_space<hbm>>
    %dma_start3A_384 = tpu.memref_squeeze %dma_start3A_383 : memref<1x80x128xf32, #tpu.memory_space<hbm>> -> memref<80x128xf32, #tpu.memory_space<hbm>>
    %dma_start3A_385 = arith.constant 0 : i32
    %dma_start3A_386 = arith.constant 0 : i32
    %dma_start3A_387 = tpu.memref_slice %arg8[%dma_start3A_385, %dma_start3A_386] : memref<125x128xf32, #tpu.memory_space<vmem>> -> memref<80x128xf32, #tpu.memory_space<vmem>>
    tpu.enqueue_dma source(%dma_start3A_387 : memref<80x128xf32, #tpu.memory_space<vmem>>) target(%dma_start3A_384 : memref<80x128xf32, #tpu.memory_space<hbm>>) target_semaphore(%arg13 : memref<!tpu.dma_semaphore, #tpu.memory_space<semaphore_mem>>)
    %dma_wait3A_388 = arith.constant 0 : i32
    %dma_wait3A_389 = arith.constant 0 : i32
    %dma_wait3A_390 = tpu.memref_slice %arg8[%dma_wait3A_388, %dma_wait3A_389] : memref<125x128xf32, #tpu.memory_space<vmem>> -> memref<80x128xf32, #tpu.memory_space<vmem>>
    %dma_wait3A_391 = arith.constant 0 : i32
    %dma_wait3A_392 = tpu.memref_slice %arg5[%arg0, %mul3A_4, %dma_wait3A_391] : memref<2x10240x128xf32, #tpu.memory_space<hbm>> -> memref<1x80x128xf32, #tpu.memory_space<hbm>>
    %dma_wait3A_393 = tpu.memref_squeeze %dma_wait3A_392 : memref<1x80x128xf32, #tpu.memory_space<hbm>> -> memref<80x128xf32, #tpu.memory_space<hbm>>
    %dma_wait3A_394 = arith.constant 0 : i32
    %dma_wait3A_395 = tpu.memref_slice %arg5[%arg0, %mul3A_4, %dma_wait3A_394] : memref<2x10240x128xf32, #tpu.memory_space<hbm>> -> memref<1x80x128xf32, #tpu.memory_space<hbm>>
    %dma_wait3A_396 = tpu.memref_squeeze %dma_wait3A_395 : memref<1x80x128xf32, #tpu.memory_space<hbm>> -> memref<80x128xf32, #tpu.memory_space<hbm>>
    %dma_wait3A_397 = arith.constant 0 : i32
    %dma_wait3A_398 = arith.constant 0 : i32
    %dma_wait3A_399 = tpu.memref_slice %arg8[%dma_wait3A_397, %dma_wait3A_398] : memref<125x128xf32, #tpu.memory_space<vmem>> -> memref<80x128xf32, #tpu.memory_space<vmem>>
    tpu.wait_dma2 semaphore(%arg13 : memref<!tpu.dma_semaphore, #tpu.memory_space<semaphore_mem>>) src(%dma_wait3A_399 : memref<80x128xf32, #tpu.memory_space<vmem>>) dst(%dma_wait3A_396 : memref<80x128xf32, #tpu.memory_space<hbm>>)
    %add3A_400 = arith.constant 240 : i32
    %add3A_401 = arith.addi %mul3A_4, %add3A_400 : i32
    %dma_start3A_402 = arith.constant 0 : i32
    %dma_start3A_403 = arith.constant 0 : i32
    %dma_start3A_404 = tpu.memref_slice %arg8[%dma_start3A_402, %dma_start3A_403] : memref<125x128xf32, #tpu.memory_space<vmem>> -> memref<80x128xf32, #tpu.memory_space<vmem>>
    %dma_start3A_405 = arith.constant 0 : i32
    %dma_start3A_406 = tpu.memref_slice %arg9[%add3A_401, %dma_start3A_405] : memref<10240x128xf32, #tpu.memory_space<vmem_shared>> -> memref<80x128xf32, #tpu.memory_space<vmem_shared>>
    %dma_start3A_407 = arith.constant 0 : i32
    %dma_start3A_408 = arith.constant 0 : i32
    %dma_start3A_409 = tpu.memref_slice %arg8[%dma_start3A_407, %dma_start3A_408] : memref<125x128xf32, #tpu.memory_space<vmem>> -> memref<80x128xf32, #tpu.memory_space<vmem>>
    %dma_start3A_410 = arith.constant 0 : i32
    %dma_start3A_411 = tpu.memref_slice %arg9[%add3A_401, %dma_start3A_410] : memref<10240x128xf32, #tpu.memory_space<vmem_shared>> -> memref<80x128xf32, #tpu.memory_space<vmem_shared>>
    tpu.enqueue_dma source(%dma_start3A_411 : memref<80x128xf32, #tpu.memory_space<vmem_shared>>) target(%dma_start3A_409 : memref<80x128xf32, #tpu.memory_space<vmem>>) target_semaphore(%arg11 : memref<!tpu.dma_semaphore, #tpu.memory_space<semaphore_mem>>)
    %dma_wait3A_412 = arith.constant 0 : i32
    %dma_wait3A_413 = arith.constant 0 : i32
    %dma_wait3A_414 = tpu.memref_slice %arg7[%dma_wait3A_412, %dma_wait3A_413] : memref<125x128xf32, #tpu.memory_space<vmem>> -> memref<80x128xf32, #tpu.memory_space<vmem>>
    %dma_wait3A_415 = arith.constant 0 : i32
    %dma_wait3A_416 = tpu.memref_slice %arg9[%mul3A_4, %dma_wait3A_415] : memref<10240x128xf32, #tpu.memory_space<vmem_shared>> -> memref<80x128xf32, #tpu.memory_space<vmem_shared>>
    %dma_wait3A_417 = arith.constant 0 : i32
    %dma_wait3A_418 = arith.constant 0 : i32
    %dma_wait3A_419 = tpu.memref_slice %arg7[%dma_wait3A_417, %dma_wait3A_418] : memref<125x128xf32, #tpu.memory_space<vmem>> -> memref<80x128xf32, #tpu.memory_space<vmem>>
    %dma_wait3A_420 = arith.constant 0 : i32
    %dma_wait3A_421 = tpu.memref_slice %arg9[%mul3A_4, %dma_wait3A_420] : memref<10240x128xf32, #tpu.memory_space<vmem_shared>> -> memref<80x128xf32, #tpu.memory_space<vmem_shared>>
    tpu.wait_dma2 semaphore(%arg10 : memref<!tpu.dma_semaphore, #tpu.memory_space<semaphore_mem>>) src(%dma_wait3A_421 : memref<80x128xf32, #tpu.memory_space<vmem_shared>>) dst(%dma_wait3A_419 : memref<80x128xf32, #tpu.memory_space<vmem>>)
    %add3A_422 = arith.constant 160 : i32
    %add3A_423 = arith.addi %mul3A_4, %add3A_422 : i32
    %dma_start3A_424 = arith.constant 0 : i32
    %dma_start3A_425 = arith.constant 0 : i32
    %dma_start3A_426 = tpu.memref_slice %arg7[%dma_start3A_424, %dma_start3A_425] : memref<125x128xf32, #tpu.memory_space<vmem>> -> memref<80x128xf32, #tpu.memory_space<vmem>>
    %dma_start3A_427 = arith.constant 0 : i32
    %dma_start3A_428 = tpu.memref_slice %arg5[%arg0, %add3A_423, %dma_start3A_427] : memref<2x10240x128xf32, #tpu.memory_space<hbm>> -> memref<1x80x128xf32, #tpu.memory_space<hbm>>
    %dma_start3A_429 = tpu.memref_squeeze %dma_start3A_428 : memref<1x80x128xf32, #tpu.memory_space<hbm>> -> memref<80x128xf32, #tpu.memory_space<hbm>>
    %dma_start3A_430 = arith.constant 0 : i32
    %dma_start3A_431 = tpu.memref_slice %arg5[%arg0, %add3A_423, %dma_start3A_430] : memref<2x10240x128xf32, #tpu.memory_space<hbm>> -> memref<1x80x128xf32, #tpu.memory_space<hbm>>
    %dma_start3A_432 = tpu.memref_squeeze %dma_start3A_431 : memref<1x80x128xf32, #tpu.memory_space<hbm>> -> memref<80x128xf32, #tpu.memory_space<hbm>>
    %dma_start3A_433 = arith.constant 0 : i32
    %dma_start3A_434 = arith.constant 0 : i32
    %dma_start3A_435 = tpu.memref_slice %arg7[%dma_start3A_433, %dma_start3A_434] : memref<125x128xf32, #tpu.memory_space<vmem>> -> memref<80x128xf32, #tpu.memory_space<vmem>>
    tpu.enqueue_dma source(%dma_start3A_435 : memref<80x128xf32, #tpu.memory_space<vmem>>) target(%dma_start3A_432 : memref<80x128xf32, #tpu.memory_space<hbm>>) target_semaphore(%arg12 : memref<!tpu.dma_semaphore, #tpu.memory_space<semaphore_mem>>)
    %dma_wait3A_436 = arith.constant 0 : i32
    %dma_wait3A_437 = arith.constant 0 : i32
    %dma_wait3A_438 = tpu.memref_slice %arg7[%dma_wait3A_436, %dma_wait3A_437] : memref<125x128xf32, #tpu.memory_space<vmem>> -> memref<80x128xf32, #tpu.memory_space<vmem>>
    %dma_wait3A_439 = arith.constant 0 : i32
    %dma_wait3A_440 = tpu.memref_slice %arg5[%arg0, %mul3A_4, %dma_wait3A_439] : memref<2x10240x128xf32, #tpu.memory_space<hbm>> -> memref<1x80x128xf32, #tpu.memory_space<hbm>>
    %dma_wait3A_441 = tpu.memref_squeeze %dma_wait3A_440 : memref<1x80x128xf32, #tpu.memory_space<hbm>> -> memref<80x128xf32, #tpu.memory_space<hbm>>
    %dma_wait3A_442 = arith.constant 0 : i32
    %dma_wait3A_443 = tpu.memref_slice %arg5[%arg0, %mul3A_4, %dma_wait3A_442] : memref<2x10240x128xf32, #tpu.memory_space<hbm>> -> memref<1x80x128xf32, #tpu.memory_space<hbm>>
    %dma_wait3A_444 = tpu.memref_squeeze %dma_wait3A_443 : memref<1x80x128xf32, #tpu.memory_space<hbm>> -> memref<80x128xf32, #tpu.memory_space<hbm>>
    %dma_wait3A_445 = arith.constant 0 : i32
    %dma_wait3A_446 = arith.constant 0 : i32
    %dma_wait3A_447 = tpu.memref_slice %arg7[%dma_wait3A_445, %dma_wait3A_446] : memref<125x128xf32, #tpu.memory_space<vmem>> -> memref<80x128xf32, #tpu.memory_space<vmem>>
    tpu.wait_dma2 semaphore(%arg12 : memref<!tpu.dma_semaphore, #tpu.memory_space<semaphore_mem>>) src(%dma_wait3A_447 : memref<80x128xf32, #tpu.memory_space<vmem>>) dst(%dma_wait3A_444 : memref<80x128xf32, #tpu.memory_space<hbm>>)
    %add3A_448 = arith.constant 320 : i32
    %add3A_449 = arith.addi %mul3A_4, %add3A_448 : i32
    %dma_start3A_450 = arith.constant 0 : i32
    %dma_start3A_451 = arith.constant 0 : i32
    %dma_start3A_452 = tpu.memref_slice %arg7[%dma_start3A_450, %dma_start3A_451] : memref<125x128xf32, #tpu.memory_space<vmem>> -> memref<80x128xf32, #tpu.memory_space<vmem>>
    %dma_start3A_453 = arith.constant 0 : i32
    %dma_start3A_454 = tpu.memref_slice %arg9[%add3A_449, %dma_start3A_453] : memref<10240x128xf32, #tpu.memory_space<vmem_shared>> -> memref<80x128xf32, #tpu.memory_space<vmem_shared>>
    %dma_start3A_455 = arith.constant 0 : i32
    %dma_start3A_456 = arith.constant 0 : i32
    %dma_start3A_457 = tpu.memref_slice %arg7[%dma_start3A_455, %dma_start3A_456] : memref<125x128xf32, #tpu.memory_space<vmem>> -> memref<80x128xf32, #tpu.memory_space<vmem>>
    %dma_start3A_458 = arith.constant 0 : i32
    %dma_start3A_459 = tpu.memref_slice %arg9[%add3A_449, %dma_start3A_458] : memref<10240x128xf32, #tpu.memory_space<vmem_shared>> -> memref<80x128xf32, #tpu.memory_space<vmem_shared>>
    tpu.enqueue_dma source(%dma_start3A_459 : memref<80x128xf32, #tpu.memory_space<vmem_shared>>) target(%dma_start3A_457 : memref<80x128xf32, #tpu.memory_space<vmem>>) target_semaphore(%arg10 : memref<!tpu.dma_semaphore, #tpu.memory_space<semaphore_mem>>)
    %dma_wait3A_460 = arith.constant 0 : i32
    %dma_wait3A_461 = arith.constant 0 : i32
    %dma_wait3A_462 = tpu.memref_slice %arg8[%dma_wait3A_460, %dma_wait3A_461] : memref<125x128xf32, #tpu.memory_space<vmem>> -> memref<80x128xf32, #tpu.memory_space<vmem>>
    %dma_wait3A_463 = arith.constant 0 : i32
    %dma_wait3A_464 = tpu.memref_slice %arg9[%mul3A_4, %dma_wait3A_463] : memref<10240x128xf32, #tpu.memory_space<vmem_shared>> -> memref<80x128xf32, #tpu.memory_space<vmem_shared>>
    %dma_wait3A_465 = arith.constant 0 : i32
    %dma_wait3A_466 = arith.constant 0 : i32
    %dma_wait3A_467 = tpu.memref_slice %arg8[%dma_wait3A_465, %dma_wait3A_466] : memref<125x128xf32, #tpu.memory_space<vmem>> -> memref<80x128xf32, #tpu.memory_space<vmem>>
    %dma_wait3A_468 = arith.constant 0 : i32
    %dma_wait3A_469 = tpu.memref_slice %arg9[%mul3A_4, %dma_wait3A_468] : memref<10240x128xf32, #tpu.memory_space<vmem_shared>> -> memref<80x128xf32, #tpu.memory_space<vmem_shared>>
    tpu.wait_dma2 semaphore(%arg11 : memref<!tpu.dma_semaphore, #tpu.memory_space<semaphore_mem>>) src(%dma_wait3A_469 : memref<80x128xf32, #tpu.memory_space<vmem_shared>>) dst(%dma_wait3A_467 : memref<80x128xf32, #tpu.memory_space<vmem>>)
    %add3A_470 = arith.constant 240 : i32
    %add3A_471 = arith.addi %mul3A_4, %add3A_470 : i32
    %dma_start3A_472 = arith.constant 0 : i32
    %dma_start3A_473 = arith.constant 0 : i32
    %dma_start3A_474 = tpu.memref_slice %arg8[%dma_start3A_472, %dma_start3A_473] : memref<125x128xf32, #tpu.memory_space<vmem>> -> memref<80x128xf32, #tpu.memory_space<vmem>>
    %dma_start3A_475 = arith.constant 0 : i32
    %dma_start3A_476 = tpu.memref_slice %arg5[%arg0, %add3A_471, %dma_start3A_475] : memref<2x10240x128xf32, #tpu.memory_space<hbm>> -> memref<1x80x128xf32, #tpu.memory_space<hbm>>
    %dma_start3A_477 = tpu.memref_squeeze %dma_start3A_476 : memref<1x80x128xf32, #tpu.memory_space<hbm>> -> memref<80x128xf32, #tpu.memory_space<hbm>>
    %dma_start3A_478 = arith.constant 0 : i32
    %dma_start3A_479 = tpu.memref_slice %arg5[%arg0, %add3A_471, %dma_start3A_478] : memref<2x10240x128xf32, #tpu.memory_space<hbm>> -> memref<1x80x128xf32, #tpu.memory_space<hbm>>
    %dma_start3A_480 = tpu.memref_squeeze %dma_start3A_479 : memref<1x80x128xf32, #tpu.memory_space<hbm>> -> memref<80x128xf32, #tpu.memory_space<hbm>>
    %dma_start3A_481 = arith.constant 0 : i32
    %dma_start3A_482 = arith.constant 0 : i32
    %dma_start3A_483 = tpu.memref_slice %arg8[%dma_start3A_481, %dma_start3A_482] : memref<125x128xf32, #tpu.memory_space<vmem>> -> memref<80x128xf32, #tpu.memory_space<vmem>>
    tpu.enqueue_dma source(%dma_start3A_483 : memref<80x128xf32, #tpu.memory_space<vmem>>) target(%dma_start3A_480 : memref<80x128xf32, #tpu.memory_space<hbm>>) target_semaphore(%arg13 : memref<!tpu.dma_semaphore, #tpu.memory_space<semaphore_mem>>)
    %dma_wait3A_484 = arith.constant 0 : i32
    %dma_wait3A_485 = arith.constant 0 : i32
    %dma_wait3A_486 = tpu.memref_slice %arg8[%dma_wait3A_484, %dma_wait3A_485] : memref<125x128xf32, #tpu.memory_space<vmem>> -> memref<80x128xf32, #tpu.memory_space<vmem>>
    %dma_wait3A_487 = arith.constant 0 : i32
    %dma_wait3A_488 = tpu.memref_slice %arg5[%arg0, %mul3A_4, %dma_wait3A_487] : memref<2x10240x128xf32, #tpu.memory_space<hbm>> -> memref<1x80x128xf32, #tpu.memory_space<hbm>>
    %dma_wait3A_489 = tpu.memref_squeeze %dma_wait3A_488 : memref<1x80x128xf32, #tpu.memory_space<hbm>> -> memref<80x128xf32, #tpu.memory_space<hbm>>
    %dma_wait3A_490 = arith.constant 0 : i32
    %dma_wait3A_491 = tpu.memref_slice %arg5[%arg0, %mul3A_4, %dma_wait3A_490] : memref<2x10240x128xf32, #tpu.memory_space<hbm>> -> memref<1x80x128xf32, #tpu.memory_space<hbm>>
    %dma_wait3A_492 = tpu.memref_squeeze %dma_wait3A_491 : memref<1x80x128xf32, #tpu.memory_space<hbm>> -> memref<80x128xf32, #tpu.memory_space<hbm>>
    %dma_wait3A_493 = arith.constant 0 : i32
    %dma_wait3A_494 = arith.constant 0 : i32
    %dma_wait3A_495 = tpu.memref_slice %arg8[%dma_wait3A_493, %dma_wait3A_494] : memref<125x128xf32, #tpu.memory_space<vmem>> -> memref<80x128xf32, #tpu.memory_space<vmem>>
    tpu.wait_dma2 semaphore(%arg13 : memref<!tpu.dma_semaphore, #tpu.memory_space<semaphore_mem>>) src(%dma_wait3A_495 : memref<80x128xf32, #tpu.memory_space<vmem>>) dst(%dma_wait3A_492 : memref<80x128xf32, #tpu.memory_space<hbm>>)
    %add3A_496 = arith.constant 400 : i32
    %add3A_497 = arith.addi %mul3A_4, %add3A_496 : i32
    %dma_start3A_498 = arith.constant 0 : i32
    %dma_start3A_499 = arith.constant 0 : i32
    %dma_start3A_500 = tpu.memref_slice %arg8[%dma_start3A_498, %dma_start3A_499] : memref<125x128xf32, #tpu.memory_space<vmem>> -> memref<80x128xf32, #tpu.memory_space<vmem>>
    %dma_start3A_501 = arith.constant 0 : i32
    %dma_start3A_502 = tpu.memref_slice %arg9[%add3A_497, %dma_start3A_501] : memref<10240x128xf32, #tpu.memory_space<vmem_shared>> -> memref<80x128xf32, #tpu.memory_space<vmem_shared>>
    %dma_start3A_503 = arith.constant 0 : i32
    %dma_start3A_504 = arith.constant 0 : i32
    %dma_start3A_505 = tpu.memref_slice %arg8[%dma_start3A_503, %dma_start3A_504] : memref<125x128xf32, #tpu.memory_space<vmem>> -> memref<80x128xf32, #tpu.memory_space<vmem>>
    %dma_start3A_506 = arith.constant 0 : i32
    %dma_start3A_507 = tpu.memref_slice %arg9[%add3A_497, %dma_start3A_506] : memref<10240x128xf32, #tpu.memory_space<vmem_shared>> -> memref<80x128xf32, #tpu.memory_space<vmem_shared>>
    tpu.enqueue_dma source(%dma_start3A_507 : memref<80x128xf32, #tpu.memory_space<vmem_shared>>) target(%dma_start3A_505 : memref<80x128xf32, #tpu.memory_space<vmem>>) target_semaphore(%arg11 : memref<!tpu.dma_semaphore, #tpu.memory_space<semaphore_mem>>)
    %dma_wait3A_508 = arith.constant 0 : i32
    %dma_wait3A_509 = arith.constant 0 : i32
    %dma_wait3A_510 = tpu.memref_slice %arg7[%dma_wait3A_508, %dma_wait3A_509] : memref<125x128xf32, #tpu.memory_space<vmem>> -> memref<80x128xf32, #tpu.memory_space<vmem>>
    %dma_wait3A_511 = arith.constant 0 : i32
    %dma_wait3A_512 = tpu.memref_slice %arg9[%mul3A_4, %dma_wait3A_511] : memref<10240x128xf32, #tpu.memory_space<vmem_shared>> -> memref<80x128xf32, #tpu.memory_space<vmem_shared>>
    %dma_wait3A_513 = arith.constant 0 : i32
    %dma_wait3A_514 = arith.constant 0 : i32
    %dma_wait3A_515 = tpu.memref_slice %arg7[%dma_wait3A_513, %dma_wait3A_514] : memref<125x128xf32, #tpu.memory_space<vmem>> -> memref<80x128xf32, #tpu.memory_space<vmem>>
    %dma_wait3A_516 = arith.constant 0 : i32
    %dma_wait3A_517 = tpu.memref_slice %arg9[%mul3A_4, %dma_wait3A_516] : memref<10240x128xf32, #tpu.memory_space<vmem_shared>> -> memref<80x128xf32, #tpu.memory_space<vmem_shared>>
    tpu.wait_dma2 semaphore(%arg10 : memref<!tpu.dma_semaphore, #tpu.memory_space<semaphore_mem>>) src(%dma_wait3A_517 : memref<80x128xf32, #tpu.memory_space<vmem_shared>>) dst(%dma_wait3A_515 : memref<80x128xf32, #tpu.memory_space<vmem>>)
    %add3A_518 = arith.constant 320 : i32
    %add3A_519 = arith.addi %mul3A_4, %add3A_518 : i32
    %dma_start3A_520 = arith.constant 0 : i32
    %dma_start3A_521 = arith.constant 0 : i32
    %dma_start3A_522 = tpu.memref_slice %arg7[%dma_start3A_520, %dma_start3A_521] : memref<125x128xf32, #tpu.memory_space<vmem>> -> memref<80x128xf32, #tpu.memory_space<vmem>>
    %dma_start3A_523 = arith.constant 0 : i32
    %dma_start3A_524 = tpu.memref_slice %arg5[%arg0, %add3A_519, %dma_start3A_523] : memref<2x10240x128xf32, #tpu.memory_space<hbm>> -> memref<1x80x128xf32, #tpu.memory_space<hbm>>
    %dma_start3A_525 = tpu.memref_squeeze %dma_start3A_524 : memref<1x80x128xf32, #tpu.memory_space<hbm>> -> memref<80x128xf32, #tpu.memory_space<hbm>>
    %dma_start3A_526 = arith.constant 0 : i32
    %dma_start3A_527 = tpu.memref_slice %arg5[%arg0, %add3A_519, %dma_start3A_526] : memref<2x10240x128xf32, #tpu.memory_space<hbm>> -> memref<1x80x128xf32, #tpu.memory_space<hbm>>
    %dma_start3A_528 = tpu.memref_squeeze %dma_start3A_527 : memref<1x80x128xf32, #tpu.memory_space<hbm>> -> memref<80x128xf32, #tpu.memory_space<hbm>>
    %dma_start3A_529 = arith.constant 0 : i32
    %dma_start3A_530 = arith.constant 0 : i32
    %dma_start3A_531 = tpu.memref_slice %arg7[%dma_start3A_529, %dma_start3A_530] : memref<125x128xf32, #tpu.memory_space<vmem>> -> memref<80x128xf32, #tpu.memory_space<vmem>>
    tpu.enqueue_dma source(%dma_start3A_531 : memref<80x128xf32, #tpu.memory_space<vmem>>) target(%dma_start3A_528 : memref<80x128xf32, #tpu.memory_space<hbm>>) target_semaphore(%arg12 : memref<!tpu.dma_semaphore, #tpu.memory_space<semaphore_mem>>)
    %dma_wait3A_532 = arith.constant 0 : i32
    %dma_wait3A_533 = arith.constant 0 : i32
    %dma_wait3A_534 = tpu.memref_slice %arg7[%dma_wait3A_532, %dma_wait3A_533] : memref<125x128xf32, #tpu.memory_space<vmem>> -> memref<80x128xf32, #tpu.memory_space<vmem>>
    %dma_wait3A_535 = arith.constant 0 : i32
    %dma_wait3A_536 = tpu.memref_slice %arg5[%arg0, %mul3A_4, %dma_wait3A_535] : memref<2x10240x128xf32, #tpu.memory_space<hbm>> -> memref<1x80x128xf32, #tpu.memory_space<hbm>>
    %dma_wait3A_537 = tpu.memref_squeeze %dma_wait3A_536 : memref<1x80x128xf32, #tpu.memory_space<hbm>> -> memref<80x128xf32, #tpu.memory_space<hbm>>
    %dma_wait3A_538 = arith.constant 0 : i32
    %dma_wait3A_539 = tpu.memref_slice %arg5[%arg0, %mul3A_4, %dma_wait3A_538] : memref<2x10240x128xf32, #tpu.memory_space<hbm>> -> memref<1x80x128xf32, #tpu.memory_space<hbm>>
    %dma_wait3A_540 = tpu.memref_squeeze %dma_wait3A_539 : memref<1x80x128xf32, #tpu.memory_space<hbm>> -> memref<80x128xf32, #tpu.memory_space<hbm>>
    %dma_wait3A_541 = arith.constant 0 : i32
    %dma_wait3A_542 = arith.constant 0 : i32
    %dma_wait3A_543 = tpu.memref_slice %arg7[%dma_wait3A_541, %dma_wait3A_542] : memref<125x128xf32, #tpu.memory_space<vmem>> -> memref<80x128xf32, #tpu.memory_space<vmem>>
    tpu.wait_dma2 semaphore(%arg12 : memref<!tpu.dma_semaphore, #tpu.memory_space<semaphore_mem>>) src(%dma_wait3A_543 : memref<80x128xf32, #tpu.memory_space<vmem>>) dst(%dma_wait3A_540 : memref<80x128xf32, #tpu.memory_space<hbm>>)
    %add3A_544 = arith.constant 480 : i32
    %add3A_545 = arith.addi %mul3A_4, %add3A_544 : i32
    %dma_start3A_546 = arith.constant 0 : i32
    %dma_start3A_547 = arith.constant 0 : i32
    %dma_start3A_548 = tpu.memref_slice %arg7[%dma_start3A_546, %dma_start3A_547] : memref<125x128xf32, #tpu.memory_space<vmem>> -> memref<80x128xf32, #tpu.memory_space<vmem>>
    %dma_start3A_549 = arith.constant 0 : i32
    %dma_start3A_550 = tpu.memref_slice %arg9[%add3A_545, %dma_start3A_549] : memref<10240x128xf32, #tpu.memory_space<vmem_shared>> -> memref<80x128xf32, #tpu.memory_space<vmem_shared>>
    %dma_start3A_551 = arith.constant 0 : i32
    %dma_start3A_552 = arith.constant 0 : i32
    %dma_start3A_553 = tpu.memref_slice %arg7[%dma_start3A_551, %dma_start3A_552] : memref<125x128xf32, #tpu.memory_space<vmem>> -> memref<80x128xf32, #tpu.memory_space<vmem>>
    %dma_start3A_554 = arith.constant 0 : i32
    %dma_start3A_555 = tpu.memref_slice %arg9[%add3A_545, %dma_start3A_554] : memref<10240x128xf32, #tpu.memory_space<vmem_shared>> -> memref<80x128xf32, #tpu.memory_space<vmem_shared>>
    tpu.enqueue_dma source(%dma_start3A_555 : memref<80x128xf32, #tpu.memory_space<vmem_shared>>) target(%dma_start3A_553 : memref<80x128xf32, #tpu.memory_space<vmem>>) target_semaphore(%arg10 : memref<!tpu.dma_semaphore, #tpu.memory_space<semaphore_mem>>)
    %dma_wait3A_556 = arith.constant 0 : i32
    %dma_wait3A_557 = arith.constant 0 : i32
    %dma_wait3A_558 = tpu.memref_slice %arg8[%dma_wait3A_556, %dma_wait3A_557] : memref<125x128xf32, #tpu.memory_space<vmem>> -> memref<80x128xf32, #tpu.memory_space<vmem>>
    %dma_wait3A_559 = arith.constant 0 : i32
    %dma_wait3A_560 = tpu.memref_slice %arg9[%mul3A_4, %dma_wait3A_559] : memref<10240x128xf32, #tpu.memory_space<vmem_shared>> -> memref<80x128xf32, #tpu.memory_space<vmem_shared>>
    %dma_wait3A_561 = arith.constant 0 : i32
    %dma_wait3A_562 = arith.constant 0 : i32
    %dma_wait3A_563 = tpu.memref_slice %arg8[%dma_wait3A_561, %dma_wait3A_562] : memref<125x128xf32, #tpu.memory_space<vmem>> -> memref<80x128xf32, #tpu.memory_space<vmem>>
    %dma_wait3A_564 = arith.constant 0 : i32
    %dma_wait3A_565 = tpu.memref_slice %arg9[%mul3A_4, %dma_wait3A_564] : memref<10240x128xf32, #tpu.memory_space<vmem_shared>> -> memref<80x128xf32, #tpu.memory_space<vmem_shared>>
    tpu.wait_dma2 semaphore(%arg11 : memref<!tpu.dma_semaphore, #tpu.memory_space<semaphore_mem>>) src(%dma_wait3A_565 : memref<80x128xf32, #tpu.memory_space<vmem_shared>>) dst(%dma_wait3A_563 : memref<80x128xf32, #tpu.memory_space<vmem>>)
    %add3A_566 = arith.constant 400 : i32
    %add3A_567 = arith.addi %mul3A_4, %add3A_566 : i32
    %dma_start3A_568 = arith.constant 0 : i32
    %dma_start3A_569 = arith.constant 0 : i32
    %dma_start3A_570 = tpu.memref_slice %arg8[%dma_start3A_568, %dma_start3A_569] : memref<125x128xf32, #tpu.memory_space<vmem>> -> memref<80x128xf32, #tpu.memory_space<vmem>>
    %dma_start3A_571 = arith.constant 0 : i32
    %dma_start3A_572 = tpu.memref_slice %arg5[%arg0, %add3A_567, %dma_start3A_571] : memref<2x10240x128xf32, #tpu.memory_space<hbm>> -> memref<1x80x128xf32, #tpu.memory_space<hbm>>
    %dma_start3A_573 = tpu.memref_squeeze %dma_start3A_572 : memref<1x80x128xf32, #tpu.memory_space<hbm>> -> memref<80x128xf32, #tpu.memory_space<hbm>>
    %dma_start3A_574 = arith.constant 0 : i32
    %dma_start3A_575 = tpu.memref_slice %arg5[%arg0, %add3A_567, %dma_start3A_574] : memref<2x10240x128xf32, #tpu.memory_space<hbm>> -> memref<1x80x128xf32, #tpu.memory_space<hbm>>
    %dma_start3A_576 = tpu.memref_squeeze %dma_start3A_575 : memref<1x80x128xf32, #tpu.memory_space<hbm>> -> memref<80x128xf32, #tpu.memory_space<hbm>>
    %dma_start3A_577 = arith.constant 0 : i32
    %dma_start3A_578 = arith.constant 0 : i32
    %dma_start3A_579 = tpu.memref_slice %arg8[%dma_start3A_577, %dma_start3A_578] : memref<125x128xf32, #tpu.memory_space<vmem>> -> memref<80x128xf32, #tpu.memory_space<vmem>>
    tpu.enqueue_dma source(%dma_start3A_579 : memref<80x128xf32, #tpu.memory_space<vmem>>) target(%dma_start3A_576 : memref<80x128xf32, #tpu.memory_space<hbm>>) target_semaphore(%arg13 : memref<!tpu.dma_semaphore, #tpu.memory_space<semaphore_mem>>)
    %dma_wait3A_580 = arith.constant 0 : i32
    %dma_wait3A_581 = arith.constant 0 : i32
    %dma_wait3A_582 = tpu.memref_slice %arg8[%dma_wait3A_580, %dma_wait3A_581] : memref<125x128xf32, #tpu.memory_space<vmem>> -> memref<80x128xf32, #tpu.memory_space<vmem>>
    %dma_wait3A_583 = arith.constant 0 : i32
    %dma_wait3A_584 = tpu.memref_slice %arg5[%arg0, %mul3A_4, %dma_wait3A_583] : memref<2x10240x128xf32, #tpu.memory_space<hbm>> -> memref<1x80x128xf32, #tpu.memory_space<hbm>>
    %dma_wait3A_585 = tpu.memref_squeeze %dma_wait3A_584 : memref<1x80x128xf32, #tpu.memory_space<hbm>> -> memref<80x128xf32, #tpu.memory_space<hbm>>
    %dma_wait3A_586 = arith.constant 0 : i32
    %dma_wait3A_587 = tpu.memref_slice %arg5[%arg0, %mul3A_4, %dma_wait3A_586] : memref<2x10240x128xf32, #tpu.memory_space<hbm>> -> memref<1x80x128xf32, #tpu.memory_space<hbm>>
    %dma_wait3A_588 = tpu.memref_squeeze %dma_wait3A_587 : memref<1x80x128xf32, #tpu.memory_space<hbm>> -> memref<80x128xf32, #tpu.memory_space<hbm>>
    %dma_wait3A_589 = arith.constant 0 : i32
    %dma_wait3A_590 = arith.constant 0 : i32
    %dma_wait3A_591 = tpu.memref_slice %arg8[%dma_wait3A_589, %dma_wait3A_590] : memref<125x128xf32, #tpu.memory_space<vmem>> -> memref<80x128xf32, #tpu.memory_space<vmem>>
    tpu.wait_dma2 semaphore(%arg13 : memref<!tpu.dma_semaphore, #tpu.memory_space<semaphore_mem>>) src(%dma_wait3A_591 : memref<80x128xf32, #tpu.memory_space<vmem>>) dst(%dma_wait3A_588 : memref<80x128xf32, #tpu.memory_space<hbm>>)
    %add3A_592 = arith.constant 560 : i32
    %add3A_593 = arith.addi %mul3A_4, %add3A_592 : i32
    %dma_start3A_594 = arith.constant 0 : i32
    %dma_start3A_595 = arith.constant 0 : i32
    %dma_start3A_596 = tpu.memref_slice %arg8[%dma_start3A_594, %dma_start3A_595] : memref<125x128xf32, #tpu.memory_space<vmem>> -> memref<80x128xf32, #tpu.memory_space<vmem>>
    %dma_start3A_597 = arith.constant 0 : i32
    %dma_start3A_598 = tpu.memref_slice %arg9[%add3A_593, %dma_start3A_597] : memref<10240x128xf32, #tpu.memory_space<vmem_shared>> -> memref<80x128xf32, #tpu.memory_space<vmem_shared>>
    %dma_start3A_599 = arith.constant 0 : i32
    %dma_start3A_600 = arith.constant 0 : i32
    %dma_start3A_601 = tpu.memref_slice %arg8[%dma_start3A_599, %dma_start3A_600] : memref<125x128xf32, #tpu.memory_space<vmem>> -> memref<80x128xf32, #tpu.memory_space<vmem>>
    %dma_start3A_602 = arith.constant 0 : i32
    %dma_start3A_603 = tpu.memref_slice %arg9[%add3A_593, %dma_start3A_602] : memref<10240x128xf32, #tpu.memory_space<vmem_shared>> -> memref<80x128xf32, #tpu.memory_space<vmem_shared>>
    tpu.enqueue_dma source(%dma_start3A_603 : memref<80x128xf32, #tpu.memory_space<vmem_shared>>) target(%dma_start3A_601 : memref<80x128xf32, #tpu.memory_space<vmem>>) target_semaphore(%arg11 : memref<!tpu.dma_semaphore, #tpu.memory_space<semaphore_mem>>)
    %dma_wait3A_604 = arith.constant 0 : i32
    %dma_wait3A_605 = arith.constant 0 : i32
    %dma_wait3A_606 = tpu.memref_slice %arg7[%dma_wait3A_604, %dma_wait3A_605] : memref<125x128xf32, #tpu.memory_space<vmem>> -> memref<80x128xf32, #tpu.memory_space<vmem>>
    %dma_wait3A_607 = arith.constant 0 : i32
    %dma_wait3A_608 = tpu.memref_slice %arg9[%mul3A_4, %dma_wait3A_607] : memref<10240x128xf32, #tpu.memory_space<vmem_shared>> -> memref<80x128xf32, #tpu.memory_space<vmem_shared>>
    %dma_wait3A_609 = arith.constant 0 : i32
    %dma_wait3A_610 = arith.constant 0 : i32
    %dma_wait3A_611 = tpu.memref_slice %arg7[%dma_wait3A_609, %dma_wait3A_610] : memref<125x128xf32, #tpu.memory_space<vmem>> -> memref<80x128xf32, #tpu.memory_space<vmem>>
    %dma_wait3A_612 = arith.constant 0 : i32
    %dma_wait3A_613 = tpu.memref_slice %arg9[%mul3A_4, %dma_wait3A_612] : memref<10240x128xf32, #tpu.memory_space<vmem_shared>> -> memref<80x128xf32, #tpu.memory_space<vmem_shared>>
    tpu.wait_dma2 semaphore(%arg10 : memref<!tpu.dma_semaphore, #tpu.memory_space<semaphore_mem>>) src(%dma_wait3A_613 : memref<80x128xf32, #tpu.memory_space<vmem_shared>>) dst(%dma_wait3A_611 : memref<80x128xf32, #tpu.memory_space<vmem>>)
    %add3A_614 = arith.constant 480 : i32
    %add3A_615 = arith.addi %mul3A_4, %add3A_614 : i32
    %dma_start3A_616 = arith.constant 0 : i32
    %dma_start3A_617 = arith.constant 0 : i32
    %dma_start3A_618 = tpu.memref_slice %arg7[%dma_start3A_616, %dma_start3A_617] : memref<125x128xf32, #tpu.memory_space<vmem>> -> memref<80x128xf32, #tpu.memory_space<vmem>>
    %dma_start3A_619 = arith.constant 0 : i32
    %dma_start3A_620 = tpu.memref_slice %arg5[%arg0, %add3A_615, %dma_start3A_619] : memref<2x10240x128xf32, #tpu.memory_space<hbm>> -> memref<1x80x128xf32, #tpu.memory_space<hbm>>
    %dma_start3A_621 = tpu.memref_squeeze %dma_start3A_620 : memref<1x80x128xf32, #tpu.memory_space<hbm>> -> memref<80x128xf32, #tpu.memory_space<hbm>>
    %dma_start3A_622 = arith.constant 0 : i32
    %dma_start3A_623 = tpu.memref_slice %arg5[%arg0, %add3A_615, %dma_start3A_622] : memref<2x10240x128xf32, #tpu.memory_space<hbm>> -> memref<1x80x128xf32, #tpu.memory_space<hbm>>
    %dma_start3A_624 = tpu.memref_squeeze %dma_start3A_623 : memref<1x80x128xf32, #tpu.memory_space<hbm>> -> memref<80x128xf32, #tpu.memory_space<hbm>>
    %dma_start3A_625 = arith.constant 0 : i32
    %dma_start3A_626 = arith.constant 0 : i32
    %dma_start3A_627 = tpu.memref_slice %arg7[%dma_start3A_625, %dma_start3A_626] : memref<125x128xf32, #tpu.memory_space<vmem>> -> memref<80x128xf32, #tpu.memory_space<vmem>>
    tpu.enqueue_dma source(%dma_start3A_627 : memref<80x128xf32, #tpu.memory_space<vmem>>) target(%dma_start3A_624 : memref<80x128xf32, #tpu.memory_space<hbm>>) target_semaphore(%arg12 : memref<!tpu.dma_semaphore, #tpu.memory_space<semaphore_mem>>)
    %dma_wait3A_628 = arith.constant 0 : i32
    %dma_wait3A_629 = arith.constant 0 : i32
    %dma_wait3A_630 = tpu.memref_slice %arg8[%dma_wait3A_628, %dma_wait3A_629] : memref<125x128xf32, #tpu.memory_space<vmem>> -> memref<80x128xf32, #tpu.memory_space<vmem>>
    %dma_wait3A_631 = arith.constant 0 : i32
    %dma_wait3A_632 = tpu.memref_slice %arg9[%mul3A_4, %dma_wait3A_631] : memref<10240x128xf32, #tpu.memory_space<vmem_shared>> -> memref<80x128xf32, #tpu.memory_space<vmem_shared>>
    %dma_wait3A_633 = arith.constant 0 : i32
    %dma_wait3A_634 = arith.constant 0 : i32
    %dma_wait3A_635 = tpu.memref_slice %arg8[%dma_wait3A_633, %dma_wait3A_634] : memref<125x128xf32, #tpu.memory_space<vmem>> -> memref<80x128xf32, #tpu.memory_space<vmem>>
    %dma_wait3A_636 = arith.constant 0 : i32
    %dma_wait3A_637 = tpu.memref_slice %arg9[%mul3A_4, %dma_wait3A_636] : memref<10240x128xf32, #tpu.memory_space<vmem_shared>> -> memref<80x128xf32, #tpu.memory_space<vmem_shared>>
    tpu.wait_dma2 semaphore(%arg11 : memref<!tpu.dma_semaphore, #tpu.memory_space<semaphore_mem>>) src(%dma_wait3A_637 : memref<80x128xf32, #tpu.memory_space<vmem_shared>>) dst(%dma_wait3A_635 : memref<80x128xf32, #tpu.memory_space<vmem>>)
    %add3A_638 = arith.constant 560 : i32
    %add3A_639 = arith.addi %mul3A_4, %add3A_638 : i32
    %dma_start3A_640 = arith.constant 0 : i32
    %dma_start3A_641 = arith.constant 0 : i32
    %dma_start3A_642 = tpu.memref_slice %arg8[%dma_start3A_640, %dma_start3A_641] : memref<125x128xf32, #tpu.memory_space<vmem>> -> memref<80x128xf32, #tpu.memory_space<vmem>>
    %dma_start3A_643 = arith.constant 0 : i32
    %dma_start3A_644 = tpu.memref_slice %arg5[%arg0, %add3A_639, %dma_start3A_643] : memref<2x10240x128xf32, #tpu.memory_space<hbm>> -> memref<1x80x128xf32, #tpu.memory_space<hbm>>
    %dma_start3A_645 = tpu.memref_squeeze %dma_start3A_644 : memref<1x80x128xf32, #tpu.memory_space<hbm>> -> memref<80x128xf32, #tpu.memory_space<hbm>>
    %dma_start3A_646 = arith.constant 0 : i32
    %dma_start3A_647 = tpu.memref_slice %arg5[%arg0, %add3A_639, %dma_start3A_646] : memref<2x10240x128xf32, #tpu.memory_space<hbm>> -> memref<1x80x128xf32, #tpu.memory_space<hbm>>
    %dma_start3A_648 = tpu.memref_squeeze %dma_start3A_647 : memref<1x80x128xf32, #tpu.memory_space<hbm>> -> memref<80x128xf32, #tpu.memory_space<hbm>>
    %dma_start3A_649 = arith.constant 0 : i32
    %dma_start3A_650 = arith.constant 0 : i32
    %dma_start3A_651 = tpu.memref_slice %arg8[%dma_start3A_649, %dma_start3A_650] : memref<125x128xf32, #tpu.memory_space<vmem>> -> memref<80x128xf32, #tpu.memory_space<vmem>>
    tpu.enqueue_dma source(%dma_start3A_651 : memref<80x128xf32, #tpu.memory_space<vmem>>) target(%dma_start3A_648 : memref<80x128xf32, #tpu.memory_space<hbm>>) target_semaphore(%arg13 : memref<!tpu.dma_semaphore, #tpu.memory_space<semaphore_mem>>)
    %dma_wait3A_652 = arith.constant 0 : i32
    %dma_wait3A_653 = arith.constant 0 : i32
    %dma_wait3A_654 = tpu.memref_slice %arg7[%dma_wait3A_652, %dma_wait3A_653] : memref<125x128xf32, #tpu.memory_space<vmem>> -> memref<80x128xf32, #tpu.memory_space<vmem>>
    %dma_wait3A_655 = arith.constant 0 : i32
    %dma_wait3A_656 = tpu.memref_slice %arg5[%arg0, %mul3A_4, %dma_wait3A_655] : memref<2x10240x128xf32, #tpu.memory_space<hbm>> -> memref<1x80x128xf32, #tpu.memory_space<hbm>>
    %dma_wait3A_657 = tpu.memref_squeeze %dma_wait3A_656 : memref<1x80x128xf32, #tpu.memory_space<hbm>> -> memref<80x128xf32, #tpu.memory_space<hbm>>
    %dma_wait3A_658 = arith.constant 0 : i32
    %dma_wait3A_659 = tpu.memref_slice %arg5[%arg0, %mul3A_4, %dma_wait3A_658] : memref<2x10240x128xf32, #tpu.memory_space<hbm>> -> memref<1x80x128xf32, #tpu.memory_space<hbm>>
    %dma_wait3A_660 = tpu.memref_squeeze %dma_wait3A_659 : memref<1x80x128xf32, #tpu.memory_space<hbm>> -> memref<80x128xf32, #tpu.memory_space<hbm>>
    %dma_wait3A_661 = arith.constant 0 : i32
    %dma_wait3A_662 = arith.constant 0 : i32
    %dma_wait3A_663 = tpu.memref_slice %arg7[%dma_wait3A_661, %dma_wait3A_662] : memref<125x128xf32, #tpu.memory_space<vmem>> -> memref<80x128xf32, #tpu.memory_space<vmem>>
    tpu.wait_dma2 semaphore(%arg12 : memref<!tpu.dma_semaphore, #tpu.memory_space<semaphore_mem>>) src(%dma_wait3A_663 : memref<80x128xf32, #tpu.memory_space<vmem>>) dst(%dma_wait3A_660 : memref<80x128xf32, #tpu.memory_space<hbm>>)
    %dma_wait3A_664 = arith.constant 0 : i32
    %dma_wait3A_665 = arith.constant 0 : i32
    %dma_wait3A_666 = tpu.memref_slice %arg8[%dma_wait3A_664, %dma_wait3A_665] : memref<125x128xf32, #tpu.memory_space<vmem>> -> memref<80x128xf32, #tpu.memory_space<vmem>>
    %dma_wait3A_667 = arith.constant 0 : i32
    %dma_wait3A_668 = tpu.memref_slice %arg5[%arg0, %mul3A_4, %dma_wait3A_667] : memref<2x10240x128xf32, #tpu.memory_space<hbm>> -> memref<1x80x128xf32, #tpu.memory_space<hbm>>
    %dma_wait3A_669 = tpu.memref_squeeze %dma_wait3A_668 : memref<1x80x128xf32, #tpu.memory_space<hbm>> -> memref<80x128xf32, #tpu.memory_space<hbm>>
    %dma_wait3A_670 = arith.constant 0 : i32
    %dma_wait3A_671 = tpu.memref_slice %arg5[%arg0, %mul3A_4, %dma_wait3A_670] : memref<2x10240x128xf32, #tpu.memory_space<hbm>> -> memref<1x80x128xf32, #tpu.memory_space<hbm>>
    %dma_wait3A_672 = tpu.memref_squeeze %dma_wait3A_671 : memref<1x80x128xf32, #tpu.memory_space<hbm>> -> memref<80x128xf32, #tpu.memory_space<hbm>>
    %dma_wait3A_673 = arith.constant 0 : i32
    %dma_wait3A_674 = arith.constant 0 : i32
    %dma_wait3A_675 = tpu.memref_slice %arg8[%dma_wait3A_673, %dma_wait3A_674] : memref<125x128xf32, #tpu.memory_space<vmem>> -> memref<80x128xf32, #tpu.memory_space<vmem>>
    tpu.wait_dma2 semaphore(%arg13 : memref<!tpu.dma_semaphore, #tpu.memory_space<semaphore_mem>>) src(%dma_wait3A_675 : memref<80x128xf32, #tpu.memory_space<vmem>>) dst(%dma_wait3A_672 : memref<80x128xf32, #tpu.memory_space<hbm>>)
    return
  }
}

#map = affine_map<(d0, d1) -> (0, 0)>
#map1 = affine_map<(d0, d1) -> (0, 0, 0)>
module attributes {stable_mosaic.version = 14 : i64} {
  func.func @_sc_segsum_body(%arg0: i32, %arg1: i32, %arg2: memref<10240x128xf32, #tpu.memory_space<hbm>>, %arg3: memref<2560x2x125xi32, #tpu.memory_space<hbm>>, %arg4: memref<80x128xf32, #tpu.memory_space<hbm>>, %arg5: memref<2x10240x128xf32, #tpu.memory_space<hbm>>, %arg6: memref<4x2x125xi32, #tpu.memory_space<vmem>>, %arg7: memref<125x128xf32, #tpu.memory_space<vmem>>, %arg8: memref<125x128xf32, #tpu.memory_space<vmem>>, %arg9: memref<10240x128xf32, #tpu.memory_space<vmem_shared>>, %arg10: memref<!tpu.dma_semaphore, #tpu.memory_space<semaphore_mem>>, %arg11: memref<!tpu.dma_semaphore, #tpu.memory_space<semaphore_mem>>, %arg12: memref<!tpu.dma_semaphore, #tpu.memory_space<semaphore_mem>>, %arg13: memref<!tpu.dma_semaphore, #tpu.memory_space<semaphore_mem>>, %arg14: memref<!tpu.dma_semaphore, #tpu.memory_space<semaphore_mem>>, %arg15: memref<!tpu.dma_semaphore, #tpu.memory_space<semaphore_mem>>, %arg16: memref<!tpu.dma_semaphore, #tpu.memory_space<semaphore_mem>>, %arg17: memref<!tpu.dma_semaphore, #tpu.memory_space<semaphore_mem>>) attributes {dimension_semantics = [#tpu.dimension_semantics<core_parallel>, #tpu.dimension_semantics<subcore_parallel>], iteration_bounds = array<i64: 2, 16>, scalar_prefetch = 0 : i64, scratch_operands = 12 : i64, tpu.core_type = #tpu.core_type<sc_vector_subcore>, window_params = [{transform_indices = #map}, {transform_indices = #map1}, {transform_indices = #map}, {transform_indices = #map1}]} {
    %mul3A = arith.constant 16 : i32
    %mul3A_0 = arith.muli %arg0, %mul3A : i32
    %add3A = arith.addi %mul3A_0, %arg1 : i32
    %mul3A_1 = arith.constant 80 : i32
    %mul3A_2 = arith.muli %add3A, %mul3A_1 : i32
    "tpu.region"() ({
      %run_scoped3A = tpu.sem_alloc : memref<!tpu.dma_semaphore, #tpu.memory_space<semaphore_mem>>
      %dma_start3A_676 = arith.constant 0 : i32
      %dma_start3A_677 = arith.constant 0 : i32
      %dma_start3A_678 = tpu.memref_slice %arg7[%dma_start3A_676, %dma_start3A_677] : memref<125x128xf32, #tpu.memory_space<vmem>> -> memref<80x128xf32, #tpu.memory_space<vmem>>
      %dma_start3A_679 = arith.constant 0 : i32
      %dma_start3A_680 = arith.constant 0 : i32
      %dma_start3A_681 = tpu.memref_slice %arg7[%dma_start3A_679, %dma_start3A_680] : memref<125x128xf32, #tpu.memory_space<vmem>> -> memref<80x128xf32, #tpu.memory_space<vmem>>
      tpu.enqueue_dma source(%arg4 : memref<80x128xf32, #tpu.memory_space<hbm>>) target(%dma_start3A_681 : memref<80x128xf32, #tpu.memory_space<vmem>>) target_semaphore(%run_scoped3A : memref<!tpu.dma_semaphore, #tpu.memory_space<semaphore_mem>>)
      %dma_wait3A_682 = arith.constant 0 : i32
      %dma_wait3A_683 = arith.constant 0 : i32
      %dma_wait3A_684 = tpu.memref_slice %arg7[%dma_wait3A_682, %dma_wait3A_683] : memref<125x128xf32, #tpu.memory_space<vmem>> -> memref<80x128xf32, #tpu.memory_space<vmem>>
      %dma_wait3A_685 = arith.constant 0 : i32
      %dma_wait3A_686 = arith.constant 0 : i32
      %dma_wait3A_687 = tpu.memref_slice %arg7[%dma_wait3A_685, %dma_wait3A_686] : memref<125x128xf32, #tpu.memory_space<vmem>> -> memref<80x128xf32, #tpu.memory_space<vmem>>
      tpu.wait_dma2 semaphore(%run_scoped3A : memref<!tpu.dma_semaphore, #tpu.memory_space<semaphore_mem>>) src(%arg4 : memref<80x128xf32, #tpu.memory_space<hbm>>) dst(%dma_wait3A_687 : memref<80x128xf32, #tpu.memory_space<vmem>>)
      tpu.yield
    }) : () -> ()
    %mul3A_3 = arith.constant 640 : i32
    %mul3A_4 = arith.muli %arg1, %mul3A_3 : i32
    %add3A_5 = arith.constant 0 : i32
    %add3A_6 = arith.addi %mul3A_4, %add3A_5 : i32
    %dma_start3A = arith.constant 0 : i32
    %dma_start3A_7 = arith.constant 0 : i32
    %dma_start3A_8 = tpu.memref_slice %arg7[%dma_start3A, %dma_start3A_7] : memref<125x128xf32, #tpu.memory_space<vmem>> -> memref<80x128xf32, #tpu.memory_space<vmem>>
    %dma_start3A_9 = arith.constant 0 : i32
    %dma_start3A_10 = tpu.memref_slice %arg9[%add3A_6, %dma_start3A_9] : memref<10240x128xf32, #tpu.memory_space<vmem_shared>> -> memref<80x128xf32, #tpu.memory_space<vmem_shared>>
    %dma_start3A_11 = arith.constant 0 : i32
    %dma_start3A_12 = tpu.memref_slice %arg9[%add3A_6, %dma_start3A_11] : memref<10240x128xf32, #tpu.memory_space<vmem_shared>> -> memref<80x128xf32, #tpu.memory_space<vmem_shared>>
    %dma_start3A_13 = arith.constant 0 : i32
    %dma_start3A_14 = arith.constant 0 : i32
    %dma_start3A_15 = tpu.memref_slice %arg7[%dma_start3A_13, %dma_start3A_14] : memref<125x128xf32, #tpu.memory_space<vmem>> -> memref<80x128xf32, #tpu.memory_space<vmem>>
    tpu.enqueue_dma source(%dma_start3A_15 : memref<80x128xf32, #tpu.memory_space<vmem>>) target(%dma_start3A_12 : memref<80x128xf32, #tpu.memory_space<vmem_shared>>) target_semaphore(%arg12 : memref<!tpu.dma_semaphore, #tpu.memory_space<semaphore_mem>>)
    %add3A_16 = arith.constant 80 : i32
    %add3A_17 = arith.addi %mul3A_4, %add3A_16 : i32
    %dma_start3A_18 = arith.constant 0 : i32
    %dma_start3A_19 = arith.constant 0 : i32
    %dma_start3A_20 = tpu.memref_slice %arg7[%dma_start3A_18, %dma_start3A_19] : memref<125x128xf32, #tpu.memory_space<vmem>> -> memref<80x128xf32, #tpu.memory_space<vmem>>
    %dma_start3A_21 = arith.constant 0 : i32
    %dma_start3A_22 = tpu.memref_slice %arg9[%add3A_17, %dma_start3A_21] : memref<10240x128xf32, #tpu.memory_space<vmem_shared>> -> memref<80x128xf32, #tpu.memory_space<vmem_shared>>
    %dma_start3A_23 = arith.constant 0 : i32
    %dma_start3A_24 = tpu.memref_slice %arg9[%add3A_17, %dma_start3A_23] : memref<10240x128xf32, #tpu.memory_space<vmem_shared>> -> memref<80x128xf32, #tpu.memory_space<vmem_shared>>
    %dma_start3A_25 = arith.constant 0 : i32
    %dma_start3A_26 = arith.constant 0 : i32
    %dma_start3A_27 = tpu.memref_slice %arg7[%dma_start3A_25, %dma_start3A_26] : memref<125x128xf32, #tpu.memory_space<vmem>> -> memref<80x128xf32, #tpu.memory_space<vmem>>
    tpu.enqueue_dma source(%dma_start3A_27 : memref<80x128xf32, #tpu.memory_space<vmem>>) target(%dma_start3A_24 : memref<80x128xf32, #tpu.memory_space<vmem_shared>>) target_semaphore(%arg12 : memref<!tpu.dma_semaphore, #tpu.memory_space<semaphore_mem>>)
    %add3A_28 = arith.constant 160 : i32
    %add3A_29 = arith.addi %mul3A_4, %add3A_28 : i32
    %dma_start3A_30 = arith.constant 0 : i32
    %dma_start3A_31 = arith.constant 0 : i32
    %dma_start3A_32 = tpu.memref_slice %arg7[%dma_start3A_30, %dma_start3A_31] : memref<125x128xf32, #tpu.memory_space<vmem>> -> memref<80x128xf32, #tpu.memory_space<vmem>>
    %dma_start3A_33 = arith.constant 0 : i32
    %dma_start3A_34 = tpu.memref_slice %arg9[%add3A_29, %dma_start3A_33] : memref<10240x128xf32, #tpu.memory_space<vmem_shared>> -> memref<80x128xf32, #tpu.memory_space<vmem_shared>>
    %dma_start3A_35 = arith.constant 0 : i32
    %dma_start3A_36 = tpu.memref_slice %arg9[%add3A_29, %dma_start3A_35] : memref<10240x128xf32, #tpu.memory_space<vmem_shared>> -> memref<80x128xf32, #tpu.memory_space<vmem_shared>>
    %dma_start3A_37 = arith.constant 0 : i32
    %dma_start3A_38 = arith.constant 0 : i32
    %dma_start3A_39 = tpu.memref_slice %arg7[%dma_start3A_37, %dma_start3A_38] : memref<125x128xf32, #tpu.memory_space<vmem>> -> memref<80x128xf32, #tpu.memory_space<vmem>>
    tpu.enqueue_dma source(%dma_start3A_39 : memref<80x128xf32, #tpu.memory_space<vmem>>) target(%dma_start3A_36 : memref<80x128xf32, #tpu.memory_space<vmem_shared>>) target_semaphore(%arg12 : memref<!tpu.dma_semaphore, #tpu.memory_space<semaphore_mem>>)
    %add3A_40 = arith.constant 240 : i32
    %add3A_41 = arith.addi %mul3A_4, %add3A_40 : i32
    %dma_start3A_42 = arith.constant 0 : i32
    %dma_start3A_43 = arith.constant 0 : i32
    %dma_start3A_44 = tpu.memref_slice %arg7[%dma_start3A_42, %dma_start3A_43] : memref<125x128xf32, #tpu.memory_space<vmem>> -> memref<80x128xf32, #tpu.memory_space<vmem>>
    %dma_start3A_45 = arith.constant 0 : i32
    %dma_start3A_46 = tpu.memref_slice %arg9[%add3A_41, %dma_start3A_45] : memref<10240x128xf32, #tpu.memory_space<vmem_shared>> -> memref<80x128xf32, #tpu.memory_space<vmem_shared>>
    %dma_start3A_47 = arith.constant 0 : i32
    %dma_start3A_48 = tpu.memref_slice %arg9[%add3A_41, %dma_start3A_47] : memref<10240x128xf32, #tpu.memory_space<vmem_shared>> -> memref<80x128xf32, #tpu.memory_space<vmem_shared>>
    %dma_start3A_49 = arith.constant 0 : i32
    %dma_start3A_50 = arith.constant 0 : i32
    %dma_start3A_51 = tpu.memref_slice %arg7[%dma_start3A_49, %dma_start3A_50] : memref<125x128xf32, #tpu.memory_space<vmem>> -> memref<80x128xf32, #tpu.memory_space<vmem>>
    tpu.enqueue_dma source(%dma_start3A_51 : memref<80x128xf32, #tpu.memory_space<vmem>>) target(%dma_start3A_48 : memref<80x128xf32, #tpu.memory_space<vmem_shared>>) target_semaphore(%arg12 : memref<!tpu.dma_semaphore, #tpu.memory_space<semaphore_mem>>)
    %add3A_52 = arith.constant 320 : i32
    %add3A_53 = arith.addi %mul3A_4, %add3A_52 : i32
    %dma_start3A_54 = arith.constant 0 : i32
    %dma_start3A_55 = arith.constant 0 : i32
    %dma_start3A_56 = tpu.memref_slice %arg7[%dma_start3A_54, %dma_start3A_55] : memref<125x128xf32, #tpu.memory_space<vmem>> -> memref<80x128xf32, #tpu.memory_space<vmem>>
    %dma_start3A_57 = arith.constant 0 : i32
    %dma_start3A_58 = tpu.memref_slice %arg9[%add3A_53, %dma_start3A_57] : memref<10240x128xf32, #tpu.memory_space<vmem_shared>> -> memref<80x128xf32, #tpu.memory_space<vmem_shared>>
    %dma_start3A_59 = arith.constant 0 : i32
    %dma_start3A_60 = tpu.memref_slice %arg9[%add3A_53, %dma_start3A_59] : memref<10240x128xf32, #tpu.memory_space<vmem_shared>> -> memref<80x128xf32, #tpu.memory_space<vmem_shared>>
    %dma_start3A_61 = arith.constant 0 : i32
    %dma_start3A_62 = arith.constant 0 : i32
    %dma_start3A_63 = tpu.memref_slice %arg7[%dma_start3A_61, %dma_start3A_62] : memref<125x128xf32, #tpu.memory_space<vmem>> -> memref<80x128xf32, #tpu.memory_space<vmem>>
    tpu.enqueue_dma source(%dma_start3A_63 : memref<80x128xf32, #tpu.memory_space<vmem>>) target(%dma_start3A_60 : memref<80x128xf32, #tpu.memory_space<vmem_shared>>) target_semaphore(%arg12 : memref<!tpu.dma_semaphore, #tpu.memory_space<semaphore_mem>>)
    %add3A_64 = arith.constant 400 : i32
    %add3A_65 = arith.addi %mul3A_4, %add3A_64 : i32
    %dma_start3A_66 = arith.constant 0 : i32
    %dma_start3A_67 = arith.constant 0 : i32
    %dma_start3A_68 = tpu.memref_slice %arg7[%dma_start3A_66, %dma_start3A_67] : memref<125x128xf32, #tpu.memory_space<vmem>> -> memref<80x128xf32, #tpu.memory_space<vmem>>
    %dma_start3A_69 = arith.constant 0 : i32
    %dma_start3A_70 = tpu.memref_slice %arg9[%add3A_65, %dma_start3A_69] : memref<10240x128xf32, #tpu.memory_space<vmem_shared>> -> memref<80x128xf32, #tpu.memory_space<vmem_shared>>
    %dma_start3A_71 = arith.constant 0 : i32
    %dma_start3A_72 = tpu.memref_slice %arg9[%add3A_65, %dma_start3A_71] : memref<10240x128xf32, #tpu.memory_space<vmem_shared>> -> memref<80x128xf32, #tpu.memory_space<vmem_shared>>
    %dma_start3A_73 = arith.constant 0 : i32
    %dma_start3A_74 = arith.constant 0 : i32
    %dma_start3A_75 = tpu.memref_slice %arg7[%dma_start3A_73, %dma_start3A_74] : memref<125x128xf32, #tpu.memory_space<vmem>> -> memref<80x128xf32, #tpu.memory_space<vmem>>
    tpu.enqueue_dma source(%dma_start3A_75 : memref<80x128xf32, #tpu.memory_space<vmem>>) target(%dma_start3A_72 : memref<80x128xf32, #tpu.memory_space<vmem_shared>>) target_semaphore(%arg12 : memref<!tpu.dma_semaphore, #tpu.memory_space<semaphore_mem>>)
    %add3A_76 = arith.constant 480 : i32
    %add3A_77 = arith.addi %mul3A_4, %add3A_76 : i32
    %dma_start3A_78 = arith.constant 0 : i32
    %dma_start3A_79 = arith.constant 0 : i32
    %dma_start3A_80 = tpu.memref_slice %arg7[%dma_start3A_78, %dma_start3A_79] : memref<125x128xf32, #tpu.memory_space<vmem>> -> memref<80x128xf32, #tpu.memory_space<vmem>>
    %dma_start3A_81 = arith.constant 0 : i32
    %dma_start3A_82 = tpu.memref_slice %arg9[%add3A_77, %dma_start3A_81] : memref<10240x128xf32, #tpu.memory_space<vmem_shared>> -> memref<80x128xf32, #tpu.memory_space<vmem_shared>>
    %dma_start3A_83 = arith.constant 0 : i32
    %dma_start3A_84 = tpu.memref_slice %arg9[%add3A_77, %dma_start3A_83] : memref<10240x128xf32, #tpu.memory_space<vmem_shared>> -> memref<80x128xf32, #tpu.memory_space<vmem_shared>>
    %dma_start3A_85 = arith.constant 0 : i32
    %dma_start3A_86 = arith.constant 0 : i32
    %dma_start3A_87 = tpu.memref_slice %arg7[%dma_start3A_85, %dma_start3A_86] : memref<125x128xf32, #tpu.memory_space<vmem>> -> memref<80x128xf32, #tpu.memory_space<vmem>>
    tpu.enqueue_dma source(%dma_start3A_87 : memref<80x128xf32, #tpu.memory_space<vmem>>) target(%dma_start3A_84 : memref<80x128xf32, #tpu.memory_space<vmem_shared>>) target_semaphore(%arg12 : memref<!tpu.dma_semaphore, #tpu.memory_space<semaphore_mem>>)
    %add3A_88 = arith.constant 560 : i32
    %add3A_89 = arith.addi %mul3A_4, %add3A_88 : i32
    %dma_start3A_90 = arith.constant 0 : i32
    %dma_start3A_91 = arith.constant 0 : i32
    %dma_start3A_92 = tpu.memref_slice %arg7[%dma_start3A_90, %dma_start3A_91] : memref<125x128xf32, #tpu.memory_space<vmem>> -> memref<80x128xf32, #tpu.memory_space<vmem>>
    %dma_start3A_93 = arith.constant 0 : i32
    %dma_start3A_94 = tpu.memref_slice %arg9[%add3A_89, %dma_start3A_93] : memref<10240x128xf32, #tpu.memory_space<vmem_shared>> -> memref<80x128xf32, #tpu.memory_space<vmem_shared>>
    %dma_start3A_95 = arith.constant 0 : i32
    %dma_start3A_96 = tpu.memref_slice %arg9[%add3A_89, %dma_start3A_95] : memref<10240x128xf32, #tpu.memory_space<vmem_shared>> -> memref<80x128xf32, #tpu.memory_space<vmem_shared>>
    %dma_start3A_97 = arith.constant 0 : i32
    %dma_start3A_98 = arith.constant 0 : i32
    %dma_start3A_99 = tpu.memref_slice %arg7[%dma_start3A_97, %dma_start3A_98] : memref<125x128xf32, #tpu.memory_space<vmem>> -> memref<80x128xf32, #tpu.memory_space<vmem>>
    tpu.enqueue_dma source(%dma_start3A_99 : memref<80x128xf32, #tpu.memory_space<vmem>>) target(%dma_start3A_96 : memref<80x128xf32, #tpu.memory_space<vmem_shared>>) target_semaphore(%arg12 : memref<!tpu.dma_semaphore, #tpu.memory_space<semaphore_mem>>)
    %dma_wait3A = arith.constant 0 : i32
    %dma_wait3A_100 = arith.constant 0 : i32
    %dma_wait3A_101 = tpu.memref_slice %arg7[%dma_wait3A, %dma_wait3A_100] : memref<125x128xf32, #tpu.memory_space<vmem>> -> memref<80x128xf32, #tpu.memory_space<vmem>>
    %dma_wait3A_102 = arith.constant 0 : i32
    %dma_wait3A_103 = tpu.memref_slice %arg9[%mul3A_4, %dma_wait3A_102] : memref<10240x128xf32, #tpu.memory_space<vmem_shared>> -> memref<80x128xf32, #tpu.memory_space<vmem_shared>>
    %dma_wait3A_104 = arith.constant 0 : i32
    %dma_wait3A_105 = tpu.memref_slice %arg9[%mul3A_4, %dma_wait3A_104] : memref<10240x128xf32, #tpu.memory_space<vmem_shared>> -> memref<80x128xf32, #tpu.memory_space<vmem_shared>>
    %dma_wait3A_106 = arith.constant 0 : i32
    %dma_wait3A_107 = arith.constant 0 : i32
    %dma_wait3A_108 = tpu.memref_slice %arg7[%dma_wait3A_106, %dma_wait3A_107] : memref<125x128xf32, #tpu.memory_space<vmem>> -> memref<80x128xf32, #tpu.memory_space<vmem>>
    tpu.wait_dma2 semaphore(%arg12 : memref<!tpu.dma_semaphore, #tpu.memory_space<semaphore_mem>>) src(%dma_wait3A_108 : memref<80x128xf32, #tpu.memory_space<vmem>>) dst(%dma_wait3A_105 : memref<80x128xf32, #tpu.memory_space<vmem_shared>>)
    %dma_wait3A_109 = arith.constant 0 : i32
    %dma_wait3A_110 = arith.constant 0 : i32
    %dma_wait3A_111 = tpu.memref_slice %arg7[%dma_wait3A_109, %dma_wait3A_110] : memref<125x128xf32, #tpu.memory_space<vmem>> -> memref<80x128xf32, #tpu.memory_space<vmem>>
    %dma_wait3A_112 = arith.constant 0 : i32
    %dma_wait3A_113 = tpu.memref_slice %arg9[%mul3A_4, %dma_wait3A_112] : memref<10240x128xf32, #tpu.memory_space<vmem_shared>> -> memref<80x128xf32, #tpu.memory_space<vmem_shared>>
    %dma_wait3A_114 = arith.constant 0 : i32
    %dma_wait3A_115 = tpu.memref_slice %arg9[%mul3A_4, %dma_wait3A_114] : memref<10240x128xf32, #tpu.memory_space<vmem_shared>> -> memref<80x128xf32, #tpu.memory_space<vmem_shared>>
    %dma_wait3A_116 = arith.constant 0 : i32
    %dma_wait3A_117 = arith.constant 0 : i32
    %dma_wait3A_118 = tpu.memref_slice %arg7[%dma_wait3A_116, %dma_wait3A_117] : memref<125x128xf32, #tpu.memory_space<vmem>> -> memref<80x128xf32, #tpu.memory_space<vmem>>
    tpu.wait_dma2 semaphore(%arg12 : memref<!tpu.dma_semaphore, #tpu.memory_space<semaphore_mem>>) src(%dma_wait3A_118 : memref<80x128xf32, #tpu.memory_space<vmem>>) dst(%dma_wait3A_115 : memref<80x128xf32, #tpu.memory_space<vmem_shared>>)
    %dma_wait3A_119 = arith.constant 0 : i32
    %dma_wait3A_120 = arith.constant 0 : i32
    %dma_wait3A_121 = tpu.memref_slice %arg7[%dma_wait3A_119, %dma_wait3A_120] : memref<125x128xf32, #tpu.memory_space<vmem>> -> memref<80x128xf32, #tpu.memory_space<vmem>>
    %dma_wait3A_122 = arith.constant 0 : i32
    %dma_wait3A_123 = tpu.memref_slice %arg9[%mul3A_4, %dma_wait3A_122] : memref<10240x128xf32, #tpu.memory_space<vmem_shared>> -> memref<80x128xf32, #tpu.memory_space<vmem_shared>>
    %dma_wait3A_124 = arith.constant 0 : i32
    %dma_wait3A_125 = tpu.memref_slice %arg9[%mul3A_4, %dma_wait3A_124] : memref<10240x128xf32, #tpu.memory_space<vmem_shared>> -> memref<80x128xf32, #tpu.memory_space<vmem_shared>>
    %dma_wait3A_126 = arith.constant 0 : i32
    %dma_wait3A_127 = arith.constant 0 : i32
    %dma_wait3A_128 = tpu.memref_slice %arg7[%dma_wait3A_126, %dma_wait3A_127] : memref<125x128xf32, #tpu.memory_space<vmem>> -> memref<80x128xf32, #tpu.memory_space<vmem>>
    tpu.wait_dma2 semaphore(%arg12 : memref<!tpu.dma_semaphore, #tpu.memory_space<semaphore_mem>>) src(%dma_wait3A_128 : memref<80x128xf32, #tpu.memory_space<vmem>>) dst(%dma_wait3A_125 : memref<80x128xf32, #tpu.memory_space<vmem_shared>>)
    %dma_wait3A_129 = arith.constant 0 : i32
    %dma_wait3A_130 = arith.constant 0 : i32
    %dma_wait3A_131 = tpu.memref_slice %arg7[%dma_wait3A_129, %dma_wait3A_130] : memref<125x128xf32, #tpu.memory_space<vmem>> -> memref<80x128xf32, #tpu.memory_space<vmem>>
    %dma_wait3A_132 = arith.constant 0 : i32
    %dma_wait3A_133 = tpu.memref_slice %arg9[%mul3A_4, %dma_wait3A_132] : memref<10240x128xf32, #tpu.memory_space<vmem_shared>> -> memref<80x128xf32, #tpu.memory_space<vmem_shared>>
    %dma_wait3A_134 = arith.constant 0 : i32
    %dma_wait3A_135 = tpu.memref_slice %arg9[%mul3A_4, %dma_wait3A_134] : memref<10240x128xf32, #tpu.memory_space<vmem_shared>> -> memref<80x128xf32, #tpu.memory_space<vmem_shared>>
    %dma_wait3A_136 = arith.constant 0 : i32
    %dma_wait3A_137 = arith.constant 0 : i32
    %dma_wait3A_138 = tpu.memref_slice %arg7[%dma_wait3A_136, %dma_wait3A_137] : memref<125x128xf32, #tpu.memory_space<vmem>> -> memref<80x128xf32, #tpu.memory_space<vmem>>
    tpu.wait_dma2 semaphore(%arg12 : memref<!tpu.dma_semaphore, #tpu.memory_space<semaphore_mem>>) src(%dma_wait3A_138 : memref<80x128xf32, #tpu.memory_space<vmem>>) dst(%dma_wait3A_135 : memref<80x128xf32, #tpu.memory_space<vmem_shared>>)
    %dma_wait3A_139 = arith.constant 0 : i32
    %dma_wait3A_140 = arith.constant 0 : i32
    %dma_wait3A_141 = tpu.memref_slice %arg7[%dma_wait3A_139, %dma_wait3A_140] : memref<125x128xf32, #tpu.memory_space<vmem>> -> memref<80x128xf32, #tpu.memory_space<vmem>>
    %dma_wait3A_142 = arith.constant 0 : i32
    %dma_wait3A_143 = tpu.memref_slice %arg9[%mul3A_4, %dma_wait3A_142] : memref<10240x128xf32, #tpu.memory_space<vmem_shared>> -> memref<80x128xf32, #tpu.memory_space<vmem_shared>>
    %dma_wait3A_144 = arith.constant 0 : i32
    %dma_wait3A_145 = tpu.memref_slice %arg9[%mul3A_4, %dma_wait3A_144] : memref<10240x128xf32, #tpu.memory_space<vmem_shared>> -> memref<80x128xf32, #tpu.memory_space<vmem_shared>>
    %dma_wait3A_146 = arith.constant 0 : i32
    %dma_wait3A_147 = arith.constant 0 : i32
    %dma_wait3A_148 = tpu.memref_slice %arg7[%dma_wait3A_146, %dma_wait3A_147] : memref<125x128xf32, #tpu.memory_space<vmem>> -> memref<80x128xf32, #tpu.memory_space<vmem>>
    tpu.wait_dma2 semaphore(%arg12 : memref<!tpu.dma_semaphore, #tpu.memory_space<semaphore_mem>>) src(%dma_wait3A_148 : memref<80x128xf32, #tpu.memory_space<vmem>>) dst(%dma_wait3A_145 : memref<80x128xf32, #tpu.memory_space<vmem_shared>>)
    %dma_wait3A_149 = arith.constant 0 : i32
    %dma_wait3A_150 = arith.constant 0 : i32
    %dma_wait3A_151 = tpu.memref_slice %arg7[%dma_wait3A_149, %dma_wait3A_150] : memref<125x128xf32, #tpu.memory_space<vmem>> -> memref<80x128xf32, #tpu.memory_space<vmem>>
    %dma_wait3A_152 = arith.constant 0 : i32
    %dma_wait3A_153 = tpu.memref_slice %arg9[%mul3A_4, %dma_wait3A_152] : memref<10240x128xf32, #tpu.memory_space<vmem_shared>> -> memref<80x128xf32, #tpu.memory_space<vmem_shared>>
    %dma_wait3A_154 = arith.constant 0 : i32
    %dma_wait3A_155 = tpu.memref_slice %arg9[%mul3A_4, %dma_wait3A_154] : memref<10240x128xf32, #tpu.memory_space<vmem_shared>> -> memref<80x128xf32, #tpu.memory_space<vmem_shared>>
    %dma_wait3A_156 = arith.constant 0 : i32
    %dma_wait3A_157 = arith.constant 0 : i32
    %dma_wait3A_158 = tpu.memref_slice %arg7[%dma_wait3A_156, %dma_wait3A_157] : memref<125x128xf32, #tpu.memory_space<vmem>> -> memref<80x128xf32, #tpu.memory_space<vmem>>
    tpu.wait_dma2 semaphore(%arg12 : memref<!tpu.dma_semaphore, #tpu.memory_space<semaphore_mem>>) src(%dma_wait3A_158 : memref<80x128xf32, #tpu.memory_space<vmem>>) dst(%dma_wait3A_155 : memref<80x128xf32, #tpu.memory_space<vmem_shared>>)
    %dma_wait3A_159 = arith.constant 0 : i32
    %dma_wait3A_160 = arith.constant 0 : i32
    %dma_wait3A_161 = tpu.memref_slice %arg7[%dma_wait3A_159, %dma_wait3A_160] : memref<125x128xf32, #tpu.memory_space<vmem>> -> memref<80x128xf32, #tpu.memory_space<vmem>>
    %dma_wait3A_162 = arith.constant 0 : i32
    %dma_wait3A_163 = tpu.memref_slice %arg9[%mul3A_4, %dma_wait3A_162] : memref<10240x128xf32, #tpu.memory_space<vmem_shared>> -> memref<80x128xf32, #tpu.memory_space<vmem_shared>>
    %dma_wait3A_164 = arith.constant 0 : i32
    %dma_wait3A_165 = tpu.memref_slice %arg9[%mul3A_4, %dma_wait3A_164] : memref<10240x128xf32, #tpu.memory_space<vmem_shared>> -> memref<80x128xf32, #tpu.memory_space<vmem_shared>>
    %dma_wait3A_166 = arith.constant 0 : i32
    %dma_wait3A_167 = arith.constant 0 : i32
    %dma_wait3A_168 = tpu.memref_slice %arg7[%dma_wait3A_166, %dma_wait3A_167] : memref<125x128xf32, #tpu.memory_space<vmem>> -> memref<80x128xf32, #tpu.memory_space<vmem>>
    tpu.wait_dma2 semaphore(%arg12 : memref<!tpu.dma_semaphore, #tpu.memory_space<semaphore_mem>>) src(%dma_wait3A_168 : memref<80x128xf32, #tpu.memory_space<vmem>>) dst(%dma_wait3A_165 : memref<80x128xf32, #tpu.memory_space<vmem_shared>>)
    %dma_wait3A_169 = arith.constant 0 : i32
    %dma_wait3A_170 = arith.constant 0 : i32
    %dma_wait3A_171 = tpu.memref_slice %arg7[%dma_wait3A_169, %dma_wait3A_170] : memref<125x128xf32, #tpu.memory_space<vmem>> -> memref<80x128xf32, #tpu.memory_space<vmem>>
    %dma_wait3A_172 = arith.constant 0 : i32
    %dma_wait3A_173 = tpu.memref_slice %arg9[%mul3A_4, %dma_wait3A_172] : memref<10240x128xf32, #tpu.memory_space<vmem_shared>> -> memref<80x128xf32, #tpu.memory_space<vmem_shared>>
    %dma_wait3A_174 = arith.constant 0 : i32
    %dma_wait3A_175 = tpu.memref_slice %arg9[%mul3A_4, %dma_wait3A_174] : memref<10240x128xf32, #tpu.memory_space<vmem_shared>> -> memref<80x128xf32, #tpu.memory_space<vmem_shared>>
    %dma_wait3A_176 = arith.constant 0 : i32
    %dma_wait3A_177 = arith.constant 0 : i32
    %dma_wait3A_178 = tpu.memref_slice %arg7[%dma_wait3A_176, %dma_wait3A_177] : memref<125x128xf32, #tpu.memory_space<vmem>> -> memref<80x128xf32, #tpu.memory_space<vmem>>
    tpu.wait_dma2 semaphore(%arg12 : memref<!tpu.dma_semaphore, #tpu.memory_space<semaphore_mem>>) src(%dma_wait3A_178 : memref<80x128xf32, #tpu.memory_space<vmem>>) dst(%dma_wait3A_175 : memref<80x128xf32, #tpu.memory_space<vmem_shared>>)
    %barrier3A = arith.constant 0 : index
    tpu.barrier barrier_id(%barrier3A)
    %rem3A = arith.constant 0 : i32
    %rem3A_179 = arith.constant 80 : i32
    %rem3A_180 = arith.remsi %rem3A, %rem3A_179 : i32
    %add3A_181 = arith.addi %mul3A_2, %rem3A_180 : i32
    %dma_start3A_182 = arith.constant 0 : i32
    %dma_start3A_183 = arith.constant 0 : i32
    %dma_start3A_184 = arith.constant 0 : i32
    %dma_start3A_185 = tpu.memref_slice %arg6[%dma_start3A_182, %dma_start3A_183, %dma_start3A_184] : memref<4x2x125xi32, #tpu.memory_space<vmem>> -> memref<1x2x125xi32, #tpu.memory_space<vmem>>
    %dma_start3A_186 = tpu.memref_squeeze %dma_start3A_185 : memref<1x2x125xi32, #tpu.memory_space<vmem>> -> memref<2x125xi32, #tpu.memory_space<vmem>>
    %dma_start3A_187 = arith.constant 0 : i32
    %dma_start3A_188 = arith.constant 0 : i32
    %dma_start3A_189 = tpu.memref_slice %arg3[%add3A_181, %dma_start3A_187, %dma_start3A_188] : memref<2560x2x125xi32, #tpu.memory_space<hbm>> -> memref<1x2x125xi32, #tpu.memory_space<hbm>>
    %dma_start3A_190 = tpu.memref_squeeze %dma_start3A_189 : memref<1x2x125xi32, #tpu.memory_space<hbm>> -> memref<2x125xi32, #tpu.memory_space<hbm>>
    %dma_start3A_191 = arith.constant 0 : i32
    %dma_start3A_192 = arith.constant 0 : i32
    %dma_start3A_193 = tpu.memref_slice %arg6[%dma_start3A_182, %dma_start3A_191, %dma_start3A_192] : memref<4x2x125xi32, #tpu.memory_space<vmem>> -> memref<1x2x125xi32, #tpu.memory_space<vmem>>
    %dma_start3A_194 = tpu.memref_squeeze %dma_start3A_193 : memref<1x2x125xi32, #tpu.memory_space<vmem>> -> memref<2x125xi32, #tpu.memory_space<vmem>>
    %dma_start3A_195 = arith.constant 0 : i32
    %dma_start3A_196 = arith.constant 0 : i32
    %dma_start3A_197 = tpu.memref_slice %arg3[%add3A_181, %dma_start3A_195, %dma_start3A_196] : memref<2560x2x125xi32, #tpu.memory_space<hbm>> -> memref<1x2x125xi32, #tpu.memory_space<hbm>>
    %dma_start3A_198 = tpu.memref_squeeze %dma_start3A_197 : memref<1x2x125xi32, #tpu.memory_space<hbm>> -> memref<2x125xi32, #tpu.memory_space<hbm>>
    tpu.enqueue_dma source(%dma_start3A_198 : memref<2x125xi32, #tpu.memory_space<hbm>>) target(%dma_start3A_194 : memref<2x125xi32, #tpu.memory_space<vmem>>) target_semaphore(%arg14 : memref<!tpu.dma_semaphore, #tpu.memory_space<semaphore_mem>>)
    %rem3A_199 = arith.constant 1 : i32
    %rem3A_200 = arith.constant 80 : i32
    %rem3A_201 = arith.remsi %rem3A_199, %rem3A_200 : i32
    %add3A_202 = arith.addi %mul3A_2, %rem3A_201 : i32
    %dma_start3A_203 = arith.constant 1 : i32
    %dma_start3A_204 = arith.constant 0 : i32
    %dma_start3A_205 = arith.constant 0 : i32
    %dma_start3A_206 = tpu.memref_slice %arg6[%dma_start3A_203, %dma_start3A_204, %dma_start3A_205] : memref<4x2x125xi32, #tpu.memory_space<vmem>> -> memref<1x2x125xi32, #tpu.memory_space<vmem>>
    %dma_start3A_207 = tpu.memref_squeeze %dma_start3A_206 : memref<1x2x125xi32, #tpu.memory_space<vmem>> -> memref<2x125xi32, #tpu.memory_space<vmem>>
    %dma_start3A_208 = arith.constant 0 : i32
    %dma_start3A_209 = arith.constant 0 : i32
    %dma_start3A_210 = tpu.memref_slice %arg3[%add3A_202, %dma_start3A_208, %dma_start3A_209] : memref<2560x2x125xi32, #tpu.memory_space<hbm>> -> memref<1x2x125xi32, #tpu.memory_space<hbm>>
    %dma_start3A_211 = tpu.memref_squeeze %dma_start3A_210 : memref<1x2x125xi32, #tpu.memory_space<hbm>> -> memref<2x125xi32, #tpu.memory_space<hbm>>
    %dma_start3A_212 = arith.constant 0 : i32
    %dma_start3A_213 = arith.constant 0 : i32
    %dma_start3A_214 = tpu.memref_slice %arg6[%dma_start3A_203, %dma_start3A_212, %dma_start3A_213] : memref<4x2x125xi32, #tpu.memory_space<vmem>> -> memref<1x2x125xi32, #tpu.memory_space<vmem>>
    %dma_start3A_215 = tpu.memref_squeeze %dma_start3A_214 : memref<1x2x125xi32, #tpu.memory_space<vmem>> -> memref<2x125xi32, #tpu.memory_space<vmem>>
    %dma_start3A_216 = arith.constant 0 : i32
    %dma_start3A_217 = arith.constant 0 : i32
    %dma_start3A_218 = tpu.memref_slice %arg3[%add3A_202, %dma_start3A_216, %dma_start3A_217] : memref<2560x2x125xi32, #tpu.memory_space<hbm>> -> memref<1x2x125xi32, #tpu.memory_space<hbm>>
    %dma_start3A_219 = tpu.memref_squeeze %dma_start3A_218 : memref<1x2x125xi32, #tpu.memory_space<hbm>> -> memref<2x125xi32, #tpu.memory_space<hbm>>
    tpu.enqueue_dma source(%dma_start3A_219 : memref<2x125xi32, #tpu.memory_space<hbm>>) target(%dma_start3A_215 : memref<2x125xi32, #tpu.memory_space<vmem>>) target_semaphore(%arg15 : memref<!tpu.dma_semaphore, #tpu.memory_space<semaphore_mem>>)
    %dma_wait3A_220 = arith.constant 0 : i32
    %dma_wait3A_221 = arith.constant 0 : i32
    %dma_wait3A_222 = arith.constant 0 : i32
    %dma_wait3A_223 = tpu.memref_slice %arg6[%dma_wait3A_220, %dma_wait3A_221, %dma_wait3A_222] : memref<4x2x125xi32, #tpu.memory_space<vmem>> -> memref<1x2x125xi32, #tpu.memory_space<vmem>>
    %dma_wait3A_224 = tpu.memref_squeeze %dma_wait3A_223 : memref<1x2x125xi32, #tpu.memory_space<vmem>> -> memref<2x125xi32, #tpu.memory_space<vmem>>
    %dma_wait3A_225 = arith.constant 0 : i32
    %dma_wait3A_226 = arith.constant 0 : i32
    %dma_wait3A_227 = tpu.memref_slice %arg3[%mul3A_2, %dma_wait3A_225, %dma_wait3A_226] : memref<2560x2x125xi32, #tpu.memory_space<hbm>> -> memref<1x2x125xi32, #tpu.memory_space<hbm>>
    %dma_wait3A_228 = tpu.memref_squeeze %dma_wait3A_227 : memref<1x2x125xi32, #tpu.memory_space<hbm>> -> memref<2x125xi32, #tpu.memory_space<hbm>>
    %dma_wait3A_229 = arith.constant 0 : i32
    %dma_wait3A_230 = arith.constant 0 : i32
    %dma_wait3A_231 = tpu.memref_slice %arg6[%dma_wait3A_220, %dma_wait3A_229, %dma_wait3A_230] : memref<4x2x125xi32, #tpu.memory_space<vmem>> -> memref<1x2x125xi32, #tpu.memory_space<vmem>>
    %dma_wait3A_232 = tpu.memref_squeeze %dma_wait3A_231 : memref<1x2x125xi32, #tpu.memory_space<vmem>> -> memref<2x125xi32, #tpu.memory_space<vmem>>
    %dma_wait3A_233 = arith.constant 0 : i32
    %dma_wait3A_234 = arith.constant 0 : i32
    %dma_wait3A_235 = tpu.memref_slice %arg3[%mul3A_2, %dma_wait3A_233, %dma_wait3A_234] : memref<2560x2x125xi32, #tpu.memory_space<hbm>> -> memref<1x2x125xi32, #tpu.memory_space<hbm>>
    %dma_wait3A_236 = tpu.memref_squeeze %dma_wait3A_235 : memref<1x2x125xi32, #tpu.memory_space<hbm>> -> memref<2x125xi32, #tpu.memory_space<hbm>>
    tpu.wait_dma2 semaphore(%arg14 : memref<!tpu.dma_semaphore, #tpu.memory_space<semaphore_mem>>) src(%dma_wait3A_236 : memref<2x125xi32, #tpu.memory_space<hbm>>) dst(%dma_wait3A_232 : memref<2x125xi32, #tpu.memory_space<vmem>>)
    %dma_start3A_237 = arith.constant 0 : i32
    %dma_start3A_238 = arith.constant 0 : i32
    %dma_start3A_239 = arith.constant 0 : i32
    %dma_start3A_240 = tpu.memref_slice %arg6[%dma_start3A_237, %dma_start3A_238, %dma_start3A_239] : memref<4x2x125xi32, #tpu.memory_space<vmem>> -> memref<1x1x125xi32, #tpu.memory_space<vmem>>
    %dma_start3A_241 = tpu.memref_squeeze %dma_start3A_240 : memref<1x1x125xi32, #tpu.memory_space<vmem>> -> memref<125xi32, #tpu.memory_space<vmem>>
    %dma_start3A_242 = arith.constant 0 : i32
    %dma_start3A_243 = arith.constant 0 : i32
    %dma_start3A_244 = tpu.memref_slice %arg2[%dma_start3A_242, %dma_start3A_243] : memref<10240x128xf32, #tpu.memory_space<hbm>> -> memref<10240x128xf32, #tpu.memory_space<hbm>>
    tpu.enqueue_indirect_dma source(%dma_start3A_244 : memref<10240x128xf32, #tpu.memory_space<hbm>>) target(%arg7 : memref<125x128xf32, #tpu.memory_space<vmem>>) offsets(%dma_start3A_241 : memref<125xi32, #tpu.memory_space<vmem>>) semaphore(%arg10 : memref<!tpu.dma_semaphore, #tpu.memory_space<semaphore_mem>>)
    %dma_wait3A_245 = arith.constant 1 : i32
    %dma_wait3A_246 = arith.constant 0 : i32
    %dma_wait3A_247 = arith.constant 0 : i32
    %dma_wait3A_248 = tpu.memref_slice %arg6[%dma_wait3A_245, %dma_wait3A_246, %dma_wait3A_247] : memref<4x2x125xi32, #tpu.memory_space<vmem>> -> memref<1x2x125xi32, #tpu.memory_space<vmem>>
    %dma_wait3A_249 = tpu.memref_squeeze %dma_wait3A_248 : memref<1x2x125xi32, #tpu.memory_space<vmem>> -> memref<2x125xi32, #tpu.memory_space<vmem>>
    %dma_wait3A_250 = arith.constant 0 : i32
    %dma_wait3A_251 = arith.constant 0 : i32
    %dma_wait3A_252 = tpu.memref_slice %arg3[%mul3A_2, %dma_wait3A_250, %dma_wait3A_251] : memref<2560x2x125xi32, #tpu.memory_space<hbm>> -> memref<1x2x125xi32, #tpu.memory_space<hbm>>
    %dma_wait3A_253 = tpu.memref_squeeze %dma_wait3A_252 : memref<1x2x125xi32, #tpu.memory_space<hbm>> -> memref<2x125xi32, #tpu.memory_space<hbm>>
    %dma_wait3A_254 = arith.constant 0 : i32
    %dma_wait3A_255 = arith.constant 0 : i32
    %dma_wait3A_256 = tpu.memref_slice %arg6[%dma_wait3A_245, %dma_wait3A_254, %dma_wait3A_255] : memref<4x2x125xi32, #tpu.memory_space<vmem>> -> memref<1x2x125xi32, #tpu.memory_space<vmem>>
    %dma_wait3A_257 = tpu.memref_squeeze %dma_wait3A_256 : memref<1x2x125xi32, #tpu.memory_space<vmem>> -> memref<2x125xi32, #tpu.memory_space<vmem>>
    %dma_wait3A_258 = arith.constant 0 : i32
    %dma_wait3A_259 = arith.constant 0 : i32
    %dma_wait3A_260 = tpu.memref_slice %arg3[%mul3A_2, %dma_wait3A_258, %dma_wait3A_259] : memref<2560x2x125xi32, #tpu.memory_space<hbm>> -> memref<1x2x125xi32, #tpu.memory_space<hbm>>
    %dma_wait3A_261 = tpu.memref_squeeze %dma_wait3A_260 : memref<1x2x125xi32, #tpu.memory_space<hbm>> -> memref<2x125xi32, #tpu.memory_space<hbm>>
    tpu.wait_dma2 semaphore(%arg15 : memref<!tpu.dma_semaphore, #tpu.memory_space<semaphore_mem>>) src(%dma_wait3A_261 : memref<2x125xi32, #tpu.memory_space<hbm>>) dst(%dma_wait3A_257 : memref<2x125xi32, #tpu.memory_space<vmem>>)
    %dma_start3A_262 = arith.constant 1 : i32
    %dma_start3A_263 = arith.constant 0 : i32
    %dma_start3A_264 = arith.constant 0 : i32
    %dma_start3A_265 = tpu.memref_slice %arg6[%dma_start3A_262, %dma_start3A_263, %dma_start3A_264] : memref<4x2x125xi32, #tpu.memory_space<vmem>> -> memref<1x1x125xi32, #tpu.memory_space<vmem>>
    %dma_start3A_266 = tpu.memref_squeeze %dma_start3A_265 : memref<1x1x125xi32, #tpu.memory_space<vmem>> -> memref<125xi32, #tpu.memory_space<vmem>>
    %dma_start3A_267 = arith.constant 0 : i32
    %dma_start3A_268 = arith.constant 0 : i32
    %dma_start3A_269 = tpu.memref_slice %arg2[%dma_start3A_267, %dma_start3A_268] : memref<10240x128xf32, #tpu.memory_space<hbm>> -> memref<10240x128xf32, #tpu.memory_space<hbm>>
    tpu.enqueue_indirect_dma source(%dma_start3A_269 : memref<10240x128xf32, #tpu.memory_space<hbm>>) target(%arg8 : memref<125x128xf32, #tpu.memory_space<vmem>>) offsets(%dma_start3A_266 : memref<125xi32, #tpu.memory_space<vmem>>) semaphore(%arg11 : memref<!tpu.dma_semaphore, #tpu.memory_space<semaphore_mem>>)
    %scan3A = arith.constant 0 : i32
    %scan3A_270 = arith.constant 0 : i32
    %scan3A_271 = arith.constant 20 : i32
    %scan3A_272 = arith.addi %scan3A_270, %scan3A_271 : i32
    %scan3A_273 = arith.constant 1 : i32
    scf.for %scan3A_676 = %scan3A_270 to %scan3A_272 step %scan3A_273  : i32 {
      %mul3A_677 = arith.constant 4 : i32
      %mul3A_678 = arith.muli %mul3A_677, %scan3A_676 : i32
      %add3A_679 = arith.constant 2 : i32
      %add3A_680 = arith.addi %mul3A_678, %add3A_679 : i32
      %rem3A_681 = arith.constant 80 : i32
      %rem3A_682 = arith.remsi %add3A_680, %rem3A_681 : i32
      %add3A_683 = arith.addi %mul3A_2, %rem3A_682 : i32
      %dma_start3A_684 = arith.constant 2 : i32
      %dma_start3A_685 = arith.constant 0 : i32
      %dma_start3A_686 = arith.constant 0 : i32
      %dma_start3A_687 = tpu.memref_slice %arg6[%dma_start3A_684, %dma_start3A_685, %dma_start3A_686] : memref<4x2x125xi32, #tpu.memory_space<vmem>> -> memref<1x2x125xi32, #tpu.memory_space<vmem>>
      %dma_start3A_688 = tpu.memref_squeeze %dma_start3A_687 : memref<1x2x125xi32, #tpu.memory_space<vmem>> -> memref<2x125xi32, #tpu.memory_space<vmem>>
      %dma_start3A_689 = arith.constant 0 : i32
      %dma_start3A_690 = arith.constant 0 : i32
      %dma_start3A_691 = tpu.memref_slice %arg3[%add3A_683, %dma_start3A_689, %dma_start3A_690] : memref<2560x2x125xi32, #tpu.memory_space<hbm>> -> memref<1x2x125xi32, #tpu.memory_space<hbm>>
      %dma_start3A_692 = tpu.memref_squeeze %dma_start3A_691 : memref<1x2x125xi32, #tpu.memory_space<hbm>> -> memref<2x125xi32, #tpu.memory_space<hbm>>
      %dma_start3A_693 = arith.constant 0 : i32
      %dma_start3A_694 = arith.constant 0 : i32
      %dma_start3A_695 = tpu.memref_slice %arg6[%dma_start3A_684, %dma_start3A_693, %dma_start3A_694] : memref<4x2x125xi32, #tpu.memory_space<vmem>> -> memref<1x2x125xi32, #tpu.memory_space<vmem>>
      %dma_start3A_696 = tpu.memref_squeeze %dma_start3A_695 : memref<1x2x125xi32, #tpu.memory_space<vmem>> -> memref<2x125xi32, #tpu.memory_space<vmem>>
      %dma_start3A_697 = arith.constant 0 : i32
      %dma_start3A_698 = arith.constant 0 : i32
      %dma_start3A_699 = tpu.memref_slice %arg3[%add3A_683, %dma_start3A_697, %dma_start3A_698] : memref<2560x2x125xi32, #tpu.memory_space<hbm>> -> memref<1x2x125xi32, #tpu.memory_space<hbm>>
      %dma_start3A_700 = tpu.memref_squeeze %dma_start3A_699 : memref<1x2x125xi32, #tpu.memory_space<hbm>> -> memref<2x125xi32, #tpu.memory_space<hbm>>
      tpu.enqueue_dma source(%dma_start3A_700 : memref<2x125xi32, #tpu.memory_space<hbm>>) target(%dma_start3A_696 : memref<2x125xi32, #tpu.memory_space<vmem>>) target_semaphore(%arg16 : memref<!tpu.dma_semaphore, #tpu.memory_space<semaphore_mem>>)
      %add3A_701 = arith.constant 3 : i32
      %add3A_702 = arith.addi %mul3A_678, %add3A_701 : i32
      %rem3A_703 = arith.constant 80 : i32
      %rem3A_704 = arith.remsi %add3A_702, %rem3A_703 : i32
      %add3A_705 = arith.addi %mul3A_2, %rem3A_704 : i32
      %dma_start3A_706 = arith.constant 3 : i32
      %dma_start3A_707 = arith.constant 0 : i32
      %dma_start3A_708 = arith.constant 0 : i32
      %dma_start3A_709 = tpu.memref_slice %arg6[%dma_start3A_706, %dma_start3A_707, %dma_start3A_708] : memref<4x2x125xi32, #tpu.memory_space<vmem>> -> memref<1x2x125xi32, #tpu.memory_space<vmem>>
      %dma_start3A_710 = tpu.memref_squeeze %dma_start3A_709 : memref<1x2x125xi32, #tpu.memory_space<vmem>> -> memref<2x125xi32, #tpu.memory_space<vmem>>
      %dma_start3A_711 = arith.constant 0 : i32
      %dma_start3A_712 = arith.constant 0 : i32
      %dma_start3A_713 = tpu.memref_slice %arg3[%add3A_705, %dma_start3A_711, %dma_start3A_712] : memref<2560x2x125xi32, #tpu.memory_space<hbm>> -> memref<1x2x125xi32, #tpu.memory_space<hbm>>
      %dma_start3A_714 = tpu.memref_squeeze %dma_start3A_713 : memref<1x2x125xi32, #tpu.memory_space<hbm>> -> memref<2x125xi32, #tpu.memory_space<hbm>>
      %dma_start3A_715 = arith.constant 0 : i32
      %dma_start3A_716 = arith.constant 0 : i32
      %dma_start3A_717 = tpu.memref_slice %arg6[%dma_start3A_706, %dma_start3A_715, %dma_start3A_716] : memref<4x2x125xi32, #tpu.memory_space<vmem>> -> memref<1x2x125xi32, #tpu.memory_space<vmem>>
      %dma_start3A_718 = tpu.memref_squeeze %dma_start3A_717 : memref<1x2x125xi32, #tpu.memory_space<vmem>> -> memref<2x125xi32, #tpu.memory_space<vmem>>
      %dma_start3A_719 = arith.constant 0 : i32
      %dma_start3A_720 = arith.constant 0 : i32
      %dma_start3A_721 = tpu.memref_slice %arg3[%add3A_705, %dma_start3A_719, %dma_start3A_720] : memref<2560x2x125xi32, #tpu.memory_space<hbm>> -> memref<1x2x125xi32, #tpu.memory_space<hbm>>
      %dma_start3A_722 = tpu.memref_squeeze %dma_start3A_721 : memref<1x2x125xi32, #tpu.memory_space<hbm>> -> memref<2x125xi32, #tpu.memory_space<hbm>>
      tpu.enqueue_dma source(%dma_start3A_722 : memref<2x125xi32, #tpu.memory_space<hbm>>) target(%dma_start3A_718 : memref<2x125xi32, #tpu.memory_space<vmem>>) target_semaphore(%arg17 : memref<!tpu.dma_semaphore, #tpu.memory_space<semaphore_mem>>)
      %dma_wait3A_723 = arith.constant 0 : i32
      %dma_wait3A_724 = arith.constant 0 : i32
      %dma_wait3A_725 = arith.constant 0 : i32
      %dma_wait3A_726 = tpu.memref_slice %arg6[%dma_wait3A_723, %dma_wait3A_724, %dma_wait3A_725] : memref<4x2x125xi32, #tpu.memory_space<vmem>> -> memref<1x1x125xi32, #tpu.memory_space<vmem>>
      %dma_wait3A_727 = tpu.memref_squeeze %dma_wait3A_726 : memref<1x1x125xi32, #tpu.memory_space<vmem>> -> memref<125xi32, #tpu.memory_space<vmem>>
      %dma_wait3A_728 = arith.constant 0 : i32
      %dma_wait3A_729 = arith.constant 0 : i32
      %dma_wait3A_730 = tpu.memref_slice %arg2[%dma_wait3A_728, %dma_wait3A_729] : memref<10240x128xf32, #tpu.memory_space<hbm>> -> memref<10240x128xf32, #tpu.memory_space<hbm>>
      tpu.wait_indirect_dma semaphore(%arg10 : memref<!tpu.dma_semaphore, #tpu.memory_space<semaphore_mem>>) src(%dma_wait3A_730 : memref<10240x128xf32, #tpu.memory_space<hbm>>) dst(%arg7 : memref<125x128xf32, #tpu.memory_space<vmem>>)
      %dma_start3A_731 = arith.constant 0 : i32
      %dma_start3A_732 = arith.constant 1 : i32
      %dma_start3A_733 = arith.constant 0 : i32
      %dma_start3A_734 = tpu.memref_slice %arg6[%dma_start3A_731, %dma_start3A_732, %dma_start3A_733] : memref<4x2x125xi32, #tpu.memory_space<vmem>> -> memref<1x1x125xi32, #tpu.memory_space<vmem>>
      %dma_start3A_735 = tpu.memref_squeeze %dma_start3A_734 : memref<1x1x125xi32, #tpu.memory_space<vmem>> -> memref<125xi32, #tpu.memory_space<vmem>>
      %dma_start3A_736 = arith.constant 0 : i32
      %dma_start3A_737 = arith.constant 0 : i32
      %dma_start3A_738 = tpu.memref_slice %arg9[%dma_start3A_736, %dma_start3A_737] : memref<10240x128xf32, #tpu.memory_space<vmem_shared>> -> memref<10240x128xf32, #tpu.memory_space<vmem_shared>>
      tpu.enqueue_indirect_dma source(%arg7 : memref<125x128xf32, #tpu.memory_space<vmem>>) target(%dma_start3A_738 : memref<10240x128xf32, #tpu.memory_space<vmem_shared>>) offsets(%dma_start3A_735 : memref<125xi32, #tpu.memory_space<vmem>>) semaphore(%arg12 : memref<!tpu.dma_semaphore, #tpu.memory_space<semaphore_mem>>) {add = true}
      %dma_wait3A_739 = arith.constant 0 : i32
      %dma_wait3A_740 = arith.constant 1 : i32
      %dma_wait3A_741 = arith.constant 0 : i32
      %dma_wait3A_742 = tpu.memref_slice %arg6[%dma_wait3A_739, %dma_wait3A_740, %dma_wait3A_741] : memref<4x2x125xi32, #tpu.memory_space<vmem>> -> memref<1x1x125xi32, #tpu.memory_space<vmem>>
      %dma_wait3A_743 = tpu.memref_squeeze %dma_wait3A_742 : memref<1x1x125xi32, #tpu.memory_space<vmem>> -> memref<125xi32, #tpu.memory_space<vmem>>
      %dma_wait3A_744 = arith.constant 0 : i32
      %dma_wait3A_745 = arith.constant 0 : i32
      %dma_wait3A_746 = tpu.memref_slice %arg9[%dma_wait3A_744, %dma_wait3A_745] : memref<10240x128xf32, #tpu.memory_space<vmem_shared>> -> memref<10240x128xf32, #tpu.memory_space<vmem_shared>>
      tpu.wait_indirect_dma semaphore(%arg12 : memref<!tpu.dma_semaphore, #tpu.memory_space<semaphore_mem>>) src(%arg7 : memref<125x128xf32, #tpu.memory_space<vmem>>) dst(%dma_wait3A_746 : memref<10240x128xf32, #tpu.memory_space<vmem_shared>>)
      %dma_wait3A_747 = arith.constant 2 : i32
      %dma_wait3A_748 = arith.constant 0 : i32
      %dma_wait3A_749 = arith.constant 0 : i32
      %dma_wait3A_750 = tpu.memref_slice %arg6[%dma_wait3A_747, %dma_wait3A_748, %dma_wait3A_749] : memref<4x2x125xi32, #tpu.memory_space<vmem>> -> memref<1x2x125xi32, #tpu.memory_space<vmem>>
      %dma_wait3A_751 = tpu.memref_squeeze %dma_wait3A_750 : memref<1x2x125xi32, #tpu.memory_space<vmem>> -> memref<2x125xi32, #tpu.memory_space<vmem>>
      %dma_wait3A_752 = arith.constant 0 : i32
      %dma_wait3A_753 = arith.constant 0 : i32
      %dma_wait3A_754 = tpu.memref_slice %arg3[%mul3A_2, %dma_wait3A_752, %dma_wait3A_753] : memref<2560x2x125xi32, #tpu.memory_space<hbm>> -> memref<1x2x125xi32, #tpu.memory_space<hbm>>
      %dma_wait3A_755 = tpu.memref_squeeze %dma_wait3A_754 : memref<1x2x125xi32, #tpu.memory_space<hbm>> -> memref<2x125xi32, #tpu.memory_space<hbm>>
      %dma_wait3A_756 = arith.constant 0 : i32
      %dma_wait3A_757 = arith.constant 0 : i32
      %dma_wait3A_758 = tpu.memref_slice %arg6[%dma_wait3A_747, %dma_wait3A_756, %dma_wait3A_757] : memref<4x2x125xi32, #tpu.memory_space<vmem>> -> memref<1x2x125xi32, #tpu.memory_space<vmem>>
      %dma_wait3A_759 = tpu.memref_squeeze %dma_wait3A_758 : memref<1x2x125xi32, #tpu.memory_space<vmem>> -> memref<2x125xi32, #tpu.memory_space<vmem>>
      %dma_wait3A_760 = arith.constant 0 : i32
      %dma_wait3A_761 = arith.constant 0 : i32
      %dma_wait3A_762 = tpu.memref_slice %arg3[%mul3A_2, %dma_wait3A_760, %dma_wait3A_761] : memref<2560x2x125xi32, #tpu.memory_space<hbm>> -> memref<1x2x125xi32, #tpu.memory_space<hbm>>
      %dma_wait3A_763 = tpu.memref_squeeze %dma_wait3A_762 : memref<1x2x125xi32, #tpu.memory_space<hbm>> -> memref<2x125xi32, #tpu.memory_space<hbm>>
      tpu.wait_dma2 semaphore(%arg16 : memref<!tpu.dma_semaphore, #tpu.memory_space<semaphore_mem>>) src(%dma_wait3A_763 : memref<2x125xi32, #tpu.memory_space<hbm>>) dst(%dma_wait3A_759 : memref<2x125xi32, #tpu.memory_space<vmem>>)
      %dma_start3A_764 = arith.constant 2 : i32
      %dma_start3A_765 = arith.constant 0 : i32
      %dma_start3A_766 = arith.constant 0 : i32
      %dma_start3A_767 = tpu.memref_slice %arg6[%dma_start3A_764, %dma_start3A_765, %dma_start3A_766] : memref<4x2x125xi32, #tpu.memory_space<vmem>> -> memref<1x1x125xi32, #tpu.memory_space<vmem>>
      %dma_start3A_768 = tpu.memref_squeeze %dma_start3A_767 : memref<1x1x125xi32, #tpu.memory_space<vmem>> -> memref<125xi32, #tpu.memory_space<vmem>>
      %dma_start3A_769 = arith.constant 0 : i32
      %dma_start3A_770 = arith.constant 0 : i32
      %dma_start3A_771 = tpu.memref_slice %arg2[%dma_start3A_769, %dma_start3A_770] : memref<10240x128xf32, #tpu.memory_space<hbm>> -> memref<10240x128xf32, #tpu.memory_space<hbm>>
      tpu.enqueue_indirect_dma source(%dma_start3A_771 : memref<10240x128xf32, #tpu.memory_space<hbm>>) target(%arg7 : memref<125x128xf32, #tpu.memory_space<vmem>>) offsets(%dma_start3A_768 : memref<125xi32, #tpu.memory_space<vmem>>) semaphore(%arg10 : memref<!tpu.dma_semaphore, #tpu.memory_space<semaphore_mem>>)
      %dma_wait3A_772 = arith.constant 0 : i32
      %dma_wait3A_773 = arith.constant 0 : i32
      %dma_wait3A_774 = arith.constant 0 : i32
      %dma_wait3A_775 = tpu.memref_slice %arg6[%dma_wait3A_772, %dma_wait3A_773, %dma_wait3A_774] : memref<4x2x125xi32, #tpu.memory_space<vmem>> -> memref<1x1x125xi32, #tpu.memory_space<vmem>>
      %dma_wait3A_776 = tpu.memref_squeeze %dma_wait3A_775 : memref<1x1x125xi32, #tpu.memory_space<vmem>> -> memref<125xi32, #tpu.memory_space<vmem>>
      %dma_wait3A_777 = arith.constant 0 : i32
      %dma_wait3A_778 = arith.constant 0 : i32
      %dma_wait3A_779 = tpu.memref_slice %arg2[%dma_wait3A_777, %dma_wait3A_778] : memref<10240x128xf32, #tpu.memory_space<hbm>> -> memref<10240x128xf32, #tpu.memory_space<hbm>>
      tpu.wait_indirect_dma semaphore(%arg11 : memref<!tpu.dma_semaphore, #tpu.memory_space<semaphore_mem>>) src(%dma_wait3A_779 : memref<10240x128xf32, #tpu.memory_space<hbm>>) dst(%arg8 : memref<125x128xf32, #tpu.memory_space<vmem>>)
      %dma_start3A_780 = arith.constant 1 : i32
      %dma_start3A_781 = arith.constant 1 : i32
      %dma_start3A_782 = arith.constant 0 : i32
      %dma_start3A_783 = tpu.memref_slice %arg6[%dma_start3A_780, %dma_start3A_781, %dma_start3A_782] : memref<4x2x125xi32, #tpu.memory_space<vmem>> -> memref<1x1x125xi32, #tpu.memory_space<vmem>>
      %dma_start3A_784 = tpu.memref_squeeze %dma_start3A_783 : memref<1x1x125xi32, #tpu.memory_space<vmem>> -> memref<125xi32, #tpu.memory_space<vmem>>
      %dma_start3A_785 = arith.constant 0 : i32
      %dma_start3A_786 = arith.constant 0 : i32
      %dma_start3A_787 = tpu.memref_slice %arg9[%dma_start3A_785, %dma_start3A_786] : memref<10240x128xf32, #tpu.memory_space<vmem_shared>> -> memref<10240x128xf32, #tpu.memory_space<vmem_shared>>
      tpu.enqueue_indirect_dma source(%arg8 : memref<125x128xf32, #tpu.memory_space<vmem>>) target(%dma_start3A_787 : memref<10240x128xf32, #tpu.memory_space<vmem_shared>>) offsets(%dma_start3A_784 : memref<125xi32, #tpu.memory_space<vmem>>) semaphore(%arg13 : memref<!tpu.dma_semaphore, #tpu.memory_space<semaphore_mem>>) {add = true}
      %dma_wait3A_788 = arith.constant 0 : i32
      %dma_wait3A_789 = arith.constant 1 : i32
      %dma_wait3A_790 = arith.constant 0 : i32
      %dma_wait3A_791 = tpu.memref_slice %arg6[%dma_wait3A_788, %dma_wait3A_789, %dma_wait3A_790] : memref<4x2x125xi32, #tpu.memory_space<vmem>> -> memref<1x1x125xi32, #tpu.memory_space<vmem>>
      %dma_wait3A_792 = tpu.memref_squeeze %dma_wait3A_791 : memref<1x1x125xi32, #tpu.memory_space<vmem>> -> memref<125xi32, #tpu.memory_space<vmem>>
      %dma_wait3A_793 = arith.constant 0 : i32
      %dma_wait3A_794 = arith.constant 0 : i32
      %dma_wait3A_795 = tpu.memref_slice %arg9[%dma_wait3A_793, %dma_wait3A_794] : memref<10240x128xf32, #tpu.memory_space<vmem_shared>> -> memref<10240x128xf32, #tpu.memory_space<vmem_shared>>
      tpu.wait_indirect_dma semaphore(%arg13 : memref<!tpu.dma_semaphore, #tpu.memory_space<semaphore_mem>>) src(%arg8 : memref<125x128xf32, #tpu.memory_space<vmem>>) dst(%dma_wait3A_795 : memref<10240x128xf32, #tpu.memory_space<vmem_shared>>)
      %dma_wait3A_796 = arith.constant 3 : i32
      %dma_wait3A_797 = arith.constant 0 : i32
      %dma_wait3A_798 = arith.constant 0 : i32
      %dma_wait3A_799 = tpu.memref_slice %arg6[%dma_wait3A_796, %dma_wait3A_797, %dma_wait3A_798] : memref<4x2x125xi32, #tpu.memory_space<vmem>> -> memref<1x2x125xi32, #tpu.memory_space<vmem>>
      %dma_wait3A_800 = tpu.memref_squeeze %dma_wait3A_799 : memref<1x2x125xi32, #tpu.memory_space<vmem>> -> memref<2x125xi32, #tpu.memory_space<vmem>>
      %dma_wait3A_801 = arith.constant 0 : i32
      %dma_wait3A_802 = arith.constant 0 : i32
      %dma_wait3A_803 = tpu.memref_slice %arg3[%mul3A_2, %dma_wait3A_801, %dma_wait3A_802] : memref<2560x2x125xi32, #tpu.memory_space<hbm>> -> memref<1x2x125xi32, #tpu.memory_space<hbm>>
      %dma_wait3A_804 = tpu.memref_squeeze %dma_wait3A_803 : memref<1x2x125xi32, #tpu.memory_space<hbm>> -> memref<2x125xi32, #tpu.memory_space<hbm>>
      %dma_wait3A_805 = arith.constant 0 : i32
      %dma_wait3A_806 = arith.constant 0 : i32
      %dma_wait3A_807 = tpu.memref_slice %arg6[%dma_wait3A_796, %dma_wait3A_805, %dma_wait3A_806] : memref<4x2x125xi32, #tpu.memory_space<vmem>> -> memref<1x2x125xi32, #tpu.memory_space<vmem>>
      %dma_wait3A_808 = tpu.memref_squeeze %dma_wait3A_807 : memref<1x2x125xi32, #tpu.memory_space<vmem>> -> memref<2x125xi32, #tpu.memory_space<vmem>>
      %dma_wait3A_809 = arith.constant 0 : i32
      %dma_wait3A_810 = arith.constant 0 : i32
      %dma_wait3A_811 = tpu.memref_slice %arg3[%mul3A_2, %dma_wait3A_809, %dma_wait3A_810] : memref<2560x2x125xi32, #tpu.memory_space<hbm>> -> memref<1x2x125xi32, #tpu.memory_space<hbm>>
      %dma_wait3A_812 = tpu.memref_squeeze %dma_wait3A_811 : memref<1x2x125xi32, #tpu.memory_space<hbm>> -> memref<2x125xi32, #tpu.memory_space<hbm>>
      tpu.wait_dma2 semaphore(%arg17 : memref<!tpu.dma_semaphore, #tpu.memory_space<semaphore_mem>>) src(%dma_wait3A_812 : memref<2x125xi32, #tpu.memory_space<hbm>>) dst(%dma_wait3A_808 : memref<2x125xi32, #tpu.memory_space<vmem>>)
      %dma_start3A_813 = arith.constant 3 : i32
      %dma_start3A_814 = arith.constant 0 : i32
      %dma_start3A_815 = arith.constant 0 : i32
      %dma_start3A_816 = tpu.memref_slice %arg6[%dma_start3A_813, %dma_start3A_814, %dma_start3A_815] : memref<4x2x125xi32, #tpu.memory_space<vmem>> -> memref<1x1x125xi32, #tpu.memory_space<vmem>>
      %dma_start3A_817 = tpu.memref_squeeze %dma_start3A_816 : memref<1x1x125xi32, #tpu.memory_space<vmem>> -> memref<125xi32, #tpu.memory_space<vmem>>
      %dma_start3A_818 = arith.constant 0 : i32
      %dma_start3A_819 = arith.constant 0 : i32
      %dma_start3A_820 = tpu.memref_slice %arg2[%dma_start3A_818, %dma_start3A_819] : memref<10240x128xf32, #tpu.memory_space<hbm>> -> memref<10240x128xf32, #tpu.memory_space<hbm>>
      tpu.enqueue_indirect_dma source(%dma_start3A_820 : memref<10240x128xf32, #tpu.memory_space<hbm>>) target(%arg8 : memref<125x128xf32, #tpu.memory_space<vmem>>) offsets(%dma_start3A_817 : memref<125xi32, #tpu.memory_space<vmem>>) semaphore(%arg11 : memref<!tpu.dma_semaphore, #tpu.memory_space<semaphore_mem>>)
      %mul3A_821 = arith.constant 4 : i32
      %mul3A_822 = arith.muli %mul3A_821, %scan3A_676 : i32
      %add3A_823 = arith.constant 2 : i32
      %add3A_824 = arith.addi %mul3A_822, %add3A_823 : i32
      %add3A_825 = arith.constant 2 : i32
      %add3A_826 = arith.addi %add3A_824, %add3A_825 : i32
      %rem3A_827 = arith.constant 80 : i32
      %rem3A_828 = arith.remsi %add3A_826, %rem3A_827 : i32
      %add3A_829 = arith.addi %mul3A_2, %rem3A_828 : i32
      %dma_start3A_830 = arith.constant 0 : i32
      %dma_start3A_831 = arith.constant 0 : i32
      %dma_start3A_832 = arith.constant 0 : i32
      %dma_start3A_833 = tpu.memref_slice %arg6[%dma_start3A_830, %dma_start3A_831, %dma_start3A_832] : memref<4x2x125xi32, #tpu.memory_space<vmem>> -> memref<1x2x125xi32, #tpu.memory_space<vmem>>
      %dma_start3A_834 = tpu.memref_squeeze %dma_start3A_833 : memref<1x2x125xi32, #tpu.memory_space<vmem>> -> memref<2x125xi32, #tpu.memory_space<vmem>>
      %dma_start3A_835 = arith.constant 0 : i32
      %dma_start3A_836 = arith.constant 0 : i32
      %dma_start3A_837 = tpu.memref_slice %arg3[%add3A_829, %dma_start3A_835, %dma_start3A_836] : memref<2560x2x125xi32, #tpu.memory_space<hbm>> -> memref<1x2x125xi32, #tpu.memory_space<hbm>>
      %dma_start3A_838 = tpu.memref_squeeze %dma_start3A_837 : memref<1x2x125xi32, #tpu.memory_space<hbm>> -> memref<2x125xi32, #tpu.memory_space<hbm>>
      %dma_start3A_839 = arith.constant 0 : i32
      %dma_start3A_840 = arith.constant 0 : i32
      %dma_start3A_841 = tpu.memref_slice %arg6[%dma_start3A_830, %dma_start3A_839, %dma_start3A_840] : memref<4x2x125xi32, #tpu.memory_space<vmem>> -> memref<1x2x125xi32, #tpu.memory_space<vmem>>
      %dma_start3A_842 = tpu.memref_squeeze %dma_start3A_841 : memref<1x2x125xi32, #tpu.memory_space<vmem>> -> memref<2x125xi32, #tpu.memory_space<vmem>>
      %dma_start3A_843 = arith.constant 0 : i32
      %dma_start3A_844 = arith.constant 0 : i32
      %dma_start3A_845 = tpu.memref_slice %arg3[%add3A_829, %dma_start3A_843, %dma_start3A_844] : memref<2560x2x125xi32, #tpu.memory_space<hbm>> -> memref<1x2x125xi32, #tpu.memory_space<hbm>>
      %dma_start3A_846 = tpu.memref_squeeze %dma_start3A_845 : memref<1x2x125xi32, #tpu.memory_space<hbm>> -> memref<2x125xi32, #tpu.memory_space<hbm>>
      tpu.enqueue_dma source(%dma_start3A_846 : memref<2x125xi32, #tpu.memory_space<hbm>>) target(%dma_start3A_842 : memref<2x125xi32, #tpu.memory_space<vmem>>) target_semaphore(%arg14 : memref<!tpu.dma_semaphore, #tpu.memory_space<semaphore_mem>>)
      %add3A_847 = arith.constant 3 : i32
      %add3A_848 = arith.addi %add3A_824, %add3A_847 : i32
      %rem3A_849 = arith.constant 80 : i32
      %rem3A_850 = arith.remsi %add3A_848, %rem3A_849 : i32
      %add3A_851 = arith.addi %mul3A_2, %rem3A_850 : i32
      %dma_start3A_852 = arith.constant 1 : i32
      %dma_start3A_853 = arith.constant 0 : i32
      %dma_start3A_854 = arith.constant 0 : i32
      %dma_start3A_855 = tpu.memref_slice %arg6[%dma_start3A_852, %dma_start3A_853, %dma_start3A_854] : memref<4x2x125xi32, #tpu.memory_space<vmem>> -> memref<1x2x125xi32, #tpu.memory_space<vmem>>
      %dma_start3A_856 = tpu.memref_squeeze %dma_start3A_855 : memref<1x2x125xi32, #tpu.memory_space<vmem>> -> memref<2x125xi32, #tpu.memory_space<vmem>>
      %dma_start3A_857 = arith.constant 0 : i32
      %dma_start3A_858 = arith.constant 0 : i32
      %dma_start3A_859 = tpu.memref_slice %arg3[%add3A_851, %dma_start3A_857, %dma_start3A_858] : memref<2560x2x125xi32, #tpu.memory_space<hbm>> -> memref<1x2x125xi32, #tpu.memory_space<hbm>>
      %dma_start3A_860 = tpu.memref_squeeze %dma_start3A_859 : memref<1x2x125xi32, #tpu.memory_space<hbm>> -> memref<2x125xi32, #tpu.memory_space<hbm>>
      %dma_start3A_861 = arith.constant 0 : i32
      %dma_start3A_862 = arith.constant 0 : i32
      %dma_start3A_863 = tpu.memref_slice %arg6[%dma_start3A_852, %dma_start3A_861, %dma_start3A_862] : memref<4x2x125xi32, #tpu.memory_space<vmem>> -> memref<1x2x125xi32, #tpu.memory_space<vmem>>
      %dma_start3A_864 = tpu.memref_squeeze %dma_start3A_863 : memref<1x2x125xi32, #tpu.memory_space<vmem>> -> memref<2x125xi32, #tpu.memory_space<vmem>>
      %dma_start3A_865 = arith.constant 0 : i32
      %dma_start3A_866 = arith.constant 0 : i32
      %dma_start3A_867 = tpu.memref_slice %arg3[%add3A_851, %dma_start3A_865, %dma_start3A_866] : memref<2560x2x125xi32, #tpu.memory_space<hbm>> -> memref<1x2x125xi32, #tpu.memory_space<hbm>>
      %dma_start3A_868 = tpu.memref_squeeze %dma_start3A_867 : memref<1x2x125xi32, #tpu.memory_space<hbm>> -> memref<2x125xi32, #tpu.memory_space<hbm>>
      tpu.enqueue_dma source(%dma_start3A_868 : memref<2x125xi32, #tpu.memory_space<hbm>>) target(%dma_start3A_864 : memref<2x125xi32, #tpu.memory_space<vmem>>) target_semaphore(%arg15 : memref<!tpu.dma_semaphore, #tpu.memory_space<semaphore_mem>>)
      %dma_wait3A_869 = arith.constant 0 : i32
      %dma_wait3A_870 = arith.constant 0 : i32
      %dma_wait3A_871 = arith.constant 0 : i32
      %dma_wait3A_872 = tpu.memref_slice %arg6[%dma_wait3A_869, %dma_wait3A_870, %dma_wait3A_871] : memref<4x2x125xi32, #tpu.memory_space<vmem>> -> memref<1x1x125xi32, #tpu.memory_space<vmem>>
      %dma_wait3A_873 = tpu.memref_squeeze %dma_wait3A_872 : memref<1x1x125xi32, #tpu.memory_space<vmem>> -> memref<125xi32, #tpu.memory_space<vmem>>
      %dma_wait3A_874 = arith.constant 0 : i32
      %dma_wait3A_875 = arith.constant 0 : i32
      %dma_wait3A_876 = tpu.memref_slice %arg2[%dma_wait3A_874, %dma_wait3A_875] : memref<10240x128xf32, #tpu.memory_space<hbm>> -> memref<10240x128xf32, #tpu.memory_space<hbm>>
      tpu.wait_indirect_dma semaphore(%arg10 : memref<!tpu.dma_semaphore, #tpu.memory_space<semaphore_mem>>) src(%dma_wait3A_876 : memref<10240x128xf32, #tpu.memory_space<hbm>>) dst(%arg7 : memref<125x128xf32, #tpu.memory_space<vmem>>)
      %dma_start3A_877 = arith.constant 2 : i32
      %dma_start3A_878 = arith.constant 1 : i32
      %dma_start3A_879 = arith.constant 0 : i32
      %dma_start3A_880 = tpu.memref_slice %arg6[%dma_start3A_877, %dma_start3A_878, %dma_start3A_879] : memref<4x2x125xi32, #tpu.memory_space<vmem>> -> memref<1x1x125xi32, #tpu.memory_space<vmem>>
      %dma_start3A_881 = tpu.memref_squeeze %dma_start3A_880 : memref<1x1x125xi32, #tpu.memory_space<vmem>> -> memref<125xi32, #tpu.memory_space<vmem>>
      %dma_start3A_882 = arith.constant 0 : i32
      %dma_start3A_883 = arith.constant 0 : i32
      %dma_start3A_884 = tpu.memref_slice %arg9[%dma_start3A_882, %dma_start3A_883] : memref<10240x128xf32, #tpu.memory_space<vmem_shared>> -> memref<10240x128xf32, #tpu.memory_space<vmem_shared>>
      tpu.enqueue_indirect_dma source(%arg7 : memref<125x128xf32, #tpu.memory_space<vmem>>) target(%dma_start3A_884 : memref<10240x128xf32, #tpu.memory_space<vmem_shared>>) offsets(%dma_start3A_881 : memref<125xi32, #tpu.memory_space<vmem>>) semaphore(%arg12 : memref<!tpu.dma_semaphore, #tpu.memory_space<semaphore_mem>>) {add = true}
      %dma_wait3A_885 = arith.constant 0 : i32
      %dma_wait3A_886 = arith.constant 1 : i32
      %dma_wait3A_887 = arith.constant 0 : i32
      %dma_wait3A_888 = tpu.memref_slice %arg6[%dma_wait3A_885, %dma_wait3A_886, %dma_wait3A_887] : memref<4x2x125xi32, #tpu.memory_space<vmem>> -> memref<1x1x125xi32, #tpu.memory_space<vmem>>
      %dma_wait3A_889 = tpu.memref_squeeze %dma_wait3A_888 : memref<1x1x125xi32, #tpu.memory_space<vmem>> -> memref<125xi32, #tpu.memory_space<vmem>>
      %dma_wait3A_890 = arith.constant 0 : i32
      %dma_wait3A_891 = arith.constant 0 : i32
      %dma_wait3A_892 = tpu.memref_slice %arg9[%dma_wait3A_890, %dma_wait3A_891] : memref<10240x128xf32, #tpu.memory_space<vmem_shared>> -> memref<10240x128xf32, #tpu.memory_space<vmem_shared>>
      tpu.wait_indirect_dma semaphore(%arg12 : memref<!tpu.dma_semaphore, #tpu.memory_space<semaphore_mem>>) src(%arg7 : memref<125x128xf32, #tpu.memory_space<vmem>>) dst(%dma_wait3A_892 : memref<10240x128xf32, #tpu.memory_space<vmem_shared>>)
      %dma_wait3A_893 = arith.constant 0 : i32
      %dma_wait3A_894 = arith.constant 0 : i32
      %dma_wait3A_895 = arith.constant 0 : i32
      %dma_wait3A_896 = tpu.memref_slice %arg6[%dma_wait3A_893, %dma_wait3A_894, %dma_wait3A_895] : memref<4x2x125xi32, #tpu.memory_space<vmem>> -> memref<1x2x125xi32, #tpu.memory_space<vmem>>
      %dma_wait3A_897 = tpu.memref_squeeze %dma_wait3A_896 : memref<1x2x125xi32, #tpu.memory_space<vmem>> -> memref<2x125xi32, #tpu.memory_space<vmem>>
      %dma_wait3A_898 = arith.constant 0 : i32
      %dma_wait3A_899 = arith.constant 0 : i32
      %dma_wait3A_900 = tpu.memref_slice %arg3[%mul3A_2, %dma_wait3A_898, %dma_wait3A_899] : memref<2560x2x125xi32, #tpu.memory_space<hbm>> -> memref<1x2x125xi32, #tpu.memory_space<hbm>>
      %dma_wait3A_901 = tpu.memref_squeeze %dma_wait3A_900 : memref<1x2x125xi32, #tpu.memory_space<hbm>> -> memref<2x125xi32, #tpu.memory_space<hbm>>
      %dma_wait3A_902 = arith.constant 0 : i32
      %dma_wait3A_903 = arith.constant 0 : i32
      %dma_wait3A_904 = tpu.memref_slice %arg6[%dma_wait3A_893, %dma_wait3A_902, %dma_wait3A_903] : memref<4x2x125xi32, #tpu.memory_space<vmem>> -> memref<1x2x125xi32, #tpu.memory_space<vmem>>
      %dma_wait3A_905 = tpu.memref_squeeze %dma_wait3A_904 : memref<1x2x125xi32, #tpu.memory_space<vmem>> -> memref<2x125xi32, #tpu.memory_space<vmem>>
      %dma_wait3A_906 = arith.constant 0 : i32
      %dma_wait3A_907 = arith.constant 0 : i32
      %dma_wait3A_908 = tpu.memref_slice %arg3[%mul3A_2, %dma_wait3A_906, %dma_wait3A_907] : memref<2560x2x125xi32, #tpu.memory_space<hbm>> -> memref<1x2x125xi32, #tpu.memory_space<hbm>>
      %dma_wait3A_909 = tpu.memref_squeeze %dma_wait3A_908 : memref<1x2x125xi32, #tpu.memory_space<hbm>> -> memref<2x125xi32, #tpu.memory_space<hbm>>
      tpu.wait_dma2 semaphore(%arg14 : memref<!tpu.dma_semaphore, #tpu.memory_space<semaphore_mem>>) src(%dma_wait3A_909 : memref<2x125xi32, #tpu.memory_space<hbm>>) dst(%dma_wait3A_905 : memref<2x125xi32, #tpu.memory_space<vmem>>)
      %dma_start3A_910 = arith.constant 0 : i32
      %dma_start3A_911 = arith.constant 0 : i32
      %dma_start3A_912 = arith.constant 0 : i32
      %dma_start3A_913 = tpu.memref_slice %arg6[%dma_start3A_910, %dma_start3A_911, %dma_start3A_912] : memref<4x2x125xi32, #tpu.memory_space<vmem>> -> memref<1x1x125xi32, #tpu.memory_space<vmem>>
      %dma_start3A_914 = tpu.memref_squeeze %dma_start3A_913 : memref<1x1x125xi32, #tpu.memory_space<vmem>> -> memref<125xi32, #tpu.memory_space<vmem>>
      %dma_start3A_915 = arith.constant 0 : i32
      %dma_start3A_916 = arith.constant 0 : i32
      %dma_start3A_917 = tpu.memref_slice %arg2[%dma_start3A_915, %dma_start3A_916] : memref<10240x128xf32, #tpu.memory_space<hbm>> -> memref<10240x128xf32, #tpu.memory_space<hbm>>
      tpu.enqueue_indirect_dma source(%dma_start3A_917 : memref<10240x128xf32, #tpu.memory_space<hbm>>) target(%arg7 : memref<125x128xf32, #tpu.memory_space<vmem>>) offsets(%dma_start3A_914 : memref<125xi32, #tpu.memory_space<vmem>>) semaphore(%arg10 : memref<!tpu.dma_semaphore, #tpu.memory_space<semaphore_mem>>)
      %dma_wait3A_918 = arith.constant 0 : i32
      %dma_wait3A_919 = arith.constant 0 : i32
      %dma_wait3A_920 = arith.constant 0 : i32
      %dma_wait3A_921 = tpu.memref_slice %arg6[%dma_wait3A_918, %dma_wait3A_919, %dma_wait3A_920] : memref<4x2x125xi32, #tpu.memory_space<vmem>> -> memref<1x1x125xi32, #tpu.memory_space<vmem>>
      %dma_wait3A_922 = tpu.memref_squeeze %dma_wait3A_921 : memref<1x1x125xi32, #tpu.memory_space<vmem>> -> memref<125xi32, #tpu.memory_space<vmem>>
      %dma_wait3A_923 = arith.constant 0 : i32
      %dma_wait3A_924 = arith.constant 0 : i32
      %dma_wait3A_925 = tpu.memref_slice %arg2[%dma_wait3A_923, %dma_wait3A_924] : memref<10240x128xf32, #tpu.memory_space<hbm>> -> memref<10240x128xf32, #tpu.memory_space<hbm>>
      tpu.wait_indirect_dma semaphore(%arg11 : memref<!tpu.dma_semaphore, #tpu.memory_space<semaphore_mem>>) src(%dma_wait3A_925 : memref<10240x128xf32, #tpu.memory_space<hbm>>) dst(%arg8 : memref<125x128xf32, #tpu.memory_space<vmem>>)
      %dma_start3A_926 = arith.constant 3 : i32
      %dma_start3A_927 = arith.constant 1 : i32
      %dma_start3A_928 = arith.constant 0 : i32
      %dma_start3A_929 = tpu.memref_slice %arg6[%dma_start3A_926, %dma_start3A_927, %dma_start3A_928] : memref<4x2x125xi32, #tpu.memory_space<vmem>> -> memref<1x1x125xi32, #tpu.memory_space<vmem>>
      %dma_start3A_930 = tpu.memref_squeeze %dma_start3A_929 : memref<1x1x125xi32, #tpu.memory_space<vmem>> -> memref<125xi32, #tpu.memory_space<vmem>>
      %dma_start3A_931 = arith.constant 0 : i32
      %dma_start3A_932 = arith.constant 0 : i32
      %dma_start3A_933 = tpu.memref_slice %arg9[%dma_start3A_931, %dma_start3A_932] : memref<10240x128xf32, #tpu.memory_space<vmem_shared>> -> memref<10240x128xf32, #tpu.memory_space<vmem_shared>>
      tpu.enqueue_indirect_dma source(%arg8 : memref<125x128xf32, #tpu.memory_space<vmem>>) target(%dma_start3A_933 : memref<10240x128xf32, #tpu.memory_space<vmem_shared>>) offsets(%dma_start3A_930 : memref<125xi32, #tpu.memory_space<vmem>>) semaphore(%arg13 : memref<!tpu.dma_semaphore, #tpu.memory_space<semaphore_mem>>) {add = true}
      %dma_wait3A_934 = arith.constant 0 : i32
      %dma_wait3A_935 = arith.constant 1 : i32
      %dma_wait3A_936 = arith.constant 0 : i32
      %dma_wait3A_937 = tpu.memref_slice %arg6[%dma_wait3A_934, %dma_wait3A_935, %dma_wait3A_936] : memref<4x2x125xi32, #tpu.memory_space<vmem>> -> memref<1x1x125xi32, #tpu.memory_space<vmem>>
      %dma_wait3A_938 = tpu.memref_squeeze %dma_wait3A_937 : memref<1x1x125xi32, #tpu.memory_space<vmem>> -> memref<125xi32, #tpu.memory_space<vmem>>
      %dma_wait3A_939 = arith.constant 0 : i32
      %dma_wait3A_940 = arith.constant 0 : i32
      %dma_wait3A_941 = tpu.memref_slice %arg9[%dma_wait3A_939, %dma_wait3A_940] : memref<10240x128xf32, #tpu.memory_space<vmem_shared>> -> memref<10240x128xf32, #tpu.memory_space<vmem_shared>>
      tpu.wait_indirect_dma semaphore(%arg13 : memref<!tpu.dma_semaphore, #tpu.memory_space<semaphore_mem>>) src(%arg8 : memref<125x128xf32, #tpu.memory_space<vmem>>) dst(%dma_wait3A_941 : memref<10240x128xf32, #tpu.memory_space<vmem_shared>>)
      %dma_wait3A_942 = arith.constant 1 : i32
      %dma_wait3A_943 = arith.constant 0 : i32
      %dma_wait3A_944 = arith.constant 0 : i32
      %dma_wait3A_945 = tpu.memref_slice %arg6[%dma_wait3A_942, %dma_wait3A_943, %dma_wait3A_944] : memref<4x2x125xi32, #tpu.memory_space<vmem>> -> memref<1x2x125xi32, #tpu.memory_space<vmem>>
      %dma_wait3A_946 = tpu.memref_squeeze %dma_wait3A_945 : memref<1x2x125xi32, #tpu.memory_space<vmem>> -> memref<2x125xi32, #tpu.memory_space<vmem>>
      %dma_wait3A_947 = arith.constant 0 : i32
      %dma_wait3A_948 = arith.constant 0 : i32
      %dma_wait3A_949 = tpu.memref_slice %arg3[%mul3A_2, %dma_wait3A_947, %dma_wait3A_948] : memref<2560x2x125xi32, #tpu.memory_space<hbm>> -> memref<1x2x125xi32, #tpu.memory_space<hbm>>
      %dma_wait3A_950 = tpu.memref_squeeze %dma_wait3A_949 : memref<1x2x125xi32, #tpu.memory_space<hbm>> -> memref<2x125xi32, #tpu.memory_space<hbm>>
      %dma_wait3A_951 = arith.constant 0 : i32
      %dma_wait3A_952 = arith.constant 0 : i32
      %dma_wait3A_953 = tpu.memref_slice %arg6[%dma_wait3A_942, %dma_wait3A_951, %dma_wait3A_952] : memref<4x2x125xi32, #tpu.memory_space<vmem>> -> memref<1x2x125xi32, #tpu.memory_space<vmem>>
      %dma_wait3A_954 = tpu.memref_squeeze %dma_wait3A_953 : memref<1x2x125xi32, #tpu.memory_space<vmem>> -> memref<2x125xi32, #tpu.memory_space<vmem>>
      %dma_wait3A_955 = arith.constant 0 : i32
      %dma_wait3A_956 = arith.constant 0 : i32
      %dma_wait3A_957 = tpu.memref_slice %arg3[%mul3A_2, %dma_wait3A_955, %dma_wait3A_956] : memref<2560x2x125xi32, #tpu.memory_space<hbm>> -> memref<1x2x125xi32, #tpu.memory_space<hbm>>
      %dma_wait3A_958 = tpu.memref_squeeze %dma_wait3A_957 : memref<1x2x125xi32, #tpu.memory_space<hbm>> -> memref<2x125xi32, #tpu.memory_space<hbm>>
      tpu.wait_dma2 semaphore(%arg15 : memref<!tpu.dma_semaphore, #tpu.memory_space<semaphore_mem>>) src(%dma_wait3A_958 : memref<2x125xi32, #tpu.memory_space<hbm>>) dst(%dma_wait3A_954 : memref<2x125xi32, #tpu.memory_space<vmem>>)
      %dma_start3A_959 = arith.constant 1 : i32
      %dma_start3A_960 = arith.constant 0 : i32
      %dma_start3A_961 = arith.constant 0 : i32
      %dma_start3A_962 = tpu.memref_slice %arg6[%dma_start3A_959, %dma_start3A_960, %dma_start3A_961] : memref<4x2x125xi32, #tpu.memory_space<vmem>> -> memref<1x1x125xi32, #tpu.memory_space<vmem>>
      %dma_start3A_963 = tpu.memref_squeeze %dma_start3A_962 : memref<1x1x125xi32, #tpu.memory_space<vmem>> -> memref<125xi32, #tpu.memory_space<vmem>>
      %dma_start3A_964 = arith.constant 0 : i32
      %dma_start3A_965 = arith.constant 0 : i32
      %dma_start3A_966 = tpu.memref_slice %arg2[%dma_start3A_964, %dma_start3A_965] : memref<10240x128xf32, #tpu.memory_space<hbm>> -> memref<10240x128xf32, #tpu.memory_space<hbm>>
      tpu.enqueue_indirect_dma source(%dma_start3A_966 : memref<10240x128xf32, #tpu.memory_space<hbm>>) target(%arg8 : memref<125x128xf32, #tpu.memory_space<vmem>>) offsets(%dma_start3A_963 : memref<125xi32, #tpu.memory_space<vmem>>) semaphore(%arg11 : memref<!tpu.dma_semaphore, #tpu.memory_space<semaphore_mem>>)
    }
    %scan3A_274 = arith.constant 20 : i32
    %dma_wait3A_275 = arith.constant 0 : i32
    %dma_wait3A_276 = arith.constant 0 : i32
    %dma_wait3A_277 = arith.constant 0 : i32
    %dma_wait3A_278 = tpu.memref_slice %arg6[%dma_wait3A_275, %dma_wait3A_276, %dma_wait3A_277] : memref<4x2x125xi32, #tpu.memory_space<vmem>> -> memref<1x1x125xi32, #tpu.memory_space<vmem>>
    %dma_wait3A_279 = tpu.memref_squeeze %dma_wait3A_278 : memref<1x1x125xi32, #tpu.memory_space<vmem>> -> memref<125xi32, #tpu.memory_space<vmem>>
    %dma_wait3A_280 = arith.constant 0 : i32
    %dma_wait3A_281 = arith.constant 0 : i32
    %dma_wait3A_282 = tpu.memref_slice %arg2[%dma_wait3A_280, %dma_wait3A_281] : memref<10240x128xf32, #tpu.memory_space<hbm>> -> memref<10240x128xf32, #tpu.memory_space<hbm>>
    tpu.wait_indirect_dma semaphore(%arg10 : memref<!tpu.dma_semaphore, #tpu.memory_space<semaphore_mem>>) src(%dma_wait3A_282 : memref<10240x128xf32, #tpu.memory_space<hbm>>) dst(%arg7 : memref<125x128xf32, #tpu.memory_space<vmem>>)
    %dma_wait3A_283 = arith.constant 0 : i32
    %dma_wait3A_284 = arith.constant 0 : i32
    %dma_wait3A_285 = arith.constant 0 : i32
    %dma_wait3A_286 = tpu.memref_slice %arg6[%dma_wait3A_283, %dma_wait3A_284, %dma_wait3A_285] : memref<4x2x125xi32, #tpu.memory_space<vmem>> -> memref<1x1x125xi32, #tpu.memory_space<vmem>>
    %dma_wait3A_287 = tpu.memref_squeeze %dma_wait3A_286 : memref<1x1x125xi32, #tpu.memory_space<vmem>> -> memref<125xi32, #tpu.memory_space<vmem>>
    %dma_wait3A_288 = arith.constant 0 : i32
    %dma_wait3A_289 = arith.constant 0 : i32
    %dma_wait3A_290 = tpu.memref_slice %arg2[%dma_wait3A_288, %dma_wait3A_289] : memref<10240x128xf32, #tpu.memory_space<hbm>> -> memref<10240x128xf32, #tpu.memory_space<hbm>>
    tpu.wait_indirect_dma semaphore(%arg11 : memref<!tpu.dma_semaphore, #tpu.memory_space<semaphore_mem>>) src(%dma_wait3A_290 : memref<10240x128xf32, #tpu.memory_space<hbm>>) dst(%arg8 : memref<125x128xf32, #tpu.memory_space<vmem>>)
    %barrier3A_291 = arith.constant 0 : index
    tpu.barrier barrier_id(%barrier3A_291)
    %add3A_292 = arith.constant 0 : i32
    %add3A_293 = arith.addi %mul3A_4, %add3A_292 : i32
    %dma_start3A_294 = arith.constant 0 : i32
    %dma_start3A_295 = arith.constant 0 : i32
    %dma_start3A_296 = tpu.memref_slice %arg7[%dma_start3A_294, %dma_start3A_295] : memref<125x128xf32, #tpu.memory_space<vmem>> -> memref<80x128xf32, #tpu.memory_space<vmem>>
    %dma_start3A_297 = arith.constant 0 : i32
    %dma_start3A_298 = tpu.memref_slice %arg9[%add3A_293, %dma_start3A_297] : memref<10240x128xf32, #tpu.memory_space<vmem_shared>> -> memref<80x128xf32, #tpu.memory_space<vmem_shared>>
    %dma_start3A_299 = arith.constant 0 : i32
    %dma_start3A_300 = arith.constant 0 : i32
    %dma_start3A_301 = tpu.memref_slice %arg7[%dma_start3A_299, %dma_start3A_300] : memref<125x128xf32, #tpu.memory_space<vmem>> -> memref<80x128xf32, #tpu.memory_space<vmem>>
    %dma_start3A_302 = arith.constant 0 : i32
    %dma_start3A_303 = tpu.memref_slice %arg9[%add3A_293, %dma_start3A_302] : memref<10240x128xf32, #tpu.memory_space<vmem_shared>> -> memref<80x128xf32, #tpu.memory_space<vmem_shared>>
    tpu.enqueue_dma source(%dma_start3A_303 : memref<80x128xf32, #tpu.memory_space<vmem_shared>>) target(%dma_start3A_301 : memref<80x128xf32, #tpu.memory_space<vmem>>) target_semaphore(%arg10 : memref<!tpu.dma_semaphore, #tpu.memory_space<semaphore_mem>>)
    %add3A_304 = arith.constant 80 : i32
    %add3A_305 = arith.addi %mul3A_4, %add3A_304 : i32
    %dma_start3A_306 = arith.constant 0 : i32
    %dma_start3A_307 = arith.constant 0 : i32
    %dma_start3A_308 = tpu.memref_slice %arg8[%dma_start3A_306, %dma_start3A_307] : memref<125x128xf32, #tpu.memory_space<vmem>> -> memref<80x128xf32, #tpu.memory_space<vmem>>
    %dma_start3A_309 = arith.constant 0 : i32
    %dma_start3A_310 = tpu.memref_slice %arg9[%add3A_305, %dma_start3A_309] : memref<10240x128xf32, #tpu.memory_space<vmem_shared>> -> memref<80x128xf32, #tpu.memory_space<vmem_shared>>
    %dma_start3A_311 = arith.constant 0 : i32
    %dma_start3A_312 = arith.constant 0 : i32
    %dma_start3A_313 = tpu.memref_slice %arg8[%dma_start3A_311, %dma_start3A_312] : memref<125x128xf32, #tpu.memory_space<vmem>> -> memref<80x128xf32, #tpu.memory_space<vmem>>
    %dma_start3A_314 = arith.constant 0 : i32
    %dma_start3A_315 = tpu.memref_slice %arg9[%add3A_305, %dma_start3A_314] : memref<10240x128xf32, #tpu.memory_space<vmem_shared>> -> memref<80x128xf32, #tpu.memory_space<vmem_shared>>
    tpu.enqueue_dma source(%dma_start3A_315 : memref<80x128xf32, #tpu.memory_space<vmem_shared>>) target(%dma_start3A_313 : memref<80x128xf32, #tpu.memory_space<vmem>>) target_semaphore(%arg11 : memref<!tpu.dma_semaphore, #tpu.memory_space<semaphore_mem>>)
    %dma_wait3A_316 = arith.constant 0 : i32
    %dma_wait3A_317 = arith.constant 0 : i32
    %dma_wait3A_318 = tpu.memref_slice %arg7[%dma_wait3A_316, %dma_wait3A_317] : memref<125x128xf32, #tpu.memory_space<vmem>> -> memref<80x128xf32, #tpu.memory_space<vmem>>
    %dma_wait3A_319 = arith.constant 0 : i32
    %dma_wait3A_320 = tpu.memref_slice %arg9[%mul3A_4, %dma_wait3A_319] : memref<10240x128xf32, #tpu.memory_space<vmem_shared>> -> memref<80x128xf32, #tpu.memory_space<vmem_shared>>
    %dma_wait3A_321 = arith.constant 0 : i32
    %dma_wait3A_322 = arith.constant 0 : i32
    %dma_wait3A_323 = tpu.memref_slice %arg7[%dma_wait3A_321, %dma_wait3A_322] : memref<125x128xf32, #tpu.memory_space<vmem>> -> memref<80x128xf32, #tpu.memory_space<vmem>>
    %dma_wait3A_324 = arith.constant 0 : i32
    %dma_wait3A_325 = tpu.memref_slice %arg9[%mul3A_4, %dma_wait3A_324] : memref<10240x128xf32, #tpu.memory_space<vmem_shared>> -> memref<80x128xf32, #tpu.memory_space<vmem_shared>>
    tpu.wait_dma2 semaphore(%arg10 : memref<!tpu.dma_semaphore, #tpu.memory_space<semaphore_mem>>) src(%dma_wait3A_325 : memref<80x128xf32, #tpu.memory_space<vmem_shared>>) dst(%dma_wait3A_323 : memref<80x128xf32, #tpu.memory_space<vmem>>)
    %add3A_326 = arith.constant 0 : i32
    %add3A_327 = arith.addi %mul3A_4, %add3A_326 : i32
    %dma_start3A_328 = arith.constant 0 : i32
    %dma_start3A_329 = arith.constant 0 : i32
    %dma_start3A_330 = tpu.memref_slice %arg7[%dma_start3A_328, %dma_start3A_329] : memref<125x128xf32, #tpu.memory_space<vmem>> -> memref<80x128xf32, #tpu.memory_space<vmem>>
    %dma_start3A_331 = arith.constant 0 : i32
    %dma_start3A_332 = tpu.memref_slice %arg5[%arg0, %add3A_327, %dma_start3A_331] : memref<2x10240x128xf32, #tpu.memory_space<hbm>> -> memref<1x80x128xf32, #tpu.memory_space<hbm>>
    %dma_start3A_333 = tpu.memref_squeeze %dma_start3A_332 : memref<1x80x128xf32, #tpu.memory_space<hbm>> -> memref<80x128xf32, #tpu.memory_space<hbm>>
    %dma_start3A_334 = arith.constant 0 : i32
    %dma_start3A_335 = tpu.memref_slice %arg5[%arg0, %add3A_327, %dma_start3A_334] : memref<2x10240x128xf32, #tpu.memory_space<hbm>> -> memref<1x80x128xf32, #tpu.memory_space<hbm>>
    %dma_start3A_336 = tpu.memref_squeeze %dma_start3A_335 : memref<1x80x128xf32, #tpu.memory_space<hbm>> -> memref<80x128xf32, #tpu.memory_space<hbm>>
    %dma_start3A_337 = arith.constant 0 : i32
    %dma_start3A_338 = arith.constant 0 : i32
    %dma_start3A_339 = tpu.memref_slice %arg7[%dma_start3A_337, %dma_start3A_338] : memref<125x128xf32, #tpu.memory_space<vmem>> -> memref<80x128xf32, #tpu.memory_space<vmem>>
    tpu.enqueue_dma source(%dma_start3A_339 : memref<80x128xf32, #tpu.memory_space<vmem>>) target(%dma_start3A_336 : memref<80x128xf32, #tpu.memory_space<hbm>>) target_semaphore(%arg12 : memref<!tpu.dma_semaphore, #tpu.memory_space<semaphore_mem>>)
    %dma_wait3A_340 = arith.constant 0 : i32
    %dma_wait3A_341 = arith.constant 0 : i32
    %dma_wait3A_342 = tpu.memref_slice %arg7[%dma_wait3A_340, %dma_wait3A_341] : memref<125x128xf32, #tpu.memory_space<vmem>> -> memref<80x128xf32, #tpu.memory_space<vmem>>
    %dma_wait3A_343 = arith.constant 0 : i32
    %dma_wait3A_344 = tpu.memref_slice %arg5[%arg0, %mul3A_4, %dma_wait3A_343] : memref<2x10240x128xf32, #tpu.memory_space<hbm>> -> memref<1x80x128xf32, #tpu.memory_space<hbm>>
    %dma_wait3A_345 = tpu.memref_squeeze %dma_wait3A_344 : memref<1x80x128xf32, #tpu.memory_space<hbm>> -> memref<80x128xf32, #tpu.memory_space<hbm>>
    %dma_wait3A_346 = arith.constant 0 : i32
    %dma_wait3A_347 = tpu.memref_slice %arg5[%arg0, %mul3A_4, %dma_wait3A_346] : memref<2x10240x128xf32, #tpu.memory_space<hbm>> -> memref<1x80x128xf32, #tpu.memory_space<hbm>>
    %dma_wait3A_348 = tpu.memref_squeeze %dma_wait3A_347 : memref<1x80x128xf32, #tpu.memory_space<hbm>> -> memref<80x128xf32, #tpu.memory_space<hbm>>
    %dma_wait3A_349 = arith.constant 0 : i32
    %dma_wait3A_350 = arith.constant 0 : i32
    %dma_wait3A_351 = tpu.memref_slice %arg7[%dma_wait3A_349, %dma_wait3A_350] : memref<125x128xf32, #tpu.memory_space<vmem>> -> memref<80x128xf32, #tpu.memory_space<vmem>>
    tpu.wait_dma2 semaphore(%arg12 : memref<!tpu.dma_semaphore, #tpu.memory_space<semaphore_mem>>) src(%dma_wait3A_351 : memref<80x128xf32, #tpu.memory_space<vmem>>) dst(%dma_wait3A_348 : memref<80x128xf32, #tpu.memory_space<hbm>>)
    %add3A_352 = arith.constant 160 : i32
    %add3A_353 = arith.addi %mul3A_4, %add3A_352 : i32
    %dma_start3A_354 = arith.constant 0 : i32
    %dma_start3A_355 = arith.constant 0 : i32
    %dma_start3A_356 = tpu.memref_slice %arg7[%dma_start3A_354, %dma_start3A_355] : memref<125x128xf32, #tpu.memory_space<vmem>> -> memref<80x128xf32, #tpu.memory_space<vmem>>
    %dma_start3A_357 = arith.constant 0 : i32
    %dma_start3A_358 = tpu.memref_slice %arg9[%add3A_353, %dma_start3A_357] : memref<10240x128xf32, #tpu.memory_space<vmem_shared>> -> memref<80x128xf32, #tpu.memory_space<vmem_shared>>
    %dma_start3A_359 = arith.constant 0 : i32
    %dma_start3A_360 = arith.constant 0 : i32
    %dma_start3A_361 = tpu.memref_slice %arg7[%dma_start3A_359, %dma_start3A_360] : memref<125x128xf32, #tpu.memory_space<vmem>> -> memref<80x128xf32, #tpu.memory_space<vmem>>
    %dma_start3A_362 = arith.constant 0 : i32
    %dma_start3A_363 = tpu.memref_slice %arg9[%add3A_353, %dma_start3A_362] : memref<10240x128xf32, #tpu.memory_space<vmem_shared>> -> memref<80x128xf32, #tpu.memory_space<vmem_shared>>
    tpu.enqueue_dma source(%dma_start3A_363 : memref<80x128xf32, #tpu.memory_space<vmem_shared>>) target(%dma_start3A_361 : memref<80x128xf32, #tpu.memory_space<vmem>>) target_semaphore(%arg10 : memref<!tpu.dma_semaphore, #tpu.memory_space<semaphore_mem>>)
    %dma_wait3A_364 = arith.constant 0 : i32
    %dma_wait3A_365 = arith.constant 0 : i32
    %dma_wait3A_366 = tpu.memref_slice %arg8[%dma_wait3A_364, %dma_wait3A_365] : memref<125x128xf32, #tpu.memory_space<vmem>> -> memref<80x128xf32, #tpu.memory_space<vmem>>
    %dma_wait3A_367 = arith.constant 0 : i32
    %dma_wait3A_368 = tpu.memref_slice %arg9[%mul3A_4, %dma_wait3A_367] : memref<10240x128xf32, #tpu.memory_space<vmem_shared>> -> memref<80x128xf32, #tpu.memory_space<vmem_shared>>
    %dma_wait3A_369 = arith.constant 0 : i32
    %dma_wait3A_370 = arith.constant 0 : i32
    %dma_wait3A_371 = tpu.memref_slice %arg8[%dma_wait3A_369, %dma_wait3A_370] : memref<125x128xf32, #tpu.memory_space<vmem>> -> memref<80x128xf32, #tpu.memory_space<vmem>>
    %dma_wait3A_372 = arith.constant 0 : i32
    %dma_wait3A_373 = tpu.memref_slice %arg9[%mul3A_4, %dma_wait3A_372] : memref<10240x128xf32, #tpu.memory_space<vmem_shared>> -> memref<80x128xf32, #tpu.memory_space<vmem_shared>>
    tpu.wait_dma2 semaphore(%arg11 : memref<!tpu.dma_semaphore, #tpu.memory_space<semaphore_mem>>) src(%dma_wait3A_373 : memref<80x128xf32, #tpu.memory_space<vmem_shared>>) dst(%dma_wait3A_371 : memref<80x128xf32, #tpu.memory_space<vmem>>)
    %add3A_374 = arith.constant 80 : i32
    %add3A_375 = arith.addi %mul3A_4, %add3A_374 : i32
    %dma_start3A_376 = arith.constant 0 : i32
    %dma_start3A_377 = arith.constant 0 : i32
    %dma_start3A_378 = tpu.memref_slice %arg8[%dma_start3A_376, %dma_start3A_377] : memref<125x128xf32, #tpu.memory_space<vmem>> -> memref<80x128xf32, #tpu.memory_space<vmem>>
    %dma_start3A_379 = arith.constant 0 : i32
    %dma_start3A_380 = tpu.memref_slice %arg5[%arg0, %add3A_375, %dma_start3A_379] : memref<2x10240x128xf32, #tpu.memory_space<hbm>> -> memref<1x80x128xf32, #tpu.memory_space<hbm>>
    %dma_start3A_381 = tpu.memref_squeeze %dma_start3A_380 : memref<1x80x128xf32, #tpu.memory_space<hbm>> -> memref<80x128xf32, #tpu.memory_space<hbm>>
    %dma_start3A_382 = arith.constant 0 : i32
    %dma_start3A_383 = tpu.memref_slice %arg5[%arg0, %add3A_375, %dma_start3A_382] : memref<2x10240x128xf32, #tpu.memory_space<hbm>> -> memref<1x80x128xf32, #tpu.memory_space<hbm>>
    %dma_start3A_384 = tpu.memref_squeeze %dma_start3A_383 : memref<1x80x128xf32, #tpu.memory_space<hbm>> -> memref<80x128xf32, #tpu.memory_space<hbm>>
    %dma_start3A_385 = arith.constant 0 : i32
    %dma_start3A_386 = arith.constant 0 : i32
    %dma_start3A_387 = tpu.memref_slice %arg8[%dma_start3A_385, %dma_start3A_386] : memref<125x128xf32, #tpu.memory_space<vmem>> -> memref<80x128xf32, #tpu.memory_space<vmem>>
    tpu.enqueue_dma source(%dma_start3A_387 : memref<80x128xf32, #tpu.memory_space<vmem>>) target(%dma_start3A_384 : memref<80x128xf32, #tpu.memory_space<hbm>>) target_semaphore(%arg13 : memref<!tpu.dma_semaphore, #tpu.memory_space<semaphore_mem>>)
    %dma_wait3A_388 = arith.constant 0 : i32
    %dma_wait3A_389 = arith.constant 0 : i32
    %dma_wait3A_390 = tpu.memref_slice %arg8[%dma_wait3A_388, %dma_wait3A_389] : memref<125x128xf32, #tpu.memory_space<vmem>> -> memref<80x128xf32, #tpu.memory_space<vmem>>
    %dma_wait3A_391 = arith.constant 0 : i32
    %dma_wait3A_392 = tpu.memref_slice %arg5[%arg0, %mul3A_4, %dma_wait3A_391] : memref<2x10240x128xf32, #tpu.memory_space<hbm>> -> memref<1x80x128xf32, #tpu.memory_space<hbm>>
    %dma_wait3A_393 = tpu.memref_squeeze %dma_wait3A_392 : memref<1x80x128xf32, #tpu.memory_space<hbm>> -> memref<80x128xf32, #tpu.memory_space<hbm>>
    %dma_wait3A_394 = arith.constant 0 : i32
    %dma_wait3A_395 = tpu.memref_slice %arg5[%arg0, %mul3A_4, %dma_wait3A_394] : memref<2x10240x128xf32, #tpu.memory_space<hbm>> -> memref<1x80x128xf32, #tpu.memory_space<hbm>>
    %dma_wait3A_396 = tpu.memref_squeeze %dma_wait3A_395 : memref<1x80x128xf32, #tpu.memory_space<hbm>> -> memref<80x128xf32, #tpu.memory_space<hbm>>
    %dma_wait3A_397 = arith.constant 0 : i32
    %dma_wait3A_398 = arith.constant 0 : i32
    %dma_wait3A_399 = tpu.memref_slice %arg8[%dma_wait3A_397, %dma_wait3A_398] : memref<125x128xf32, #tpu.memory_space<vmem>> -> memref<80x128xf32, #tpu.memory_space<vmem>>
    tpu.wait_dma2 semaphore(%arg13 : memref<!tpu.dma_semaphore, #tpu.memory_space<semaphore_mem>>) src(%dma_wait3A_399 : memref<80x128xf32, #tpu.memory_space<vmem>>) dst(%dma_wait3A_396 : memref<80x128xf32, #tpu.memory_space<hbm>>)
    %add3A_400 = arith.constant 240 : i32
    %add3A_401 = arith.addi %mul3A_4, %add3A_400 : i32
    %dma_start3A_402 = arith.constant 0 : i32
    %dma_start3A_403 = arith.constant 0 : i32
    %dma_start3A_404 = tpu.memref_slice %arg8[%dma_start3A_402, %dma_start3A_403] : memref<125x128xf32, #tpu.memory_space<vmem>> -> memref<80x128xf32, #tpu.memory_space<vmem>>
    %dma_start3A_405 = arith.constant 0 : i32
    %dma_start3A_406 = tpu.memref_slice %arg9[%add3A_401, %dma_start3A_405] : memref<10240x128xf32, #tpu.memory_space<vmem_shared>> -> memref<80x128xf32, #tpu.memory_space<vmem_shared>>
    %dma_start3A_407 = arith.constant 0 : i32
    %dma_start3A_408 = arith.constant 0 : i32
    %dma_start3A_409 = tpu.memref_slice %arg8[%dma_start3A_407, %dma_start3A_408] : memref<125x128xf32, #tpu.memory_space<vmem>> -> memref<80x128xf32, #tpu.memory_space<vmem>>
    %dma_start3A_410 = arith.constant 0 : i32
    %dma_start3A_411 = tpu.memref_slice %arg9[%add3A_401, %dma_start3A_410] : memref<10240x128xf32, #tpu.memory_space<vmem_shared>> -> memref<80x128xf32, #tpu.memory_space<vmem_shared>>
    tpu.enqueue_dma source(%dma_start3A_411 : memref<80x128xf32, #tpu.memory_space<vmem_shared>>) target(%dma_start3A_409 : memref<80x128xf32, #tpu.memory_space<vmem>>) target_semaphore(%arg11 : memref<!tpu.dma_semaphore, #tpu.memory_space<semaphore_mem>>)
    %dma_wait3A_412 = arith.constant 0 : i32
    %dma_wait3A_413 = arith.constant 0 : i32
    %dma_wait3A_414 = tpu.memref_slice %arg7[%dma_wait3A_412, %dma_wait3A_413] : memref<125x128xf32, #tpu.memory_space<vmem>> -> memref<80x128xf32, #tpu.memory_space<vmem>>
    %dma_wait3A_415 = arith.constant 0 : i32
    %dma_wait3A_416 = tpu.memref_slice %arg9[%mul3A_4, %dma_wait3A_415] : memref<10240x128xf32, #tpu.memory_space<vmem_shared>> -> memref<80x128xf32, #tpu.memory_space<vmem_shared>>
    %dma_wait3A_417 = arith.constant 0 : i32
    %dma_wait3A_418 = arith.constant 0 : i32
    %dma_wait3A_419 = tpu.memref_slice %arg7[%dma_wait3A_417, %dma_wait3A_418] : memref<125x128xf32, #tpu.memory_space<vmem>> -> memref<80x128xf32, #tpu.memory_space<vmem>>
    %dma_wait3A_420 = arith.constant 0 : i32
    %dma_wait3A_421 = tpu.memref_slice %arg9[%mul3A_4, %dma_wait3A_420] : memref<10240x128xf32, #tpu.memory_space<vmem_shared>> -> memref<80x128xf32, #tpu.memory_space<vmem_shared>>
    tpu.wait_dma2 semaphore(%arg10 : memref<!tpu.dma_semaphore, #tpu.memory_space<semaphore_mem>>) src(%dma_wait3A_421 : memref<80x128xf32, #tpu.memory_space<vmem_shared>>) dst(%dma_wait3A_419 : memref<80x128xf32, #tpu.memory_space<vmem>>)
    %add3A_422 = arith.constant 160 : i32
    %add3A_423 = arith.addi %mul3A_4, %add3A_422 : i32
    %dma_start3A_424 = arith.constant 0 : i32
    %dma_start3A_425 = arith.constant 0 : i32
    %dma_start3A_426 = tpu.memref_slice %arg7[%dma_start3A_424, %dma_start3A_425] : memref<125x128xf32, #tpu.memory_space<vmem>> -> memref<80x128xf32, #tpu.memory_space<vmem>>
    %dma_start3A_427 = arith.constant 0 : i32
    %dma_start3A_428 = tpu.memref_slice %arg5[%arg0, %add3A_423, %dma_start3A_427] : memref<2x10240x128xf32, #tpu.memory_space<hbm>> -> memref<1x80x128xf32, #tpu.memory_space<hbm>>
    %dma_start3A_429 = tpu.memref_squeeze %dma_start3A_428 : memref<1x80x128xf32, #tpu.memory_space<hbm>> -> memref<80x128xf32, #tpu.memory_space<hbm>>
    %dma_start3A_430 = arith.constant 0 : i32
    %dma_start3A_431 = tpu.memref_slice %arg5[%arg0, %add3A_423, %dma_start3A_430] : memref<2x10240x128xf32, #tpu.memory_space<hbm>> -> memref<1x80x128xf32, #tpu.memory_space<hbm>>
    %dma_start3A_432 = tpu.memref_squeeze %dma_start3A_431 : memref<1x80x128xf32, #tpu.memory_space<hbm>> -> memref<80x128xf32, #tpu.memory_space<hbm>>
    %dma_start3A_433 = arith.constant 0 : i32
    %dma_start3A_434 = arith.constant 0 : i32
    %dma_start3A_435 = tpu.memref_slice %arg7[%dma_start3A_433, %dma_start3A_434] : memref<125x128xf32, #tpu.memory_space<vmem>> -> memref<80x128xf32, #tpu.memory_space<vmem>>
    tpu.enqueue_dma source(%dma_start3A_435 : memref<80x128xf32, #tpu.memory_space<vmem>>) target(%dma_start3A_432 : memref<80x128xf32, #tpu.memory_space<hbm>>) target_semaphore(%arg12 : memref<!tpu.dma_semaphore, #tpu.memory_space<semaphore_mem>>)
    %dma_wait3A_436 = arith.constant 0 : i32
    %dma_wait3A_437 = arith.constant 0 : i32
    %dma_wait3A_438 = tpu.memref_slice %arg7[%dma_wait3A_436, %dma_wait3A_437] : memref<125x128xf32, #tpu.memory_space<vmem>> -> memref<80x128xf32, #tpu.memory_space<vmem>>
    %dma_wait3A_439 = arith.constant 0 : i32
    %dma_wait3A_440 = tpu.memref_slice %arg5[%arg0, %mul3A_4, %dma_wait3A_439] : memref<2x10240x128xf32, #tpu.memory_space<hbm>> -> memref<1x80x128xf32, #tpu.memory_space<hbm>>
    %dma_wait3A_441 = tpu.memref_squeeze %dma_wait3A_440 : memref<1x80x128xf32, #tpu.memory_space<hbm>> -> memref<80x128xf32, #tpu.memory_space<hbm>>
    %dma_wait3A_442 = arith.constant 0 : i32
    %dma_wait3A_443 = tpu.memref_slice %arg5[%arg0, %mul3A_4, %dma_wait3A_442] : memref<2x10240x128xf32, #tpu.memory_space<hbm>> -> memref<1x80x128xf32, #tpu.memory_space<hbm>>
    %dma_wait3A_444 = tpu.memref_squeeze %dma_wait3A_443 : memref<1x80x128xf32, #tpu.memory_space<hbm>> -> memref<80x128xf32, #tpu.memory_space<hbm>>
    %dma_wait3A_445 = arith.constant 0 : i32
    %dma_wait3A_446 = arith.constant 0 : i32
    %dma_wait3A_447 = tpu.memref_slice %arg7[%dma_wait3A_445, %dma_wait3A_446] : memref<125x128xf32, #tpu.memory_space<vmem>> -> memref<80x128xf32, #tpu.memory_space<vmem>>
    tpu.wait_dma2 semaphore(%arg12 : memref<!tpu.dma_semaphore, #tpu.memory_space<semaphore_mem>>) src(%dma_wait3A_447 : memref<80x128xf32, #tpu.memory_space<vmem>>) dst(%dma_wait3A_444 : memref<80x128xf32, #tpu.memory_space<hbm>>)
    %add3A_448 = arith.constant 320 : i32
    %add3A_449 = arith.addi %mul3A_4, %add3A_448 : i32
    %dma_start3A_450 = arith.constant 0 : i32
    %dma_start3A_451 = arith.constant 0 : i32
    %dma_start3A_452 = tpu.memref_slice %arg7[%dma_start3A_450, %dma_start3A_451] : memref<125x128xf32, #tpu.memory_space<vmem>> -> memref<80x128xf32, #tpu.memory_space<vmem>>
    %dma_start3A_453 = arith.constant 0 : i32
    %dma_start3A_454 = tpu.memref_slice %arg9[%add3A_449, %dma_start3A_453] : memref<10240x128xf32, #tpu.memory_space<vmem_shared>> -> memref<80x128xf32, #tpu.memory_space<vmem_shared>>
    %dma_start3A_455 = arith.constant 0 : i32
    %dma_start3A_456 = arith.constant 0 : i32
    %dma_start3A_457 = tpu.memref_slice %arg7[%dma_start3A_455, %dma_start3A_456] : memref<125x128xf32, #tpu.memory_space<vmem>> -> memref<80x128xf32, #tpu.memory_space<vmem>>
    %dma_start3A_458 = arith.constant 0 : i32
    %dma_start3A_459 = tpu.memref_slice %arg9[%add3A_449, %dma_start3A_458] : memref<10240x128xf32, #tpu.memory_space<vmem_shared>> -> memref<80x128xf32, #tpu.memory_space<vmem_shared>>
    tpu.enqueue_dma source(%dma_start3A_459 : memref<80x128xf32, #tpu.memory_space<vmem_shared>>) target(%dma_start3A_457 : memref<80x128xf32, #tpu.memory_space<vmem>>) target_semaphore(%arg10 : memref<!tpu.dma_semaphore, #tpu.memory_space<semaphore_mem>>)
    %dma_wait3A_460 = arith.constant 0 : i32
    %dma_wait3A_461 = arith.constant 0 : i32
    %dma_wait3A_462 = tpu.memref_slice %arg8[%dma_wait3A_460, %dma_wait3A_461] : memref<125x128xf32, #tpu.memory_space<vmem>> -> memref<80x128xf32, #tpu.memory_space<vmem>>
    %dma_wait3A_463 = arith.constant 0 : i32
    %dma_wait3A_464 = tpu.memref_slice %arg9[%mul3A_4, %dma_wait3A_463] : memref<10240x128xf32, #tpu.memory_space<vmem_shared>> -> memref<80x128xf32, #tpu.memory_space<vmem_shared>>
    %dma_wait3A_465 = arith.constant 0 : i32
    %dma_wait3A_466 = arith.constant 0 : i32
    %dma_wait3A_467 = tpu.memref_slice %arg8[%dma_wait3A_465, %dma_wait3A_466] : memref<125x128xf32, #tpu.memory_space<vmem>> -> memref<80x128xf32, #tpu.memory_space<vmem>>
    %dma_wait3A_468 = arith.constant 0 : i32
    %dma_wait3A_469 = tpu.memref_slice %arg9[%mul3A_4, %dma_wait3A_468] : memref<10240x128xf32, #tpu.memory_space<vmem_shared>> -> memref<80x128xf32, #tpu.memory_space<vmem_shared>>
    tpu.wait_dma2 semaphore(%arg11 : memref<!tpu.dma_semaphore, #tpu.memory_space<semaphore_mem>>) src(%dma_wait3A_469 : memref<80x128xf32, #tpu.memory_space<vmem_shared>>) dst(%dma_wait3A_467 : memref<80x128xf32, #tpu.memory_space<vmem>>)
    %add3A_470 = arith.constant 240 : i32
    %add3A_471 = arith.addi %mul3A_4, %add3A_470 : i32
    %dma_start3A_472 = arith.constant 0 : i32
    %dma_start3A_473 = arith.constant 0 : i32
    %dma_start3A_474 = tpu.memref_slice %arg8[%dma_start3A_472, %dma_start3A_473] : memref<125x128xf32, #tpu.memory_space<vmem>> -> memref<80x128xf32, #tpu.memory_space<vmem>>
    %dma_start3A_475 = arith.constant 0 : i32
    %dma_start3A_476 = tpu.memref_slice %arg5[%arg0, %add3A_471, %dma_start3A_475] : memref<2x10240x128xf32, #tpu.memory_space<hbm>> -> memref<1x80x128xf32, #tpu.memory_space<hbm>>
    %dma_start3A_477 = tpu.memref_squeeze %dma_start3A_476 : memref<1x80x128xf32, #tpu.memory_space<hbm>> -> memref<80x128xf32, #tpu.memory_space<hbm>>
    %dma_start3A_478 = arith.constant 0 : i32
    %dma_start3A_479 = tpu.memref_slice %arg5[%arg0, %add3A_471, %dma_start3A_478] : memref<2x10240x128xf32, #tpu.memory_space<hbm>> -> memref<1x80x128xf32, #tpu.memory_space<hbm>>
    %dma_start3A_480 = tpu.memref_squeeze %dma_start3A_479 : memref<1x80x128xf32, #tpu.memory_space<hbm>> -> memref<80x128xf32, #tpu.memory_space<hbm>>
    %dma_start3A_481 = arith.constant 0 : i32
    %dma_start3A_482 = arith.constant 0 : i32
    %dma_start3A_483 = tpu.memref_slice %arg8[%dma_start3A_481, %dma_start3A_482] : memref<125x128xf32, #tpu.memory_space<vmem>> -> memref<80x128xf32, #tpu.memory_space<vmem>>
    tpu.enqueue_dma source(%dma_start3A_483 : memref<80x128xf32, #tpu.memory_space<vmem>>) target(%dma_start3A_480 : memref<80x128xf32, #tpu.memory_space<hbm>>) target_semaphore(%arg13 : memref<!tpu.dma_semaphore, #tpu.memory_space<semaphore_mem>>)
    %dma_wait3A_484 = arith.constant 0 : i32
    %dma_wait3A_485 = arith.constant 0 : i32
    %dma_wait3A_486 = tpu.memref_slice %arg8[%dma_wait3A_484, %dma_wait3A_485] : memref<125x128xf32, #tpu.memory_space<vmem>> -> memref<80x128xf32, #tpu.memory_space<vmem>>
    %dma_wait3A_487 = arith.constant 0 : i32
    %dma_wait3A_488 = tpu.memref_slice %arg5[%arg0, %mul3A_4, %dma_wait3A_487] : memref<2x10240x128xf32, #tpu.memory_space<hbm>> -> memref<1x80x128xf32, #tpu.memory_space<hbm>>
    %dma_wait3A_489 = tpu.memref_squeeze %dma_wait3A_488 : memref<1x80x128xf32, #tpu.memory_space<hbm>> -> memref<80x128xf32, #tpu.memory_space<hbm>>
    %dma_wait3A_490 = arith.constant 0 : i32
    %dma_wait3A_491 = tpu.memref_slice %arg5[%arg0, %mul3A_4, %dma_wait3A_490] : memref<2x10240x128xf32, #tpu.memory_space<hbm>> -> memref<1x80x128xf32, #tpu.memory_space<hbm>>
    %dma_wait3A_492 = tpu.memref_squeeze %dma_wait3A_491 : memref<1x80x128xf32, #tpu.memory_space<hbm>> -> memref<80x128xf32, #tpu.memory_space<hbm>>
    %dma_wait3A_493 = arith.constant 0 : i32
    %dma_wait3A_494 = arith.constant 0 : i32
    %dma_wait3A_495 = tpu.memref_slice %arg8[%dma_wait3A_493, %dma_wait3A_494] : memref<125x128xf32, #tpu.memory_space<vmem>> -> memref<80x128xf32, #tpu.memory_space<vmem>>
    tpu.wait_dma2 semaphore(%arg13 : memref<!tpu.dma_semaphore, #tpu.memory_space<semaphore_mem>>) src(%dma_wait3A_495 : memref<80x128xf32, #tpu.memory_space<vmem>>) dst(%dma_wait3A_492 : memref<80x128xf32, #tpu.memory_space<hbm>>)
    %add3A_496 = arith.constant 400 : i32
    %add3A_497 = arith.addi %mul3A_4, %add3A_496 : i32
    %dma_start3A_498 = arith.constant 0 : i32
    %dma_start3A_499 = arith.constant 0 : i32
    %dma_start3A_500 = tpu.memref_slice %arg8[%dma_start3A_498, %dma_start3A_499] : memref<125x128xf32, #tpu.memory_space<vmem>> -> memref<80x128xf32, #tpu.memory_space<vmem>>
    %dma_start3A_501 = arith.constant 0 : i32
    %dma_start3A_502 = tpu.memref_slice %arg9[%add3A_497, %dma_start3A_501] : memref<10240x128xf32, #tpu.memory_space<vmem_shared>> -> memref<80x128xf32, #tpu.memory_space<vmem_shared>>
    %dma_start3A_503 = arith.constant 0 : i32
    %dma_start3A_504 = arith.constant 0 : i32
    %dma_start3A_505 = tpu.memref_slice %arg8[%dma_start3A_503, %dma_start3A_504] : memref<125x128xf32, #tpu.memory_space<vmem>> -> memref<80x128xf32, #tpu.memory_space<vmem>>
    %dma_start3A_506 = arith.constant 0 : i32
    %dma_start3A_507 = tpu.memref_slice %arg9[%add3A_497, %dma_start3A_506] : memref<10240x128xf32, #tpu.memory_space<vmem_shared>> -> memref<80x128xf32, #tpu.memory_space<vmem_shared>>
    tpu.enqueue_dma source(%dma_start3A_507 : memref<80x128xf32, #tpu.memory_space<vmem_shared>>) target(%dma_start3A_505 : memref<80x128xf32, #tpu.memory_space<vmem>>) target_semaphore(%arg11 : memref<!tpu.dma_semaphore, #tpu.memory_space<semaphore_mem>>)
    %dma_wait3A_508 = arith.constant 0 : i32
    %dma_wait3A_509 = arith.constant 0 : i32
    %dma_wait3A_510 = tpu.memref_slice %arg7[%dma_wait3A_508, %dma_wait3A_509] : memref<125x128xf32, #tpu.memory_space<vmem>> -> memref<80x128xf32, #tpu.memory_space<vmem>>
    %dma_wait3A_511 = arith.constant 0 : i32
    %dma_wait3A_512 = tpu.memref_slice %arg9[%mul3A_4, %dma_wait3A_511] : memref<10240x128xf32, #tpu.memory_space<vmem_shared>> -> memref<80x128xf32, #tpu.memory_space<vmem_shared>>
    %dma_wait3A_513 = arith.constant 0 : i32
    %dma_wait3A_514 = arith.constant 0 : i32
    %dma_wait3A_515 = tpu.memref_slice %arg7[%dma_wait3A_513, %dma_wait3A_514] : memref<125x128xf32, #tpu.memory_space<vmem>> -> memref<80x128xf32, #tpu.memory_space<vmem>>
    %dma_wait3A_516 = arith.constant 0 : i32
    %dma_wait3A_517 = tpu.memref_slice %arg9[%mul3A_4, %dma_wait3A_516] : memref<10240x128xf32, #tpu.memory_space<vmem_shared>> -> memref<80x128xf32, #tpu.memory_space<vmem_shared>>
    tpu.wait_dma2 semaphore(%arg10 : memref<!tpu.dma_semaphore, #tpu.memory_space<semaphore_mem>>) src(%dma_wait3A_517 : memref<80x128xf32, #tpu.memory_space<vmem_shared>>) dst(%dma_wait3A_515 : memref<80x128xf32, #tpu.memory_space<vmem>>)
    %add3A_518 = arith.constant 320 : i32
    %add3A_519 = arith.addi %mul3A_4, %add3A_518 : i32
    %dma_start3A_520 = arith.constant 0 : i32
    %dma_start3A_521 = arith.constant 0 : i32
    %dma_start3A_522 = tpu.memref_slice %arg7[%dma_start3A_520, %dma_start3A_521] : memref<125x128xf32, #tpu.memory_space<vmem>> -> memref<80x128xf32, #tpu.memory_space<vmem>>
    %dma_start3A_523 = arith.constant 0 : i32
    %dma_start3A_524 = tpu.memref_slice %arg5[%arg0, %add3A_519, %dma_start3A_523] : memref<2x10240x128xf32, #tpu.memory_space<hbm>> -> memref<1x80x128xf32, #tpu.memory_space<hbm>>
    %dma_start3A_525 = tpu.memref_squeeze %dma_start3A_524 : memref<1x80x128xf32, #tpu.memory_space<hbm>> -> memref<80x128xf32, #tpu.memory_space<hbm>>
    %dma_start3A_526 = arith.constant 0 : i32
    %dma_start3A_527 = tpu.memref_slice %arg5[%arg0, %add3A_519, %dma_start3A_526] : memref<2x10240x128xf32, #tpu.memory_space<hbm>> -> memref<1x80x128xf32, #tpu.memory_space<hbm>>
    %dma_start3A_528 = tpu.memref_squeeze %dma_start3A_527 : memref<1x80x128xf32, #tpu.memory_space<hbm>> -> memref<80x128xf32, #tpu.memory_space<hbm>>
    %dma_start3A_529 = arith.constant 0 : i32
    %dma_start3A_530 = arith.constant 0 : i32
    %dma_start3A_531 = tpu.memref_slice %arg7[%dma_start3A_529, %dma_start3A_530] : memref<125x128xf32, #tpu.memory_space<vmem>> -> memref<80x128xf32, #tpu.memory_space<vmem>>
    tpu.enqueue_dma source(%dma_start3A_531 : memref<80x128xf32, #tpu.memory_space<vmem>>) target(%dma_start3A_528 : memref<80x128xf32, #tpu.memory_space<hbm>>) target_semaphore(%arg12 : memref<!tpu.dma_semaphore, #tpu.memory_space<semaphore_mem>>)
    %dma_wait3A_532 = arith.constant 0 : i32
    %dma_wait3A_533 = arith.constant 0 : i32
    %dma_wait3A_534 = tpu.memref_slice %arg7[%dma_wait3A_532, %dma_wait3A_533] : memref<125x128xf32, #tpu.memory_space<vmem>> -> memref<80x128xf32, #tpu.memory_space<vmem>>
    %dma_wait3A_535 = arith.constant 0 : i32
    %dma_wait3A_536 = tpu.memref_slice %arg5[%arg0, %mul3A_4, %dma_wait3A_535] : memref<2x10240x128xf32, #tpu.memory_space<hbm>> -> memref<1x80x128xf32, #tpu.memory_space<hbm>>
    %dma_wait3A_537 = tpu.memref_squeeze %dma_wait3A_536 : memref<1x80x128xf32, #tpu.memory_space<hbm>> -> memref<80x128xf32, #tpu.memory_space<hbm>>
    %dma_wait3A_538 = arith.constant 0 : i32
    %dma_wait3A_539 = tpu.memref_slice %arg5[%arg0, %mul3A_4, %dma_wait3A_538] : memref<2x10240x128xf32, #tpu.memory_space<hbm>> -> memref<1x80x128xf32, #tpu.memory_space<hbm>>
    %dma_wait3A_540 = tpu.memref_squeeze %dma_wait3A_539 : memref<1x80x128xf32, #tpu.memory_space<hbm>> -> memref<80x128xf32, #tpu.memory_space<hbm>>
    %dma_wait3A_541 = arith.constant 0 : i32
    %dma_wait3A_542 = arith.constant 0 : i32
    %dma_wait3A_543 = tpu.memref_slice %arg7[%dma_wait3A_541, %dma_wait3A_542] : memref<125x128xf32, #tpu.memory_space<vmem>> -> memref<80x128xf32, #tpu.memory_space<vmem>>
    tpu.wait_dma2 semaphore(%arg12 : memref<!tpu.dma_semaphore, #tpu.memory_space<semaphore_mem>>) src(%dma_wait3A_543 : memref<80x128xf32, #tpu.memory_space<vmem>>) dst(%dma_wait3A_540 : memref<80x128xf32, #tpu.memory_space<hbm>>)
    %add3A_544 = arith.constant 480 : i32
    %add3A_545 = arith.addi %mul3A_4, %add3A_544 : i32
    %dma_start3A_546 = arith.constant 0 : i32
    %dma_start3A_547 = arith.constant 0 : i32
    %dma_start3A_548 = tpu.memref_slice %arg7[%dma_start3A_546, %dma_start3A_547] : memref<125x128xf32, #tpu.memory_space<vmem>> -> memref<80x128xf32, #tpu.memory_space<vmem>>
    %dma_start3A_549 = arith.constant 0 : i32
    %dma_start3A_550 = tpu.memref_slice %arg9[%add3A_545, %dma_start3A_549] : memref<10240x128xf32, #tpu.memory_space<vmem_shared>> -> memref<80x128xf32, #tpu.memory_space<vmem_shared>>
    %dma_start3A_551 = arith.constant 0 : i32
    %dma_start3A_552 = arith.constant 0 : i32
    %dma_start3A_553 = tpu.memref_slice %arg7[%dma_start3A_551, %dma_start3A_552] : memref<125x128xf32, #tpu.memory_space<vmem>> -> memref<80x128xf32, #tpu.memory_space<vmem>>
    %dma_start3A_554 = arith.constant 0 : i32
    %dma_start3A_555 = tpu.memref_slice %arg9[%add3A_545, %dma_start3A_554] : memref<10240x128xf32, #tpu.memory_space<vmem_shared>> -> memref<80x128xf32, #tpu.memory_space<vmem_shared>>
    tpu.enqueue_dma source(%dma_start3A_555 : memref<80x128xf32, #tpu.memory_space<vmem_shared>>) target(%dma_start3A_553 : memref<80x128xf32, #tpu.memory_space<vmem>>) target_semaphore(%arg10 : memref<!tpu.dma_semaphore, #tpu.memory_space<semaphore_mem>>)
    %dma_wait3A_556 = arith.constant 0 : i32
    %dma_wait3A_557 = arith.constant 0 : i32
    %dma_wait3A_558 = tpu.memref_slice %arg8[%dma_wait3A_556, %dma_wait3A_557] : memref<125x128xf32, #tpu.memory_space<vmem>> -> memref<80x128xf32, #tpu.memory_space<vmem>>
    %dma_wait3A_559 = arith.constant 0 : i32
    %dma_wait3A_560 = tpu.memref_slice %arg9[%mul3A_4, %dma_wait3A_559] : memref<10240x128xf32, #tpu.memory_space<vmem_shared>> -> memref<80x128xf32, #tpu.memory_space<vmem_shared>>
    %dma_wait3A_561 = arith.constant 0 : i32
    %dma_wait3A_562 = arith.constant 0 : i32
    %dma_wait3A_563 = tpu.memref_slice %arg8[%dma_wait3A_561, %dma_wait3A_562] : memref<125x128xf32, #tpu.memory_space<vmem>> -> memref<80x128xf32, #tpu.memory_space<vmem>>
    %dma_wait3A_564 = arith.constant 0 : i32
    %dma_wait3A_565 = tpu.memref_slice %arg9[%mul3A_4, %dma_wait3A_564] : memref<10240x128xf32, #tpu.memory_space<vmem_shared>> -> memref<80x128xf32, #tpu.memory_space<vmem_shared>>
    tpu.wait_dma2 semaphore(%arg11 : memref<!tpu.dma_semaphore, #tpu.memory_space<semaphore_mem>>) src(%dma_wait3A_565 : memref<80x128xf32, #tpu.memory_space<vmem_shared>>) dst(%dma_wait3A_563 : memref<80x128xf32, #tpu.memory_space<vmem>>)
    %add3A_566 = arith.constant 400 : i32
    %add3A_567 = arith.addi %mul3A_4, %add3A_566 : i32
    %dma_start3A_568 = arith.constant 0 : i32
    %dma_start3A_569 = arith.constant 0 : i32
    %dma_start3A_570 = tpu.memref_slice %arg8[%dma_start3A_568, %dma_start3A_569] : memref<125x128xf32, #tpu.memory_space<vmem>> -> memref<80x128xf32, #tpu.memory_space<vmem>>
    %dma_start3A_571 = arith.constant 0 : i32
    %dma_start3A_572 = tpu.memref_slice %arg5[%arg0, %add3A_567, %dma_start3A_571] : memref<2x10240x128xf32, #tpu.memory_space<hbm>> -> memref<1x80x128xf32, #tpu.memory_space<hbm>>
    %dma_start3A_573 = tpu.memref_squeeze %dma_start3A_572 : memref<1x80x128xf32, #tpu.memory_space<hbm>> -> memref<80x128xf32, #tpu.memory_space<hbm>>
    %dma_start3A_574 = arith.constant 0 : i32
    %dma_start3A_575 = tpu.memref_slice %arg5[%arg0, %add3A_567, %dma_start3A_574] : memref<2x10240x128xf32, #tpu.memory_space<hbm>> -> memref<1x80x128xf32, #tpu.memory_space<hbm>>
    %dma_start3A_576 = tpu.memref_squeeze %dma_start3A_575 : memref<1x80x128xf32, #tpu.memory_space<hbm>> -> memref<80x128xf32, #tpu.memory_space<hbm>>
    %dma_start3A_577 = arith.constant 0 : i32
    %dma_start3A_578 = arith.constant 0 : i32
    %dma_start3A_579 = tpu.memref_slice %arg8[%dma_start3A_577, %dma_start3A_578] : memref<125x128xf32, #tpu.memory_space<vmem>> -> memref<80x128xf32, #tpu.memory_space<vmem>>
    tpu.enqueue_dma source(%dma_start3A_579 : memref<80x128xf32, #tpu.memory_space<vmem>>) target(%dma_start3A_576 : memref<80x128xf32, #tpu.memory_space<hbm>>) target_semaphore(%arg13 : memref<!tpu.dma_semaphore, #tpu.memory_space<semaphore_mem>>)
    %dma_wait3A_580 = arith.constant 0 : i32
    %dma_wait3A_581 = arith.constant 0 : i32
    %dma_wait3A_582 = tpu.memref_slice %arg8[%dma_wait3A_580, %dma_wait3A_581] : memref<125x128xf32, #tpu.memory_space<vmem>> -> memref<80x128xf32, #tpu.memory_space<vmem>>
    %dma_wait3A_583 = arith.constant 0 : i32
    %dma_wait3A_584 = tpu.memref_slice %arg5[%arg0, %mul3A_4, %dma_wait3A_583] : memref<2x10240x128xf32, #tpu.memory_space<hbm>> -> memref<1x80x128xf32, #tpu.memory_space<hbm>>
    %dma_wait3A_585 = tpu.memref_squeeze %dma_wait3A_584 : memref<1x80x128xf32, #tpu.memory_space<hbm>> -> memref<80x128xf32, #tpu.memory_space<hbm>>
    %dma_wait3A_586 = arith.constant 0 : i32
    %dma_wait3A_587 = tpu.memref_slice %arg5[%arg0, %mul3A_4, %dma_wait3A_586] : memref<2x10240x128xf32, #tpu.memory_space<hbm>> -> memref<1x80x128xf32, #tpu.memory_space<hbm>>
    %dma_wait3A_588 = tpu.memref_squeeze %dma_wait3A_587 : memref<1x80x128xf32, #tpu.memory_space<hbm>> -> memref<80x128xf32, #tpu.memory_space<hbm>>
    %dma_wait3A_589 = arith.constant 0 : i32
    %dma_wait3A_590 = arith.constant 0 : i32
    %dma_wait3A_591 = tpu.memref_slice %arg8[%dma_wait3A_589, %dma_wait3A_590] : memref<125x128xf32, #tpu.memory_space<vmem>> -> memref<80x128xf32, #tpu.memory_space<vmem>>
    tpu.wait_dma2 semaphore(%arg13 : memref<!tpu.dma_semaphore, #tpu.memory_space<semaphore_mem>>) src(%dma_wait3A_591 : memref<80x128xf32, #tpu.memory_space<vmem>>) dst(%dma_wait3A_588 : memref<80x128xf32, #tpu.memory_space<hbm>>)
    %add3A_592 = arith.constant 560 : i32
    %add3A_593 = arith.addi %mul3A_4, %add3A_592 : i32
    %dma_start3A_594 = arith.constant 0 : i32
    %dma_start3A_595 = arith.constant 0 : i32
    %dma_start3A_596 = tpu.memref_slice %arg8[%dma_start3A_594, %dma_start3A_595] : memref<125x128xf32, #tpu.memory_space<vmem>> -> memref<80x128xf32, #tpu.memory_space<vmem>>
    %dma_start3A_597 = arith.constant 0 : i32
    %dma_start3A_598 = tpu.memref_slice %arg9[%add3A_593, %dma_start3A_597] : memref<10240x128xf32, #tpu.memory_space<vmem_shared>> -> memref<80x128xf32, #tpu.memory_space<vmem_shared>>
    %dma_start3A_599 = arith.constant 0 : i32
    %dma_start3A_600 = arith.constant 0 : i32
    %dma_start3A_601 = tpu.memref_slice %arg8[%dma_start3A_599, %dma_start3A_600] : memref<125x128xf32, #tpu.memory_space<vmem>> -> memref<80x128xf32, #tpu.memory_space<vmem>>
    %dma_start3A_602 = arith.constant 0 : i32
    %dma_start3A_603 = tpu.memref_slice %arg9[%add3A_593, %dma_start3A_602] : memref<10240x128xf32, #tpu.memory_space<vmem_shared>> -> memref<80x128xf32, #tpu.memory_space<vmem_shared>>
    tpu.enqueue_dma source(%dma_start3A_603 : memref<80x128xf32, #tpu.memory_space<vmem_shared>>) target(%dma_start3A_601 : memref<80x128xf32, #tpu.memory_space<vmem>>) target_semaphore(%arg11 : memref<!tpu.dma_semaphore, #tpu.memory_space<semaphore_mem>>)
    %dma_wait3A_604 = arith.constant 0 : i32
    %dma_wait3A_605 = arith.constant 0 : i32
    %dma_wait3A_606 = tpu.memref_slice %arg7[%dma_wait3A_604, %dma_wait3A_605] : memref<125x128xf32, #tpu.memory_space<vmem>> -> memref<80x128xf32, #tpu.memory_space<vmem>>
    %dma_wait3A_607 = arith.constant 0 : i32
    %dma_wait3A_608 = tpu.memref_slice %arg9[%mul3A_4, %dma_wait3A_607] : memref<10240x128xf32, #tpu.memory_space<vmem_shared>> -> memref<80x128xf32, #tpu.memory_space<vmem_shared>>
    %dma_wait3A_609 = arith.constant 0 : i32
    %dma_wait3A_610 = arith.constant 0 : i32
    %dma_wait3A_611 = tpu.memref_slice %arg7[%dma_wait3A_609, %dma_wait3A_610] : memref<125x128xf32, #tpu.memory_space<vmem>> -> memref<80x128xf32, #tpu.memory_space<vmem>>
    %dma_wait3A_612 = arith.constant 0 : i32
    %dma_wait3A_613 = tpu.memref_slice %arg9[%mul3A_4, %dma_wait3A_612] : memref<10240x128xf32, #tpu.memory_space<vmem_shared>> -> memref<80x128xf32, #tpu.memory_space<vmem_shared>>
    tpu.wait_dma2 semaphore(%arg10 : memref<!tpu.dma_semaphore, #tpu.memory_space<semaphore_mem>>) src(%dma_wait3A_613 : memref<80x128xf32, #tpu.memory_space<vmem_shared>>) dst(%dma_wait3A_611 : memref<80x128xf32, #tpu.memory_space<vmem>>)
    %add3A_614 = arith.constant 480 : i32
    %add3A_615 = arith.addi %mul3A_4, %add3A_614 : i32
    %dma_start3A_616 = arith.constant 0 : i32
    %dma_start3A_617 = arith.constant 0 : i32
    %dma_start3A_618 = tpu.memref_slice %arg7[%dma_start3A_616, %dma_start3A_617] : memref<125x128xf32, #tpu.memory_space<vmem>> -> memref<80x128xf32, #tpu.memory_space<vmem>>
    %dma_start3A_619 = arith.constant 0 : i32
    %dma_start3A_620 = tpu.memref_slice %arg5[%arg0, %add3A_615, %dma_start3A_619] : memref<2x10240x128xf32, #tpu.memory_space<hbm>> -> memref<1x80x128xf32, #tpu.memory_space<hbm>>
    %dma_start3A_621 = tpu.memref_squeeze %dma_start3A_620 : memref<1x80x128xf32, #tpu.memory_space<hbm>> -> memref<80x128xf32, #tpu.memory_space<hbm>>
    %dma_start3A_622 = arith.constant 0 : i32
    %dma_start3A_623 = tpu.memref_slice %arg5[%arg0, %add3A_615, %dma_start3A_622] : memref<2x10240x128xf32, #tpu.memory_space<hbm>> -> memref<1x80x128xf32, #tpu.memory_space<hbm>>
    %dma_start3A_624 = tpu.memref_squeeze %dma_start3A_623 : memref<1x80x128xf32, #tpu.memory_space<hbm>> -> memref<80x128xf32, #tpu.memory_space<hbm>>
    %dma_start3A_625 = arith.constant 0 : i32
    %dma_start3A_626 = arith.constant 0 : i32
    %dma_start3A_627 = tpu.memref_slice %arg7[%dma_start3A_625, %dma_start3A_626] : memref<125x128xf32, #tpu.memory_space<vmem>> -> memref<80x128xf32, #tpu.memory_space<vmem>>
    tpu.enqueue_dma source(%dma_start3A_627 : memref<80x128xf32, #tpu.memory_space<vmem>>) target(%dma_start3A_624 : memref<80x128xf32, #tpu.memory_space<hbm>>) target_semaphore(%arg12 : memref<!tpu.dma_semaphore, #tpu.memory_space<semaphore_mem>>)
    %dma_wait3A_628 = arith.constant 0 : i32
    %dma_wait3A_629 = arith.constant 0 : i32
    %dma_wait3A_630 = tpu.memref_slice %arg8[%dma_wait3A_628, %dma_wait3A_629] : memref<125x128xf32, #tpu.memory_space<vmem>> -> memref<80x128xf32, #tpu.memory_space<vmem>>
    %dma_wait3A_631 = arith.constant 0 : i32
    %dma_wait3A_632 = tpu.memref_slice %arg9[%mul3A_4, %dma_wait3A_631] : memref<10240x128xf32, #tpu.memory_space<vmem_shared>> -> memref<80x128xf32, #tpu.memory_space<vmem_shared>>
    %dma_wait3A_633 = arith.constant 0 : i32
    %dma_wait3A_634 = arith.constant 0 : i32
    %dma_wait3A_635 = tpu.memref_slice %arg8[%dma_wait3A_633, %dma_wait3A_634] : memref<125x128xf32, #tpu.memory_space<vmem>> -> memref<80x128xf32, #tpu.memory_space<vmem>>
    %dma_wait3A_636 = arith.constant 0 : i32
    %dma_wait3A_637 = tpu.memref_slice %arg9[%mul3A_4, %dma_wait3A_636] : memref<10240x128xf32, #tpu.memory_space<vmem_shared>> -> memref<80x128xf32, #tpu.memory_space<vmem_shared>>
    tpu.wait_dma2 semaphore(%arg11 : memref<!tpu.dma_semaphore, #tpu.memory_space<semaphore_mem>>) src(%dma_wait3A_637 : memref<80x128xf32, #tpu.memory_space<vmem_shared>>) dst(%dma_wait3A_635 : memref<80x128xf32, #tpu.memory_space<vmem>>)
    %add3A_638 = arith.constant 560 : i32
    %add3A_639 = arith.addi %mul3A_4, %add3A_638 : i32
    %dma_start3A_640 = arith.constant 0 : i32
    %dma_start3A_641 = arith.constant 0 : i32
    %dma_start3A_642 = tpu.memref_slice %arg8[%dma_start3A_640, %dma_start3A_641] : memref<125x128xf32, #tpu.memory_space<vmem>> -> memref<80x128xf32, #tpu.memory_space<vmem>>
    %dma_start3A_643 = arith.constant 0 : i32
    %dma_start3A_644 = tpu.memref_slice %arg5[%arg0, %add3A_639, %dma_start3A_643] : memref<2x10240x128xf32, #tpu.memory_space<hbm>> -> memref<1x80x128xf32, #tpu.memory_space<hbm>>
    %dma_start3A_645 = tpu.memref_squeeze %dma_start3A_644 : memref<1x80x128xf32, #tpu.memory_space<hbm>> -> memref<80x128xf32, #tpu.memory_space<hbm>>
    %dma_start3A_646 = arith.constant 0 : i32
    %dma_start3A_647 = tpu.memref_slice %arg5[%arg0, %add3A_639, %dma_start3A_646] : memref<2x10240x128xf32, #tpu.memory_space<hbm>> -> memref<1x80x128xf32, #tpu.memory_space<hbm>>
    %dma_start3A_648 = tpu.memref_squeeze %dma_start3A_647 : memref<1x80x128xf32, #tpu.memory_space<hbm>> -> memref<80x128xf32, #tpu.memory_space<hbm>>
    %dma_start3A_649 = arith.constant 0 : i32
    %dma_start3A_650 = arith.constant 0 : i32
    %dma_start3A_651 = tpu.memref_slice %arg8[%dma_start3A_649, %dma_start3A_650] : memref<125x128xf32, #tpu.memory_space<vmem>> -> memref<80x128xf32, #tpu.memory_space<vmem>>
    tpu.enqueue_dma source(%dma_start3A_651 : memref<80x128xf32, #tpu.memory_space<vmem>>) target(%dma_start3A_648 : memref<80x128xf32, #tpu.memory_space<hbm>>) target_semaphore(%arg13 : memref<!tpu.dma_semaphore, #tpu.memory_space<semaphore_mem>>)
    %dma_wait3A_652 = arith.constant 0 : i32
    %dma_wait3A_653 = arith.constant 0 : i32
    %dma_wait3A_654 = tpu.memref_slice %arg7[%dma_wait3A_652, %dma_wait3A_653] : memref<125x128xf32, #tpu.memory_space<vmem>> -> memref<80x128xf32, #tpu.memory_space<vmem>>
    %dma_wait3A_655 = arith.constant 0 : i32
    %dma_wait3A_656 = tpu.memref_slice %arg5[%arg0, %mul3A_4, %dma_wait3A_655] : memref<2x10240x128xf32, #tpu.memory_space<hbm>> -> memref<1x80x128xf32, #tpu.memory_space<hbm>>
    %dma_wait3A_657 = tpu.memref_squeeze %dma_wait3A_656 : memref<1x80x128xf32, #tpu.memory_space<hbm>> -> memref<80x128xf32, #tpu.memory_space<hbm>>
    %dma_wait3A_658 = arith.constant 0 : i32
    %dma_wait3A_659 = tpu.memref_slice %arg5[%arg0, %mul3A_4, %dma_wait3A_658] : memref<2x10240x128xf32, #tpu.memory_space<hbm>> -> memref<1x80x128xf32, #tpu.memory_space<hbm>>
    %dma_wait3A_660 = tpu.memref_squeeze %dma_wait3A_659 : memref<1x80x128xf32, #tpu.memory_space<hbm>> -> memref<80x128xf32, #tpu.memory_space<hbm>>
    %dma_wait3A_661 = arith.constant 0 : i32
    %dma_wait3A_662 = arith.constant 0 : i32
    %dma_wait3A_663 = tpu.memref_slice %arg7[%dma_wait3A_661, %dma_wait3A_662] : memref<125x128xf32, #tpu.memory_space<vmem>> -> memref<80x128xf32, #tpu.memory_space<vmem>>
    tpu.wait_dma2 semaphore(%arg12 : memref<!tpu.dma_semaphore, #tpu.memory_space<semaphore_mem>>) src(%dma_wait3A_663 : memref<80x128xf32, #tpu.memory_space<vmem>>) dst(%dma_wait3A_660 : memref<80x128xf32, #tpu.memory_space<hbm>>)
    %dma_wait3A_664 = arith.constant 0 : i32
    %dma_wait3A_665 = arith.constant 0 : i32
    %dma_wait3A_666 = tpu.memref_slice %arg8[%dma_wait3A_664, %dma_wait3A_665] : memref<125x128xf32, #tpu.memory_space<vmem>> -> memref<80x128xf32, #tpu.memory_space<vmem>>
    %dma_wait3A_667 = arith.constant 0 : i32
    %dma_wait3A_668 = tpu.memref_slice %arg5[%arg0, %mul3A_4, %dma_wait3A_667] : memref<2x10240x128xf32, #tpu.memory_space<hbm>> -> memref<1x80x128xf32, #tpu.memory_space<hbm>>
    %dma_wait3A_669 = tpu.memref_squeeze %dma_wait3A_668 : memref<1x80x128xf32, #tpu.memory_space<hbm>> -> memref<80x128xf32, #tpu.memory_space<hbm>>
    %dma_wait3A_670 = arith.constant 0 : i32
    %dma_wait3A_671 = tpu.memref_slice %arg5[%arg0, %mul3A_4, %dma_wait3A_670] : memref<2x10240x128xf32, #tpu.memory_space<hbm>> -> memref<1x80x128xf32, #tpu.memory_space<hbm>>
    %dma_wait3A_672 = tpu.memref_squeeze %dma_wait3A_671 : memref<1x80x128xf32, #tpu.memory_space<hbm>> -> memref<80x128xf32, #tpu.memory_space<hbm>>
    %dma_wait3A_673 = arith.constant 0 : i32
    %dma_wait3A_674 = arith.constant 0 : i32
    %dma_wait3A_675 = tpu.memref_slice %arg8[%dma_wait3A_673, %dma_wait3A_674] : memref<125x128xf32, #tpu.memory_space<vmem>> -> memref<80x128xf32, #tpu.memory_space<vmem>>
    tpu.wait_dma2 semaphore(%arg13 : memref<!tpu.dma_semaphore, #tpu.memory_space<semaphore_mem>>) src(%dma_wait3A_675 : memref<80x128xf32, #tpu.memory_space<vmem>>) dst(%dma_wait3A_672 : memref<80x128xf32, #tpu.memory_space<hbm>>)
    return
  }
}

module attributes {stable_mosaic.version = 14 : i64} {
  func.func @_tc_layer_body(%arg0: i32, %arg1: memref<1024x128xf32, #tpu.memory_space<vmem>>, %arg2: memref<2x1024x128xf32, #tpu.memory_space<vmem>>, %arg3: memref<128x128xf32, #tpu.memory_space<vmem>>, %arg4: memref<1x128xf32, #tpu.memory_space<vmem>>, %arg5: memref<128x128xf32, #tpu.memory_space<vmem>>, %arg6: memref<1x128xf32, #tpu.memory_space<vmem>>, %arg7: memref<1x128xf32, #tpu.memory_space<vmem>>, %arg8: memref<1x128xf32, #tpu.memory_space<vmem>>, %arg9: memref<1024x128xf32, #tpu.memory_space<vmem>>) attributes {dimension_semantics = [#tpu.dimension_semantics<arbitrary>], iteration_bounds = array<i64: 10>, scalar_prefetch = 0 : i64, scratch_operands = 0 : i64, tpu.core_type = #tpu.core_type<tc>, window_params = [{transform_indices = @transform_0, window_bounds = array<i64: 1024, 128>}, {transform_indices = @transform_1, window_bounds = array<i64: 2, 1024, 128>}, {pipeline_mode = #tpu.pipeline_mode<synchronous>, transform_indices = @transform_2, window_bounds = array<i64: 128, 128>}, {pipeline_mode = #tpu.pipeline_mode<synchronous>, transform_indices = @transform_3, window_bounds = array<i64: 1, 128>}, {pipeline_mode = #tpu.pipeline_mode<synchronous>, transform_indices = @transform_4, window_bounds = array<i64: 128, 128>}, {pipeline_mode = #tpu.pipeline_mode<synchronous>, transform_indices = @transform_5, window_bounds = array<i64: 1, 128>}, {pipeline_mode = #tpu.pipeline_mode<synchronous>, transform_indices = @transform_6, window_bounds = array<i64: 1, 128>}, {pipeline_mode = #tpu.pipeline_mode<synchronous>, transform_indices = @transform_7, window_bounds = array<i64: 1, 128>}, {transform_indices = @transform_8, window_bounds = array<i64: 1024, 128>}]} {
    %get3A = arith.constant 0 : index
    %get3A_0 = arith.constant 0 : index
    %get3A_1 = vector.load %arg1[%get3A, %get3A_0] : memref<1024x128xf32, #tpu.memory_space<vmem>>, vector<1024x128xf32>
    %get3A_2 = arith.constant 0 : index
    %get3A_3 = arith.constant 0 : index
    %get3A_4 = arith.constant 0 : index
    %get3A_5 = vector.load %arg2[%get3A_2, %get3A_3, %get3A_4] : memref<2x1024x128xf32, #tpu.memory_space<vmem>>, vector<1x1024x128xf32>
    %get3A_6 = vector.shape_cast %get3A_5 : vector<1x1024x128xf32> to vector<1024x128xf32>
    %add3A = arith.addf %get3A_1, %get3A_6 : vector<1024x128xf32>
    %get3A_7 = arith.constant 1 : index
    %get3A_8 = arith.constant 0 : index
    %get3A_9 = arith.constant 0 : index
    %get3A_10 = vector.load %arg2[%get3A_7, %get3A_8, %get3A_9] : memref<2x1024x128xf32, #tpu.memory_space<vmem>>, vector<1x1024x128xf32>
    %get3A_11 = vector.shape_cast %get3A_10 : vector<1x1024x128xf32> to vector<1024x128xf32>
    %add3A_12 = arith.addf %add3A, %get3A_11 : vector<1024x128xf32>
    %get3A_13 = arith.constant 0 : index
    %get3A_14 = arith.constant 0 : index
    %get3A_15 = vector.load %arg3[%get3A_13, %get3A_14] : memref<128x128xf32, #tpu.memory_space<vmem>>, vector<128x128xf32>
    %dot_general3A = arith.constant dense<0.000000e+00> : vector<1024x128xf32>
    %dot_general3A_16 = tpu.matmul %add3A_12, %get3A_15, %dot_general3A {dimension_numbers = #tpu.dot_dimension_numbers<[1], [0], [0], [1], [0, 0, 1, 1], [], []>, transpose_lhs_hint = false} : vector<1024x128xf32>, vector<128x128xf32>, vector<1024x128xf32> -> vector<1024x128xf32>
    %get3A_17 = arith.constant 0 : index
    %get3A_18 = arith.constant 0 : index
    %get3A_19 = vector.load %arg4[%get3A_17, %get3A_18] : memref<1x128xf32, #tpu.memory_space<vmem>>, vector<1x128xf32>
    %add3A_20 = vector.broadcast %get3A_19 : vector<1x128xf32> to vector<1024x128xf32>
    %add3A_21 = arith.addf %dot_general3A_16, %add3A_20 : vector<1024x128xf32>
    %max3A = arith.constant 0.000000e+00 : f32
    %max3A_22 = vector.broadcast %max3A : f32 to vector<1024x128xf32>
    %max3A_23 = arith.maximumf %add3A_21, %max3A_22 : vector<1024x128xf32>
    %get3A_24 = arith.constant 0 : index
    %get3A_25 = arith.constant 0 : index
    %get3A_26 = vector.load %arg5[%get3A_24, %get3A_25] : memref<128x128xf32, #tpu.memory_space<vmem>>, vector<128x128xf32>
    %dot_general3A_27 = arith.constant dense<0.000000e+00> : vector<1024x128xf32>
    %dot_general3A_28 = tpu.matmul %max3A_23, %get3A_26, %dot_general3A_27 {dimension_numbers = #tpu.dot_dimension_numbers<[1], [0], [0], [1], [0, 0, 1, 1], [], []>, transpose_lhs_hint = false} : vector<1024x128xf32>, vector<128x128xf32>, vector<1024x128xf32> -> vector<1024x128xf32>
    %get3A_29 = arith.constant 0 : index
    %get3A_30 = arith.constant 0 : index
    %get3A_31 = vector.load %arg6[%get3A_29, %get3A_30] : memref<1x128xf32, #tpu.memory_space<vmem>>, vector<1x128xf32>
    %add3A_32 = vector.broadcast %get3A_31 : vector<1x128xf32> to vector<1024x128xf32>
    %add3A_33 = arith.addf %dot_general3A_28, %add3A_32 : vector<1024x128xf32>
    %get3A_34 = arith.constant 0 : index
    %get3A_35 = arith.constant 0 : index
    %get3A_36 = vector.load %arg7[%get3A_34, %get3A_35] : memref<1x128xf32, #tpu.memory_space<vmem>>, vector<1x128xf32>
    %sqrt3A = arith.constant 1.000010e+00 : f32
    %sqrt3A_37 = math.sqrt %sqrt3A : f32
    %div3A = arith.constant 1.000000e+00 : f32
    %div3A_38 = arith.divf %div3A, %sqrt3A_37 : f32
    %mul3A = vector.broadcast %div3A_38 : f32 to vector<1x128xf32>
    %mul3A_39 = arith.mulf %get3A_36, %mul3A : vector<1x128xf32>
    %mul3A_40 = vector.broadcast %mul3A_39 : vector<1x128xf32> to vector<1024x128xf32>
    %mul3A_41 = arith.mulf %add3A_33, %mul3A_40 : vector<1024x128xf32>
    %get3A_42 = arith.constant 0 : index
    %get3A_43 = arith.constant 0 : index
    %get3A_44 = vector.load %arg8[%get3A_42, %get3A_43] : memref<1x128xf32, #tpu.memory_space<vmem>>, vector<1x128xf32>
    %add3A_45 = vector.broadcast %get3A_44 : vector<1x128xf32> to vector<1024x128xf32>
    %add3A_46 = arith.addf %mul3A_41, %add3A_45 : vector<1024x128xf32>
    %max3A_47 = arith.constant 0.000000e+00 : f32
    %max3A_48 = vector.broadcast %max3A_47 : f32 to vector<1024x128xf32>
    %max3A_49 = arith.maximumf %add3A_46, %max3A_48 : vector<1024x128xf32>
    %swap3A = arith.constant 0 : index
    %swap3A_50 = arith.constant 0 : index
    %swap3A_51 = vector.load %arg9[%swap3A, %swap3A_50] : memref<1024x128xf32, #tpu.memory_space<vmem>>, vector<1024x128xf32>
    tpu.vector_store %arg9[%swap3A, %swap3A_50], %max3A_49 {strides = array<i32>} : memref<1024x128xf32, #tpu.memory_space<vmem>>, vector<1024x128xf32>,
    return
  }
  func.func @transform_0(%arg0: i32) -> (i32, i32) {
    %c0_i32 = arith.constant 0 : i32
    %c0_i32_0 = arith.constant 0 : i32
    return %arg0, %c0_i32 : i32, i32
  }
  func.func @transform_1(%arg0: i32) -> (i32, i32, i32) {
    %c0_i32 = arith.constant 0 : i32
    %c0_i32_0 = arith.constant 0 : i32
    %c0_i32_1 = arith.constant 0 : i32
    return %c0_i32, %arg0, %c0_i32_0 : i32, i32, i32
  }
  func.func @transform_2(%arg0: i32) -> (i32, i32) {
    %c0_i32 = arith.constant 0 : i32
    %c0_i32_0 = arith.constant 0 : i32
    %c0_i32_1 = arith.constant 0 : i32
    return %c0_i32, %c0_i32_0 : i32, i32
  }
  func.func @transform_3(%arg0: i32) -> (i32, i32) {
    %c0_i32 = arith.constant 0 : i32
    %c0_i32_0 = arith.constant 0 : i32
    %c0_i32_1 = arith.constant 0 : i32
    return %c0_i32, %c0_i32_0 : i32, i32
  }
  func.func @transform_4(%arg0: i32) -> (i32, i32) {
    %c0_i32 = arith.constant 0 : i32
    %c0_i32_0 = arith.constant 0 : i32
    %c0_i32_1 = arith.constant 0 : i32
    return %c0_i32, %c0_i32_0 : i32, i32
  }
  func.func @transform_5(%arg0: i32) -> (i32, i32) {
    %c0_i32 = arith.constant 0 : i32
    %c0_i32_0 = arith.constant 0 : i32
    %c0_i32_1 = arith.constant 0 : i32
    return %c0_i32, %c0_i32_0 : i32, i32
  }
  func.func @transform_6(%arg0: i32) -> (i32, i32) {
    %c0_i32 = arith.constant 0 : i32
    %c0_i32_0 = arith.constant 0 : i32
    %c0_i32_1 = arith.constant 0 : i32
    return %c0_i32, %c0_i32_0 : i32, i32
  }
  func.func @transform_7(%arg0: i32) -> (i32, i32) {
    %c0_i32 = arith.constant 0 : i32
    %c0_i32_0 = arith.constant 0 : i32
    %c0_i32_1 = arith.constant 0 : i32
    return %c0_i32, %c0_i32_0 : i32, i32
  }
  func.func @transform_8(%arg0: i32) -> (i32, i32) {
    %c0_i32 = arith.constant 0 : i32
    %c0_i32_0 = arith.constant 0 : i32
    return %arg0, %c0_i32 : i32, i32
  }
}

module attributes {stable_mosaic.version = 14 : i64} {
  func.func @_tc_last_body(%arg0: i32, %arg1: memref<1024x128xf32, #tpu.memory_space<vmem>>, %arg2: memref<2x1024x128xf32, #tpu.memory_space<vmem>>, %arg3: memref<128x128xf32, #tpu.memory_space<vmem>>, %arg4: memref<1x128xf32, #tpu.memory_space<vmem>>, %arg5: memref<128x128xf32, #tpu.memory_space<vmem>>, %arg6: memref<1x128xf32, #tpu.memory_space<vmem>>, %arg7: memref<1x128xf32, #tpu.memory_space<vmem>>, %arg8: memref<1x128xf32, #tpu.memory_space<vmem>>, %arg9: memref<1024x1xi32, #tpu.memory_space<vmem>>, %arg10: memref<128x64xf32, #tpu.memory_space<vmem>>, %arg11: memref<1x64xf32, #tpu.memory_space<vmem>>, %arg12: memref<64x64xf32, #tpu.memory_space<vmem>>, %arg13: memref<64x128xf32, #tpu.memory_space<vmem>>, %arg14: memref<64x128xf32, #tpu.memory_space<vmem>>) attributes {dimension_semantics = [#tpu.dimension_semantics<arbitrary>], iteration_bounds = array<i64: 10>, scalar_prefetch = 0 : i64, scratch_operands = 2 : i64, tpu.core_type = #tpu.core_type<tc>, window_params = [{transform_indices = @transform_0, window_bounds = array<i64: 1024, 128>}, {transform_indices = @transform_1, window_bounds = array<i64: 2, 1024, 128>}, {pipeline_mode = #tpu.pipeline_mode<synchronous>, transform_indices = @transform_2, window_bounds = array<i64: 128, 128>}, {pipeline_mode = #tpu.pipeline_mode<synchronous>, transform_indices = @transform_3, window_bounds = array<i64: 1, 128>}, {pipeline_mode = #tpu.pipeline_mode<synchronous>, transform_indices = @transform_4, window_bounds = array<i64: 128, 128>}, {pipeline_mode = #tpu.pipeline_mode<synchronous>, transform_indices = @transform_5, window_bounds = array<i64: 1, 128>}, {pipeline_mode = #tpu.pipeline_mode<synchronous>, transform_indices = @transform_6, window_bounds = array<i64: 1, 128>}, {pipeline_mode = #tpu.pipeline_mode<synchronous>, transform_indices = @transform_7, window_bounds = array<i64: 1, 128>}, {transform_indices = @transform_8, window_bounds = array<i64: 1024, 1>}, {pipeline_mode = #tpu.pipeline_mode<synchronous>, transform_indices = @transform_9, window_bounds = array<i64: 128, 64>}, {pipeline_mode = #tpu.pipeline_mode<synchronous>, transform_indices = @transform_10, window_bounds = array<i64: 1, 64>}, {pipeline_mode = #tpu.pipeline_mode<synchronous>, transform_indices = @transform_11, window_bounds = array<i64: 64, 64>}]} {
    %eq3A = arith.constant 0 : i32
    %eq3A_0 = arith.cmpi eq, %arg0, %eq3A : i32
    %convert_element_type3A = arith.extui %eq3A_0 : i1 to i32
    %cond3A = arith.constant 0 : i32
    %cond3A_1 = arith.cmpi ne, %convert_element_type3A, %cond3A : i32
    scf.if %cond3A_1 {
      %broadcast_in_dim3A_84 = arith.constant 0.000000e+00 : f32
      %broadcast_in_dim3A_85 = vector.broadcast %broadcast_in_dim3A_84 : f32 to vector<64x128xf32>
      %swap3A_86 = arith.constant 0 : index
      %swap3A_87 = arith.constant 0 : index
      %swap3A_88 = vector.load %arg13[%swap3A_86, %swap3A_87] : memref<64x128xf32, #tpu.memory_space<vmem>>, vector<64x128xf32>
      tpu.vector_store %arg13[%swap3A_86, %swap3A_87], %broadcast_in_dim3A_85 {strides = array<i32>} : memref<64x128xf32, #tpu.memory_space<vmem>>, vector<64x128xf32>,
      %broadcast_in_dim3A_89 = arith.constant 0.000000e+00 : f32
      %broadcast_in_dim3A_90 = vector.broadcast %broadcast_in_dim3A_89 : f32 to vector<64x128xf32>
      %swap3A_91 = arith.constant 0 : index
      %swap3A_92 = arith.constant 0 : index
      %swap3A_93 = vector.load %arg14[%swap3A_91, %swap3A_92] : memref<64x128xf32, #tpu.memory_space<vmem>>, vector<64x128xf32>
      tpu.vector_store %arg14[%swap3A_91, %swap3A_92], %broadcast_in_dim3A_90 {strides = array<i32>} : memref<64x128xf32, #tpu.memory_space<vmem>>, vector<64x128xf32>,
    } else {
    }
    %get3A = arith.constant 0 : index
    %get3A_2 = arith.constant 0 : index
    %get3A_3 = vector.load %arg1[%get3A, %get3A_2] : memref<1024x128xf32, #tpu.memory_space<vmem>>, vector<1024x128xf32>
    %get3A_4 = arith.constant 0 : index
    %get3A_5 = arith.constant 0 : index
    %get3A_6 = arith.constant 0 : index
    %get3A_7 = vector.load %arg2[%get3A_4, %get3A_5, %get3A_6] : memref<2x1024x128xf32, #tpu.memory_space<vmem>>, vector<1x1024x128xf32>
    %get3A_8 = vector.shape_cast %get3A_7 : vector<1x1024x128xf32> to vector<1024x128xf32>
    %add3A = arith.addf %get3A_3, %get3A_8 : vector<1024x128xf32>
    %get3A_9 = arith.constant 1 : index
    %get3A_10 = arith.constant 0 : index
    %get3A_11 = arith.constant 0 : index
    %get3A_12 = vector.load %arg2[%get3A_9, %get3A_10, %get3A_11] : memref<2x1024x128xf32, #tpu.memory_space<vmem>>, vector<1x1024x128xf32>
    %get3A_13 = vector.shape_cast %get3A_12 : vector<1x1024x128xf32> to vector<1024x128xf32>
    %add3A_14 = arith.addf %add3A, %get3A_13 : vector<1024x128xf32>
    %get3A_15 = arith.constant 0 : index
    %get3A_16 = arith.constant 0 : index
    %get3A_17 = vector.load %arg3[%get3A_15, %get3A_16] : memref<128x128xf32, #tpu.memory_space<vmem>>, vector<128x128xf32>
    %dot_general3A = arith.constant dense<0.000000e+00> : vector<1024x128xf32>
    %dot_general3A_18 = tpu.matmul %add3A_14, %get3A_17, %dot_general3A {dimension_numbers = #tpu.dot_dimension_numbers<[1], [0], [0], [1], [0, 0, 1, 1], [], []>, transpose_lhs_hint = false} : vector<1024x128xf32>, vector<128x128xf32>, vector<1024x128xf32> -> vector<1024x128xf32>
    %get3A_19 = arith.constant 0 : index
    %get3A_20 = arith.constant 0 : index
    %get3A_21 = vector.load %arg4[%get3A_19, %get3A_20] : memref<1x128xf32, #tpu.memory_space<vmem>>, vector<1x128xf32>
    %add3A_22 = vector.broadcast %get3A_21 : vector<1x128xf32> to vector<1024x128xf32>
    %add3A_23 = arith.addf %dot_general3A_18, %add3A_22 : vector<1024x128xf32>
    %max3A = arith.constant 0.000000e+00 : f32
    %max3A_24 = vector.broadcast %max3A : f32 to vector<1024x128xf32>
    %max3A_25 = arith.maximumf %add3A_23, %max3A_24 : vector<1024x128xf32>
    %get3A_26 = arith.constant 0 : index
    %get3A_27 = arith.constant 0 : index
    %get3A_28 = vector.load %arg5[%get3A_26, %get3A_27] : memref<128x128xf32, #tpu.memory_space<vmem>>, vector<128x128xf32>
    %dot_general3A_29 = arith.constant dense<0.000000e+00> : vector<1024x128xf32>
    %dot_general3A_30 = tpu.matmul %max3A_25, %get3A_28, %dot_general3A_29 {dimension_numbers = #tpu.dot_dimension_numbers<[1], [0], [0], [1], [0, 0, 1, 1], [], []>, transpose_lhs_hint = false} : vector<1024x128xf32>, vector<128x128xf32>, vector<1024x128xf32> -> vector<1024x128xf32>
    %get3A_31 = arith.constant 0 : index
    %get3A_32 = arith.constant 0 : index
    %get3A_33 = vector.load %arg6[%get3A_31, %get3A_32] : memref<1x128xf32, #tpu.memory_space<vmem>>, vector<1x128xf32>
    %add3A_34 = vector.broadcast %get3A_33 : vector<1x128xf32> to vector<1024x128xf32>
    %add3A_35 = arith.addf %dot_general3A_30, %add3A_34 : vector<1024x128xf32>
    %get3A_36 = arith.constant 0 : index
    %get3A_37 = arith.constant 0 : index
    %get3A_38 = vector.load %arg7[%get3A_36, %get3A_37] : memref<1x128xf32, #tpu.memory_space<vmem>>, vector<1x128xf32>
    %sqrt3A = arith.constant 1.000010e+00 : f32
    %sqrt3A_39 = math.sqrt %sqrt3A : f32
    %div3A = arith.constant 1.000000e+00 : f32
    %div3A_40 = arith.divf %div3A, %sqrt3A_39 : f32
    %mul3A = vector.broadcast %div3A_40 : f32 to vector<1x128xf32>
    %mul3A_41 = arith.mulf %get3A_38, %mul3A : vector<1x128xf32>
    %mul3A_42 = vector.broadcast %mul3A_41 : vector<1x128xf32> to vector<1024x128xf32>
    %mul3A_43 = arith.mulf %add3A_35, %mul3A_42 : vector<1024x128xf32>
    %get3A_44 = arith.constant 0 : index
    %get3A_45 = arith.constant 0 : index
    %get3A_46 = vector.load %arg8[%get3A_44, %get3A_45] : memref<1x128xf32, #tpu.memory_space<vmem>>, vector<1x128xf32>
    %add3A_47 = vector.broadcast %get3A_46 : vector<1x128xf32> to vector<1024x128xf32>
    %add3A_48 = arith.addf %mul3A_43, %add3A_47 : vector<1024x128xf32>
    %max3A_49 = arith.constant 0.000000e+00 : f32
    %max3A_50 = vector.broadcast %max3A_49 : f32 to vector<1024x128xf32>
    %max3A_51 = arith.maximumf %add3A_48, %max3A_50 : vector<1024x128xf32>
    %iota3A = tpu.iota {dimensions = array<i32: 1>} : vector<1x64xi32>
    %get3A_52 = arith.constant 0 : index
    %get3A_53 = arith.constant 0 : index
    %get3A_54 = vector.load %arg9[%get3A_52, %get3A_53] : memref<1024x1xi32, #tpu.memory_space<vmem>>, vector<1024x1xi32>
    %eq3A_55 = vector.broadcast %get3A_54 : vector<1024x1xi32> to vector<1024x64xi32>
    %eq3A_56 = vector.broadcast %iota3A : vector<1x64xi32> to vector<1024x64xi32>
    %eq3A_57 = arith.cmpi eq, %eq3A_55, %eq3A_56 : vector<1024x64xi32>
    %jit3A = arith.constant 1.000000e+00 : f32
    %jit3A_58 = arith.constant 0.000000e+00 : f32
    %broadcast_in_dim3A = vector.broadcast %jit3A : f32 to vector<1024x64xf32>
    %broadcast_in_dim3A_59 = vector.broadcast %jit3A_58 : f32 to vector<1024x64xf32>
    %select_n3A = arith.select %eq3A_57, %broadcast_in_dim3A, %broadcast_in_dim3A_59 : vector<1024x64xi1>, vector<1024x64xf32>
    %get3A_60 = arith.constant 0 : index
    %get3A_61 = arith.constant 0 : index
    %get3A_62 = vector.load %arg13[%get3A_60, %get3A_61] : memref<64x128xf32, #tpu.memory_space<vmem>>, vector<64x128xf32>
    %dot_general3A_63 = arith.constant dense<0.000000e+00> : vector<64x128xf32>
    %dot_general3A_64 = tpu.matmul %select_n3A, %max3A_51, %dot_general3A_63 {dimension_numbers = #tpu.dot_dimension_numbers<[0], [0], [1], [1], [0, 1, 1, 1], [], []>, transpose_lhs_hint = false} : vector<1024x64xf32>, vector<1024x128xf32>, vector<64x128xf32> -> vector<64x128xf32>
    %add3A_65 = arith.addf %get3A_62, %dot_general3A_64 : vector<64x128xf32>
    %swap3A = arith.constant 0 : index
    %swap3A_66 = arith.constant 0 : index
    %swap3A_67 = vector.load %arg13[%swap3A, %swap3A_66] : memref<64x128xf32, #tpu.memory_space<vmem>>, vector<64x128xf32>
    tpu.vector_store %arg13[%swap3A, %swap3A_66], %add3A_65 {strides = array<i32>} : memref<64x128xf32, #tpu.memory_space<vmem>>, vector<64x128xf32>,
    %broadcast_in_dim3A_68 = arith.constant 1.000000e+00 : f32
    %broadcast_in_dim3A_69 = vector.broadcast %broadcast_in_dim3A_68 : f32 to vector<1024x128xf32>
    %get3A_70 = arith.constant 0 : index
    %get3A_71 = arith.constant 0 : index
    %get3A_72 = vector.load %arg14[%get3A_70, %get3A_71] : memref<64x128xf32, #tpu.memory_space<vmem>>, vector<64x128xf32>
    %dot_general3A_73 = arith.constant dense<0.000000e+00> : vector<64x128xf32>
    %dot_general3A_74 = tpu.matmul %select_n3A, %broadcast_in_dim3A_69, %dot_general3A_73 {dimension_numbers = #tpu.dot_dimension_numbers<[0], [0], [1], [1], [0, 1, 1, 1], [], []>, transpose_lhs_hint = false} : vector<1024x64xf32>, vector<1024x128xf32>, vector<64x128xf32> -> vector<64x128xf32>
    %add3A_75 = arith.addf %get3A_72, %dot_general3A_74 : vector<64x128xf32>
    %swap3A_76 = arith.constant 0 : index
    %swap3A_77 = arith.constant 0 : index
    %swap3A_78 = vector.load %arg14[%swap3A_76, %swap3A_77] : memref<64x128xf32, #tpu.memory_space<vmem>>, vector<64x128xf32>
    tpu.vector_store %arg14[%swap3A_76, %swap3A_77], %add3A_75 {strides = array<i32>} : memref<64x128xf32, #tpu.memory_space<vmem>>, vector<64x128xf32>,
    %eq3A_79 = arith.constant 9 : i32
    %eq3A_80 = arith.cmpi eq, %arg0, %eq3A_79 : i32
    %convert_element_type3A_81 = arith.extui %eq3A_80 : i1 to i32
    %cond3A_82 = arith.constant 0 : i32
    %cond3A_83 = arith.cmpi ne, %convert_element_type3A_81, %cond3A_82 : i32
    scf.if %cond3A_83 {
      %get3A_84 = arith.constant 0 : index
      %get3A_85 = arith.constant 0 : index
      %get3A_86 = vector.load %arg13[%get3A_84, %get3A_85] : memref<64x128xf32, #tpu.memory_space<vmem>>, vector<64x128xf32>
      %get3A_87 = arith.constant 0 : index
      %get3A_88 = arith.constant 0 : index
      %get3A_89 = vector.load %arg14[%get3A_87, %get3A_88] : memref<64x128xf32, #tpu.memory_space<vmem>>, vector<64x128xf32>
      %max3A_90 = arith.constant 1.000000e+00 : f32
      %max3A_91 = vector.broadcast %max3A_90 : f32 to vector<64x128xf32>
      %max3A_92 = arith.maximumf %get3A_89, %max3A_91 : vector<64x128xf32>
      %div3A_93 = arith.divf %get3A_86, %max3A_92 : vector<64x128xf32>
      %get3A_94 = arith.constant 0 : index
      %get3A_95 = arith.constant 0 : index
      %get3A_96 = vector.load %arg10[%get3A_94, %get3A_95] : memref<128x64xf32, #tpu.memory_space<vmem>>, vector<128x64xf32>
      %dot_general3A_97 = arith.constant dense<0.000000e+00> : vector<64x64xf32>
      %dot_general3A_98 = tpu.matmul %div3A_93, %get3A_96, %dot_general3A_97 {dimension_numbers = #tpu.dot_dimension_numbers<[1], [0], [0], [1], [0, 0, 1, 1], [], []>, transpose_lhs_hint = false} : vector<64x128xf32>, vector<128x64xf32>, vector<64x64xf32> -> vector<64x64xf32>
      %get3A_99 = arith.constant 0 : index
      %get3A_100 = arith.constant 0 : index
      %get3A_101 = vector.load %arg11[%get3A_99, %get3A_100] : memref<1x64xf32, #tpu.memory_space<vmem>>, vector<1x64xf32>
      %add3A_102 = vector.broadcast %get3A_101 : vector<1x64xf32> to vector<64x64xf32>
      %add3A_103 = arith.addf %dot_general3A_98, %add3A_102 : vector<64x64xf32>
      %max3A_104 = arith.constant 0.000000e+00 : f32
      %max3A_105 = vector.broadcast %max3A_104 : f32 to vector<64x64xf32>
      %max3A_106 = arith.maximumf %add3A_103, %max3A_105 : vector<64x64xf32>
      %swap3A_107 = arith.constant 0 : index
      %swap3A_108 = arith.constant 0 : index
      %swap3A_109 = vector.load %arg12[%swap3A_107, %swap3A_108] : memref<64x64xf32, #tpu.memory_space<vmem>>, vector<64x64xf32>
      tpu.vector_store %arg12[%swap3A_107, %swap3A_108], %max3A_106 {strides = array<i32>} : memref<64x64xf32, #tpu.memory_space<vmem>>, vector<64x64xf32>,
    } else {
    }
    return
  }
  func.func @transform_0(%arg0: i32) -> (i32, i32) {
    %c0_i32 = arith.constant 0 : i32
    %c0_i32_0 = arith.constant 0 : i32
    return %arg0, %c0_i32 : i32, i32
  }
  func.func @transform_1(%arg0: i32) -> (i32, i32, i32) {
    %c0_i32 = arith.constant 0 : i32
    %c0_i32_0 = arith.constant 0 : i32
    %c0_i32_1 = arith.constant 0 : i32
    return %c0_i32, %arg0, %c0_i32_0 : i32, i32, i32
  }
  func.func @transform_2(%arg0: i32) -> (i32, i32) {
    %c0_i32 = arith.constant 0 : i32
    %c0_i32_0 = arith.constant 0 : i32
    %c0_i32_1 = arith.constant 0 : i32
    return %c0_i32, %c0_i32_0 : i32, i32
  }
  func.func @transform_3(%arg0: i32) -> (i32, i32) {
    %c0_i32 = arith.constant 0 : i32
    %c0_i32_0 = arith.constant 0 : i32
    %c0_i32_1 = arith.constant 0 : i32
    return %c0_i32, %c0_i32_0 : i32, i32
  }
  func.func @transform_4(%arg0: i32) -> (i32, i32) {
    %c0_i32 = arith.constant 0 : i32
    %c0_i32_0 = arith.constant 0 : i32
    %c0_i32_1 = arith.constant 0 : i32
    return %c0_i32, %c0_i32_0 : i32, i32
  }
  func.func @transform_5(%arg0: i32) -> (i32, i32) {
    %c0_i32 = arith.constant 0 : i32
    %c0_i32_0 = arith.constant 0 : i32
    %c0_i32_1 = arith.constant 0 : i32
    return %c0_i32, %c0_i32_0 : i32, i32
  }
  func.func @transform_6(%arg0: i32) -> (i32, i32) {
    %c0_i32 = arith.constant 0 : i32
    %c0_i32_0 = arith.constant 0 : i32
    %c0_i32_1 = arith.constant 0 : i32
    return %c0_i32, %c0_i32_0 : i32, i32
  }
  func.func @transform_7(%arg0: i32) -> (i32, i32) {
    %c0_i32 = arith.constant 0 : i32
    %c0_i32_0 = arith.constant 0 : i32
    %c0_i32_1 = arith.constant 0 : i32
    return %c0_i32, %c0_i32_0 : i32, i32
  }
  func.func @transform_8(%arg0: i32) -> (i32, i32) {
    %c0_i32 = arith.constant 0 : i32
    %c0_i32_0 = arith.constant 0 : i32
    return %arg0, %c0_i32 : i32, i32
  }
  func.func @transform_9(%arg0: i32) -> (i32, i32) {
    %c0_i32 = arith.constant 0 : i32
    %c0_i32_0 = arith.constant 0 : i32
    %c0_i32_1 = arith.constant 0 : i32
    return %c0_i32, %c0_i32_0 : i32, i32
  }
  func.func @transform_10(%arg0: i32) -> (i32, i32) {
    %c0_i32 = arith.constant 0 : i32
    %c0_i32_0 = arith.constant 0 : i32
    %c0_i32_1 = arith.constant 0 : i32
    return %c0_i32, %c0_i32_0 : i32, i32
  }
  func.func @transform_11(%arg0: i32) -> (i32, i32) {
    %c0_i32 = arith.constant 0 : i32
    %c0_i32_0 = arith.constant 0 : i32
    %c0_i32_1 = arith.constant 0 : i32
    return %c0_i32, %c0_i32_0 : i32, i32
  }
}

</mosaic_0001>

<sc_bundles>
// kernel: kernel.11.cloned.1.call-start
scs
__scs_entry_jumppad:
0x0: {  	(pc) =	sbr.rel $0x88, $3  }
0x1: {  	(tag) =	ssettag $0x0;
	lr =	simm.s32 $0x1  }
0x2: {  	[smem:$0x3F8A] =	sst lr;
	_ =	strace $0xD0000000  }
0x3: {  	_ = 	snop  }
0x4: {  	_ = 	snop  }
0x5: {  	_ = 	snop  }
0x6: {  	_ = 	snop  }
0x7: {  	_ = 	snop  }
__scs_overlays_trampoline_lowered:
0x8: {  	[smem:$0x3F99] =	sst s0  }
0x9: {  	[smem:$0x3F9A] =	sst s1  }
0xa: {  	[smem:$0x3F9B] =	sst s2  }
0xb: {  	[smem:$0x3F9C] =	sst s3  }
0xc: {  	[smem:$0x3F9D] =	sst s4  }
0xd: {  	[smem:$0x3F9E] =	sst s5  }
0xe: {  	[smem:$0x3F9F] =	sst s6  }
0xf: {  	[smem:$0x3FA0] =	sst s7  }
0x10: {  	[smem:$0x3FA1] =	sst s8  }
0x11: {  	[smem:$0x3FA2] =	sst s9;
	s0 =	simm.s32 @!p0 $0x0  }
0x12: {  	s1 =	sld [smem:$0x3F88];
	s0 =	simm.s32 @p0 $0x1  }
0x13: {  	[smem:$0x3FA3] =	sst s0;
	s0 =	simm.s32 @!p1 $0x0  }
0x14: {  	s2 =	sld [smem:$0x3F87];
	s0 =	simm.s32 @p1 $0x1  }
0x15: {  	[smem:$0x3FA4] =	sst s0;
	s0 =	simm.s32 @!p2 $0x0  }
0x16: {  	s3 =	sld [smem:$0x3FDB];
	s0 =	simm.s32 @p2 $0x1  }
0x17: {  	s4 =	simm.s32 $0x1BF5;
	[smem:$0x3FA6] =	sst s0  }
0x18: {  	s0 =	sld [smem:$0x3F89];
	_ =	swait.ge [sflag:s4], $0x0  }
0x19: {  	s7 =	sld [smem:$0x3F8A]  }
0x1a: {  	s8 =	sadd.s32 $0xFFFFE003, lr  }
0x1b: {  	s9 =	sadd.s32 $0xFFFFFEF7, lr;
	s5 =	simm.s32 $0xFFFFFFFF;
	p2 =	slt.u32 s8, $0xFFFFF086  }
0x1c: {  	p1 =	slt.u32 s9, $0xF7A;
	s5 =	simm.s32 @!p2 $0x0  }
0x1d: {  	s5 =	simm.s32 @p1 $0x1;
	p0 =	seq.s32 s7, s2  }
0x1e: {  	s7 =	smul.u32 @!p0 $0xF7A, s2;
	p2 =	seq.s32 @!p0 s5, $0x0  }
0x1f: {  	s9 =	smul.u32 $0xF7A, s1;
	s8 =	simm.s32 @!p0 $0x1BF5;
	p2 =	por !p2, p0  }
0x20: {  	[sflag:s8] =	ssyncset.s32 @!p0 $0xFFFFF086;
	s6 =	sadd.s32 @!p0 s3, s7;
	s7 =	simm.s32 @!p0 $0x108  }
0x21: {  	s3 =	sadd.s32 s3, s9;
	s6 =	sadd.s32 @!p0 $0x88, s6;
	s7 =	simm.s32 @p2 $0x1082  }
0x22: {  	[simem:s7], [sflag:s8] =	dma.local @!p0 [hbm:s6], $0xF7A  }
0x23: {  	s9 =	sor.u32 $0xD0000000, s2;
	s6 =	simm.s32 $0x108;
	_ =	swait.ge @!p0 [sflag:s8], $0x0  }
0x24: {  	s3 =	sadd.s32 $0x88, s3;
	s6 =	simm.s32 @!p1 $0x1082;
	[sflag:s4] =	ssyncset.s32 $0xFFFFF086  }
0x25: {  	[simem:s6], [sflag:s4] =	dma.local [hbm:s3], $0xF7A  }
0x26: {  	[smem:$0x3F8A] =	sst s1;
	(tag) =	ssettag s2;
	_ =	strace s9  }
0x27: {  	s1 =	sld [smem:$0x3F9A]  }
0x28: {  	s2 =	sld [smem:$0x3F9B]  }
0x29: {  	s4 =	sld [smem:$0x3F9D]  }
0x2a: {  	p0 =	seq.s32 s5, $0x0;
	s5 =	sld [smem:$0x3F9E]  }
0x2b: {  	s6 =	sld [smem:$0x3F9F]  }
0x2c: {  	s7 =	sld [smem:$0x3FA0]  }
0x2d: {  	s3 =	simm.s32 $0x108;
	s8 =	sld [smem:$0x3FA1]  }
0x2e: {  	s3 =	simm.s32 @!p0 $0x1082;
	s9 =	sld [smem:$0x3FA2]  }
0x2f: {  	lr =	sadd.s32 s0, s3;
	s0 =	sld [smem:$0x3F99]  }
0x30: {  	s3 =	sld [smem:$0x3F9C]  }
0x31: {  	[smem:$0x3FA5] =	sst s10  }
0x32: {  	s10 =	sld [smem:$0x3FA3];
	_ =	sdelay $0x3  }
0x33: {  	p0 =	seq.s32 s10, $0x1;
	s10 =	sld [smem:$0x3FA5];
	_ =	sdelay $0x3  }
0x34: {  	[smem:$0x3FA5] =	sst s10  }
0x35: {  	s10 =	sld [smem:$0x3FA4];
	_ =	sdelay $0x3  }
0x36: {  	p1 =	seq.s32 s10, $0x1;
	s10 =	sld [smem:$0x3FA5];
	_ =	sdelay $0x3  }
0x37: {  	[smem:$0x3FA5] =	sst s10  }
0x38: {  	s10 =	sld [smem:$0x3FA6]  }
0x39: {  	_ = 	snop;
	(pc) =	sbr.ind lr, $3  }
0x3a: {  	_ = 	snop  }
0x3b: {  	_ = 	snop  }
0x3c: {  	p2 =	seq.s32 s10, $0x1;
	s10 =	sld [smem:$0x3FA5]  }
0x3d: {  	_ =	shalt  }
0x3e: {  	_ =	shalt  }
0x3f: {  	_ =	shalt  }
0x40: {  	_ =	shalt  }
0x41: {  	_ =	shalt  }
0x42: {  	_ =	shalt  }
0x43: {  	_ =	shalt  }
0x44: {  	_ =	shalt  }
0x45: {  	_ =	shalt  }
0x46: {  	_ =	shalt  }
0x47: {  	_ =	shalt  }
0x48: {  	_ =	shalt  }
0x49: {  	_ =	shalt  }
0x4a: {  	_ =	shalt  }
0x4b: {  	_ =	shalt  }
0x4c: {  	_ =	shalt  }
0x4d: {  	_ =	shalt  }
0x4e: {  	_ =	shalt  }
0x4f: {  	_ =	shalt  }
0x50: {  	_ =	shalt  }
0x51: {  	_ =	shalt  }
0x52: {  	_ =	shalt  }
0x53: {  	_ =	shalt  }
0x54: {  	_ =	shalt  }
0x55: {  	_ =	shalt  }
0x56: {  	_ =	shalt  }
0x57: {  	_ =	shalt  }
0x58: {  	_ =	shalt  }
0x59: {  	_ =	shalt  }
0x5a: {  	_ =	shalt  }
0x5b: {  	_ =	shalt  }
0x5c: {  	_ =	shalt  }
0x5d: {  	_ =	shalt  }
0x5e: {  	_ =	shalt  }
0x5f: {  	_ =	shalt  }
0x60: {  	_ =	shalt  }
0x61: {  	_ =	shalt  }
0x62: {  	_ =	shalt  }
0x63: {  	_ =	shalt  }
0x64: {  	_ =	shalt  }
0x65: {  	_ =	shalt  }
0x66: {  	_ =	shalt  }
0x67: {  	_ =	shalt  }
0x68: {  	_ =	shalt  }
0x69: {  	_ =	shalt  }
0x6a: {  	_ =	shalt  }
0x6b: {  	_ =	shalt  }
0x6c: {  	_ =	shalt  }
0x6d: {  	_ =	shalt  }
0x6e: {  	_ =	shalt  }
0x6f: {  	_ =	shalt  }
0x70: {  	_ =	shalt  }
0x71: {  	_ =	shalt  }
0x72: {  	_ =	shalt  }
0x73: {  	_ =	shalt  }
0x74: {  	_ =	shalt  }
0x75: {  	_ =	shalt  }
0x76: {  	_ =	shalt  }
0x77: {  	_ =	shalt  }
0x78: {  	_ =	shalt  }
0x79: {  	_ =	shalt  }
0x7a: {  	_ =	shalt  }
0x7b: {  	_ =	shalt  }
0x7c: {  	_ =	shalt  }
0x7d: {  	_ =	shalt  }
0x7e: {  	_ =	shalt  }
0x7f: {  	_ =	shalt  }
0x80: {  	_ =	shalt  }
0x81: {  	_ =	shalt  }
0x82: {  	_ =	shalt  }
0x83: {  	_ =	shalt  }
0x84: {  	_ =	shalt  }
0x85: {  	_ =	shalt  }
0x86: {  	_ =	shalt  }
0x87: {  	_ =	shalt  }
.Lfunc_end0:
.L_simem_size_0:
called_computation.1_lowered:
.L_overlay_start_0:
0x88: {  	s2 =	sld [smem:$0x3FD9]  }
0x89: {  	s3 =	sld [smem:$0x3FFE];
	_ =	sdelay $0x1  }
0x8a: {  	s1 =	srdreg.scid  }
0x8b: {  	s0 =	sand.u32 $0x1, s1  }
0x8c: {  	s16 =	sshll.u32 s0, $0xA;
	s2 =	sadd.s32 s3, s2  }
0x8d: {  	s2 =	sadd.s32 s2, s16  }
0x8e: {  	[smem:$0x3FB1] =	sst s2  }
0x8f: {  	_ = 	snop  }
0x90: {  	(tm) =	ssettm $0x1  }
0x91: {  	s17 =	sld [smem:$0x3FFB];
	_ =	sdelay $0x3  }
0x92: {  	_ =	strace s17  }
0x93: {  	s2 =	sld [smem:$0x3FFC];
	_ =	sdelay $0x3  }
0x94: {  	_ =	strace s2  }
0x95: {  	s2 =	sld [smem:$0x3FFD];
	_ =	sdelay $0x3  }
0x96: {  	_ =	strace s2  }
0x97: {  	_ =	strace $0x8FFFFFFF  }
0x98: {  	s18 =	sld [smem:$0x3FDB];
	_ =	sdelay $0x1  }
0x99: {  	s19 =	simm.s32 $_scs_section_size  }
0x9a: {  	s4 =	simm.s32 $_size__tile_overlayer_lowered;
	s5 =	simm.s32 $_tile_overlayer_lowered  }
0x9b: {  	s22 =	simm.s32 $0x1BFF;
	s21 =	sshll.u32 s5, $0x1;
	s2 =	sadd.s32 s19, s18  }
0x9c: {  	s6 =	simm.s32 $0x0;
	s20 =	sshll.u32 s4, $0x1;
	s4 =	sadd.s32 s21, s2  }
0x9d: {  	[timem:s6], [sflag:s22] =	dma.local [hbm:s4], s20  }
0x9e: {  	_ =	swait.ge [sflag:s22], s20  }
0x9f: {  	s3 =	ssub.s32 $0x0, s20;
	[sflag:s22] =	ssyncset.done $0x0  }
0xa0: {  	[sflag:s22] =	ssyncadd.s32 s3;
	_ =	sdelay $0x1  }
0xa1: {  	s23 =	simm.s32 $0x1B8B  }
0xa2: {  	_ =	swait.ge [sflag:s23], $0x1  }
0xa3: {  	[sflag:s23] =	ssyncset.done $0x0  }
0xa4: {  	s25 =	simm.s32 $0x1B8E;
	s24 =	sld [smem:$0x3FFE];
	[sflag:s23] =	ssyncadd.s32 $0xFFFFFFFF  }
0xa5: {  	s26 =	simm.s32 $execute0_lowered;
	[smem:$0x3FD2] =	sst s25  }
0xa6: {  	s4 =	sshll.u32 s26, $0x1;
	_ =	strace $0x80000049;
	[dreg:$0x1] =	wrdreg $0xFFFFFFFF  }
0xa7: {  	s28 =	simm.s32 $_size_execute0_lowered;
	s2 =	sadd.s32 s2, s4;
	[dreg:$0x0] =	wrdreg $0x0  }
0xa8: {  	s4 =	sshll.u32 s28, $0x1;
	[dreg:$0x2] =	wrdreg s2  }
0xa9: {  	[dreg:$0x3] =	wrdreg s4  }
0xaa: {  	[dreg:$0x4] =	wrdreg $0xC0  }
0xab: {  	_ =	task [dreg:s6], $0x5FFFF  }
0xac: {  	[dreg:$0x1] =	wrdreg $0xFFFFFFFF  }
0xad: {  	[dreg:$0x0] =	wrdreg $0x60  }
0xae: {  	[dreg:$0x2] =	wrdreg s24  }
0xaf: {  	[dreg:$0x3] =	wrdreg $0x84000  }
0xb0: {  	[dreg:$0x4] =	wrdreg $0x9  }
0xb1: {  	_ =	task.clear_ibuf [dreg:s6], $0x5FFFF;
	_ =	strace $0x90000049  }
0xb2: {  	s29 =	simm.s32 $0x9;
	_ =	strace $0x8000004B  }
0xb3: {  	_ =	swait.ge [sflag:s29], $0x1  }
0xb4: {  	[sflag:s29] =	ssyncadd.s32 $0xFFFFFFFF  }
0xb5: {  	_ =	strace $0x9000004B  }
0xb6: {  	_ =	sfence  }
0xb7: {  	s30 =	sld [smem:$0x0];
	_ =	sdelay $0x2  }
0xb8: {  	s31 =	sshll.u32 s1, $0xD;
	s1 =	sshrl.u32 s1, $0x2  }
0xb9: {  	s3 =	sand.u32 $0x4000, s31;
	s1 =	sadd.s32 s1, s30  }
0xba: {  	s0 =	sor.u32 s3, s0;
	s1 =	sshll.u32 s1, $0x11  }
0xbb: {  	s0 =	sor.u32 s1, s0  }
0xbc: {  	s0 =	sadd.s32 $0x8F2B, s0  }
0xbd: {  	[sflag:s0] =	ssyncadd.remote.s32 $0x1  }
0xbe: {  	_ =	sfence.sel $0xFFFF  }
0xbf: {  	[dreg:$0x0] =	wrdreg $0xFFFFFFFF;
	(pc) =	sbr.abs _section_cstart, $3  }
0xc0: {  	[dreg:$0x1] =	wrdreg $0xFFFFFFFF  }
0xc1: {  	_ =	task.clear_ibuf [dreg:s6], $0x2FFFF;
	_ =	strace $0x9FFFFFFF  }
0xc2: {  	(tm) =	ssettm $0x7FFFFFFF  }
0xc3: {  	_ =	shalt  }
tec
execute0_lowered:
.L_overlay_start_1:
0x0: {  	(tag) =	ssettag $0x1  }
0x1: {  	s1 =	rddreg [dreg:$0x0]  }
0x2: {  	s2 =	rddreg [dreg:$0x1]  }
0x3: {  	s0 =	srdreg.scid;
	s3 =	simm.s32 $0x0;
	s17 =	stileid.u32  }
0x4: {  	s30 =	simm.s32 $0x400;
	s29 =	simm.s32 $0x5;
	s4 =	sand.u32 $0x1, s0  }
0x5: {  	[smem:$0x7FF] =	sst s3;
	s5 =	smul.u32 $0x14000, s17;
	s6 =	sadd.s32 $0x40E00, s1  }
0x6: {  	s0 =	ssub.s32 $0x2, s4;
	_ =	strace $0x8000004A;
	s8 =	smul.u32 $0x140000, s4  }
0x7: {  	s7 =	sshrl.u32 s0, $0x1;
	s9 =	sadd.s32 $0x5000, s5;
	s10 =	sadd.s32 $0x7800, s5  }
0x8: {  	s11 =	sadd.s32 $0xA000, s5;
	s14 =	sadd.s32 $0xC800, s5;
	s15 =	sadd.s32 $0xF000, s5  }
0x9: {  	s0 =	ssub.s32 s0, s7;
	s7 =	sor.u32 $0x2800, s5;
	s12 =	sadd.s32 s5, s8  }
0xa: {  	s5 =	sadd.s32 $0x11800, s5;
	s24 =	sadd.s32 s8, s9;
	s26 =	sadd.s32 s8, s10  }
0xb: {  	s16 =	sadd.s32 s8, s11;
	s19 =	sadd.s32 s8, s14;
	s21 =	sadd.s32 s8, s15  }
0xc: {  	s31 =	sadd.s32 s10, s2;
	s28 =	sadd.s32 s14, s2;
	s10 =	simm.s32 $0x7  }
0xd: {  	s14 =	simm.s32 $0x4;
	s12 =	sshrl.u32 s12, $0x3;
	s13 =	sadd.s32 s8, s7  }
0xe: {  	s25 =	sshrl.u32 s24, $0x3;
	s18 =	sshrl.u32 s16, $0x3;
	s20 =	sshrl.u32 s19, $0x3  }
0xf: {  	s22 =	sshrl.u32 s21, $0x3;
	s8 =	sadd.s32 s8, s5;
	s24 =	smul.u32 $0x50, s17  }
0x10: {  	s16 =	smul.u32 $0x50000, s17;
	s0 =	smax.u32 s0, $0x1;
	[dreg:$0x10] =	wrdreg s28  }
0x11: {  	s12 =	sadd.s32 s6, s12;
	s23 =	sshrl.u32 s13, $0x3;
	[dreg:$0x15] =	wrdreg s0  }
0x12: {  	s13 =	sshrl.u32 s26, $0x3;
	s26 =	simm.s32 $0x180;
	[dreg:$0x7] =	wrdreg s12  }
0x13: {  	s8 =	sshrl.u32 s8, $0x3;
	s12 =	sadd.s32 s6, s23;
	[dreg:$0x4] =	wrdreg s26  }
0x14: {  	s0 =	simm.s32 $0x3;
	s26 =	sadd.s32 s11, s2;
	[dreg:$0x8] =	wrdreg s12  }
0x15: {  	s23 =	smul.u32 $0x500, s4;
	s12 =	sadd.s32 s6, s25;
	[dreg:$0x12] =	wrdreg s26  }
0x16: {  	s21 =	sshrl.u32 s16, $0x2;
	s25 =	simm.s32 $0x80;
	[dreg:$0x9] =	wrdreg s12  }
0x17: {  	s16 =	sadd.s32 s21, s2;
	s21 =	sadd.s32 s5, s2;
	[dreg:$0x3] =	wrdreg s25  }
0x18: {  	s4 =	sshll.u32 s4, $0x4;
	s12 =	sadd.s32 s6, s13;
	[dreg:$0x13] =	wrdreg s21  }
0x19: {  	s11 =	simm.s32 $0x2;
	s13 =	simm.s32 $0x280;
	[dreg:$0xa] =	wrdreg s12  }
0x1a: {  	s19 =	sor.u32 s17, s4;
	s12 =	sadd.s32 s6, s18;
	[dreg:$0x5] =	wrdreg s13  }
0x1b: {  	s17 =	sadd.s32 s7, s2;
	s18 =	simm.s32 $0x380;
	[dreg:$0xb] =	wrdreg s12  }
0x1c: {  	s5 =	simm.s32 $0x6;
	s12 =	sadd.s32 s6, s20;
	[dreg:$0x6] =	wrdreg s18  }
0x1d: {  	s7 =	simm.s32 $0x200;
	[dreg:$0xc] =	wrdreg s12;
	s12 =	sadd.s32 s6, s22  }
0x1e: {  	s13 =	sadd.s32 $0x4800, s1;
	s6 =	sadd.s32 s6, s8;
	[dreg:$0xd] =	wrdreg s12  }
0x1f: {  	s18 =	sadd.s32 s9, s2;
	s20 =	smul.u32 $0x50, s19;
	[dreg:$0xe] =	wrdreg s6  }
0x20: {  	s12 =	sadd.s32 $0x18800, s1;
	s6 =	sadd.s32 s24, s23;
	s1 =	sadd.s32 $0x40800, s1  }
0x21: {  	s9 =	simm.s32 $0x1;
	[dreg:$0xf] =	wrdreg s1;
	s22 =	sshll.u32 s6, $0x5  }
0x22: {  	s1 =	smul.u32 $0xA00, s19;
	s19 =	sadd.s32 s15, s2;
	s4 =	sadd.s32 s22, s13  }
0x23: {  	s8 =	simm.s32 $0x300;
	[dreg:$0x11] =	wrdreg s19;
	s23 =	sadd.s32 $0x60, s4  }
0x24: {  	s6 =	simm.s32 $0x4400;
	s24 =	sadd.s32 $0x40, s4;
	[dreg:$0x16] =	wrdreg s23  }
0x25: {  	s1 =	sadd.s32 s13, s1;
	s4 =	simm.s32 $0x7D;
	[dreg:$0x17] =	wrdreg s24  }
0x26: {  	[dreg:$0x14] =	wrdreg s1;
	s25 =	sadd.s32 $0x20, s1;
	s1 =	simm.s32 $0x100  }
0x27: {  	s24 =	simm.s32 $0x0;
	[dreg:$0x18] =	wrdreg s25;
	s25 =	simm.s32 $0x8  }
.LBB2_1:
0x28: {  	s15 =	rddreg [dreg:$0xf];
	s23 =	simm.s32 $0x9  }
0x29: {  	[tilespmem:s30], [sflag:$0x9] =	stream.linear.gather [hbm4b:s15+s3], $0x2800, $0x38;
	[tilespmem:$0x1C400] =	vst v63  }
0x2a: {  	_ =	swait.ge [sflag:s23], $0x2800  }
0x2b: {  	[sflag:s23] =	ssyncset.done $0x0  }
0x2c: {  	[sflag:s23] =	ssyncadd.s32 $0xFFFFD800  }
0x2d: {  	[spmem:s16] =	stream.linear.scatter [tilespmem:s30], [sflag:$0x3], $0x2800, $0x38;
	[tilespmem:$0x1C400] =	vst v63  }
0x2e: {  	_ = 	snop  }
0x2f: {  	[spmem:s17] =	stream.linear.scatter [tilespmem:s30], [sflag:$0x3], $0x2800, $0x38;
	[tilespmem:$0x1C400] =	vst v63  }
0x30: {  	_ = 	snop  }
0x31: {  	[spmem:s18] =	stream.linear.scatter [tilespmem:s30], [sflag:$0x3], $0x2800, $0x38;
	[tilespmem:$0x1C400] =	vst v63  }
0x32: {  	_ = 	snop  }
0x33: {  	[spmem:s31] =	stream.linear.scatter [tilespmem:s30], [sflag:$0x3], $0x2800, $0x38;
	[tilespmem:$0x1C400] =	vst v63  }
0x34: {  	s15 =	smov.u32 s26  }
0x35: {  	[spmem:s15] =	stream.linear.scatter [tilespmem:s30], [sflag:$0x3], $0x2800, $0x38;
	[tilespmem:$0x1C400] =	vst v63  }
0x36: {  	_ = 	snop  }
0x37: {  	[spmem:s28] =	stream.linear.scatter [tilespmem:s30], [sflag:$0x3], $0x2800, $0x38;
	[tilespmem:$0x1C400] =	vst v63  }
0x38: {  	_ = 	snop  }
0x39: {  	[spmem:s19] =	stream.linear.scatter [tilespmem:s30], [sflag:$0x3], $0x2800, $0x38;
	[tilespmem:$0x1C400] =	vst v63  }
0x3a: {  	s23 =	smov.u32 s16;
	s16 =	smov.u32 s21  }
0x3b: {  	[spmem:s16] =	stream.linear.scatter [tilespmem:s30], [sflag:$0x3], $0x2800, $0x38;
	[tilespmem:$0x1C400] =	vst v63  }
0x3c: {  	_ =	swait.ge [sflag:s0], $0x2800  }
0x3d: {  	[sflag:s0] =	ssyncset.done $0x0  }
0x3e: {  	[sflag:s0] =	ssyncadd.s32 $0xFFFFD800  }
0x3f: {  	_ =	swait.ge [sflag:s0], $0x2800  }
0x40: {  	[sflag:s0] =	ssyncset.done $0x0  }
0x41: {  	[sflag:s0] =	ssyncadd.s32 $0xFFFFD800  }
0x42: {  	_ =	swait.ge [sflag:s0], $0x2800  }
0x43: {  	[sflag:s0] =	ssyncset.done $0x0  }
0x44: {  	[sflag:s0] =	ssyncadd.s32 $0xFFFFD800  }
0x45: {  	_ =	swait.ge [sflag:s0], $0x2800  }
0x46: {  	[sflag:s0] =	ssyncset.done $0x0  }
0x47: {  	[sflag:s0] =	ssyncadd.s32 $0xFFFFD800  }
0x48: {  	_ =	swait.ge [sflag:s0], $0x2800  }
0x49: {  	[sflag:s0] =	ssyncset.done $0x0  }
0x4a: {  	[sflag:s0] =	ssyncadd.s32 $0xFFFFD800  }
0x4b: {  	_ =	swait.ge [sflag:s0], $0x2800  }
0x4c: {  	[sflag:s0] =	ssyncset.done $0x0  }
0x4d: {  	[sflag:s0] =	ssyncadd.s32 $0xFFFFD800  }
0x4e: {  	_ =	swait.ge [sflag:s0], $0x2800  }
0x4f: {  	[sflag:s0] =	ssyncset.done $0x0  }
0x50: {  	[sflag:s0] =	ssyncadd.s32 $0xFFFFD800  }
0x51: {  	_ =	swait.ge [sflag:s0], $0x2800  }
0x52: {  	[sflag:s0] =	ssyncset.done $0x0  }
0x53: {  	[sflag:s0] =	ssyncadd.s32 $0xFFFFD800  }
0x54: {  	[bflag:$0x0] =	sbarrier.arrive $0xFFFF  }
0x55: {  	s21 =	smov.u32 s17;
	s17 =	rddreg [dreg:$0x14]  }
0x56: {  	[tilespmem:s3], [sflag:$0x5] =	stream.linear.gather [hbm4b:s17+s3], $0x100, $0x38;
	[tilespmem:$0x1C400] =	vst v63  }
0x57: {  	s22 =	smov.u32 s18;
	s18 =	rddreg [dreg:$0x18]  }
0x58: {  	[tilespmem:s1], [sflag:$0x6] =	stream.linear.gather [hbm4b:s18+s3], $0x100, $0x38;
	[tilespmem:$0x1C400] =	vst v63  }
0x59: {  	_ =	swait.ge [sflag:s29], $0x100  }
0x5a: {  	[sflag:s29] =	ssyncset.done $0x0  }
0x5b: {  	[sflag:s29] =	ssyncadd.s32 $0xFFFFFF00  }
0x5c: {  	[tilespmem:s30], [sflag:$0x1] =	stream.indirect.gather [hbm4b:s12+s4], $0x80, s3, s4, $0xb8;
	[tilespmem:$0x1C400] =	vst v63  }
0x5d: {  	_ =	swait.ge [sflag:s5], $0x100  }
0x5e: {  	[sflag:s5] =	ssyncset.done $0x0  }
0x5f: {  	[sflag:s5] =	ssyncadd.s32 $0xFFFFFF00  }
0x60: {  	[tilespmem:s6], [sflag:$0x2] =	stream.indirect.gather [hbm4b:s12+s4], $0x80, s1, s4, $0xb8;
	[tilespmem:$0x1C400] =	vst v63  }
0x61: {  	s18 =	rddreg [dreg:$0x17]  }
0x62: {  	[tilespmem:s7], [sflag:$0x7] =	stream.linear.gather [hbm4b:s18+s3], $0x100, $0x38;
	[tilespmem:$0x1C400] =	vst v63  }
0x63: {  	s17 =	rddreg [dreg:$0x16]  }
0x64: {  	[tilespmem:s8], [sflag:$0x8] =	stream.linear.gather [hbm4b:s17+s3], $0x100, $0x38;
	[tilespmem:$0x1C400] =	vst v63  }
0x65: {  	_ =	swait.ge [sflag:s9], $0x3E80  }
0x66: {  	[sflag:s9] =	ssyncset.done $0x0  }
0x67: {  	s19 =	rddreg [dreg:$0x3];
	[sflag:s9] =	ssyncadd.s32 $0xFFFFC180  }
0x68: {  	[spmem:s2] =	stream.indirect.scatter.add.f32 [tilespmem:s30], [sflag:$0x3], $0x80, s19, s4, $0xb8;
	[tilespmem:$0x1C400] =	vst v63  }
0x69: {  	_ =	swait.ge [sflag:s0], $0x3E80  }
0x6a: {  	[sflag:s0] =	ssyncset.done $0x0  }
0x6b: {  	[sflag:s0] =	ssyncadd.s32 $0xFFFFC180  }
0x6c: {  	_ =	swait.ge [sflag:s10], $0x100  }
0x6d: {  	[sflag:s10] =	ssyncset.done $0x0  }
0x6e: {  	[sflag:s10] =	ssyncadd.s32 $0xFFFFFF00  }
0x6f: {  	[tilespmem:s30], [sflag:$0x1] =	stream.indirect.gather [hbm4b:s12+s4], $0x80, s7, s4, $0xb8;
	[tilespmem:$0x1C400] =	vst v63  }
0x70: {  	_ =	swait.ge [sflag:s11], $0x3E80  }
0x71: {  	[sflag:s11] =	ssyncset.done $0x0  }
0x72: {  	s28 =	rddreg [dreg:$0x4];
	[sflag:s11] =	ssyncadd.s32 $0xFFFFC180  }
0x73: {  	[spmem:s2] =	stream.indirect.scatter.add.f32 [tilespmem:s6], [sflag:$0x4], $0x80, s28, s4, $0xb8;
	[tilespmem:$0x1C400] =	vst v63  }
0x74: {  	_ =	swait.ge [sflag:s14], $0x3E80  }
0x75: {  	p0 =	por $0x0, $0x0;
	s15 =	simm.s32 $0x4;
	[sflag:s14] =	ssyncset.done $0x0  }
0x76: {  	s15 =	simm.s32 @p0 $0x0;
	s16 =	simm.s32 $0x5;
	[sflag:s14] =	ssyncadd.s32 $0xFFFFC180  }
0x77: {  	s15 =	sadd.s32 s20, s15;
	s16 =	simm.s32 @p0 $0x1;
	_ =	swait.ge [sflag:s25], $0x100  }
0x78: {  	s15 =	sshll.u32 s15, $0x5;
	s16 =	sadd.s32 s20, s16;
	[sflag:s25] =	ssyncset.done $0x0  }
0x79: {  	s15 =	sand.u32 $0x1FFFFF80, s15;
	s16 =	sshll.u32 s16, $0x5;
	[sflag:s25] =	ssyncadd.s32 $0xFFFFFF00  }
0x7a: {  	[tilespmem:s6], [sflag:$0x2] =	stream.indirect.gather [hbm4b:s12+s4], $0x80, s8, s4, $0xb8;
	[tilespmem:$0x1C400] =	vst v63  }
0x7b: {  	s15 =	sadd.s32 s13, s15;
	s16 =	sand.u32 $0x1FFFFFA0, s16  }
0x7c: {  	[tilespmem:s3], [sflag:$0x5] =	stream.linear.gather [hbm4b:s15+s3], $0x100, $0x38;
	[tilespmem:$0x1C400] =	vst v63  }
0x7d: {  	s16 =	sadd.s32 s13, s16  }
0x7e: {  	[tilespmem:s1], [sflag:$0x6] =	stream.linear.gather [hbm4b:s16+s3], $0x100, $0x38;
	[tilespmem:$0x1C400] =	vst v63  }
0x7f: {  	_ =	swait.ge [sflag:s9], $0x3E80  }
0x80: {  	[sflag:s9] =	ssyncset.done $0x0  }
0x81: {  	s19 =	rddreg [dreg:$0x5];
	[sflag:s9] =	ssyncadd.s32 $0xFFFFC180  }
0x82: {  	[spmem:s2] =	stream.indirect.scatter.add.f32 [tilespmem:s30], [sflag:$0x3], $0x80, s19, s4, $0xb8;
	[tilespmem:$0x1C400] =	vst v63  }
0x83: {  	_ =	swait.ge [sflag:s0], $0x3E80  }
0x84: {  	[sflag:s0] =	ssyncset.done $0x0  }
0x85: {  	[sflag:s0] =	ssyncadd.s32 $0xFFFFC180  }
0x86: {  	_ =	swait.ge [sflag:s29], $0x100  }
0x87: {  	[sflag:s29] =	ssyncset.done $0x0  }
0x88: {  	[sflag:s29] =	ssyncadd.s32 $0xFFFFFF00  }
0x89: {  	[tilespmem:s30], [sflag:$0x1] =	stream.indirect.gather [hbm4b:s12+s4], $0x80, s3, s4, $0xb8;
	[tilespmem:$0x1C400] =	vst v63  }
0x8a: {  	_ =	swait.ge [sflag:s11], $0x3E80  }
0x8b: {  	[sflag:s11] =	ssyncset.done $0x0  }
0x8c: {  	s28 =	rddreg [dreg:$0x6];
	[sflag:s11] =	ssyncadd.s32 $0xFFFFC180  }
0x8d: {  	[spmem:s2] =	stream.indirect.scatter.add.f32 [tilespmem:s6], [sflag:$0x4], $0x80, s28, s4, $0xb8;
	[tilespmem:$0x1C400] =	vst v63  }
0x8e: {  	_ =	swait.ge [sflag:s14], $0x3E80  }
0x8f: {  	[sflag:s14] =	ssyncset.done $0x0  }
0x90: {  	[sflag:s14] =	ssyncadd.s32 $0xFFFFC180  }
0x91: {  	s26 =	smov.u32 s31;
	s31 =	simm.s32 $0x9;
	_ =	swait.ge [sflag:s5], $0x100  }
0x92: {  	s15 =	sadd.s32 $0x80, s17;
	s16 =	sadd.s32 $0x80, s18;
	[sflag:s5] =	ssyncset.done $0x0  }
.LBB2_2:
0x93: {  	[sflag:s5] =	ssyncadd.s32 $0xFFFFFF00  }
0x94: {  	[tilespmem:s6], [sflag:$0x2] =	stream.indirect.gather [hbm4b:s12+s4], $0x80, s1, s4, $0xb8;
	[tilespmem:$0x1C400] =	vst v63  }
0x95: {  	_ = 	snop  }
0x96: {  	[tilespmem:s7], [sflag:$0x7] =	stream.linear.gather [hbm4b:s16+s3], $0x100, $0x38;
	[tilespmem:$0x1C400] =	vst v63  }
0x97: {  	_ = 	snop  }
0x98: {  	[tilespmem:s8], [sflag:$0x8] =	stream.linear.gather [hbm4b:s15+s3], $0x100, $0x38;
	[tilespmem:$0x1C400] =	vst v63  }
0x99: {  	_ =	swait.ge [sflag:s9], $0x3E80  }
0x9a: {  	[sflag:s9] =	ssyncset.done $0x0  }
0x9b: {  	s18 =	rddreg [dreg:$0x3];
	[sflag:s9] =	ssyncadd.s32 $0xFFFFC180  }
0x9c: {  	[spmem:s2] =	stream.indirect.scatter.add.f32 [tilespmem:s30], [sflag:$0x3], $0x80, s18, s4, $0xb8;
	[tilespmem:$0x1C400] =	vst v63  }
0x9d: {  	_ =	swait.ge [sflag:s0], $0x3E80  }
0x9e: {  	[sflag:s0] =	ssyncset.done $0x0  }
0x9f: {  	[sflag:s0] =	ssyncadd.s32 $0xFFFFC180  }
0xa0: {  	_ =	swait.ge [sflag:s10], $0x100  }
0xa1: {  	[sflag:s10] =	ssyncset.done $0x0  }
0xa2: {  	[sflag:s10] =	ssyncadd.s32 $0xFFFFFF00  }
0xa3: {  	[tilespmem:s30], [sflag:$0x1] =	stream.indirect.gather [hbm4b:s12+s4], $0x80, s7, s4, $0xb8;
	[tilespmem:$0x1C400] =	vst v63  }
0xa4: {  	_ =	swait.ge [sflag:s11], $0x3E80  }
0xa5: {  	[sflag:s11] =	ssyncset.done $0x0  }
0xa6: {  	s28 =	rddreg [dreg:$0x4];
	[sflag:s11] =	ssyncadd.s32 $0xFFFFC180  }
0xa7: {  	[spmem:s2] =	stream.indirect.scatter.add.f32 [tilespmem:s6], [sflag:$0x4], $0x80, s28, s4, $0xb8;
	[tilespmem:$0x1C400] =	vst v63  }
0xa8: {  	s17 =	smov.u32 s31;
	_ =	swait.ge [sflag:s14], $0x3E80  }
0xa9: {  	p1 =	seq.s32 s17, $0x51;
	s18 =	sadd.s32 $0xFFFFFFFF, s17;
	[sflag:s14] =	ssyncset.done $0x0  }
0xaa: {  	s18 =	simm.s32 @p1 $0x0;
	[sflag:s14] =	ssyncadd.s32 $0xFFFFC180  }
0xab: {  	s17 =	simm.s32 @p1 $0x1;
	s18 =	sadd.s32 s20, s18;
	_ =	swait.ge [sflag:s25], $0x100  }
0xac: {  	s17 =	sadd.s32 s20, s17;
	s18 =	sshll.u32 s18, $0x5;
	[sflag:s25] =	ssyncset.done $0x0  }
0xad: {  	s17 =	sshll.u32 s17, $0x5;
	s18 =	sand.u32 $0x1FFFFF80, s18;
	[sflag:s25] =	ssyncadd.s32 $0xFFFFFF00  }
0xae: {  	[tilespmem:s6], [sflag:$0x2] =	stream.indirect.gather [hbm4b:s12+s4], $0x80, s8, s4, $0xb8;
	[tilespmem:$0x1C400] =	vst v63  }
0xaf: {  	s17 =	sand.u32 $0x1FFFFFA0, s17;
	s18 =	sadd.s32 s13, s18  }
0xb0: {  	[tilespmem:s3], [sflag:$0x5] =	stream.linear.gather [hbm4b:s18+s3], $0x100, $0x38;
	[tilespmem:$0x1C400] =	vst v63  }
0xb1: {  	s17 =	sadd.s32 s13, s17  }
0xb2: {  	[tilespmem:s1], [sflag:$0x6] =	stream.linear.gather [hbm4b:s17+s3], $0x100, $0x38;
	[tilespmem:$0x1C400] =	vst v63  }
0xb3: {  	_ =	swait.ge [sflag:s9], $0x3E80  }
0xb4: {  	[sflag:s9] =	ssyncset.done $0x0  }
0xb5: {  	s19 =	rddreg [dreg:$0x5];
	[sflag:s9] =	ssyncadd.s32 $0xFFFFC180  }
0xb6: {  	[spmem:s2] =	stream.indirect.scatter.add.f32 [tilespmem:s30], [sflag:$0x3], $0x80, s19, s4, $0xb8;
	[tilespmem:$0x1C400] =	vst v63  }
0xb7: {  	_ =	swait.ge [sflag:s0], $0x3E80  }
0xb8: {  	[sflag:s0] =	ssyncset.done $0x0  }
0xb9: {  	[sflag:s0] =	ssyncadd.s32 $0xFFFFC180  }
0xba: {  	_ =	swait.ge [sflag:s29], $0x100  }
0xbb: {  	[sflag:s29] =	ssyncset.done $0x0  }
0xbc: {  	[sflag:s29] =	ssyncadd.s32 $0xFFFFFF00  }
0xbd: {  	[tilespmem:s30], [sflag:$0x1] =	stream.indirect.gather [hbm4b:s12+s4], $0x80, s3, s4, $0xb8;
	[tilespmem:$0x1C400] =	vst v63  }
0xbe: {  	_ =	swait.ge [sflag:s11], $0x3E80  }
0xbf: {  	[sflag:s11] =	ssyncset.done $0x0  }
0xc0: {  	p0 =	sne.s32 s31, $0x51;
	s28 =	rddreg [dreg:$0x6];
	[sflag:s11] =	ssyncadd.s32 $0xFFFFC180  }
0xc1: {  	[spmem:s2] =	stream.indirect.scatter.add.f32 [tilespmem:s6], [sflag:$0x4], $0x80, s28, s4, $0xb8;
	[tilespmem:$0x1C400] =	vst v63  }
.Ltmp0:
0xc2: {  	_ =	swait.ge [sflag:s14], $0x3E80;
	(pc) =	sbr.rel @p0 .LBB2_2-.Ltmp0, $4  }
0xc3: {  	[sflag:s14] =	ssyncset.done $0x0  }
0xc4: {  	[sflag:s14] =	ssyncadd.s32 $0xFFFFC180  }
0xc5: {  	s31 =	sadd.s32 $0x4, s31;
	_ =	swait.ge [sflag:s5], $0x100  }
0xc6: {  	s16 =	sadd.s32 $0x80, s16;
	s15 =	sadd.s32 $0x80, s15;
	[sflag:s5] =	ssyncset.done $0x0  }
0xc7: {  	[sflag:s5] =	ssyncadd.s32 $0xFFFFFF00  }
0xc8: {  	[tilespmem:s6], [sflag:$0x2] =	stream.indirect.gather [hbm4b:s12+s4], $0x80, s1, s4, $0xb8;
	[tilespmem:$0x1C400] =	vst v63  }
0xc9: {  	_ =	swait.ge [sflag:s9], $0x3E80  }
0xca: {  	[sflag:s9] =	ssyncset.done $0x0  }
0xcb: {  	[sflag:s9] =	ssyncadd.s32 $0xFFFFC180  }
0xcc: {  	_ =	swait.ge [sflag:s11], $0x3E80  }
0xcd: {  	[sflag:s11] =	ssyncset.done $0x0  }
0xce: {  	[sflag:s11] =	ssyncadd.s32 $0xFFFFC180  }
0xcf: {  	[bflag:$0x0] =	sbarrier.arrive $0xFFFF  }
0xd0: {  	[tilespmem:s30], [sflag:$0x1] =	stream.linear.gather [spmem:s23], $0x2800, $0x38;
	[tilespmem:$0x1C400] =	vst v63  }
0xd1: {  	_ = 	snop  }
0xd2: {  	[tilespmem:s6], [sflag:$0x2] =	stream.linear.gather [spmem:s21], $0x2800, $0x38;
	[tilespmem:$0x1C400] =	vst v63  }
0xd3: {  	_ =	swait.ge [sflag:s9], $0x2800  }
0xd4: {  	[sflag:s9] =	ssyncset.done $0x0  }
0xd5: {  	s15 =	rddreg [dreg:$0x7];
	[sflag:s9] =	ssyncadd.s32 $0xFFFFD800  }
0xd6: {  	[hbm4b:s15+s3] =	stream.linear.scatter [tilespmem:s30], [sflag:$0x3], $0x2800, $0x38;
	[tilespmem:$0x1C400] =	vst v63  }
0xd7: {  	_ =	swait.ge [sflag:s0], $0x2800  }
0xd8: {  	[sflag:s0] =	ssyncset.done $0x0  }
0xd9: {  	[sflag:s0] =	ssyncadd.s32 $0xFFFFD800  }
0xda: {  	[tilespmem:s30], [sflag:$0x1] =	stream.linear.gather [spmem:s22], $0x2800, $0x38;
	[tilespmem:$0x1C400] =	vst v63  }
0xdb: {  	_ =	swait.ge [sflag:s11], $0x2800  }
0xdc: {  	[sflag:s11] =	ssyncset.done $0x0  }
0xdd: {  	s16 =	smov.u32 s23;
	s23 =	rddreg [dreg:$0x8];
	[sflag:s11] =	ssyncadd.s32 $0xFFFFD800  }
0xde: {  	[hbm4b:s23+s3] =	stream.linear.scatter [tilespmem:s6], [sflag:$0x4], $0x2800, $0x38;
	[tilespmem:$0x1C400] =	vst v63  }
0xdf: {  	_ =	swait.ge [sflag:s14], $0x2800  }
0xe0: {  	[sflag:s14] =	ssyncset.done $0x0  }
0xe1: {  	[sflag:s14] =	ssyncadd.s32 $0xFFFFD800  }
0xe2: {  	[tilespmem:s6], [sflag:$0x2] =	stream.linear.gather [spmem:s26], $0x2800, $0x38;
	[tilespmem:$0x1C400] =	vst v63  }
0xe3: {  	_ =	swait.ge [sflag:s9], $0x2800  }
0xe4: {  	[sflag:s9] =	ssyncset.done $0x0  }
0xe5: {  	s31 =	smov.u32 s26;
	s26 =	rddreg [dreg:$0x9];
	[sflag:s9] =	ssyncadd.s32 $0xFFFFD800  }
0xe6: {  	[hbm4b:s26+s3] =	stream.linear.scatter [tilespmem:s30], [sflag:$0x3], $0x2800, $0x38;
	[tilespmem:$0x1C400] =	vst v63  }
0xe7: {  	_ =	swait.ge [sflag:s0], $0x2800  }
0xe8: {  	[sflag:s0] =	ssyncset.done $0x0  }
0xe9: {  	s26 =	rddreg [dreg:$0x12];
	[sflag:s0] =	ssyncadd.s32 $0xFFFFD800  }
0xea: {  	[tilespmem:s30], [sflag:$0x1] =	stream.linear.gather [spmem:s26], $0x2800, $0x38;
	[tilespmem:$0x1C400] =	vst v63  }
0xeb: {  	_ =	swait.ge [sflag:s11], $0x2800  }
0xec: {  	[sflag:s11] =	ssyncset.done $0x0  }
0xed: {  	s19 =	rddreg [dreg:$0xa];
	[sflag:s11] =	ssyncadd.s32 $0xFFFFD800  }
0xee: {  	[hbm4b:s19+s3] =	stream.linear.scatter [tilespmem:s6], [sflag:$0x4], $0x2800, $0x38;
	[tilespmem:$0x1C400] =	vst v63  }
0xef: {  	_ =	swait.ge [sflag:s14], $0x2800  }
0xf0: {  	[sflag:s14] =	ssyncset.done $0x0  }
0xf1: {  	s28 =	rddreg [dreg:$0x10];
	[sflag:s14] =	ssyncadd.s32 $0xFFFFD800  }
0xf2: {  	[tilespmem:s6], [sflag:$0x2] =	stream.linear.gather [spmem:s28], $0x2800, $0x38;
	[tilespmem:$0x1C400] =	vst v63  }
0xf3: {  	_ =	swait.ge [sflag:s9], $0x2800  }
0xf4: {  	[sflag:s9] =	ssyncset.done $0x0  }
0xf5: {  	s17 =	smov.u32 s21;
	s21 =	rddreg [dreg:$0xb];
	[sflag:s9] =	ssyncadd.s32 $0xFFFFD800  }
0xf6: {  	[hbm4b:s21+s3] =	stream.linear.scatter [tilespmem:s30], [sflag:$0x3], $0x2800, $0x38;
	[tilespmem:$0x1C400] =	vst v63  }
0xf7: {  	_ =	swait.ge [sflag:s0], $0x2800  }
0xf8: {  	[sflag:s0] =	ssyncset.done $0x0  }
0xf9: {  	s19 =	rddreg [dreg:$0x11];
	[sflag:s0] =	ssyncadd.s32 $0xFFFFD800  }
0xfa: {  	[tilespmem:s30], [sflag:$0x1] =	stream.linear.gather [spmem:s19], $0x2800, $0x38;
	[tilespmem:$0x1C400] =	vst v63  }
0xfb: {  	_ =	swait.ge [sflag:s11], $0x2800  }
0xfc: {  	[sflag:s11] =	ssyncset.done $0x0  }
0xfd: {  	s18 =	smov.u32 s22;
	s22 =	rddreg [dreg:$0xc];
	[sflag:s11] =	ssyncadd.s32 $0xFFFFD800  }
0xfe: {  	[hbm4b:s22+s3] =	stream.linear.scatter [tilespmem:s6], [sflag:$0x4], $0x2800, $0x38;
	[tilespmem:$0x1C400] =	vst v63  }
0xff: {  	_ =	swait.ge [sflag:s14], $0x2800  }
0x100: {  	[sflag:s14] =	ssyncset.done $0x0  }
0x101: {  	s21 =	rddreg [dreg:$0x13];
	[sflag:s14] =	ssyncadd.s32 $0xFFFFD800  }
0x102: {  	[tilespmem:s6], [sflag:$0x2] =	stream.linear.gather [spmem:s21], $0x2800, $0x38;
	[tilespmem:$0x1C400] =	vst v63  }
0x103: {  	_ =	swait.ge [sflag:s9], $0x2800  }
0x104: {  	[sflag:s9] =	ssyncset.done $0x0  }
0x105: {  	s23 =	rddreg [dreg:$0xd];
	[sflag:s9] =	ssyncadd.s32 $0xFFFFD800  }
0x106: {  	[hbm4b:s23+s3] =	stream.linear.scatter [tilespmem:s30], [sflag:$0x3], $0x2800, $0x38;
	[tilespmem:$0x1C400] =	vst v63  }
0x107: {  	_ =	swait.ge [sflag:s11], $0x2800  }
0x108: {  	[sflag:s11] =	ssyncset.done $0x0  }
0x109: {  	s22 =	rddreg [dreg:$0xe];
	[sflag:s11] =	ssyncadd.s32 $0xFFFFD800  }
0x10a: {  	[hbm4b:s22+s3] =	stream.linear.scatter [tilespmem:s6], [sflag:$0x4], $0x2800, $0x38;
	[tilespmem:$0x1C400] =	vst v63  }
0x10b: {  	_ =	swait.ge [sflag:s0], $0x2800  }
0x10c: {  	[sflag:s0] =	ssyncset.done $0x0  }
0x10d: {  	[sflag:s0] =	ssyncadd.s32 $0xFFFFD800  }
0x10e: {  	_ =	swait.ge [sflag:s14], $0x2800  }
0x10f: {  	s24 =	sadd.s32 $0x1, s24;
	s23 =	rddreg [dreg:$0x15]  }
0x110: {  	p0 =	sne.s32 s24, s23  }
.Ltmp1:
0x111: {  	_ = 	snop;
	(pc) =	sbr.rel @p0 .LBB2_1-.Ltmp1, $3  }
0x112: {  	_ =	sdelay $0x1  }
0x113: {  	[sflag:s14] =	ssyncset.done $0x0  }
0x114: {  	[sflag:s14] =	ssyncadd.s32 $0xFFFFD800  }
0x115: {  	_ =	sfence.sel $0x180000  }
0x116: {  	[bflag:$0x0] =	sbarrier.arrive $0xFFFF  }
0x117: {  	_ =	strace $0x9000004A  }
0x118: {  	s0 =	stileid.u32;
	[bflag:$0x2] =	sbarrier.arrive $0xFFFF  }
0x119: {  	p0 =	sne.s32 s0, $0x0;
	s0 =	rddreg [dreg:$0x2]  }
0x11a: {  	s0 =	sadd.s32 @!p0 $0x100000, s0  }
0x11b: {  	[sflag:s0] =	ssyncadd.tile.s32 @!p0 $0x1;
	_ =	shalt  }
.Lfunc_end2:
_tile_overlayer_lowered:
.L_overlay_start_2:
0x11c: {  	(tag) =	ssettag $0x2  }
0x11d: {  	s0 =	rddreg [dreg:$0x0];
	s2 =	stileid.u32  }
0x11e: {  	s1 =	rddreg [dreg:$0x1];
	p0 =	sne.s32 s2, $0x0  }
0x11f: {  	s3 =	rddreg [dreg:$0x2];
	[bflag:$0x3] =	sbarrier.arrive $0xFFFF;
	s2 =	simm.s32 @!p0 $0x1C09  }
0x120: {  	[timem:s3], [sflag:s2] =	dma.local @!p0 [hbm:s0], s1  }
0x121: {  	s0 =	simm.s32 @!p0 $0x9  }
0x122: {  	_ =	swait.ge @!p0 [sflag:s0], s1  }
0x123: {  	s1 =	ssub.s32 @!p0 $0x0, s1;
	[sflag:s0] =	ssyncset.done @!p0 $0x0  }
0x124: {  	[sflag:s0] =	ssyncadd.s32 @!p0 s1  }
0x125: {  	[bflag:$0x3] =	sbarrier.arrive $0xFFFF  }
0x126: {  	_ =	shalt  }

// kernel: kernel.14.cloned.1.call-start
scs
__scs_entry_jumppad:
0x0: {  	(pc) =	sbr.rel $0x88, $3  }
0x1: {  	(tag) =	ssettag $0x0;
	lr =	simm.s32 $0x1  }
0x2: {  	[smem:$0x3F8A] =	sst lr;
	_ =	strace $0xD0000000  }
0x3: {  	_ = 	snop  }
0x4: {  	_ = 	snop  }
0x5: {  	_ = 	snop  }
0x6: {  	_ = 	snop  }
0x7: {  	_ = 	snop  }
__scs_overlays_trampoline_lowered:
0x8: {  	[smem:$0x3F99] =	sst s0  }
0x9: {  	[smem:$0x3F9A] =	sst s1  }
0xa: {  	[smem:$0x3F9B] =	sst s2  }
0xb: {  	[smem:$0x3F9C] =	sst s3  }
0xc: {  	[smem:$0x3F9D] =	sst s4  }
0xd: {  	[smem:$0x3F9E] =	sst s5  }
0xe: {  	[smem:$0x3F9F] =	sst s6  }
0xf: {  	[smem:$0x3FA0] =	sst s7  }
0x10: {  	[smem:$0x3FA1] =	sst s8  }
0x11: {  	[smem:$0x3FA2] =	sst s9;
	s0 =	simm.s32 @!p0 $0x0  }
0x12: {  	s1 =	sld [smem:$0x3F88];
	s0 =	simm.s32 @p0 $0x1  }
0x13: {  	[smem:$0x3FA3] =	sst s0;
	s0 =	simm.s32 @!p1 $0x0  }
0x14: {  	s2 =	sld [smem:$0x3F87];
	s0 =	simm.s32 @p1 $0x1  }
0x15: {  	[smem:$0x3FA4] =	sst s0;
	s0 =	simm.s32 @!p2 $0x0  }
0x16: {  	s3 =	sld [smem:$0x3FDB];
	s0 =	simm.s32 @p2 $0x1  }
0x17: {  	s4 =	simm.s32 $0x1BF5;
	[smem:$0x3FA6] =	sst s0  }
0x18: {  	s0 =	sld [smem:$0x3F89];
	_ =	swait.ge [sflag:s4], $0x0  }
0x19: {  	s7 =	sld [smem:$0x3F8A]  }
0x1a: {  	s8 =	sadd.s32 $0xFFFFE003, lr  }
0x1b: {  	s9 =	sadd.s32 $0xFFFFFEF7, lr;
	s5 =	simm.s32 $0xFFFFFFFF;
	p2 =	slt.u32 s8, $0xFFFFF086  }
0x1c: {  	p1 =	slt.u32 s9, $0xF7A;
	s5 =	simm.s32 @!p2 $0x0  }
0x1d: {  	s5 =	simm.s32 @p1 $0x1;
	p0 =	seq.s32 s7, s2  }
0x1e: {  	s7 =	smul.u32 @!p0 $0xF7A, s2;
	p2 =	seq.s32 @!p0 s5, $0x0  }
0x1f: {  	s9 =	smul.u32 $0xF7A, s1;
	s8 =	simm.s32 @!p0 $0x1BF5;
	p2 =	por !p2, p0  }
0x20: {  	[sflag:s8] =	ssyncset.s32 @!p0 $0xFFFFF086;
	s6 =	sadd.s32 @!p0 s3, s7;
	s7 =	simm.s32 @!p0 $0x108  }
0x21: {  	s3 =	sadd.s32 s3, s9;
	s6 =	sadd.s32 @!p0 $0x88, s6;
	s7 =	simm.s32 @p2 $0x1082  }
0x22: {  	[simem:s7], [sflag:s8] =	dma.local @!p0 [hbm:s6], $0xF7A  }
0x23: {  	s9 =	sor.u32 $0xD0000000, s2;
	s6 =	simm.s32 $0x108;
	_ =	swait.ge @!p0 [sflag:s8], $0x0  }
0x24: {  	s3 =	sadd.s32 $0x88, s3;
	s6 =	simm.s32 @!p1 $0x1082;
	[sflag:s4] =	ssyncset.s32 $0xFFFFF086  }
0x25: {  	[simem:s6], [sflag:s4] =	dma.local [hbm:s3], $0xF7A  }
0x26: {  	[smem:$0x3F8A] =	sst s1;
	(tag) =	ssettag s2;
	_ =	strace s9  }
0x27: {  	s1 =	sld [smem:$0x3F9A]  }
0x28: {  	s2 =	sld [smem:$0x3F9B]  }
0x29: {  	s4 =	sld [smem:$0x3F9D]  }
0x2a: {  	p0 =	seq.s32 s5, $0x0;
	s5 =	sld [smem:$0x3F9E]  }
0x2b: {  	s6 =	sld [smem:$0x3F9F]  }
0x2c: {  	s7 =	sld [smem:$0x3FA0]  }
0x2d: {  	s3 =	simm.s32 $0x108;
	s8 =	sld [smem:$0x3FA1]  }
0x2e: {  	s3 =	simm.s32 @!p0 $0x1082;
	s9 =	sld [smem:$0x3FA2]  }
0x2f: {  	lr =	sadd.s32 s0, s3;
	s0 =	sld [smem:$0x3F99]  }
0x30: {  	s3 =	sld [smem:$0x3F9C]  }
0x31: {  	[smem:$0x3FA5] =	sst s10  }
0x32: {  	s10 =	sld [smem:$0x3FA3];
	_ =	sdelay $0x3  }
0x33: {  	p0 =	seq.s32 s10, $0x1;
	s10 =	sld [smem:$0x3FA5];
	_ =	sdelay $0x3  }
0x34: {  	[smem:$0x3FA5] =	sst s10  }
0x35: {  	s10 =	sld [smem:$0x3FA4];
	_ =	sdelay $0x3  }
0x36: {  	p1 =	seq.s32 s10, $0x1;
	s10 =	sld [smem:$0x3FA5];
	_ =	sdelay $0x3  }
0x37: {  	[smem:$0x3FA5] =	sst s10  }
0x38: {  	s10 =	sld [smem:$0x3FA6]  }
0x39: {  	_ = 	snop;
	(pc) =	sbr.ind lr, $3  }
0x3a: {  	_ = 	snop  }
0x3b: {  	_ = 	snop  }
0x3c: {  	p2 =	seq.s32 s10, $0x1;
	s10 =	sld [smem:$0x3FA5]  }
0x3d: {  	_ =	shalt  }
0x3e: {  	_ =	shalt  }
0x3f: {  	_ =	shalt  }
0x40: {  	_ =	shalt  }
0x41: {  	_ =	shalt  }
0x42: {  	_ =	shalt  }
0x43: {  	_ =	shalt  }
0x44: {  	_ =	shalt  }
0x45: {  	_ =	shalt  }
0x46: {  	_ =	shalt  }
0x47: {  	_ =	shalt  }
0x48: {  	_ =	shalt  }
0x49: {  	_ =	shalt  }
0x4a: {  	_ =	shalt  }
0x4b: {  	_ =	shalt  }
0x4c: {  	_ =	shalt  }
0x4d: {  	_ =	shalt  }
0x4e: {  	_ =	shalt  }
0x4f: {  	_ =	shalt  }
0x50: {  	_ =	shalt  }
0x51: {  	_ =	shalt  }
0x52: {  	_ =	shalt  }
0x53: {  	_ =	shalt  }
0x54: {  	_ =	shalt  }
0x55: {  	_ =	shalt  }
0x56: {  	_ =	shalt  }
0x57: {  	_ =	shalt  }
0x58: {  	_ =	shalt  }
0x59: {  	_ =	shalt  }
0x5a: {  	_ =	shalt  }
0x5b: {  	_ =	shalt  }
0x5c: {  	_ =	shalt  }
0x5d: {  	_ =	shalt  }
0x5e: {  	_ =	shalt  }
0x5f: {  	_ =	shalt  }
0x60: {  	_ =	shalt  }
0x61: {  	_ =	shalt  }
0x62: {  	_ =	shalt  }
0x63: {  	_ =	shalt  }
0x64: {  	_ =	shalt  }
0x65: {  	_ =	shalt  }
0x66: {  	_ =	shalt  }
0x67: {  	_ =	shalt  }
0x68: {  	_ =	shalt  }
0x69: {  	_ =	shalt  }
0x6a: {  	_ =	shalt  }
0x6b: {  	_ =	shalt  }
0x6c: {  	_ =	shalt  }
0x6d: {  	_ =	shalt  }
0x6e: {  	_ =	shalt  }
0x6f: {  	_ =	shalt  }
0x70: {  	_ =	shalt  }
0x71: {  	_ =	shalt  }
0x72: {  	_ =	shalt  }
0x73: {  	_ =	shalt  }
0x74: {  	_ =	shalt  }
0x75: {  	_ =	shalt  }
0x76: {  	_ =	shalt  }
0x77: {  	_ =	shalt  }
0x78: {  	_ =	shalt  }
0x79: {  	_ =	shalt  }
0x7a: {  	_ =	shalt  }
0x7b: {  	_ =	shalt  }
0x7c: {  	_ =	shalt  }
0x7d: {  	_ =	shalt  }
0x7e: {  	_ =	shalt  }
0x7f: {  	_ =	shalt  }
0x80: {  	_ =	shalt  }
0x81: {  	_ =	shalt  }
0x82: {  	_ =	shalt  }
0x83: {  	_ =	shalt  }
0x84: {  	_ =	shalt  }
0x85: {  	_ =	shalt  }
0x86: {  	_ =	shalt  }
0x87: {  	_ =	shalt  }
.Lfunc_end0:
.L_simem_size_0:
called_computation.2_lowered:
.L_overlay_start_0:
0x88: {  	s2 =	sld [smem:$0x3FD9]  }
0x89: {  	s3 =	sld [smem:$0x3FFE];
	_ =	sdelay $0x1  }
0x8a: {  	s1 =	srdreg.scid  }
0x8b: {  	s0 =	sand.u32 $0x1, s1  }
0x8c: {  	s16 =	sshll.u32 s0, $0xA;
	s2 =	sadd.s32 s3, s2  }
0x8d: {  	s2 =	sadd.s32 s2, s16  }
0x8e: {  	[smem:$0x3FB1] =	sst s2  }
0x8f: {  	_ = 	snop  }
0x90: {  	(tm) =	ssettm $0x1  }
0x91: {  	s17 =	sld [smem:$0x3FFB];
	_ =	sdelay $0x3  }
0x92: {  	_ =	strace s17  }
0x93: {  	s2 =	sld [smem:$0x3FFC];
	_ =	sdelay $0x3  }
0x94: {  	_ =	strace s2  }
0x95: {  	s2 =	sld [smem:$0x3FFD];
	_ =	sdelay $0x3  }
0x96: {  	_ =	strace s2  }
0x97: {  	_ =	strace $0x8FFFFFFF  }
0x98: {  	s18 =	sld [smem:$0x3FDB];
	_ =	sdelay $0x1  }
0x99: {  	s19 =	simm.s32 $_scs_section_size  }
0x9a: {  	s4 =	simm.s32 $_size__tile_overlayer_lowered;
	s5 =	simm.s32 $_tile_overlayer_lowered  }
0x9b: {  	s22 =	simm.s32 $0x1BFF;
	s21 =	sshll.u32 s5, $0x1;
	s2 =	sadd.s32 s19, s18  }
0x9c: {  	s6 =	simm.s32 $0x0;
	s20 =	sshll.u32 s4, $0x1;
	s4 =	sadd.s32 s21, s2  }
0x9d: {  	[timem:s6], [sflag:s22] =	dma.local [hbm:s4], s20  }
0x9e: {  	_ =	swait.ge [sflag:s22], s20  }
0x9f: {  	s3 =	ssub.s32 $0x0, s20;
	[sflag:s22] =	ssyncset.done $0x0  }
0xa0: {  	[sflag:s22] =	ssyncadd.s32 s3;
	_ =	sdelay $0x1  }
0xa1: {  	s23 =	simm.s32 $0x1B8B  }
0xa2: {  	_ =	swait.ge [sflag:s23], $0x1  }
0xa3: {  	[sflag:s23] =	ssyncset.done $0x0  }
0xa4: {  	s25 =	simm.s32 $0x1B8E;
	s24 =	sld [smem:$0x3FFE];
	[sflag:s23] =	ssyncadd.s32 $0xFFFFFFFF  }
0xa5: {  	s26 =	simm.s32 $execute0_lowered;
	[smem:$0x3FD2] =	sst s25  }
0xa6: {  	s4 =	sshll.u32 s26, $0x1;
	_ =	strace $0x8000004C;
	[dreg:$0x1] =	wrdreg $0xFFFFFFFF  }
0xa7: {  	s28 =	simm.s32 $_size_execute0_lowered;
	s2 =	sadd.s32 s2, s4;
	[dreg:$0x0] =	wrdreg $0x0  }
0xa8: {  	s4 =	sshll.u32 s28, $0x1;
	[dreg:$0x2] =	wrdreg s2  }
0xa9: {  	[dreg:$0x3] =	wrdreg s4  }
0xaa: {  	[dreg:$0x4] =	wrdreg $0xC0  }
0xab: {  	_ =	task [dreg:s6], $0x5FFFF  }
0xac: {  	[dreg:$0x1] =	wrdreg $0xFFFFFFFF  }
0xad: {  	[dreg:$0x0] =	wrdreg $0x60  }
0xae: {  	[dreg:$0x2] =	wrdreg s24  }
0xaf: {  	[dreg:$0x3] =	wrdreg $0x84000  }
0xb0: {  	[dreg:$0x4] =	wrdreg $0x9  }
0xb1: {  	_ =	task.clear_ibuf [dreg:s6], $0x5FFFF;
	_ =	strace $0x9000004C  }
0xb2: {  	s29 =	simm.s32 $0x9;
	_ =	strace $0x8000004E  }
0xb3: {  	_ =	swait.ge [sflag:s29], $0x1  }
0xb4: {  	[sflag:s29] =	ssyncadd.s32 $0xFFFFFFFF  }
0xb5: {  	_ =	strace $0x9000004E  }
0xb6: {  	_ =	sfence  }
0xb7: {  	s30 =	sld [smem:$0x0];
	_ =	sdelay $0x2  }
0xb8: {  	s31 =	sshll.u32 s1, $0xD;
	s1 =	sshrl.u32 s1, $0x2  }
0xb9: {  	s3 =	sand.u32 $0x4000, s31;
	s1 =	sadd.s32 s1, s30  }
0xba: {  	s0 =	sor.u32 s3, s0;
	s1 =	sshll.u32 s1, $0x11  }
0xbb: {  	s0 =	sor.u32 s1, s0  }
0xbc: {  	s0 =	sadd.s32 $0x8F2B, s0  }
0xbd: {  	[sflag:s0] =	ssyncadd.remote.s32 $0x1  }
0xbe: {  	_ =	sfence.sel $0xFFFF  }
0xbf: {  	[dreg:$0x0] =	wrdreg $0xFFFFFFFF;
	(pc) =	sbr.abs _section_cstart, $3  }
0xc0: {  	[dreg:$0x1] =	wrdreg $0xFFFFFFFF  }
0xc1: {  	_ =	task.clear_ibuf [dreg:s6], $0x2FFFF;
	_ =	strace $0x9FFFFFFF  }
0xc2: {  	(tm) =	ssettm $0x7FFFFFFF  }
0xc3: {  	_ =	shalt  }
tec
execute0_lowered:
.L_overlay_start_1:
0x0: {  	(tag) =	ssettag $0x1  }
0x1: {  	s1 =	rddreg [dreg:$0x0]  }
0x2: {  	s2 =	rddreg [dreg:$0x1]  }
0x3: {  	s0 =	srdreg.scid;
	s3 =	simm.s32 $0x0;
	s17 =	stileid.u32  }
0x4: {  	s30 =	simm.s32 $0x400;
	s29 =	simm.s32 $0x5;
	s4 =	sand.u32 $0x1, s0  }
0x5: {  	[smem:$0x7FF] =	sst s3;
	s5 =	smul.u32 $0x14000, s17;
	s6 =	sadd.s32 $0x40E00, s1  }
0x6: {  	s0 =	ssub.s32 $0x2, s4;
	_ =	strace $0x8000004D;
	s8 =	smul.u32 $0x140000, s4  }
0x7: {  	s7 =	sshrl.u32 s0, $0x1;
	s9 =	sadd.s32 $0x5000, s5;
	s10 =	sadd.s32 $0x7800, s5  }
0x8: {  	s11 =	sadd.s32 $0xA000, s5;
	s14 =	sadd.s32 $0xC800, s5;
	s15 =	sadd.s32 $0xF000, s5  }
0x9: {  	s0 =	ssub.s32 s0, s7;
	s7 =	sor.u32 $0x2800, s5;
	s12 =	sadd.s32 s5, s8  }
0xa: {  	s5 =	sadd.s32 $0x11800, s5;
	s24 =	sadd.s32 s8, s9;
	s26 =	sadd.s32 s8, s10  }
0xb: {  	s16 =	sadd.s32 s8, s11;
	s19 =	sadd.s32 s8, s14;
	s21 =	sadd.s32 s8, s15  }
0xc: {  	s31 =	sadd.s32 s10, s2;
	s28 =	sadd.s32 s14, s2;
	s10 =	simm.s32 $0x7  }
0xd: {  	s14 =	simm.s32 $0x4;
	s12 =	sshrl.u32 s12, $0x3;
	s13 =	sadd.s32 s8, s7  }
0xe: {  	s25 =	sshrl.u32 s24, $0x3;
	s18 =	sshrl.u32 s16, $0x3;
	s20 =	sshrl.u32 s19, $0x3  }
0xf: {  	s22 =	sshrl.u32 s21, $0x3;
	s8 =	sadd.s32 s8, s5;
	s24 =	smul.u32 $0x50, s17  }
0x10: {  	s16 =	smul.u32 $0x50000, s17;
	s0 =	smax.u32 s0, $0x1;
	[dreg:$0x10] =	wrdreg s28  }
0x11: {  	s12 =	sadd.s32 s6, s12;
	s23 =	sshrl.u32 s13, $0x3;
	[dreg:$0x15] =	wrdreg s0  }
0x12: {  	s13 =	sshrl.u32 s26, $0x3;
	s26 =	simm.s32 $0x180;
	[dreg:$0x7] =	wrdreg s12  }
0x13: {  	s8 =	sshrl.u32 s8, $0x3;
	s12 =	sadd.s32 s6, s23;
	[dreg:$0x4] =	wrdreg s26  }
0x14: {  	s0 =	simm.s32 $0x3;
	s26 =	sadd.s32 s11, s2;
	[dreg:$0x8] =	wrdreg s12  }
0x15: {  	s23 =	smul.u32 $0x500, s4;
	s12 =	sadd.s32 s6, s25;
	[dreg:$0x12] =	wrdreg s26  }
0x16: {  	s21 =	sshrl.u32 s16, $0x2;
	s25 =	simm.s32 $0x80;
	[dreg:$0x9] =	wrdreg s12  }
0x17: {  	s16 =	sadd.s32 s21, s2;
	s21 =	sadd.s32 s5, s2;
	[dreg:$0x3] =	wrdreg s25  }
0x18: {  	s4 =	sshll.u32 s4, $0x4;
	s12 =	sadd.s32 s6, s13;
	[dreg:$0x13] =	wrdreg s21  }
0x19: {  	s11 =	simm.s32 $0x2;
	s13 =	simm.s32 $0x280;
	[dreg:$0xa] =	wrdreg s12  }
0x1a: {  	s19 =	sor.u32 s17, s4;
	s12 =	sadd.s32 s6, s18;
	[dreg:$0x5] =	wrdreg s13  }
0x1b: {  	s17 =	sadd.s32 s7, s2;
	s18 =	simm.s32 $0x380;
	[dreg:$0xb] =	wrdreg s12  }
0x1c: {  	s5 =	simm.s32 $0x6;
	s12 =	sadd.s32 s6, s20;
	[dreg:$0x6] =	wrdreg s18  }
0x1d: {  	s7 =	simm.s32 $0x200;
	[dreg:$0xc] =	wrdreg s12;
	s12 =	sadd.s32 s6, s22  }
0x1e: {  	s13 =	sadd.s32 $0x4800, s1;
	s6 =	sadd.s32 s6, s8;
	[dreg:$0xd] =	wrdreg s12  }
0x1f: {  	s18 =	sadd.s32 s9, s2;
	s20 =	smul.u32 $0x50, s19;
	[dreg:$0xe] =	wrdreg s6  }
0x20: {  	s12 =	sadd.s32 $0x18800, s1;
	s6 =	sadd.s32 s24, s23;
	s1 =	sadd.s32 $0x40800, s1  }
0x21: {  	s9 =	simm.s32 $0x1;
	[dreg:$0xf] =	wrdreg s1;
	s22 =	sshll.u32 s6, $0x5  }
0x22: {  	s1 =	smul.u32 $0xA00, s19;
	s19 =	sadd.s32 s15, s2;
	s4 =	sadd.s32 s22, s13  }
0x23: {  	s8 =	simm.s32 $0x300;
	[dreg:$0x11] =	wrdreg s19;
	s23 =	sadd.s32 $0x60, s4  }
0x24: {  	s6 =	simm.s32 $0x4400;
	s24 =	sadd.s32 $0x40, s4;
	[dreg:$0x16] =	wrdreg s23  }
0x25: {  	s1 =	sadd.s32 s13, s1;
	s4 =	simm.s32 $0x7D;
	[dreg:$0x17] =	wrdreg s24  }
0x26: {  	[dreg:$0x14] =	wrdreg s1;
	s25 =	sadd.s32 $0x20, s1;
	s1 =	simm.s32 $0x100  }
0x27: {  	s24 =	simm.s32 $0x0;
	[dreg:$0x18] =	wrdreg s25;
	s25 =	simm.s32 $0x8  }
.LBB2_1:
0x28: {  	s15 =	rddreg [dreg:$0xf];
	s23 =	simm.s32 $0x9  }
0x29: {  	[tilespmem:s30], [sflag:$0x9] =	stream.linear.gather [hbm4b:s15+s3], $0x2800, $0x38;
	[tilespmem:$0x1C400] =	vst v63  }
0x2a: {  	_ =	swait.ge [sflag:s23], $0x2800  }
0x2b: {  	[sflag:s23] =	ssyncset.done $0x0  }
0x2c: {  	[sflag:s23] =	ssyncadd.s32 $0xFFFFD800  }
0x2d: {  	[spmem:s16] =	stream.linear.scatter [tilespmem:s30], [sflag:$0x3], $0x2800, $0x38;
	[tilespmem:$0x1C400] =	vst v63  }
0x2e: {  	_ = 	snop  }
0x2f: {  	[spmem:s17] =	stream.linear.scatter [tilespmem:s30], [sflag:$0x3], $0x2800, $0x38;
	[tilespmem:$0x1C400] =	vst v63  }
0x30: {  	_ = 	snop  }
0x31: {  	[spmem:s18] =	stream.linear.scatter [tilespmem:s30], [sflag:$0x3], $0x2800, $0x38;
	[tilespmem:$0x1C400] =	vst v63  }
0x32: {  	_ = 	snop  }
0x33: {  	[spmem:s31] =	stream.linear.scatter [tilespmem:s30], [sflag:$0x3], $0x2800, $0x38;
	[tilespmem:$0x1C400] =	vst v63  }
0x34: {  	s15 =	smov.u32 s26  }
0x35: {  	[spmem:s15] =	stream.linear.scatter [tilespmem:s30], [sflag:$0x3], $0x2800, $0x38;
	[tilespmem:$0x1C400] =	vst v63  }
0x36: {  	_ = 	snop  }
0x37: {  	[spmem:s28] =	stream.linear.scatter [tilespmem:s30], [sflag:$0x3], $0x2800, $0x38;
	[tilespmem:$0x1C400] =	vst v63  }
0x38: {  	_ = 	snop  }
0x39: {  	[spmem:s19] =	stream.linear.scatter [tilespmem:s30], [sflag:$0x3], $0x2800, $0x38;
	[tilespmem:$0x1C400] =	vst v63  }
0x3a: {  	s23 =	smov.u32 s16;
	s16 =	smov.u32 s21  }
0x3b: {  	[spmem:s16] =	stream.linear.scatter [tilespmem:s30], [sflag:$0x3], $0x2800, $0x38;
	[tilespmem:$0x1C400] =	vst v63  }
0x3c: {  	_ =	swait.ge [sflag:s0], $0x2800  }
0x3d: {  	[sflag:s0] =	ssyncset.done $0x0  }
0x3e: {  	[sflag:s0] =	ssyncadd.s32 $0xFFFFD800  }
0x3f: {  	_ =	swait.ge [sflag:s0], $0x2800  }
0x40: {  	[sflag:s0] =	ssyncset.done $0x0  }
0x41: {  	[sflag:s0] =	ssyncadd.s32 $0xFFFFD800  }
0x42: {  	_ =	swait.ge [sflag:s0], $0x2800  }
0x43: {  	[sflag:s0] =	ssyncset.done $0x0  }
0x44: {  	[sflag:s0] =	ssyncadd.s32 $0xFFFFD800  }
0x45: {  	_ =	swait.ge [sflag:s0], $0x2800  }
0x46: {  	[sflag:s0] =	ssyncset.done $0x0  }
0x47: {  	[sflag:s0] =	ssyncadd.s32 $0xFFFFD800  }
0x48: {  	_ =	swait.ge [sflag:s0], $0x2800  }
0x49: {  	[sflag:s0] =	ssyncset.done $0x0  }
0x4a: {  	[sflag:s0] =	ssyncadd.s32 $0xFFFFD800  }
0x4b: {  	_ =	swait.ge [sflag:s0], $0x2800  }
0x4c: {  	[sflag:s0] =	ssyncset.done $0x0  }
0x4d: {  	[sflag:s0] =	ssyncadd.s32 $0xFFFFD800  }
0x4e: {  	_ =	swait.ge [sflag:s0], $0x2800  }
0x4f: {  	[sflag:s0] =	ssyncset.done $0x0  }
0x50: {  	[sflag:s0] =	ssyncadd.s32 $0xFFFFD800  }
0x51: {  	_ =	swait.ge [sflag:s0], $0x2800  }
0x52: {  	[sflag:s0] =	ssyncset.done $0x0  }
0x53: {  	[sflag:s0] =	ssyncadd.s32 $0xFFFFD800  }
0x54: {  	[bflag:$0x0] =	sbarrier.arrive $0xFFFF  }
0x55: {  	s21 =	smov.u32 s17;
	s17 =	rddreg [dreg:$0x14]  }
0x56: {  	[tilespmem:s3], [sflag:$0x5] =	stream.linear.gather [hbm4b:s17+s3], $0x100, $0x38;
	[tilespmem:$0x1C400] =	vst v63  }
0x57: {  	s22 =	smov.u32 s18;
	s18 =	rddreg [dreg:$0x18]  }
0x58: {  	[tilespmem:s1], [sflag:$0x6] =	stream.linear.gather [hbm4b:s18+s3], $0x100, $0x38;
	[tilespmem:$0x1C400] =	vst v63  }
0x59: {  	_ =	swait.ge [sflag:s29], $0x100  }
0x5a: {  	[sflag:s29] =	ssyncset.done $0x0  }
0x5b: {  	[sflag:s29] =	ssyncadd.s32 $0xFFFFFF00  }
0x5c: {  	[tilespmem:s30], [sflag:$0x1] =	stream.indirect.gather [hbm4b:s12+s4], $0x80, s3, s4, $0xb8;
	[tilespmem:$0x1C400] =	vst v63  }
0x5d: {  	_ =	swait.ge [sflag:s5], $0x100  }
0x5e: {  	[sflag:s5] =	ssyncset.done $0x0  }
0x5f: {  	[sflag:s5] =	ssyncadd.s32 $0xFFFFFF00  }
0x60: {  	[tilespmem:s6], [sflag:$0x2] =	stream.indirect.gather [hbm4b:s12+s4], $0x80, s1, s4, $0xb8;
	[tilespmem:$0x1C400] =	vst v63  }
0x61: {  	s18 =	rddreg [dreg:$0x17]  }
0x62: {  	[tilespmem:s7], [sflag:$0x7] =	stream.linear.gather [hbm4b:s18+s3], $0x100, $0x38;
	[tilespmem:$0x1C400] =	vst v63  }
0x63: {  	s17 =	rddreg [dreg:$0x16]  }
0x64: {  	[tilespmem:s8], [sflag:$0x8] =	stream.linear.gather [hbm4b:s17+s3], $0x100, $0x38;
	[tilespmem:$0x1C400] =	vst v63  }
0x65: {  	_ =	swait.ge [sflag:s9], $0x3E80  }
0x66: {  	[sflag:s9] =	ssyncset.done $0x0  }
0x67: {  	s19 =	rddreg [dreg:$0x3];
	[sflag:s9] =	ssyncadd.s32 $0xFFFFC180  }
0x68: {  	[spmem:s2] =	stream.indirect.scatter.add.f32 [tilespmem:s30], [sflag:$0x3], $0x80, s19, s4, $0xb8;
	[tilespmem:$0x1C400] =	vst v63  }
0x69: {  	_ =	swait.ge [sflag:s0], $0x3E80  }
0x6a: {  	[sflag:s0] =	ssyncset.done $0x0  }
0x6b: {  	[sflag:s0] =	ssyncadd.s32 $0xFFFFC180  }
0x6c: {  	_ =	swait.ge [sflag:s10], $0x100  }
0x6d: {  	[sflag:s10] =	ssyncset.done $0x0  }
0x6e: {  	[sflag:s10] =	ssyncadd.s32 $0xFFFFFF00  }
0x6f: {  	[tilespmem:s30], [sflag:$0x1] =	stream.indirect.gather [hbm4b:s12+s4], $0x80, s7, s4, $0xb8;
	[tilespmem:$0x1C400] =	vst v63  }
0x70: {  	_ =	swait.ge [sflag:s11], $0x3E80  }
0x71: {  	[sflag:s11] =	ssyncset.done $0x0  }
0x72: {  	s28 =	rddreg [dreg:$0x4];
	[sflag:s11] =	ssyncadd.s32 $0xFFFFC180  }
0x73: {  	[spmem:s2] =	stream.indirect.scatter.add.f32 [tilespmem:s6], [sflag:$0x4], $0x80, s28, s4, $0xb8;
	[tilespmem:$0x1C400] =	vst v63  }
0x74: {  	_ =	swait.ge [sflag:s14], $0x3E80  }
0x75: {  	p0 =	por $0x0, $0x0;
	s15 =	simm.s32 $0x4;
	[sflag:s14] =	ssyncset.done $0x0  }
0x76: {  	s15 =	simm.s32 @p0 $0x0;
	s16 =	simm.s32 $0x5;
	[sflag:s14] =	ssyncadd.s32 $0xFFFFC180  }
0x77: {  	s15 =	sadd.s32 s20, s15;
	s16 =	simm.s32 @p0 $0x1;
	_ =	swait.ge [sflag:s25], $0x100  }
0x78: {  	s15 =	sshll.u32 s15, $0x5;
	s16 =	sadd.s32 s20, s16;
	[sflag:s25] =	ssyncset.done $0x0  }
0x79: {  	s15 =	sand.u32 $0x1FFFFF80, s15;
	s16 =	sshll.u32 s16, $0x5;
	[sflag:s25] =	ssyncadd.s32 $0xFFFFFF00  }
0x7a: {  	[tilespmem:s6], [sflag:$0x2] =	stream.indirect.gather [hbm4b:s12+s4], $0x80, s8, s4, $0xb8;
	[tilespmem:$0x1C400] =	vst v63  }
0x7b: {  	s15 =	sadd.s32 s13, s15;
	s16 =	sand.u32 $0x1FFFFFA0, s16  }
0x7c: {  	[tilespmem:s3], [sflag:$0x5] =	stream.linear.gather [hbm4b:s15+s3], $0x100, $0x38;
	[tilespmem:$0x1C400] =	vst v63  }
0x7d: {  	s16 =	sadd.s32 s13, s16  }
0x7e: {  	[tilespmem:s1], [sflag:$0x6] =	stream.linear.gather [hbm4b:s16+s3], $0x100, $0x38;
	[tilespmem:$0x1C400] =	vst v63  }
0x7f: {  	_ =	swait.ge [sflag:s9], $0x3E80  }
0x80: {  	[sflag:s9] =	ssyncset.done $0x0  }
0x81: {  	s19 =	rddreg [dreg:$0x5];
	[sflag:s9] =	ssyncadd.s32 $0xFFFFC180  }
0x82: {  	[spmem:s2] =	stream.indirect.scatter.add.f32 [tilespmem:s30], [sflag:$0x3], $0x80, s19, s4, $0xb8;
	[tilespmem:$0x1C400] =	vst v63  }
0x83: {  	_ =	swait.ge [sflag:s0], $0x3E80  }
0x84: {  	[sflag:s0] =	ssyncset.done $0x0  }
0x85: {  	[sflag:s0] =	ssyncadd.s32 $0xFFFFC180  }
0x86: {  	_ =	swait.ge [sflag:s29], $0x100  }
0x87: {  	[sflag:s29] =	ssyncset.done $0x0  }
0x88: {  	[sflag:s29] =	ssyncadd.s32 $0xFFFFFF00  }
0x89: {  	[tilespmem:s30], [sflag:$0x1] =	stream.indirect.gather [hbm4b:s12+s4], $0x80, s3, s4, $0xb8;
	[tilespmem:$0x1C400] =	vst v63  }
0x8a: {  	_ =	swait.ge [sflag:s11], $0x3E80  }
0x8b: {  	[sflag:s11] =	ssyncset.done $0x0  }
0x8c: {  	s28 =	rddreg [dreg:$0x6];
	[sflag:s11] =	ssyncadd.s32 $0xFFFFC180  }
0x8d: {  	[spmem:s2] =	stream.indirect.scatter.add.f32 [tilespmem:s6], [sflag:$0x4], $0x80, s28, s4, $0xb8;
	[tilespmem:$0x1C400] =	vst v63  }
0x8e: {  	_ =	swait.ge [sflag:s14], $0x3E80  }
0x8f: {  	[sflag:s14] =	ssyncset.done $0x0  }
0x90: {  	[sflag:s14] =	ssyncadd.s32 $0xFFFFC180  }
0x91: {  	s26 =	smov.u32 s31;
	s31 =	simm.s32 $0x9;
	_ =	swait.ge [sflag:s5], $0x100  }
0x92: {  	s15 =	sadd.s32 $0x80, s17;
	s16 =	sadd.s32 $0x80, s18;
	[sflag:s5] =	ssyncset.done $0x0  }
.LBB2_2:
0x93: {  	[sflag:s5] =	ssyncadd.s32 $0xFFFFFF00  }
0x94: {  	[tilespmem:s6], [sflag:$0x2] =	stream.indirect.gather [hbm4b:s12+s4], $0x80, s1, s4, $0xb8;
	[tilespmem:$0x1C400] =	vst v63  }
0x95: {  	_ = 	snop  }
0x96: {  	[tilespmem:s7], [sflag:$0x7] =	stream.linear.gather [hbm4b:s16+s3], $0x100, $0x38;
	[tilespmem:$0x1C400] =	vst v63  }
0x97: {  	_ = 	snop  }
0x98: {  	[tilespmem:s8], [sflag:$0x8] =	stream.linear.gather [hbm4b:s15+s3], $0x100, $0x38;
	[tilespmem:$0x1C400] =	vst v63  }
0x99: {  	_ =	swait.ge [sflag:s9], $0x3E80  }
0x9a: {  	[sflag:s9] =	ssyncset.done $0x0  }
0x9b: {  	s18 =	rddreg [dreg:$0x3];
	[sflag:s9] =	ssyncadd.s32 $0xFFFFC180  }
0x9c: {  	[spmem:s2] =	stream.indirect.scatter.add.f32 [tilespmem:s30], [sflag:$0x3], $0x80, s18, s4, $0xb8;
	[tilespmem:$0x1C400] =	vst v63  }
0x9d: {  	_ =	swait.ge [sflag:s0], $0x3E80  }
0x9e: {  	[sflag:s0] =	ssyncset.done $0x0  }
0x9f: {  	[sflag:s0] =	ssyncadd.s32 $0xFFFFC180  }
0xa0: {  	_ =	swait.ge [sflag:s10], $0x100  }
0xa1: {  	[sflag:s10] =	ssyncset.done $0x0  }
0xa2: {  	[sflag:s10] =	ssyncadd.s32 $0xFFFFFF00  }
0xa3: {  	[tilespmem:s30], [sflag:$0x1] =	stream.indirect.gather [hbm4b:s12+s4], $0x80, s7, s4, $0xb8;
	[tilespmem:$0x1C400] =	vst v63  }
0xa4: {  	_ =	swait.ge [sflag:s11], $0x3E80  }
0xa5: {  	[sflag:s11] =	ssyncset.done $0x0  }
0xa6: {  	s28 =	rddreg [dreg:$0x4];
	[sflag:s11] =	ssyncadd.s32 $0xFFFFC180  }
0xa7: {  	[spmem:s2] =	stream.indirect.scatter.add.f32 [tilespmem:s6], [sflag:$0x4], $0x80, s28, s4, $0xb8;
	[tilespmem:$0x1C400] =	vst v63  }
0xa8: {  	s17 =	smov.u32 s31;
	_ =	swait.ge [sflag:s14], $0x3E80  }
0xa9: {  	p1 =	seq.s32 s17, $0x51;
	s18 =	sadd.s32 $0xFFFFFFFF, s17;
	[sflag:s14] =	ssyncset.done $0x0  }
0xaa: {  	s18 =	simm.s32 @p1 $0x0;
	[sflag:s14] =	ssyncadd.s32 $0xFFFFC180  }
0xab: {  	s17 =	simm.s32 @p1 $0x1;
	s18 =	sadd.s32 s20, s18;
	_ =	swait.ge [sflag:s25], $0x100  }
0xac: {  	s17 =	sadd.s32 s20, s17;
	s18 =	sshll.u32 s18, $0x5;
	[sflag:s25] =	ssyncset.done $0x0  }
0xad: {  	s17 =	sshll.u32 s17, $0x5;
	s18 =	sand.u32 $0x1FFFFF80, s18;
	[sflag:s25] =	ssyncadd.s32 $0xFFFFFF00  }
0xae: {  	[tilespmem:s6], [sflag:$0x2] =	stream.indirect.gather [hbm4b:s12+s4], $0x80, s8, s4, $0xb8;
	[tilespmem:$0x1C400] =	vst v63  }
0xaf: {  	s17 =	sand.u32 $0x1FFFFFA0, s17;
	s18 =	sadd.s32 s13, s18  }
0xb0: {  	[tilespmem:s3], [sflag:$0x5] =	stream.linear.gather [hbm4b:s18+s3], $0x100, $0x38;
	[tilespmem:$0x1C400] =	vst v63  }
0xb1: {  	s17 =	sadd.s32 s13, s17  }
0xb2: {  	[tilespmem:s1], [sflag:$0x6] =	stream.linear.gather [hbm4b:s17+s3], $0x100, $0x38;
	[tilespmem:$0x1C400] =	vst v63  }
0xb3: {  	_ =	swait.ge [sflag:s9], $0x3E80  }
0xb4: {  	[sflag:s9] =	ssyncset.done $0x0  }
0xb5: {  	s19 =	rddreg [dreg:$0x5];
	[sflag:s9] =	ssyncadd.s32 $0xFFFFC180  }
0xb6: {  	[spmem:s2] =	stream.indirect.scatter.add.f32 [tilespmem:s30], [sflag:$0x3], $0x80, s19, s4, $0xb8;
	[tilespmem:$0x1C400] =	vst v63  }
0xb7: {  	_ =	swait.ge [sflag:s0], $0x3E80  }
0xb8: {  	[sflag:s0] =	ssyncset.done $0x0  }
0xb9: {  	[sflag:s0] =	ssyncadd.s32 $0xFFFFC180  }
0xba: {  	_ =	swait.ge [sflag:s29], $0x100  }
0xbb: {  	[sflag:s29] =	ssyncset.done $0x0  }
0xbc: {  	[sflag:s29] =	ssyncadd.s32 $0xFFFFFF00  }
0xbd: {  	[tilespmem:s30], [sflag:$0x1] =	stream.indirect.gather [hbm4b:s12+s4], $0x80, s3, s4, $0xb8;
	[tilespmem:$0x1C400] =	vst v63  }
0xbe: {  	_ =	swait.ge [sflag:s11], $0x3E80  }
0xbf: {  	[sflag:s11] =	ssyncset.done $0x0  }
0xc0: {  	p0 =	sne.s32 s31, $0x51;
	s28 =	rddreg [dreg:$0x6];
	[sflag:s11] =	ssyncadd.s32 $0xFFFFC180  }
0xc1: {  	[spmem:s2] =	stream.indirect.scatter.add.f32 [tilespmem:s6], [sflag:$0x4], $0x80, s28, s4, $0xb8;
	[tilespmem:$0x1C400] =	vst v63  }
.Ltmp0:
0xc2: {  	_ =	swait.ge [sflag:s14], $0x3E80;
	(pc) =	sbr.rel @p0 .LBB2_2-.Ltmp0, $4  }
0xc3: {  	[sflag:s14] =	ssyncset.done $0x0  }
0xc4: {  	[sflag:s14] =	ssyncadd.s32 $0xFFFFC180  }
0xc5: {  	s31 =	sadd.s32 $0x4, s31;
	_ =	swait.ge [sflag:s5], $0x100  }
0xc6: {  	s16 =	sadd.s32 $0x80, s16;
	s15 =	sadd.s32 $0x80, s15;
	[sflag:s5] =	ssyncset.done $0x0  }
0xc7: {  	[sflag:s5] =	ssyncadd.s32 $0xFFFFFF00  }
0xc8: {  	[tilespmem:s6], [sflag:$0x2] =	stream.indirect.gather [hbm4b:s12+s4], $0x80, s1, s4, $0xb8;
	[tilespmem:$0x1C400] =	vst v63  }
0xc9: {  	_ =	swait.ge [sflag:s9], $0x3E80  }
0xca: {  	[sflag:s9] =	ssyncset.done $0x0  }
0xcb: {  	[sflag:s9] =	ssyncadd.s32 $0xFFFFC180  }
0xcc: {  	_ =	swait.ge [sflag:s11], $0x3E80  }
0xcd: {  	[sflag:s11] =	ssyncset.done $0x0  }
0xce: {  	[sflag:s11] =	ssyncadd.s32 $0xFFFFC180  }
0xcf: {  	[bflag:$0x0] =	sbarrier.arrive $0xFFFF  }
0xd0: {  	[tilespmem:s30], [sflag:$0x1] =	stream.linear.gather [spmem:s23], $0x2800, $0x38;
	[tilespmem:$0x1C400] =	vst v63  }
0xd1: {  	_ = 	snop  }
0xd2: {  	[tilespmem:s6], [sflag:$0x2] =	stream.linear.gather [spmem:s21], $0x2800, $0x38;
	[tilespmem:$0x1C400] =	vst v63  }
0xd3: {  	_ =	swait.ge [sflag:s9], $0x2800  }
0xd4: {  	[sflag:s9] =	ssyncset.done $0x0  }
0xd5: {  	s15 =	rddreg [dreg:$0x7];
	[sflag:s9] =	ssyncadd.s32 $0xFFFFD800  }
0xd6: {  	[hbm4b:s15+s3] =	stream.linear.scatter [tilespmem:s30], [sflag:$0x3], $0x2800, $0x38;
	[tilespmem:$0x1C400] =	vst v63  }
0xd7: {  	_ =	swait.ge [sflag:s0], $0x2800  }
0xd8: {  	[sflag:s0] =	ssyncset.done $0x0  }
0xd9: {  	[sflag:s0] =	ssyncadd.s32 $0xFFFFD800  }
0xda: {  	[tilespmem:s30], [sflag:$0x1] =	stream.linear.gather [spmem:s22], $0x2800, $0x38;
	[tilespmem:$0x1C400] =	vst v63  }
0xdb: {  	_ =	swait.ge [sflag:s11], $0x2800  }
0xdc: {  	[sflag:s11] =	ssyncset.done $0x0  }
0xdd: {  	s16 =	smov.u32 s23;
	s23 =	rddreg [dreg:$0x8];
	[sflag:s11] =	ssyncadd.s32 $0xFFFFD800  }
0xde: {  	[hbm4b:s23+s3] =	stream.linear.scatter [tilespmem:s6], [sflag:$0x4], $0x2800, $0x38;
	[tilespmem:$0x1C400] =	vst v63  }
0xdf: {  	_ =	swait.ge [sflag:s14], $0x2800  }
0xe0: {  	[sflag:s14] =	ssyncset.done $0x0  }
0xe1: {  	[sflag:s14] =	ssyncadd.s32 $0xFFFFD800  }
0xe2: {  	[tilespmem:s6], [sflag:$0x2] =	stream.linear.gather [spmem:s26], $0x2800, $0x38;
	[tilespmem:$0x1C400] =	vst v63  }
0xe3: {  	_ =	swait.ge [sflag:s9], $0x2800  }
0xe4: {  	[sflag:s9] =	ssyncset.done $0x0  }
0xe5: {  	s31 =	smov.u32 s26;
	s26 =	rddreg [dreg:$0x9];
	[sflag:s9] =	ssyncadd.s32 $0xFFFFD800  }
0xe6: {  	[hbm4b:s26+s3] =	stream.linear.scatter [tilespmem:s30], [sflag:$0x3], $0x2800, $0x38;
	[tilespmem:$0x1C400] =	vst v63  }
0xe7: {  	_ =	swait.ge [sflag:s0], $0x2800  }
0xe8: {  	[sflag:s0] =	ssyncset.done $0x0  }
0xe9: {  	s26 =	rddreg [dreg:$0x12];
	[sflag:s0] =	ssyncadd.s32 $0xFFFFD800  }
0xea: {  	[tilespmem:s30], [sflag:$0x1] =	stream.linear.gather [spmem:s26], $0x2800, $0x38;
	[tilespmem:$0x1C400] =	vst v63  }
0xeb: {  	_ =	swait.ge [sflag:s11], $0x2800  }
0xec: {  	[sflag:s11] =	ssyncset.done $0x0  }
0xed: {  	s19 =	rddreg [dreg:$0xa];
	[sflag:s11] =	ssyncadd.s32 $0xFFFFD800  }
0xee: {  	[hbm4b:s19+s3] =	stream.linear.scatter [tilespmem:s6], [sflag:$0x4], $0x2800, $0x38;
	[tilespmem:$0x1C400] =	vst v63  }
0xef: {  	_ =	swait.ge [sflag:s14], $0x2800  }
0xf0: {  	[sflag:s14] =	ssyncset.done $0x0  }
0xf1: {  	s28 =	rddreg [dreg:$0x10];
	[sflag:s14] =	ssyncadd.s32 $0xFFFFD800  }
0xf2: {  	[tilespmem:s6], [sflag:$0x2] =	stream.linear.gather [spmem:s28], $0x2800, $0x38;
	[tilespmem:$0x1C400] =	vst v63  }
0xf3: {  	_ =	swait.ge [sflag:s9], $0x2800  }
0xf4: {  	[sflag:s9] =	ssyncset.done $0x0  }
0xf5: {  	s17 =	smov.u32 s21;
	s21 =	rddreg [dreg:$0xb];
	[sflag:s9] =	ssyncadd.s32 $0xFFFFD800  }
0xf6: {  	[hbm4b:s21+s3] =	stream.linear.scatter [tilespmem:s30], [sflag:$0x3], $0x2800, $0x38;
	[tilespmem:$0x1C400] =	vst v63  }
0xf7: {  	_ =	swait.ge [sflag:s0], $0x2800  }
0xf8: {  	[sflag:s0] =	ssyncset.done $0x0  }
0xf9: {  	s19 =	rddreg [dreg:$0x11];
	[sflag:s0] =	ssyncadd.s32 $0xFFFFD800  }
0xfa: {  	[tilespmem:s30], [sflag:$0x1] =	stream.linear.gather [spmem:s19], $0x2800, $0x38;
	[tilespmem:$0x1C400] =	vst v63  }
0xfb: {  	_ =	swait.ge [sflag:s11], $0x2800  }
0xfc: {  	[sflag:s11] =	ssyncset.done $0x0  }
0xfd: {  	s18 =	smov.u32 s22;
	s22 =	rddreg [dreg:$0xc];
	[sflag:s11] =	ssyncadd.s32 $0xFFFFD800  }
0xfe: {  	[hbm4b:s22+s3] =	stream.linear.scatter [tilespmem:s6], [sflag:$0x4], $0x2800, $0x38;
	[tilespmem:$0x1C400] =	vst v63  }
0xff: {  	_ =	swait.ge [sflag:s14], $0x2800  }
0x100: {  	[sflag:s14] =	ssyncset.done $0x0  }
0x101: {  	s21 =	rddreg [dreg:$0x13];
	[sflag:s14] =	ssyncadd.s32 $0xFFFFD800  }
0x102: {  	[tilespmem:s6], [sflag:$0x2] =	stream.linear.gather [spmem:s21], $0x2800, $0x38;
	[tilespmem:$0x1C400] =	vst v63  }
0x103: {  	_ =	swait.ge [sflag:s9], $0x2800  }
0x104: {  	[sflag:s9] =	ssyncset.done $0x0  }
0x105: {  	s23 =	rddreg [dreg:$0xd];
	[sflag:s9] =	ssyncadd.s32 $0xFFFFD800  }
0x106: {  	[hbm4b:s23+s3] =	stream.linear.scatter [tilespmem:s30], [sflag:$0x3], $0x2800, $0x38;
	[tilespmem:$0x1C400] =	vst v63  }
0x107: {  	_ =	swait.ge [sflag:s11], $0x2800  }
0x108: {  	[sflag:s11] =	ssyncset.done $0x0  }
0x109: {  	s22 =	rddreg [dreg:$0xe];
	[sflag:s11] =	ssyncadd.s32 $0xFFFFD800  }
0x10a: {  	[hbm4b:s22+s3] =	stream.linear.scatter [tilespmem:s6], [sflag:$0x4], $0x2800, $0x38;
	[tilespmem:$0x1C400] =	vst v63  }
0x10b: {  	_ =	swait.ge [sflag:s0], $0x2800  }
0x10c: {  	[sflag:s0] =	ssyncset.done $0x0  }
0x10d: {  	[sflag:s0] =	ssyncadd.s32 $0xFFFFD800  }
0x10e: {  	_ =	swait.ge [sflag:s14], $0x2800  }
0x10f: {  	s24 =	sadd.s32 $0x1, s24;
	s23 =	rddreg [dreg:$0x15]  }
0x110: {  	p0 =	sne.s32 s24, s23  }
.Ltmp1:
0x111: {  	_ = 	snop;
	(pc) =	sbr.rel @p0 .LBB2_1-.Ltmp1, $3  }
0x112: {  	_ =	sdelay $0x1  }
0x113: {  	[sflag:s14] =	ssyncset.done $0x0  }
0x114: {  	[sflag:s14] =	ssyncadd.s32 $0xFFFFD800  }
0x115: {  	_ =	sfence.sel $0x180000  }
0x116: {  	[bflag:$0x0] =	sbarrier.arrive $0xFFFF  }
0x117: {  	_ =	strace $0x9000004D  }
0x118: {  	s0 =	stileid.u32;
	[bflag:$0x2] =	sbarrier.arrive $0xFFFF  }
0x119: {  	p0 =	sne.s32 s0, $0x0;
	s0 =	rddreg [dreg:$0x2]  }
0x11a: {  	s0 =	sadd.s32 @!p0 $0x100000, s0  }
0x11b: {  	[sflag:s0] =	ssyncadd.tile.s32 @!p0 $0x1;
	_ =	shalt  }
.Lfunc_end2:
_tile_overlayer_lowered:
.L_overlay_start_2:
0x11c: {  	(tag) =	ssettag $0x2  }
0x11d: {  	s0 =	rddreg [dreg:$0x0];
	s2 =	stileid.u32  }
0x11e: {  	s1 =	rddreg [dreg:$0x1];
	p0 =	sne.s32 s2, $0x0  }
0x11f: {  	s3 =	rddreg [dreg:$0x2];
	[bflag:$0x3] =	sbarrier.arrive $0xFFFF;
	s2 =	simm.s32 @!p0 $0x1C09  }
0x120: {  	[timem:s3], [sflag:s2] =	dma.local @!p0 [hbm:s0], s1  }
0x121: {  	s0 =	simm.s32 @!p0 $0x9  }
0x122: {  	_ =	swait.ge @!p0 [sflag:s0], s1  }
0x123: {  	s1 =	ssub.s32 @!p0 $0x0, s1;
	[sflag:s0] =	ssyncset.done @!p0 $0x0  }
0x124: {  	[sflag:s0] =	ssyncadd.s32 @!p0 s1  }
0x125: {  	[bflag:$0x3] =	sbarrier.arrive $0xFFFF  }
0x126: {  	_ =	shalt  }

// kernel: kernel.8.cloned.1.call-start
scs
__scs_entry_jumppad:
0x0: {  	(pc) =	sbr.rel $0x88, $3  }
0x1: {  	(tag) =	ssettag $0x0;
	lr =	simm.s32 $0x1  }
0x2: {  	[smem:$0x3F8A] =	sst lr;
	_ =	strace $0xD0000000  }
0x3: {  	_ = 	snop  }
0x4: {  	_ = 	snop  }
0x5: {  	_ = 	snop  }
0x6: {  	_ = 	snop  }
0x7: {  	_ = 	snop  }
__scs_overlays_trampoline_lowered:
0x8: {  	[smem:$0x3F99] =	sst s0  }
0x9: {  	[smem:$0x3F9A] =	sst s1  }
0xa: {  	[smem:$0x3F9B] =	sst s2  }
0xb: {  	[smem:$0x3F9C] =	sst s3  }
0xc: {  	[smem:$0x3F9D] =	sst s4  }
0xd: {  	[smem:$0x3F9E] =	sst s5  }
0xe: {  	[smem:$0x3F9F] =	sst s6  }
0xf: {  	[smem:$0x3FA0] =	sst s7  }
0x10: {  	[smem:$0x3FA1] =	sst s8  }
0x11: {  	[smem:$0x3FA2] =	sst s9;
	s0 =	simm.s32 @!p0 $0x0  }
0x12: {  	s1 =	sld [smem:$0x3F88];
	s0 =	simm.s32 @p0 $0x1  }
0x13: {  	[smem:$0x3FA3] =	sst s0;
	s0 =	simm.s32 @!p1 $0x0  }
0x14: {  	s2 =	sld [smem:$0x3F87];
	s0 =	simm.s32 @p1 $0x1  }
0x15: {  	[smem:$0x3FA4] =	sst s0;
	s0 =	simm.s32 @!p2 $0x0  }
0x16: {  	s3 =	sld [smem:$0x3FDB];
	s0 =	simm.s32 @p2 $0x1  }
0x17: {  	s4 =	simm.s32 $0x1BF5;
	[smem:$0x3FA6] =	sst s0  }
0x18: {  	s0 =	sld [smem:$0x3F89];
	_ =	swait.ge [sflag:s4], $0x0  }
0x19: {  	s7 =	sld [smem:$0x3F8A]  }
0x1a: {  	s8 =	sadd.s32 $0xFFFFE003, lr  }
0x1b: {  	s9 =	sadd.s32 $0xFFFFFEF7, lr;
	s5 =	simm.s32 $0xFFFFFFFF;
	p2 =	slt.u32 s8, $0xFFFFF086  }
0x1c: {  	p1 =	slt.u32 s9, $0xF7A;
	s5 =	simm.s32 @!p2 $0x0  }
0x1d: {  	s5 =	simm.s32 @p1 $0x1;
	p0 =	seq.s32 s7, s2  }
0x1e: {  	s7 =	smul.u32 @!p0 $0xF7A, s2;
	p2 =	seq.s32 @!p0 s5, $0x0  }
0x1f: {  	s9 =	smul.u32 $0xF7A, s1;
	s8 =	simm.s32 @!p0 $0x1BF5;
	p2 =	por !p2, p0  }
0x20: {  	[sflag:s8] =	ssyncset.s32 @!p0 $0xFFFFF086;
	s6 =	sadd.s32 @!p0 s3, s7;
	s7 =	simm.s32 @!p0 $0x108  }
0x21: {  	s3 =	sadd.s32 s3, s9;
	s6 =	sadd.s32 @!p0 $0x88, s6;
	s7 =	simm.s32 @p2 $0x1082  }
0x22: {  	[simem:s7], [sflag:s8] =	dma.local @!p0 [hbm:s6], $0xF7A  }
0x23: {  	s9 =	sor.u32 $0xD0000000, s2;
	s6 =	simm.s32 $0x108;
	_ =	swait.ge @!p0 [sflag:s8], $0x0  }
0x24: {  	s3 =	sadd.s32 $0x88, s3;
	s6 =	simm.s32 @!p1 $0x1082;
	[sflag:s4] =	ssyncset.s32 $0xFFFFF086  }
0x25: {  	[simem:s6], [sflag:s4] =	dma.local [hbm:s3], $0xF7A  }
0x26: {  	[smem:$0x3F8A] =	sst s1;
	(tag) =	ssettag s2;
	_ =	strace s9  }
0x27: {  	s1 =	sld [smem:$0x3F9A]  }
0x28: {  	s2 =	sld [smem:$0x3F9B]  }
0x29: {  	s4 =	sld [smem:$0x3F9D]  }
0x2a: {  	p0 =	seq.s32 s5, $0x0;
	s5 =	sld [smem:$0x3F9E]  }
0x2b: {  	s6 =	sld [smem:$0x3F9F]  }
0x2c: {  	s7 =	sld [smem:$0x3FA0]  }
0x2d: {  	s3 =	simm.s32 $0x108;
	s8 =	sld [smem:$0x3FA1]  }
0x2e: {  	s3 =	simm.s32 @!p0 $0x1082;
	s9 =	sld [smem:$0x3FA2]  }
0x2f: {  	lr =	sadd.s32 s0, s3;
	s0 =	sld [smem:$0x3F99]  }
0x30: {  	s3 =	sld [smem:$0x3F9C]  }
0x31: {  	[smem:$0x3FA5] =	sst s10  }
0x32: {  	s10 =	sld [smem:$0x3FA3];
	_ =	sdelay $0x3  }
0x33: {  	p0 =	seq.s32 s10, $0x1;
	s10 =	sld [smem:$0x3FA5];
	_ =	sdelay $0x3  }
0x34: {  	[smem:$0x3FA5] =	sst s10  }
0x35: {  	s10 =	sld [smem:$0x3FA4];
	_ =	sdelay $0x3  }
0x36: {  	p1 =	seq.s32 s10, $0x1;
	s10 =	sld [smem:$0x3FA5];
	_ =	sdelay $0x3  }
0x37: {  	[smem:$0x3FA5] =	sst s10  }
0x38: {  	s10 =	sld [smem:$0x3FA6]  }
0x39: {  	_ = 	snop;
	(pc) =	sbr.ind lr, $3  }
0x3a: {  	_ = 	snop  }
0x3b: {  	_ = 	snop  }
0x3c: {  	p2 =	seq.s32 s10, $0x1;
	s10 =	sld [smem:$0x3FA5]  }
0x3d: {  	_ =	shalt  }
0x3e: {  	_ =	shalt  }
0x3f: {  	_ =	shalt  }
0x40: {  	_ =	shalt  }
0x41: {  	_ =	shalt  }
0x42: {  	_ =	shalt  }
0x43: {  	_ =	shalt  }
0x44: {  	_ =	shalt  }
0x45: {  	_ =	shalt  }
0x46: {  	_ =	shalt  }
0x47: {  	_ =	shalt  }
0x48: {  	_ =	shalt  }
0x49: {  	_ =	shalt  }
0x4a: {  	_ =	shalt  }
0x4b: {  	_ =	shalt  }
0x4c: {  	_ =	shalt  }
0x4d: {  	_ =	shalt  }
0x4e: {  	_ =	shalt  }
0x4f: {  	_ =	shalt  }
0x50: {  	_ =	shalt  }
0x51: {  	_ =	shalt  }
0x52: {  	_ =	shalt  }
0x53: {  	_ =	shalt  }
0x54: {  	_ =	shalt  }
0x55: {  	_ =	shalt  }
0x56: {  	_ =	shalt  }
0x57: {  	_ =	shalt  }
0x58: {  	_ =	shalt  }
0x59: {  	_ =	shalt  }
0x5a: {  	_ =	shalt  }
0x5b: {  	_ =	shalt  }
0x5c: {  	_ =	shalt  }
0x5d: {  	_ =	shalt  }
0x5e: {  	_ =	shalt  }
0x5f: {  	_ =	shalt  }
0x60: {  	_ =	shalt  }
0x61: {  	_ =	shalt  }
0x62: {  	_ =	shalt  }
0x63: {  	_ =	shalt  }
0x64: {  	_ =	shalt  }
0x65: {  	_ =	shalt  }
0x66: {  	_ =	shalt  }
0x67: {  	_ =	shalt  }
0x68: {  	_ =	shalt  }
0x69: {  	_ =	shalt  }
0x6a: {  	_ =	shalt  }
0x6b: {  	_ =	shalt  }
0x6c: {  	_ =	shalt  }
0x6d: {  	_ =	shalt  }
0x6e: {  	_ =	shalt  }
0x6f: {  	_ =	shalt  }
0x70: {  	_ =	shalt  }
0x71: {  	_ =	shalt  }
0x72: {  	_ =	shalt  }
0x73: {  	_ =	shalt  }
0x74: {  	_ =	shalt  }
0x75: {  	_ =	shalt  }
0x76: {  	_ =	shalt  }
0x77: {  	_ =	shalt  }
0x78: {  	_ =	shalt  }
0x79: {  	_ =	shalt  }
0x7a: {  	_ =	shalt  }
0x7b: {  	_ =	shalt  }
0x7c: {  	_ =	shalt  }
0x7d: {  	_ =	shalt  }
0x7e: {  	_ =	shalt  }
0x7f: {  	_ =	shalt  }
0x80: {  	_ =	shalt  }
0x81: {  	_ =	shalt  }
0x82: {  	_ =	shalt  }
0x83: {  	_ =	shalt  }
0x84: {  	_ =	shalt  }
0x85: {  	_ =	shalt  }
0x86: {  	_ =	shalt  }
0x87: {  	_ =	shalt  }
.Lfunc_end0:
.L_simem_size_0:
called_computation_lowered:
.L_overlay_start_0:
0x88: {  	s2 =	sld [smem:$0x3FD9]  }
0x89: {  	s3 =	sld [smem:$0x3FFE];
	_ =	sdelay $0x1  }
0x8a: {  	s1 =	srdreg.scid  }
0x8b: {  	s0 =	sand.u32 $0x1, s1  }
0x8c: {  	s16 =	sshll.u32 s0, $0xA;
	s2 =	sadd.s32 s3, s2  }
0x8d: {  	s2 =	sadd.s32 s2, s16  }
0x8e: {  	[smem:$0x3FB1] =	sst s2  }
0x8f: {  	_ = 	snop  }
0x90: {  	(tm) =	ssettm $0x1  }
0x91: {  	s17 =	sld [smem:$0x3FFB];
	_ =	sdelay $0x3  }
0x92: {  	_ =	strace s17  }
0x93: {  	s2 =	sld [smem:$0x3FFC];
	_ =	sdelay $0x3  }
0x94: {  	_ =	strace s2  }
0x95: {  	s2 =	sld [smem:$0x3FFD];
	_ =	sdelay $0x3  }
0x96: {  	_ =	strace s2  }
0x97: {  	_ =	strace $0x8FFFFFFF  }
0x98: {  	s18 =	sld [smem:$0x3FDB];
	_ =	sdelay $0x1  }
0x99: {  	s19 =	simm.s32 $_scs_section_size  }
0x9a: {  	s4 =	simm.s32 $_size__tile_overlayer_lowered;
	s5 =	simm.s32 $_tile_overlayer_lowered  }
0x9b: {  	s22 =	simm.s32 $0x1BFF;
	s21 =	sshll.u32 s5, $0x1;
	s2 =	sadd.s32 s19, s18  }
0x9c: {  	s6 =	simm.s32 $0x0;
	s20 =	sshll.u32 s4, $0x1;
	s4 =	sadd.s32 s21, s2  }
0x9d: {  	[timem:s6], [sflag:s22] =	dma.local [hbm:s4], s20  }
0x9e: {  	_ =	swait.ge [sflag:s22], s20  }
0x9f: {  	s3 =	ssub.s32 $0x0, s20;
	[sflag:s22] =	ssyncset.done $0x0  }
0xa0: {  	[sflag:s22] =	ssyncadd.s32 s3;
	_ =	sdelay $0x1  }
0xa1: {  	s23 =	simm.s32 $0x1B8B  }
0xa2: {  	_ =	swait.ge [sflag:s23], $0x1  }
0xa3: {  	[sflag:s23] =	ssyncset.done $0x0  }
0xa4: {  	s25 =	simm.s32 $0x1B8E;
	s24 =	sld [smem:$0x3FFE];
	[sflag:s23] =	ssyncadd.s32 $0xFFFFFFFF  }
0xa5: {  	s26 =	simm.s32 $execute0_lowered;
	[smem:$0x3FD2] =	sst s25  }
0xa6: {  	s4 =	sshll.u32 s26, $0x1;
	_ =	strace $0x80000046;
	[dreg:$0x1] =	wrdreg $0xFFFFFFFF  }
0xa7: {  	s28 =	simm.s32 $_size_execute0_lowered;
	s2 =	sadd.s32 s2, s4;
	[dreg:$0x0] =	wrdreg $0x0  }
0xa8: {  	s4 =	sshll.u32 s28, $0x1;
	[dreg:$0x2] =	wrdreg s2  }
0xa9: {  	[dreg:$0x3] =	wrdreg s4  }
0xaa: {  	[dreg:$0x4] =	wrdreg $0xC0  }
0xab: {  	_ =	task [dreg:s6], $0x5FFFF  }
0xac: {  	[dreg:$0x1] =	wrdreg $0xFFFFFFFF  }
0xad: {  	[dreg:$0x0] =	wrdreg $0x60  }
0xae: {  	[dreg:$0x2] =	wrdreg s24  }
0xaf: {  	[dreg:$0x3] =	wrdreg $0x84000  }
0xb0: {  	[dreg:$0x4] =	wrdreg $0x9  }
0xb1: {  	_ =	task.clear_ibuf [dreg:s6], $0x5FFFF;
	_ =	strace $0x90000046  }
0xb2: {  	s29 =	simm.s32 $0x9;
	_ =	strace $0x80000048  }
0xb3: {  	_ =	swait.ge [sflag:s29], $0x1  }
0xb4: {  	[sflag:s29] =	ssyncadd.s32 $0xFFFFFFFF  }
0xb5: {  	_ =	strace $0x90000048  }
0xb6: {  	_ =	sfence  }
0xb7: {  	s30 =	sld [smem:$0x0];
	_ =	sdelay $0x2  }
0xb8: {  	s31 =	sshll.u32 s1, $0xD;
	s1 =	sshrl.u32 s1, $0x2  }
0xb9: {  	s3 =	sand.u32 $0x4000, s31;
	s1 =	sadd.s32 s1, s30  }
0xba: {  	s0 =	sor.u32 s3, s0;
	s1 =	sshll.u32 s1, $0x11  }
0xbb: {  	s0 =	sor.u32 s1, s0  }
0xbc: {  	s0 =	sadd.s32 $0x8F2B, s0  }
0xbd: {  	[sflag:s0] =	ssyncadd.remote.s32 $0x1  }
0xbe: {  	_ =	sfence.sel $0xFFFF  }
0xbf: {  	[dreg:$0x0] =	wrdreg $0xFFFFFFFF;
	(pc) =	sbr.abs _section_cstart, $3  }
0xc0: {  	[dreg:$0x1] =	wrdreg $0xFFFFFFFF  }
0xc1: {  	_ =	task.clear_ibuf [dreg:s6], $0x2FFFF;
	_ =	strace $0x9FFFFFFF  }
0xc2: {  	(tm) =	ssettm $0x7FFFFFFF  }
0xc3: {  	_ =	shalt  }
tec
execute0_lowered:
.L_overlay_start_1:
0x0: {  	(tag) =	ssettag $0x1  }
0x1: {  	s1 =	rddreg [dreg:$0x0]  }
0x2: {  	s2 =	rddreg [dreg:$0x1]  }
0x3: {  	s0 =	srdreg.scid;
	s3 =	simm.s32 $0x0;
	s17 =	stileid.u32  }
0x4: {  	s30 =	simm.s32 $0x400;
	s29 =	simm.s32 $0x5;
	s4 =	sand.u32 $0x1, s0  }
0x5: {  	[smem:$0x7FF] =	sst s3;
	s5 =	smul.u32 $0x14000, s17;
	s6 =	sadd.s32 $0x40E00, s1  }
0x6: {  	s0 =	ssub.s32 $0x2, s4;
	_ =	strace $0x80000047;
	s8 =	smul.u32 $0x140000, s4  }
0x7: {  	s7 =	sshrl.u32 s0, $0x1;
	s9 =	sadd.s32 $0x5000, s5;
	s10 =	sadd.s32 $0x7800, s5  }
0x8: {  	s11 =	sadd.s32 $0xA000, s5;
	s14 =	sadd.s32 $0xC800, s5;
	s15 =	sadd.s32 $0xF000, s5  }
0x9: {  	s0 =	ssub.s32 s0, s7;
	s7 =	sor.u32 $0x2800, s5;
	s12 =	sadd.s32 s5, s8  }
0xa: {  	s5 =	sadd.s32 $0x11800, s5;
	s24 =	sadd.s32 s8, s9;
	s26 =	sadd.s32 s8, s10  }
0xb: {  	s16 =	sadd.s32 s8, s11;
	s19 =	sadd.s32 s8, s14;
	s21 =	sadd.s32 s8, s15  }
0xc: {  	s31 =	sadd.s32 s10, s2;
	s28 =	sadd.s32 s14, s2;
	s10 =	simm.s32 $0x7  }
0xd: {  	s14 =	simm.s32 $0x4;
	s12 =	sshrl.u32 s12, $0x3;
	s13 =	sadd.s32 s8, s7  }
0xe: {  	s25 =	sshrl.u32 s24, $0x3;
	s18 =	sshrl.u32 s16, $0x3;
	s20 =	sshrl.u32 s19, $0x3  }
0xf: {  	s22 =	sshrl.u32 s21, $0x3;
	s8 =	sadd.s32 s8, s5;
	s24 =	smul.u32 $0x50, s17  }
0x10: {  	s16 =	smul.u32 $0x50000, s17;
	s0 =	smax.u32 s0, $0x1;
	[dreg:$0x10] =	wrdreg s28  }
0x11: {  	s12 =	sadd.s32 s6, s12;
	s23 =	sshrl.u32 s13, $0x3;
	[dreg:$0x15] =	wrdreg s0  }
0x12: {  	s13 =	sshrl.u32 s26, $0x3;
	s26 =	simm.s32 $0x180;
	[dreg:$0x7] =	wrdreg s12  }
0x13: {  	s8 =	sshrl.u32 s8, $0x3;
	s12 =	sadd.s32 s6, s23;
	[dreg:$0x4] =	wrdreg s26  }
0x14: {  	s0 =	simm.s32 $0x3;
	s26 =	sadd.s32 s11, s2;
	[dreg:$0x8] =	wrdreg s12  }
0x15: {  	s23 =	smul.u32 $0x500, s4;
	s12 =	sadd.s32 s6, s25;
	[dreg:$0x12] =	wrdreg s26  }
0x16: {  	s21 =	sshrl.u32 s16, $0x2;
	s25 =	simm.s32 $0x80;
	[dreg:$0x9] =	wrdreg s12  }
0x17: {  	s16 =	sadd.s32 s21, s2;
	s21 =	sadd.s32 s5, s2;
	[dreg:$0x3] =	wrdreg s25  }
0x18: {  	s4 =	sshll.u32 s4, $0x4;
	s12 =	sadd.s32 s6, s13;
	[dreg:$0x13] =	wrdreg s21  }
0x19: {  	s11 =	simm.s32 $0x2;
	s13 =	simm.s32 $0x280;
	[dreg:$0xa] =	wrdreg s12  }
0x1a: {  	s19 =	sor.u32 s17, s4;
	s12 =	sadd.s32 s6, s18;
	[dreg:$0x5] =	wrdreg s13  }
0x1b: {  	s17 =	sadd.s32 s7, s2;
	s18 =	simm.s32 $0x380;
	[dreg:$0xb] =	wrdreg s12  }
0x1c: {  	s5 =	simm.s32 $0x6;
	s12 =	sadd.s32 s6, s20;
	[dreg:$0x6] =	wrdreg s18  }
0x1d: {  	s7 =	simm.s32 $0x200;
	[dreg:$0xc] =	wrdreg s12;
	s12 =	sadd.s32 s6, s22  }
0x1e: {  	s13 =	sadd.s32 $0x4800, s1;
	s6 =	sadd.s32 s6, s8;
	[dreg:$0xd] =	wrdreg s12  }
0x1f: {  	s18 =	sadd.s32 s9, s2;
	s20 =	smul.u32 $0x50, s19;
	[dreg:$0xe] =	wrdreg s6  }
0x20: {  	s12 =	sadd.s32 $0x18800, s1;
	s6 =	sadd.s32 s24, s23;
	s1 =	sadd.s32 $0x40800, s1  }
0x21: {  	s9 =	simm.s32 $0x1;
	[dreg:$0xf] =	wrdreg s1;
	s22 =	sshll.u32 s6, $0x5  }
0x22: {  	s1 =	smul.u32 $0xA00, s19;
	s19 =	sadd.s32 s15, s2;
	s4 =	sadd.s32 s22, s13  }
0x23: {  	s8 =	simm.s32 $0x300;
	[dreg:$0x11] =	wrdreg s19;
	s23 =	sadd.s32 $0x60, s4  }
0x24: {  	s6 =	simm.s32 $0x4400;
	s24 =	sadd.s32 $0x40, s4;
	[dreg:$0x16] =	wrdreg s23  }
0x25: {  	s1 =	sadd.s32 s13, s1;
	s4 =	simm.s32 $0x7D;
	[dreg:$0x17] =	wrdreg s24  }
0x26: {  	[dreg:$0x14] =	wrdreg s1;
	s25 =	sadd.s32 $0x20, s1;
	s1 =	simm.s32 $0x100  }
0x27: {  	s24 =	simm.s32 $0x0;
	[dreg:$0x18] =	wrdreg s25;
	s25 =	simm.s32 $0x8  }
.LBB2_1:
0x28: {  	s15 =	rddreg [dreg:$0xf];
	s23 =	simm.s32 $0x9  }
0x29: {  	[tilespmem:s30], [sflag:$0x9] =	stream.linear.gather [hbm4b:s15+s3], $0x2800, $0x38;
	[tilespmem:$0x1C400] =	vst v63  }
0x2a: {  	_ =	swait.ge [sflag:s23], $0x2800  }
0x2b: {  	[sflag:s23] =	ssyncset.done $0x0  }
0x2c: {  	[sflag:s23] =	ssyncadd.s32 $0xFFFFD800  }
0x2d: {  	[spmem:s16] =	stream.linear.scatter [tilespmem:s30], [sflag:$0x3], $0x2800, $0x38;
	[tilespmem:$0x1C400] =	vst v63  }
0x2e: {  	_ = 	snop  }
0x2f: {  	[spmem:s17] =	stream.linear.scatter [tilespmem:s30], [sflag:$0x3], $0x2800, $0x38;
	[tilespmem:$0x1C400] =	vst v63  }
0x30: {  	_ = 	snop  }
0x31: {  	[spmem:s18] =	stream.linear.scatter [tilespmem:s30], [sflag:$0x3], $0x2800, $0x38;
	[tilespmem:$0x1C400] =	vst v63  }
0x32: {  	_ = 	snop  }
0x33: {  	[spmem:s31] =	stream.linear.scatter [tilespmem:s30], [sflag:$0x3], $0x2800, $0x38;
	[tilespmem:$0x1C400] =	vst v63  }
0x34: {  	s15 =	smov.u32 s26  }
0x35: {  	[spmem:s15] =	stream.linear.scatter [tilespmem:s30], [sflag:$0x3], $0x2800, $0x38;
	[tilespmem:$0x1C400] =	vst v63  }
0x36: {  	_ = 	snop  }
0x37: {  	[spmem:s28] =	stream.linear.scatter [tilespmem:s30], [sflag:$0x3], $0x2800, $0x38;
	[tilespmem:$0x1C400] =	vst v63  }
0x38: {  	_ = 	snop  }
0x39: {  	[spmem:s19] =	stream.linear.scatter [tilespmem:s30], [sflag:$0x3], $0x2800, $0x38;
	[tilespmem:$0x1C400] =	vst v63  }
0x3a: {  	s23 =	smov.u32 s16;
	s16 =	smov.u32 s21  }
0x3b: {  	[spmem:s16] =	stream.linear.scatter [tilespmem:s30], [sflag:$0x3], $0x2800, $0x38;
	[tilespmem:$0x1C400] =	vst v63  }
0x3c: {  	_ =	swait.ge [sflag:s0], $0x2800  }
0x3d: {  	[sflag:s0] =	ssyncset.done $0x0  }
0x3e: {  	[sflag:s0] =	ssyncadd.s32 $0xFFFFD800  }
0x3f: {  	_ =	swait.ge [sflag:s0], $0x2800  }
0x40: {  	[sflag:s0] =	ssyncset.done $0x0  }
0x41: {  	[sflag:s0] =	ssyncadd.s32 $0xFFFFD800  }
0x42: {  	_ =	swait.ge [sflag:s0], $0x2800  }
0x43: {  	[sflag:s0] =	ssyncset.done $0x0  }
0x44: {  	[sflag:s0] =	ssyncadd.s32 $0xFFFFD800  }
0x45: {  	_ =	swait.ge [sflag:s0], $0x2800  }
0x46: {  	[sflag:s0] =	ssyncset.done $0x0  }
0x47: {  	[sflag:s0] =	ssyncadd.s32 $0xFFFFD800  }
0x48: {  	_ =	swait.ge [sflag:s0], $0x2800  }
0x49: {  	[sflag:s0] =	ssyncset.done $0x0  }
0x4a: {  	[sflag:s0] =	ssyncadd.s32 $0xFFFFD800  }
0x4b: {  	_ =	swait.ge [sflag:s0], $0x2800  }
0x4c: {  	[sflag:s0] =	ssyncset.done $0x0  }
0x4d: {  	[sflag:s0] =	ssyncadd.s32 $0xFFFFD800  }
0x4e: {  	_ =	swait.ge [sflag:s0], $0x2800  }
0x4f: {  	[sflag:s0] =	ssyncset.done $0x0  }
0x50: {  	[sflag:s0] =	ssyncadd.s32 $0xFFFFD800  }
0x51: {  	_ =	swait.ge [sflag:s0], $0x2800  }
0x52: {  	[sflag:s0] =	ssyncset.done $0x0  }
0x53: {  	[sflag:s0] =	ssyncadd.s32 $0xFFFFD800  }
0x54: {  	[bflag:$0x0] =	sbarrier.arrive $0xFFFF  }
0x55: {  	s21 =	smov.u32 s17;
	s17 =	rddreg [dreg:$0x14]  }
0x56: {  	[tilespmem:s3], [sflag:$0x5] =	stream.linear.gather [hbm4b:s17+s3], $0x100, $0x38;
	[tilespmem:$0x1C400] =	vst v63  }
0x57: {  	s22 =	smov.u32 s18;
	s18 =	rddreg [dreg:$0x18]  }
0x58: {  	[tilespmem:s1], [sflag:$0x6] =	stream.linear.gather [hbm4b:s18+s3], $0x100, $0x38;
	[tilespmem:$0x1C400] =	vst v63  }
0x59: {  	_ =	swait.ge [sflag:s29], $0x100  }
0x5a: {  	[sflag:s29] =	ssyncset.done $0x0  }
0x5b: {  	[sflag:s29] =	ssyncadd.s32 $0xFFFFFF00  }
0x5c: {  	[tilespmem:s30], [sflag:$0x1] =	stream.indirect.gather [hbm4b:s12+s4], $0x80, s3, s4, $0xb8;
	[tilespmem:$0x1C400] =	vst v63  }
0x5d: {  	_ =	swait.ge [sflag:s5], $0x100  }
0x5e: {  	[sflag:s5] =	ssyncset.done $0x0  }
0x5f: {  	[sflag:s5] =	ssyncadd.s32 $0xFFFFFF00  }
0x60: {  	[tilespmem:s6], [sflag:$0x2] =	stream.indirect.gather [hbm4b:s12+s4], $0x80, s1, s4, $0xb8;
	[tilespmem:$0x1C400] =	vst v63  }
0x61: {  	s18 =	rddreg [dreg:$0x17]  }
0x62: {  	[tilespmem:s7], [sflag:$0x7] =	stream.linear.gather [hbm4b:s18+s3], $0x100, $0x38;
	[tilespmem:$0x1C400] =	vst v63  }
0x63: {  	s17 =	rddreg [dreg:$0x16]  }
0x64: {  	[tilespmem:s8], [sflag:$0x8] =	stream.linear.gather [hbm4b:s17+s3], $0x100, $0x38;
	[tilespmem:$0x1C400] =	vst v63  }
0x65: {  	_ =	swait.ge [sflag:s9], $0x3E80  }
0x66: {  	[sflag:s9] =	ssyncset.done $0x0  }
0x67: {  	s19 =	rddreg [dreg:$0x3];
	[sflag:s9] =	ssyncadd.s32 $0xFFFFC180  }
0x68: {  	[spmem:s2] =	stream.indirect.scatter.add.f32 [tilespmem:s30], [sflag:$0x3], $0x80, s19, s4, $0xb8;
	[tilespmem:$0x1C400] =	vst v63  }
0x69: {  	_ =	swait.ge [sflag:s0], $0x3E80  }
0x6a: {  	[sflag:s0] =	ssyncset.done $0x0  }
0x6b: {  	[sflag:s0] =	ssyncadd.s32 $0xFFFFC180  }
0x6c: {  	_ =	swait.ge [sflag:s10], $0x100  }
0x6d: {  	[sflag:s10] =	ssyncset.done $0x0  }
0x6e: {  	[sflag:s10] =	ssyncadd.s32 $0xFFFFFF00  }
0x6f: {  	[tilespmem:s30], [sflag:$0x1] =	stream.indirect.gather [hbm4b:s12+s4], $0x80, s7, s4, $0xb8;
	[tilespmem:$0x1C400] =	vst v63  }
0x70: {  	_ =	swait.ge [sflag:s11], $0x3E80  }
0x71: {  	[sflag:s11] =	ssyncset.done $0x0  }
0x72: {  	s28 =	rddreg [dreg:$0x4];
	[sflag:s11] =	ssyncadd.s32 $0xFFFFC180  }
0x73: {  	[spmem:s2] =	stream.indirect.scatter.add.f32 [tilespmem:s6], [sflag:$0x4], $0x80, s28, s4, $0xb8;
	[tilespmem:$0x1C400] =	vst v63  }
0x74: {  	_ =	swait.ge [sflag:s14], $0x3E80  }
0x75: {  	p0 =	por $0x0, $0x0;
	s15 =	simm.s32 $0x4;
	[sflag:s14] =	ssyncset.done $0x0  }
0x76: {  	s15 =	simm.s32 @p0 $0x0;
	s16 =	simm.s32 $0x5;
	[sflag:s14] =	ssyncadd.s32 $0xFFFFC180  }
0x77: {  	s15 =	sadd.s32 s20, s15;
	s16 =	simm.s32 @p0 $0x1;
	_ =	swait.ge [sflag:s25], $0x100  }
0x78: {  	s15 =	sshll.u32 s15, $0x5;
	s16 =	sadd.s32 s20, s16;
	[sflag:s25] =	ssyncset.done $0x0  }
0x79: {  	s15 =	sand.u32 $0x1FFFFF80, s15;
	s16 =	sshll.u32 s16, $0x5;
	[sflag:s25] =	ssyncadd.s32 $0xFFFFFF00  }
0x7a: {  	[tilespmem:s6], [sflag:$0x2] =	stream.indirect.gather [hbm4b:s12+s4], $0x80, s8, s4, $0xb8;
	[tilespmem:$0x1C400] =	vst v63  }
0x7b: {  	s15 =	sadd.s32 s13, s15;
	s16 =	sand.u32 $0x1FFFFFA0, s16  }
0x7c: {  	[tilespmem:s3], [sflag:$0x5] =	stream.linear.gather [hbm4b:s15+s3], $0x100, $0x38;
	[tilespmem:$0x1C400] =	vst v63  }
0x7d: {  	s16 =	sadd.s32 s13, s16  }
0x7e: {  	[tilespmem:s1], [sflag:$0x6] =	stream.linear.gather [hbm4b:s16+s3], $0x100, $0x38;
	[tilespmem:$0x1C400] =	vst v63  }
0x7f: {  	_ =	swait.ge [sflag:s9], $0x3E80  }
0x80: {  	[sflag:s9] =	ssyncset.done $0x0  }
0x81: {  	s19 =	rddreg [dreg:$0x5];
	[sflag:s9] =	ssyncadd.s32 $0xFFFFC180  }
0x82: {  	[spmem:s2] =	stream.indirect.scatter.add.f32 [tilespmem:s30], [sflag:$0x3], $0x80, s19, s4, $0xb8;
	[tilespmem:$0x1C400] =	vst v63  }
0x83: {  	_ =	swait.ge [sflag:s0], $0x3E80  }
0x84: {  	[sflag:s0] =	ssyncset.done $0x0  }
0x85: {  	[sflag:s0] =	ssyncadd.s32 $0xFFFFC180  }
0x86: {  	_ =	swait.ge [sflag:s29], $0x100  }
0x87: {  	[sflag:s29] =	ssyncset.done $0x0  }
0x88: {  	[sflag:s29] =	ssyncadd.s32 $0xFFFFFF00  }
0x89: {  	[tilespmem:s30], [sflag:$0x1] =	stream.indirect.gather [hbm4b:s12+s4], $0x80, s3, s4, $0xb8;
	[tilespmem:$0x1C400] =	vst v63  }
0x8a: {  	_ =	swait.ge [sflag:s11], $0x3E80  }
0x8b: {  	[sflag:s11] =	ssyncset.done $0x0  }
0x8c: {  	s28 =	rddreg [dreg:$0x6];
	[sflag:s11] =	ssyncadd.s32 $0xFFFFC180  }
0x8d: {  	[spmem:s2] =	stream.indirect.scatter.add.f32 [tilespmem:s6], [sflag:$0x4], $0x80, s28, s4, $0xb8;
	[tilespmem:$0x1C400] =	vst v63  }
0x8e: {  	_ =	swait.ge [sflag:s14], $0x3E80  }
0x8f: {  	[sflag:s14] =	ssyncset.done $0x0  }
0x90: {  	[sflag:s14] =	ssyncadd.s32 $0xFFFFC180  }
0x91: {  	s26 =	smov.u32 s31;
	s31 =	simm.s32 $0x9;
	_ =	swait.ge [sflag:s5], $0x100  }
0x92: {  	s15 =	sadd.s32 $0x80, s17;
	s16 =	sadd.s32 $0x80, s18;
	[sflag:s5] =	ssyncset.done $0x0  }
.LBB2_2:
0x93: {  	[sflag:s5] =	ssyncadd.s32 $0xFFFFFF00  }
0x94: {  	[tilespmem:s6], [sflag:$0x2] =	stream.indirect.gather [hbm4b:s12+s4], $0x80, s1, s4, $0xb8;
	[tilespmem:$0x1C400] =	vst v63  }
0x95: {  	_ = 	snop  }
0x96: {  	[tilespmem:s7], [sflag:$0x7] =	stream.linear.gather [hbm4b:s16+s3], $0x100, $0x38;
	[tilespmem:$0x1C400] =	vst v63  }
0x97: {  	_ = 	snop  }
0x98: {  	[tilespmem:s8], [sflag:$0x8] =	stream.linear.gather [hbm4b:s15+s3], $0x100, $0x38;
	[tilespmem:$0x1C400] =	vst v63  }
0x99: {  	_ =	swait.ge [sflag:s9], $0x3E80  }
0x9a: {  	[sflag:s9] =	ssyncset.done $0x0  }
0x9b: {  	s18 =	rddreg [dreg:$0x3];
	[sflag:s9] =	ssyncadd.s32 $0xFFFFC180  }
0x9c: {  	[spmem:s2] =	stream.indirect.scatter.add.f32 [tilespmem:s30], [sflag:$0x3], $0x80, s18, s4, $0xb8;
	[tilespmem:$0x1C400] =	vst v63  }
0x9d: {  	_ =	swait.ge [sflag:s0], $0x3E80  }
0x9e: {  	[sflag:s0] =	ssyncset.done $0x0  }
0x9f: {  	[sflag:s0] =	ssyncadd.s32 $0xFFFFC180  }
0xa0: {  	_ =	swait.ge [sflag:s10], $0x100  }
0xa1: {  	[sflag:s10] =	ssyncset.done $0x0  }
0xa2: {  	[sflag:s10] =	ssyncadd.s32 $0xFFFFFF00  }
0xa3: {  	[tilespmem:s30], [sflag:$0x1] =	stream.indirect.gather [hbm4b:s12+s4], $0x80, s7, s4, $0xb8;
	[tilespmem:$0x1C400] =	vst v63  }
0xa4: {  	_ =	swait.ge [sflag:s11], $0x3E80  }
0xa5: {  	[sflag:s11] =	ssyncset.done $0x0  }
0xa6: {  	s28 =	rddreg [dreg:$0x4];
	[sflag:s11] =	ssyncadd.s32 $0xFFFFC180  }
0xa7: {  	[spmem:s2] =	stream.indirect.scatter.add.f32 [tilespmem:s6], [sflag:$0x4], $0x80, s28, s4, $0xb8;
	[tilespmem:$0x1C400] =	vst v63  }
0xa8: {  	s17 =	smov.u32 s31;
	_ =	swait.ge [sflag:s14], $0x3E80  }
0xa9: {  	p1 =	seq.s32 s17, $0x51;
	s18 =	sadd.s32 $0xFFFFFFFF, s17;
	[sflag:s14] =	ssyncset.done $0x0  }
0xaa: {  	s18 =	simm.s32 @p1 $0x0;
	[sflag:s14] =	ssyncadd.s32 $0xFFFFC180  }
0xab: {  	s17 =	simm.s32 @p1 $0x1;
	s18 =	sadd.s32 s20, s18;
	_ =	swait.ge [sflag:s25], $0x100  }
0xac: {  	s17 =	sadd.s32 s20, s17;
	s18 =	sshll.u32 s18, $0x5;
	[sflag:s25] =	ssyncset.done $0x0  }
0xad: {  	s17 =	sshll.u32 s17, $0x5;
	s18 =	sand.u32 $0x1FFFFF80, s18;
	[sflag:s25] =	ssyncadd.s32 $0xFFFFFF00  }
0xae: {  	[tilespmem:s6], [sflag:$0x2] =	stream.indirect.gather [hbm4b:s12+s4], $0x80, s8, s4, $0xb8;
	[tilespmem:$0x1C400] =	vst v63  }
0xaf: {  	s17 =	sand.u32 $0x1FFFFFA0, s17;
	s18 =	sadd.s32 s13, s18  }
0xb0: {  	[tilespmem:s3], [sflag:$0x5] =	stream.linear.gather [hbm4b:s18+s3], $0x100, $0x38;
	[tilespmem:$0x1C400] =	vst v63  }
0xb1: {  	s17 =	sadd.s32 s13, s17  }
0xb2: {  	[tilespmem:s1], [sflag:$0x6] =	stream.linear.gather [hbm4b:s17+s3], $0x100, $0x38;
	[tilespmem:$0x1C400] =	vst v63  }
0xb3: {  	_ =	swait.ge [sflag:s9], $0x3E80  }
0xb4: {  	[sflag:s9] =	ssyncset.done $0x0  }
0xb5: {  	s19 =	rddreg [dreg:$0x5];
	[sflag:s9] =	ssyncadd.s32 $0xFFFFC180  }
0xb6: {  	[spmem:s2] =	stream.indirect.scatter.add.f32 [tilespmem:s30], [sflag:$0x3], $0x80, s19, s4, $0xb8;
	[tilespmem:$0x1C400] =	vst v63  }
0xb7: {  	_ =	swait.ge [sflag:s0], $0x3E80  }
0xb8: {  	[sflag:s0] =	ssyncset.done $0x0  }
0xb9: {  	[sflag:s0] =	ssyncadd.s32 $0xFFFFC180  }
0xba: {  	_ =	swait.ge [sflag:s29], $0x100  }
0xbb: {  	[sflag:s29] =	ssyncset.done $0x0  }
0xbc: {  	[sflag:s29] =	ssyncadd.s32 $0xFFFFFF00  }
0xbd: {  	[tilespmem:s30], [sflag:$0x1] =	stream.indirect.gather [hbm4b:s12+s4], $0x80, s3, s4, $0xb8;
	[tilespmem:$0x1C400] =	vst v63  }
0xbe: {  	_ =	swait.ge [sflag:s11], $0x3E80  }
0xbf: {  	[sflag:s11] =	ssyncset.done $0x0  }
0xc0: {  	p0 =	sne.s32 s31, $0x51;
	s28 =	rddreg [dreg:$0x6];
	[sflag:s11] =	ssyncadd.s32 $0xFFFFC180  }
0xc1: {  	[spmem:s2] =	stream.indirect.scatter.add.f32 [tilespmem:s6], [sflag:$0x4], $0x80, s28, s4, $0xb8;
	[tilespmem:$0x1C400] =	vst v63  }
.Ltmp0:
0xc2: {  	_ =	swait.ge [sflag:s14], $0x3E80;
	(pc) =	sbr.rel @p0 .LBB2_2-.Ltmp0, $4  }
0xc3: {  	[sflag:s14] =	ssyncset.done $0x0  }
0xc4: {  	[sflag:s14] =	ssyncadd.s32 $0xFFFFC180  }
0xc5: {  	s31 =	sadd.s32 $0x4, s31;
	_ =	swait.ge [sflag:s5], $0x100  }
0xc6: {  	s16 =	sadd.s32 $0x80, s16;
	s15 =	sadd.s32 $0x80, s15;
	[sflag:s5] =	ssyncset.done $0x0  }
0xc7: {  	[sflag:s5] =	ssyncadd.s32 $0xFFFFFF00  }
0xc8: {  	[tilespmem:s6], [sflag:$0x2] =	stream.indirect.gather [hbm4b:s12+s4], $0x80, s1, s4, $0xb8;
	[tilespmem:$0x1C400] =	vst v63  }
0xc9: {  	_ =	swait.ge [sflag:s9], $0x3E80  }
0xca: {  	[sflag:s9] =	ssyncset.done $0x0  }
0xcb: {  	[sflag:s9] =	ssyncadd.s32 $0xFFFFC180  }
0xcc: {  	_ =	swait.ge [sflag:s11], $0x3E80  }
0xcd: {  	[sflag:s11] =	ssyncset.done $0x0  }
0xce: {  	[sflag:s11] =	ssyncadd.s32 $0xFFFFC180  }
0xcf: {  	[bflag:$0x0] =	sbarrier.arrive $0xFFFF  }
0xd0: {  	[tilespmem:s30], [sflag:$0x1] =	stream.linear.gather [spmem:s23], $0x2800, $0x38;
	[tilespmem:$0x1C400] =	vst v63  }
0xd1: {  	_ = 	snop  }
0xd2: {  	[tilespmem:s6], [sflag:$0x2] =	stream.linear.gather [spmem:s21], $0x2800, $0x38;
	[tilespmem:$0x1C400] =	vst v63  }
0xd3: {  	_ =	swait.ge [sflag:s9], $0x2800  }
0xd4: {  	[sflag:s9] =	ssyncset.done $0x0  }
0xd5: {  	s15 =	rddreg [dreg:$0x7];
	[sflag:s9] =	ssyncadd.s32 $0xFFFFD800  }
0xd6: {  	[hbm4b:s15+s3] =	stream.linear.scatter [tilespmem:s30], [sflag:$0x3], $0x2800, $0x38;
	[tilespmem:$0x1C400] =	vst v63  }
0xd7: {  	_ =	swait.ge [sflag:s0], $0x2800  }
0xd8: {  	[sflag:s0] =	ssyncset.done $0x0  }
0xd9: {  	[sflag:s0] =	ssyncadd.s32 $0xFFFFD800  }
0xda: {  	[tilespmem:s30], [sflag:$0x1] =	stream.linear.gather [spmem:s22], $0x2800, $0x38;
	[tilespmem:$0x1C400] =	vst v63  }
0xdb: {  	_ =	swait.ge [sflag:s11], $0x2800  }
0xdc: {  	[sflag:s11] =	ssyncset.done $0x0  }
0xdd: {  	s16 =	smov.u32 s23;
	s23 =	rddreg [dreg:$0x8];
	[sflag:s11] =	ssyncadd.s32 $0xFFFFD800  }
0xde: {  	[hbm4b:s23+s3] =	stream.linear.scatter [tilespmem:s6], [sflag:$0x4], $0x2800, $0x38;
	[tilespmem:$0x1C400] =	vst v63  }
0xdf: {  	_ =	swait.ge [sflag:s14], $0x2800  }
0xe0: {  	[sflag:s14] =	ssyncset.done $0x0  }
0xe1: {  	[sflag:s14] =	ssyncadd.s32 $0xFFFFD800  }
0xe2: {  	[tilespmem:s6], [sflag:$0x2] =	stream.linear.gather [spmem:s26], $0x2800, $0x38;
	[tilespmem:$0x1C400] =	vst v63  }
0xe3: {  	_ =	swait.ge [sflag:s9], $0x2800  }
0xe4: {  	[sflag:s9] =	ssyncset.done $0x0  }
0xe5: {  	s31 =	smov.u32 s26;
	s26 =	rddreg [dreg:$0x9];
	[sflag:s9] =	ssyncadd.s32 $0xFFFFD800  }
0xe6: {  	[hbm4b:s26+s3] =	stream.linear.scatter [tilespmem:s30], [sflag:$0x3], $0x2800, $0x38;
	[tilespmem:$0x1C400] =	vst v63  }
0xe7: {  	_ =	swait.ge [sflag:s0], $0x2800  }
0xe8: {  	[sflag:s0] =	ssyncset.done $0x0  }
0xe9: {  	s26 =	rddreg [dreg:$0x12];
	[sflag:s0] =	ssyncadd.s32 $0xFFFFD800  }
0xea: {  	[tilespmem:s30], [sflag:$0x1] =	stream.linear.gather [spmem:s26], $0x2800, $0x38;
	[tilespmem:$0x1C400] =	vst v63  }
0xeb: {  	_ =	swait.ge [sflag:s11], $0x2800  }
0xec: {  	[sflag:s11] =	ssyncset.done $0x0  }
0xed: {  	s19 =	rddreg [dreg:$0xa];
	[sflag:s11] =	ssyncadd.s32 $0xFFFFD800  }
0xee: {  	[hbm4b:s19+s3] =	stream.linear.scatter [tilespmem:s6], [sflag:$0x4], $0x2800, $0x38;
	[tilespmem:$0x1C400] =	vst v63  }
0xef: {  	_ =	swait.ge [sflag:s14], $0x2800  }
0xf0: {  	[sflag:s14] =	ssyncset.done $0x0  }
0xf1: {  	s28 =	rddreg [dreg:$0x10];
	[sflag:s14] =	ssyncadd.s32 $0xFFFFD800  }
0xf2: {  	[tilespmem:s6], [sflag:$0x2] =	stream.linear.gather [spmem:s28], $0x2800, $0x38;
	[tilespmem:$0x1C400] =	vst v63  }
0xf3: {  	_ =	swait.ge [sflag:s9], $0x2800  }
0xf4: {  	[sflag:s9] =	ssyncset.done $0x0  }
0xf5: {  	s17 =	smov.u32 s21;
	s21 =	rddreg [dreg:$0xb];
	[sflag:s9] =	ssyncadd.s32 $0xFFFFD800  }
0xf6: {  	[hbm4b:s21+s3] =	stream.linear.scatter [tilespmem:s30], [sflag:$0x3], $0x2800, $0x38;
	[tilespmem:$0x1C400] =	vst v63  }
0xf7: {  	_ =	swait.ge [sflag:s0], $0x2800  }
0xf8: {  	[sflag:s0] =	ssyncset.done $0x0  }
0xf9: {  	s19 =	rddreg [dreg:$0x11];
	[sflag:s0] =	ssyncadd.s32 $0xFFFFD800  }
0xfa: {  	[tilespmem:s30], [sflag:$0x1] =	stream.linear.gather [spmem:s19], $0x2800, $0x38;
	[tilespmem:$0x1C400] =	vst v63  }
0xfb: {  	_ =	swait.ge [sflag:s11], $0x2800  }
0xfc: {  	[sflag:s11] =	ssyncset.done $0x0  }
0xfd: {  	s18 =	smov.u32 s22;
	s22 =	rddreg [dreg:$0xc];
	[sflag:s11] =	ssyncadd.s32 $0xFFFFD800  }
0xfe: {  	[hbm4b:s22+s3] =	stream.linear.scatter [tilespmem:s6], [sflag:$0x4], $0x2800, $0x38;
	[tilespmem:$0x1C400] =	vst v63  }
0xff: {  	_ =	swait.ge [sflag:s14], $0x2800  }
0x100: {  	[sflag:s14] =	ssyncset.done $0x0  }
0x101: {  	s21 =	rddreg [dreg:$0x13];
	[sflag:s14] =	ssyncadd.s32 $0xFFFFD800  }
0x102: {  	[tilespmem:s6], [sflag:$0x2] =	stream.linear.gather [spmem:s21], $0x2800, $0x38;
	[tilespmem:$0x1C400] =	vst v63  }
0x103: {  	_ =	swait.ge [sflag:s9], $0x2800  }
0x104: {  	[sflag:s9] =	ssyncset.done $0x0  }
0x105: {  	s23 =	rddreg [dreg:$0xd];
	[sflag:s9] =	ssyncadd.s32 $0xFFFFD800  }
0x106: {  	[hbm4b:s23+s3] =	stream.linear.scatter [tilespmem:s30], [sflag:$0x3], $0x2800, $0x38;
	[tilespmem:$0x1C400] =	vst v63  }
0x107: {  	_ =	swait.ge [sflag:s11], $0x2800  }
0x108: {  	[sflag:s11] =	ssyncset.done $0x0  }
0x109: {  	s22 =	rddreg [dreg:$0xe];
	[sflag:s11] =	ssyncadd.s32 $0xFFFFD800  }
0x10a: {  	[hbm4b:s22+s3] =	stream.linear.scatter [tilespmem:s6], [sflag:$0x4], $0x2800, $0x38;
	[tilespmem:$0x1C400] =	vst v63  }
0x10b: {  	_ =	swait.ge [sflag:s0], $0x2800  }
0x10c: {  	[sflag:s0] =	ssyncset.done $0x0  }
0x10d: {  	[sflag:s0] =	ssyncadd.s32 $0xFFFFD800  }
0x10e: {  	_ =	swait.ge [sflag:s14], $0x2800  }
0x10f: {  	s24 =	sadd.s32 $0x1, s24;
	s23 =	rddreg [dreg:$0x15]  }
0x110: {  	p0 =	sne.s32 s24, s23  }
.Ltmp1:
0x111: {  	_ = 	snop;
	(pc) =	sbr.rel @p0 .LBB2_1-.Ltmp1, $3  }
0x112: {  	_ =	sdelay $0x1  }
0x113: {  	[sflag:s14] =	ssyncset.done $0x0  }
0x114: {  	[sflag:s14] =	ssyncadd.s32 $0xFFFFD800  }
0x115: {  	_ =	sfence.sel $0x180000  }
0x116: {  	[bflag:$0x0] =	sbarrier.arrive $0xFFFF  }
0x117: {  	_ =	strace $0x90000047  }
0x118: {  	s0 =	stileid.u32;
	[bflag:$0x2] =	sbarrier.arrive $0xFFFF  }
0x119: {  	p0 =	sne.s32 s0, $0x0;
	s0 =	rddreg [dreg:$0x2]  }
0x11a: {  	s0 =	sadd.s32 @!p0 $0x100000, s0  }
0x11b: {  	[sflag:s0] =	ssyncadd.tile.s32 @!p0 $0x1;
	_ =	shalt  }
.Lfunc_end2:
_tile_overlayer_lowered:
.L_overlay_start_2:
0x11c: {  	(tag) =	ssettag $0x2  }
0x11d: {  	s0 =	rddreg [dreg:$0x0];
	s2 =	stileid.u32  }
0x11e: {  	s1 =	rddreg [dreg:$0x1];
	p0 =	sne.s32 s2, $0x0  }
0x11f: {  	s3 =	rddreg [dreg:$0x2];
	[bflag:$0x3] =	sbarrier.arrive $0xFFFF;
	s2 =	simm.s32 @!p0 $0x1C09  }
0x120: {  	[timem:s3], [sflag:s2] =	dma.local @!p0 [hbm:s0], s1  }
0x121: {  	s0 =	simm.s32 @!p0 $0x9  }
0x122: {  	_ =	swait.ge @!p0 [sflag:s0], s1  }
0x123: {  	s1 =	ssub.s32 @!p0 $0x0, s1;
	[sflag:s0] =	ssyncset.done @!p0 $0x0  }
0x124: {  	[sflag:s0] =	ssyncadd.s32 @!p0 s1  }
0x125: {  	[bflag:$0x3] =	sbarrier.arrive $0xFFFF  }
0x126: {  	_ =	shalt  }

</sc_bundles>
